<compile_context>
chip_gen: v7x
topology: tpu7x:2x2x1
jax: 0.10.2.dev20260603
libtpu: 0.0.44.dev20260713+nightly
codegen_flags: <defaults>
</compile_context>

<pallas_src>
import functools

import jax
import jax.numpy as jnp
from jax import lax
from jax.experimental import pallas as pl
from jax.experimental.pallas import tpu as pltpu
from jax.experimental.pallas import tpu_sc as plsc

_N = 10000
_E = 320000
_D = 128
_L = 16
_NC = 2
_NS = 16
_NW = _NC * _NS
_RB = 2560
_BA = 64
_EA = _BA * _RB
_EB = _E - _EA
_BB = _EB // _RB
_C = 80
_EPA = _EA // _NW
_EPB = _EB // _NW
_GS = 8
_NA = 10240
_RPS = _NA // _NS

_DN = (((1,), (1,)), ((), ()))


def _proj_a_body(nodes_ref, ev_ref, wn_ref, bn_ref, we_ref, be_ref,
                 vnode_ref, vedge_ref):
    @pl.when(pl.program_id(0) == 0)
    def _():
        vnode_ref[...] = (
            lax.dot_general(nodes_ref[...], wn_ref[...], _DN,
                            preferred_element_type=jnp.float32) + bn_ref[...]
        )
    vedge_ref[...] = (
        lax.dot_general(ev_ref[...], we_ref[...], _DN,
                        preferred_element_type=jnp.float32) + be_ref[...]
    )


def _proj_a(nodes, edges_values, wn, bn, we, be):
    return pl.pallas_call(
        _proj_a_body,
        grid=(_BA,),
        in_specs=[
            pl.BlockSpec((_N, _D), lambda i: (0, 0)),
            pl.BlockSpec((_RB, _D), lambda i: (i, 0)),
            pl.BlockSpec((_D, _D), lambda i: (0, 0)),
            pl.BlockSpec((1, _D), lambda i: (0, 0)),
            pl.BlockSpec((_D, _D), lambda i: (0, 0)),
            pl.BlockSpec((1, _D), lambda i: (0, 0)),
        ],
        out_specs=[
            pl.BlockSpec((_N, _D), lambda i: (0, 0)),
            pl.BlockSpec((_RB, _D), lambda i: (i, 0)),
        ],
        out_shape=[
            jax.ShapeDtypeStruct((_N, _D), jnp.float32),
            jax.ShapeDtypeStruct((_EA, _D), jnp.float32),
        ],
    )(nodes, edges_values, wn, bn, we, be)


def _proj_b_body(ev_ref, we_ref, be_ref, vedge_ref):
    vedge_ref[...] = (
        lax.dot_general(ev_ref[...], we_ref[...], _DN,
                        preferred_element_type=jnp.float32) + be_ref[...]
    )


def _proj_b(edges_values, we, be):
    return pl.pallas_call(
        _proj_b_body,
        grid=(_BB,),
        in_specs=[
            pl.BlockSpec((_RB, _D), lambda i: (i + _BA, 0)),
            pl.BlockSpec((_D, _D), lambda i: (0, 0)),
            pl.BlockSpec((1, _D), lambda i: (0, 0)),
        ],
        out_specs=pl.BlockSpec((_RB, _D), lambda i: (i, 0)),
        out_shape=jax.ShapeDtypeStruct((_EB, _D), jnp.float32),
    )(edges_values, we, be)


_SC_SCRATCH = [
    pltpu.VMEM((2, _GS, _C), jnp.int32),
    pltpu.VMEM((2, _C, _D), jnp.float32),
    pltpu.VMEM((_C, _D), jnp.float32),
    pltpu.VMEM((_C, _D), jnp.float32),
    pltpu.VMEM_SHARED((_NA, _D), jnp.float32),
    pltpu.SemaphoreType.DMA((2,)),
    pltpu.SemaphoreType.DMA((2,)),
    pltpu.SemaphoreType.DMA((2,)),
    pltpu.SemaphoreType.DMA((2,)),
    pltpu.SemaphoreType.DMA((2,)),
]


def _sc_pipeline(nchunk, ngroups, epw, half_base,
                 vnode_hbm, dst_hbm, vedge_hbm, oedge_hbm,
                 idx, gbuf, ebufs, acc, sem_g, sem_e, sem_o, sem_s,
                 sem_i, wid):
    ebase = wid * epw

    def _start_idx(s, g):
        pltpu.async_copy(dst_hbm.at[wid, g], idx.at[s], sem_i.at[s])

    def _wait_idx(s, g):
        pltpu.make_async_copy(dst_hbm.at[wid, g], idx.at[s],
                              sem_i.at[s]).wait()

    def _start_in(s, i, gs, j):
        pltpu.async_copy(vnode_hbm.at[idx.at[gs, j]], gbuf.at[s],
                         sem_g.at[s])
        pltpu.async_copy(vedge_hbm.at[pl.ds(ebase + i * _C, _C)],
                         ebufs[s], sem_e.at[s])

    def _wait_in(s, i, gs, j):
        pltpu.make_async_copy(vnode_hbm.at[idx.at[gs, j]], gbuf.at[s],
                              sem_g.at[s]).wait()
        pltpu.make_async_copy(vedge_hbm.at[pl.ds(ebase + i * _C, _C)],
                              ebufs[s], sem_e.at[s]).wait()

    def _mul(s):
        ebuf = ebufs[s]

        @plsc.parallel_loop(0, _C, step=1, unroll=4)
        def _mrow(r2):
            for j in range(_D // _L):
                sl = pl.ds(j * _L, _L)
                gbuf[s, r2, sl] = gbuf[s, r2, sl] * ebuf[r2, sl]

    def _start_out(s, i, gs, j):
        pltpu.async_copy(gbuf.at[s],
                         oedge_hbm.at[pl.ds(half_base + ebase + i * _C, _C)],
                         sem_o.at[s])
        pltpu.async_copy(gbuf.at[s], acc.at[idx.at[gs, j]], sem_s.at[s],
                         add=True)

    def _wait_out(s, i, gs, j):
        pltpu.make_async_copy(gbuf.at[s],
                              oedge_hbm.at[pl.ds(half_base + ebase + i * _C,
                                                 _C)],
                              sem_o.at[s]).wait()
        pltpu.make_async_copy(gbuf.at[s], acc.at[idx.at[gs, j]],
                              sem_s.at[s]).wait()

    pltpu.sync_copy(dst_hbm.at[wid, 0], idx.at[0])
    _start_in(0, 0, 0, 0)

    def _chunk_step(i, s):
        ns = 1 - s
        g = lax.div(i, _GS)
        j = lax.rem(i, _GS)
        gs = lax.rem(g, 2)
        ngs = 1 - gs

        @pl.when(i >= 1)
        def _():
            _wait_out(ns, i - 1, lax.rem(lax.div(i - 1, _GS), 2),
                      lax.rem(i - 1, _GS))

        @pl.when(jnp.logical_and(j == 1, g < ngroups - 1))
        def _():
            _start_idx(ngs, g + 1)

        @pl.when(j == _GS - 1)
        def _():
            _wait_idx(ngs, g + 1)

        nxt_gs = lax.rem(lax.div(i + 1, _GS), 2)
        _start_in(ns, i + 1, nxt_gs, lax.rem(i + 1, _GS))
        _wait_in(s, i, gs, j)
        _mul(s)
        _start_out(s, i, gs, j)

    nbody = nchunk - 1

    def _pair(p, carry):
        _chunk_step(2 * p, 0)
        _chunk_step(2 * p + 1, 1)
        return carry

    lax.fori_loop(0, nbody // 2, _pair, 0)
    if nbody % 2:
        _chunk_step(nbody - 1, (nbody - 1) % 2)
    last = nchunk - 1
    s_last = last % 2
    g_last = (last // _GS) % 2
    j_last = last % _GS
    _wait_in(s_last, last, g_last, j_last)
    _mul(s_last)
    _start_out(s_last, last, g_last, j_last)
    _wait_out(1 - s_last, last - 1, ((last - 1) // _GS) % 2, (last - 1) % _GS)
    _wait_out(s_last, last, g_last, j_last)


@functools.partial(
    pl.kernel,
    mesh=plsc.VectorSubcoreMesh(core_axis_name="c", subcore_axis_name="s"),
    out_type=[
        jax.ShapeDtypeStruct((_E, _D), jnp.float32),
        jax.ShapeDtypeStruct((_NC, _NA, _D), jnp.float32),
    ],
    scratch_types=_SC_SCRATCH,
)
def _sc_first(vnode_hbm, dst_hbm, vedge_hbm, oedge_hbm, part_hbm,
              idx, gbuf, eb0, eb1, acc, sem_g, sem_e, sem_o, sem_s, sem_i):
    cid = lax.axis_index("c")
    sid = lax.axis_index("s")
    wid = cid * _NS + sid
    row0 = sid * _RPS

    for sl in range(2):
        def _zrow(i, carry, _sl=sl):
            for j in range(_D // _L):
                gbuf[_sl, i, pl.ds(j * _L, _L)] = jnp.zeros((_L,), jnp.float32)
            return carry

        lax.fori_loop(0, _C, _zrow, 0)
    for r in range(_RPS // _C):
        pltpu.sync_copy(gbuf.at[r % 2], acc.at[pl.ds(row0 + r * _C, _C)])
    plsc.subcore_barrier()

    _sc_pipeline(_EPA // _C, _EPA // (_GS * _C), _EPA, 0,
                 vnode_hbm, dst_hbm, vedge_hbm, oedge_hbm,
                 idx, gbuf, (eb0, eb1), acc, sem_g, sem_e, sem_o, sem_s,
                 sem_i, wid)

    plsc.subcore_barrier()
    pltpu.sync_copy(acc.at[pl.ds(row0, _RPS)],
                    part_hbm.at[cid, pl.ds(row0, _RPS)])


@functools.partial(
    pl.kernel,
    mesh=plsc.VectorSubcoreMesh(core_axis_name="c", subcore_axis_name="s"),
    out_type=jax.ShapeDtypeStruct((_NC, _NA, _D), jnp.float32),
    scratch_types=_SC_SCRATCH,
)
def _sc_second(vnode_hbm, dst_hbm, vedge_hbm, part_hbm, oedge_hbm,
               partb_hbm,
               idx, gbuf, eb0, eb1, acc, sem_g, sem_e, sem_o, sem_s, sem_i):
    cid = lax.axis_index("c")
    sid = lax.axis_index("s")
    wid = cid * _NS + sid
    row0 = sid * _RPS

    pltpu.sync_copy(part_hbm.at[cid, pl.ds(row0, _RPS)],
                    acc.at[pl.ds(row0, _RPS)])
    plsc.subcore_barrier()

    _sc_pipeline(_EPB // _C, (_EPB // _C + _GS - 1) // _GS, _EPB, _EA,
                 vnode_hbm, dst_hbm, vedge_hbm, oedge_hbm,
                 idx, gbuf, (eb0, eb1), acc, sem_g, sem_e, sem_o, sem_s,
                 sem_i, wid)

    plsc.subcore_barrier()
    pltpu.sync_copy(acc.at[pl.ds(row0, _RPS)],
                    partb_hbm.at[cid, pl.ds(row0, _RPS)])


def _add_body(p_ref, o_ref):
    o_ref[...] = p_ref[0, :_N, :] + p_ref[1, :_N, :]


def _final_add(partials):
    return pl.pallas_call(
        _add_body,
        out_shape=jax.ShapeDtypeStruct((_N, _D), jnp.float32),
    )(partials)


def kernel(nodes, edges_index, edges_values,
           WQ_node_w, WQ_node_b, WQ_edge_w, WQ_edge_b,
           WK_node_w, WK_node_b, WK_edge_w, WK_edge_b,
           WV_node_w, WV_node_b, WV_edge_w, WV_edge_b):
    dst = edges_index[1].astype(jnp.int32)
    ga = _EPA // (_GS * _C)
    gb = (_EPB // _C + _GS - 1) // _GS
    dst_a = dst[:_EA].reshape(_NW, ga, _GS, _C)
    dst_b = jnp.pad(dst[_EA:].reshape(_NW, _EPB),
                    ((0, 0), (0, gb * _GS * _C - _EPB)))
    dst_b = dst_b.reshape(_NW, gb, _GS, _C)
    bn = WV_node_b.reshape(1, _D)
    be = WV_edge_b.reshape(1, _D)
    v_node, ve_a = _proj_a(nodes, edges_values, WV_node_w, bn, WV_edge_w, be)
    ve_b = _proj_b(edges_values, WV_edge_w, be)
    oedge_half, part_a = _sc_first(v_node, dst_a, ve_a)
    oedge_ref = jax.new_ref(oedge_half)
    part_b = _sc_second(v_node, dst_b, ve_b, part_a, oedge_ref)
    output_edges = jax.freeze(oedge_ref)
    output_nodes = _final_add(part_b)
    return (output_nodes, output_edges)

# --- scband reference (transcript-rebuilt; emitter-appended) ---
"""Pipeline reference for scband-multi-head-relational-attention-43611097924271 (READ-ONLY COPY).

The authoritative reference and input builder live on the scoring server;
editing this copy changes nothing except your own understanding.
"""

import jax, jax.numpy as jnp
import numpy as np

N_NODES = 10000
E = 320000
D = 128
H = 4


def _linear_params(k, d):
    k1, k2 = jax.random.split(k)
    s = 1.0 / np.sqrt(d)
    W = jax.random.uniform(k1, (d, d), minval=-s, maxval=s, dtype=jnp.float32)
    b = jax.random.uniform(k2, (d,), minval=-s, maxval=s, dtype=jnp.float32)
    return W, b


def setup_inputs(seed: int = 0) -> dict:
    key = jax.random.key(seed)
    ks = jax.random.split(key, 9)
    nodes = jax.random.normal(ks[0], (N_NODES, D), dtype=jnp.float32)
    edges_index = jax.random.randint(ks[1], (2, E), 0, N_NODES)
    edges_values = jax.random.normal(ks[2], (E, D), dtype=jnp.float32)
    WQ_node_w, WQ_node_b = _linear_params(ks[3], D)
    WQ_edge_w, WQ_edge_b = _linear_params(ks[4], D)
    WK_node_w, WK_node_b = _linear_params(ks[5], D)
    WK_edge_w, WK_edge_b = _linear_params(ks[6], D)
    WV_node_w, WV_node_b = _linear_params(ks[7], D)
    WV_edge_w, WV_edge_b = _linear_params(ks[8], D)
    return {
        "nodes": nodes,
        "edges_index": edges_index,
        "edges_values": edges_values,
        "WQ_node_w": WQ_node_w, "WQ_node_b": WQ_node_b,
        "WQ_edge_w": WQ_edge_w, "WQ_edge_b": WQ_edge_b,
        "WK_node_w": WK_node_w, "WK_node_b": WK_node_b,
        "WK_edge_w": WK_edge_w, "WK_edge_b": WK_edge_b,
        "WV_node_w": WV_node_w, "WV_node_b": WV_node_b,
        "WV_edge_w": WV_edge_w, "WV_edge_b": WV_edge_b,
    }


def reference(nodes, edges_index, edges_values,
              WQ_node_w, WQ_node_b, WQ_edge_w, WQ_edge_b,
              WK_node_w, WK_node_b, WK_edge_w, WK_edge_b,
              WV_node_w, WV_node_b, WV_edge_w, WV_edge_b):
    q_node = nodes @ WQ_node_w.T + WQ_node_b
    k_node = nodes @ WK_node_w.T + WK_node_b
    v_node = nodes @ WV_node_w.T + WV_node_b
    q_edge = edges_values @ WQ_edge_w.T + WQ_edge_b
    k_edge = edges_values @ WK_edge_w.T + WK_edge_b
    v_edge = edges_values @ WV_edge_w.T + WV_edge_b
    src = edges_index[0]
    dst = edges_index[1]
    q_ij = jnp.take(q_node, src, axis=0) * q_edge
    k_ij = jnp.take(k_node, dst, axis=0) * k_edge
    v_ij = jnp.take(v_node, dst, axis=0) * v_edge
    E_ = q_ij.shape[0]
    dh = D // H
    q = q_ij.reshape(E_, H, 1, dh)
    k = k_ij.reshape(E_, H, 1, dh)
    v = v_ij.reshape(E_, H, 1, dh)
    # scaled_dot_product_attention with seq_len=1 (per-edge singleton attention)
    scores = jnp.sum(q * k, axis=-1, keepdims=True) / jnp.sqrt(jnp.float32(dh))
    attn = jax.nn.softmax(scores, axis=-1)
    out = attn * v
    output_edges = out.reshape(E_, D)
    output_nodes = jax.ops.segment_sum(output_edges, dst, num_segments=nodes.shape[0])
    return (output_nodes, output_edges)

if __name__ == "__main__":
    import jax
    _d = setup_inputs()
    print(jax.jit(kernel)(*tuple(_d.values())))

</pallas_src>

<mosaic_0001>
#map = affine_map<(d0, d1) -> (0, 0)>
#map1 = affine_map<(d0, d1) -> (0, 0, 0, 0)>
#map2 = affine_map<(d0, d1) -> (0, 0, 0)>
module attributes {stable_mosaic.version = 14 : i64} {
  func.func @_sc_first(%arg0: i32, %arg1: i32, %arg2: memref<10000x128xf32, #tpu.memory_space<hbm>>, %arg3: memref<32x8x8x80xi32, #tpu.memory_space<hbm>>, %arg4: memref<163840x128xf32, #tpu.memory_space<hbm>>, %arg5: memref<320000x128xf32, #tpu.memory_space<hbm>>, %arg6: memref<2x10240x128xf32, #tpu.memory_space<hbm>>, %arg7: memref<2x8x80xi32, #tpu.memory_space<vmem>>, %arg8: memref<2x80x128xf32, #tpu.memory_space<vmem>>, %arg9: memref<80x128xf32, #tpu.memory_space<vmem>>, %arg10: memref<80x128xf32, #tpu.memory_space<vmem>>, %arg11: memref<10240x128xf32, #tpu.memory_space<vmem_shared>>, %arg12: memref<2x!tpu.dma_semaphore, #tpu.memory_space<semaphore_mem>>, %arg13: memref<2x!tpu.dma_semaphore, #tpu.memory_space<semaphore_mem>>, %arg14: memref<2x!tpu.dma_semaphore, #tpu.memory_space<semaphore_mem>>, %arg15: memref<2x!tpu.dma_semaphore, #tpu.memory_space<semaphore_mem>>, %arg16: memref<2x!tpu.dma_semaphore, #tpu.memory_space<semaphore_mem>>) attributes {dimension_semantics = [#tpu.dimension_semantics<core_parallel>, #tpu.dimension_semantics<subcore_parallel>], iteration_bounds = array<i64: 2, 16>, scalar_prefetch = 0 : i64, scratch_operands = 10 : i64, tpu.core_type = #tpu.core_type<sc_vector_subcore>, window_params = [{transform_indices = #map}, {transform_indices = #map1}, {transform_indices = #map}, {transform_indices = #map}, {transform_indices = #map2}]} {
    %mul3A = arith.constant 16 : i32
    %mul3A_0 = arith.muli %arg0, %mul3A : i32
    %add3A = arith.addi %mul3A_0, %arg1 : i32
    %mul3A_1 = arith.constant 640 : i32
    %mul3A_2 = arith.muli %arg1, %mul3A_1 : i32
    %scan3A = arith.constant 0 : i32
    %scan3A_3 = arith.constant 0 : i32
    %scan3A_4 = arith.constant 80 : i32
    %scan3A_5 = arith.addi %scan3A_3, %scan3A_4 : i32
    %scan3A_6 = arith.constant 1 : i32
    scf.for %scan3A_354 = %scan3A_3 to %scan3A_5 step %scan3A_6  : i32 {
      %broadcast_in_dim3A = arith.constant 0.000000e+00 : f32
      %broadcast_in_dim3A_355 = vector.broadcast %broadcast_in_dim3A : f32 to vector<16xf32>
      %swap3A = arith.constant 0 : i32
      %swap3A_356 = arith.index_cast %swap3A : i32 to index
      %swap3A_357 = arith.index_cast %scan3A_354 : i32 to index
      %swap3A_358 = arith.constant 0 : index
      %swap3A_359 = tpu.vector_load %arg8[%swap3A_356, %swap3A_357, %swap3A_358] {strides = array<i32>} : memref<2x80x128xf32, #tpu.memory_space<vmem>>, vector<1x1x16xf32>,
      %swap3A_360 = vector.shape_cast %swap3A_359 : vector<1x1x16xf32> to vector<16xf32>
      %swap3A_361 = vector.shape_cast %broadcast_in_dim3A_355 : vector<16xf32> to vector<1x1x16xf32>
      tpu.vector_store %arg8[%swap3A_356, %swap3A_357, %swap3A_358], %swap3A_361 {strides = array<i32>} : memref<2x80x128xf32, #tpu.memory_space<vmem>>, vector<1x1x16xf32>,
      %broadcast_in_dim3A_362 = arith.constant 0.000000e+00 : f32
      %broadcast_in_dim3A_363 = vector.broadcast %broadcast_in_dim3A_362 : f32 to vector<16xf32>
      %swap3A_364 = arith.constant 0 : i32
      %swap3A_365 = arith.index_cast %swap3A_364 : i32 to index
      %swap3A_366 = arith.index_cast %scan3A_354 : i32 to index
      %swap3A_367 = arith.constant 16 : index
      %swap3A_368 = tpu.vector_load %arg8[%swap3A_365, %swap3A_366, %swap3A_367] {strides = array<i32>} : memref<2x80x128xf32, #tpu.memory_space<vmem>>, vector<1x1x16xf32>,
      %swap3A_369 = vector.shape_cast %swap3A_368 : vector<1x1x16xf32> to vector<16xf32>
      %swap3A_370 = vector.shape_cast %broadcast_in_dim3A_363 : vector<16xf32> to vector<1x1x16xf32>
      tpu.vector_store %arg8[%swap3A_365, %swap3A_366, %swap3A_367], %swap3A_370 {strides = array<i32>} : memref<2x80x128xf32, #tpu.memory_space<vmem>>, vector<1x1x16xf32>,
      %broadcast_in_dim3A_371 = arith.constant 0.000000e+00 : f32
      %broadcast_in_dim3A_372 = vector.broadcast %broadcast_in_dim3A_371 : f32 to vector<16xf32>
      %swap3A_373 = arith.constant 0 : i32
      %swap3A_374 = arith.index_cast %swap3A_373 : i32 to index
      %swap3A_375 = arith.index_cast %scan3A_354 : i32 to index
      %swap3A_376 = arith.constant 32 : index
      %swap3A_377 = tpu.vector_load %arg8[%swap3A_374, %swap3A_375, %swap3A_376] {strides = array<i32>} : memref<2x80x128xf32, #tpu.memory_space<vmem>>, vector<1x1x16xf32>,
      %swap3A_378 = vector.shape_cast %swap3A_377 : vector<1x1x16xf32> to vector<16xf32>
      %swap3A_379 = vector.shape_cast %broadcast_in_dim3A_372 : vector<16xf32> to vector<1x1x16xf32>
      tpu.vector_store %arg8[%swap3A_374, %swap3A_375, %swap3A_376], %swap3A_379 {strides = array<i32>} : memref<2x80x128xf32, #tpu.memory_space<vmem>>, vector<1x1x16xf32>,
      %broadcast_in_dim3A_380 = arith.constant 0.000000e+00 : f32
      %broadcast_in_dim3A_381 = vector.broadcast %broadcast_in_dim3A_380 : f32 to vector<16xf32>
      %swap3A_382 = arith.constant 0 : i32
      %swap3A_383 = arith.index_cast %swap3A_382 : i32 to index
      %swap3A_384 = arith.index_cast %scan3A_354 : i32 to index
      %swap3A_385 = arith.constant 48 : index
      %swap3A_386 = tpu.vector_load %arg8[%swap3A_383, %swap3A_384, %swap3A_385] {strides = array<i32>} : memref<2x80x128xf32, #tpu.memory_space<vmem>>, vector<1x1x16xf32>,
      %swap3A_387 = vector.shape_cast %swap3A_386 : vector<1x1x16xf32> to vector<16xf32>
      %swap3A_388 = vector.shape_cast %broadcast_in_dim3A_381 : vector<16xf32> to vector<1x1x16xf32>
      tpu.vector_store %arg8[%swap3A_383, %swap3A_384, %swap3A_385], %swap3A_388 {strides = array<i32>} : memref<2x80x128xf32, #tpu.memory_space<vmem>>, vector<1x1x16xf32>,
      %broadcast_in_dim3A_389 = arith.constant 0.000000e+00 : f32
      %broadcast_in_dim3A_390 = vector.broadcast %broadcast_in_dim3A_389 : f32 to vector<16xf32>
      %swap3A_391 = arith.constant 0 : i32
      %swap3A_392 = arith.index_cast %swap3A_391 : i32 to index
      %swap3A_393 = arith.index_cast %scan3A_354 : i32 to index
      %swap3A_394 = arith.constant 64 : index
      %swap3A_395 = tpu.vector_load %arg8[%swap3A_392, %swap3A_393, %swap3A_394] {strides = array<i32>} : memref<2x80x128xf32, #tpu.memory_space<vmem>>, vector<1x1x16xf32>,
      %swap3A_396 = vector.shape_cast %swap3A_395 : vector<1x1x16xf32> to vector<16xf32>
      %swap3A_397 = vector.shape_cast %broadcast_in_dim3A_390 : vector<16xf32> to vector<1x1x16xf32>
      tpu.vector_store %arg8[%swap3A_392, %swap3A_393, %swap3A_394], %swap3A_397 {strides = array<i32>} : memref<2x80x128xf32, #tpu.memory_space<vmem>>, vector<1x1x16xf32>,
      %broadcast_in_dim3A_398 = arith.constant 0.000000e+00 : f32
      %broadcast_in_dim3A_399 = vector.broadcast %broadcast_in_dim3A_398 : f32 to vector<16xf32>
      %swap3A_400 = arith.constant 0 : i32
      %swap3A_401 = arith.index_cast %swap3A_400 : i32 to index
      %swap3A_402 = arith.index_cast %scan3A_354 : i32 to index
      %swap3A_403 = arith.constant 80 : index
      %swap3A_404 = tpu.vector_load %arg8[%swap3A_401, %swap3A_402, %swap3A_403] {strides = array<i32>} : memref<2x80x128xf32, #tpu.memory_space<vmem>>, vector<1x1x16xf32>,
      %swap3A_405 = vector.shape_cast %swap3A_404 : vector<1x1x16xf32> to vector<16xf32>
      %swap3A_406 = vector.shape_cast %broadcast_in_dim3A_399 : vector<16xf32> to vector<1x1x16xf32>
      tpu.vector_store %arg8[%swap3A_401, %swap3A_402, %swap3A_403], %swap3A_406 {strides = array<i32>} : memref<2x80x128xf32, #tpu.memory_space<vmem>>, vector<1x1x16xf32>,
      %broadcast_in_dim3A_407 = arith.constant 0.000000e+00 : f32
      %broadcast_in_dim3A_408 = vector.broadcast %broadcast_in_dim3A_407 : f32 to vector<16xf32>
      %swap3A_409 = arith.constant 0 : i32
      %swap3A_410 = arith.index_cast %swap3A_409 : i32 to index
      %swap3A_411 = arith.index_cast %scan3A_354 : i32 to index
      %swap3A_412 = arith.constant 96 : index
      %swap3A_413 = tpu.vector_load %arg8[%swap3A_410, %swap3A_411, %swap3A_412] {strides = array<i32>} : memref<2x80x128xf32, #tpu.memory_space<vmem>>, vector<1x1x16xf32>,
      %swap3A_414 = vector.shape_cast %swap3A_413 : vector<1x1x16xf32> to vector<16xf32>
      %swap3A_415 = vector.shape_cast %broadcast_in_dim3A_408 : vector<16xf32> to vector<1x1x16xf32>
      tpu.vector_store %arg8[%swap3A_410, %swap3A_411, %swap3A_412], %swap3A_415 {strides = array<i32>} : memref<2x80x128xf32, #tpu.memory_space<vmem>>, vector<1x1x16xf32>,
      %broadcast_in_dim3A_416 = arith.constant 0.000000e+00 : f32
      %broadcast_in_dim3A_417 = vector.broadcast %broadcast_in_dim3A_416 : f32 to vector<16xf32>
      %swap3A_418 = arith.constant 0 : i32
      %swap3A_419 = arith.index_cast %swap3A_418 : i32 to index
      %swap3A_420 = arith.index_cast %scan3A_354 : i32 to index
      %swap3A_421 = arith.constant 112 : index
      %swap3A_422 = tpu.vector_load %arg8[%swap3A_419, %swap3A_420, %swap3A_421] {strides = array<i32>} : memref<2x80x128xf32, #tpu.memory_space<vmem>>, vector<1x1x16xf32>,
      %swap3A_423 = vector.shape_cast %swap3A_422 : vector<1x1x16xf32> to vector<16xf32>
      %swap3A_424 = vector.shape_cast %broadcast_in_dim3A_417 : vector<16xf32> to vector<1x1x16xf32>
      tpu.vector_store %arg8[%swap3A_419, %swap3A_420, %swap3A_421], %swap3A_424 {strides = array<i32>} : memref<2x80x128xf32, #tpu.memory_space<vmem>>, vector<1x1x16xf32>,
    }
    %scan3A_7 = arith.constant 80 : i32
    %scan3A_8 = arith.constant 0 : i32
    %scan3A_9 = arith.constant 0 : i32
    %scan3A_10 = arith.constant 80 : i32
    %scan3A_11 = arith.addi %scan3A_9, %scan3A_10 : i32
    %scan3A_12 = arith.constant 1 : i32
    scf.for %scan3A_354 = %scan3A_9 to %scan3A_11 step %scan3A_12  : i32 {
      %broadcast_in_dim3A = arith.constant 0.000000e+00 : f32
      %broadcast_in_dim3A_355 = vector.broadcast %broadcast_in_dim3A : f32 to vector<16xf32>
      %swap3A = arith.constant 1 : i32
      %swap3A_356 = arith.index_cast %swap3A : i32 to index
      %swap3A_357 = arith.index_cast %scan3A_354 : i32 to index
      %swap3A_358 = arith.constant 0 : index
      %swap3A_359 = tpu.vector_load %arg8[%swap3A_356, %swap3A_357, %swap3A_358] {strides = array<i32>} : memref<2x80x128xf32, #tpu.memory_space<vmem>>, vector<1x1x16xf32>,
      %swap3A_360 = vector.shape_cast %swap3A_359 : vector<1x1x16xf32> to vector<16xf32>
      %swap3A_361 = vector.shape_cast %broadcast_in_dim3A_355 : vector<16xf32> to vector<1x1x16xf32>
      tpu.vector_store %arg8[%swap3A_356, %swap3A_357, %swap3A_358], %swap3A_361 {strides = array<i32>} : memref<2x80x128xf32, #tpu.memory_space<vmem>>, vector<1x1x16xf32>,
      %broadcast_in_dim3A_362 = arith.constant 0.000000e+00 : f32
      %broadcast_in_dim3A_363 = vector.broadcast %broadcast_in_dim3A_362 : f32 to vector<16xf32>
      %swap3A_364 = arith.constant 1 : i32
      %swap3A_365 = arith.index_cast %swap3A_364 : i32 to index
      %swap3A_366 = arith.index_cast %scan3A_354 : i32 to index
      %swap3A_367 = arith.constant 16 : index
      %swap3A_368 = tpu.vector_load %arg8[%swap3A_365, %swap3A_366, %swap3A_367] {strides = array<i32>} : memref<2x80x128xf32, #tpu.memory_space<vmem>>, vector<1x1x16xf32>,
      %swap3A_369 = vector.shape_cast %swap3A_368 : vector<1x1x16xf32> to vector<16xf32>
      %swap3A_370 = vector.shape_cast %broadcast_in_dim3A_363 : vector<16xf32> to vector<1x1x16xf32>
      tpu.vector_store %arg8[%swap3A_365, %swap3A_366, %swap3A_367], %swap3A_370 {strides = array<i32>} : memref<2x80x128xf32, #tpu.memory_space<vmem>>, vector<1x1x16xf32>,
      %broadcast_in_dim3A_371 = arith.constant 0.000000e+00 : f32
      %broadcast_in_dim3A_372 = vector.broadcast %broadcast_in_dim3A_371 : f32 to vector<16xf32>
      %swap3A_373 = arith.constant 1 : i32
      %swap3A_374 = arith.index_cast %swap3A_373 : i32 to index
      %swap3A_375 = arith.index_cast %scan3A_354 : i32 to index
      %swap3A_376 = arith.constant 32 : index
      %swap3A_377 = tpu.vector_load %arg8[%swap3A_374, %swap3A_375, %swap3A_376] {strides = array<i32>} : memref<2x80x128xf32, #tpu.memory_space<vmem>>, vector<1x1x16xf32>,
      %swap3A_378 = vector.shape_cast %swap3A_377 : vector<1x1x16xf32> to vector<16xf32>
      %swap3A_379 = vector.shape_cast %broadcast_in_dim3A_372 : vector<16xf32> to vector<1x1x16xf32>
      tpu.vector_store %arg8[%swap3A_374, %swap3A_375, %swap3A_376], %swap3A_379 {strides = array<i32>} : memref<2x80x128xf32, #tpu.memory_space<vmem>>, vector<1x1x16xf32>,
      %broadcast_in_dim3A_380 = arith.constant 0.000000e+00 : f32
      %broadcast_in_dim3A_381 = vector.broadcast %broadcast_in_dim3A_380 : f32 to vector<16xf32>
      %swap3A_382 = arith.constant 1 : i32
      %swap3A_383 = arith.index_cast %swap3A_382 : i32 to index
      %swap3A_384 = arith.index_cast %scan3A_354 : i32 to index
      %swap3A_385 = arith.constant 48 : index
      %swap3A_386 = tpu.vector_load %arg8[%swap3A_383, %swap3A_384, %swap3A_385] {strides = array<i32>} : memref<2x80x128xf32, #tpu.memory_space<vmem>>, vector<1x1x16xf32>,
      %swap3A_387 = vector.shape_cast %swap3A_386 : vector<1x1x16xf32> to vector<16xf32>
      %swap3A_388 = vector.shape_cast %broadcast_in_dim3A_381 : vector<16xf32> to vector<1x1x16xf32>
      tpu.vector_store %arg8[%swap3A_383, %swap3A_384, %swap3A_385], %swap3A_388 {strides = array<i32>} : memref<2x80x128xf32, #tpu.memory_space<vmem>>, vector<1x1x16xf32>,
      %broadcast_in_dim3A_389 = arith.constant 0.000000e+00 : f32
      %broadcast_in_dim3A_390 = vector.broadcast %broadcast_in_dim3A_389 : f32 to vector<16xf32>
      %swap3A_391 = arith.constant 1 : i32
      %swap3A_392 = arith.index_cast %swap3A_391 : i32 to index
      %swap3A_393 = arith.index_cast %scan3A_354 : i32 to index
      %swap3A_394 = arith.constant 64 : index
      %swap3A_395 = tpu.vector_load %arg8[%swap3A_392, %swap3A_393, %swap3A_394] {strides = array<i32>} : memref<2x80x128xf32, #tpu.memory_space<vmem>>, vector<1x1x16xf32>,
      %swap3A_396 = vector.shape_cast %swap3A_395 : vector<1x1x16xf32> to vector<16xf32>
      %swap3A_397 = vector.shape_cast %broadcast_in_dim3A_390 : vector<16xf32> to vector<1x1x16xf32>
      tpu.vector_store %arg8[%swap3A_392, %swap3A_393, %swap3A_394], %swap3A_397 {strides = array<i32>} : memref<2x80x128xf32, #tpu.memory_space<vmem>>, vector<1x1x16xf32>,
      %broadcast_in_dim3A_398 = arith.constant 0.000000e+00 : f32
      %broadcast_in_dim3A_399 = vector.broadcast %broadcast_in_dim3A_398 : f32 to vector<16xf32>
      %swap3A_400 = arith.constant 1 : i32
      %swap3A_401 = arith.index_cast %swap3A_400 : i32 to index
      %swap3A_402 = arith.index_cast %scan3A_354 : i32 to index
      %swap3A_403 = arith.constant 80 : index
      %swap3A_404 = tpu.vector_load %arg8[%swap3A_401, %swap3A_402, %swap3A_403] {strides = array<i32>} : memref<2x80x128xf32, #tpu.memory_space<vmem>>, vector<1x1x16xf32>,
      %swap3A_405 = vector.shape_cast %swap3A_404 : vector<1x1x16xf32> to vector<16xf32>
      %swap3A_406 = vector.shape_cast %broadcast_in_dim3A_399 : vector<16xf32> to vector<1x1x16xf32>
      tpu.vector_store %arg8[%swap3A_401, %swap3A_402, %swap3A_403], %swap3A_406 {strides = array<i32>} : memref<2x80x128xf32, #tpu.memory_space<vmem>>, vector<1x1x16xf32>,
      %broadcast_in_dim3A_407 = arith.constant 0.000000e+00 : f32
      %broadcast_in_dim3A_408 = vector.broadcast %broadcast_in_dim3A_407 : f32 to vector<16xf32>
      %swap3A_409 = arith.constant 1 : i32
      %swap3A_410 = arith.index_cast %swap3A_409 : i32 to index
      %swap3A_411 = arith.index_cast %scan3A_354 : i32 to index
      %swap3A_412 = arith.constant 96 : index
      %swap3A_413 = tpu.vector_load %arg8[%swap3A_410, %swap3A_411, %swap3A_412] {strides = array<i32>} : memref<2x80x128xf32, #tpu.memory_space<vmem>>, vector<1x1x16xf32>,
      %swap3A_414 = vector.shape_cast %swap3A_413 : vector<1x1x16xf32> to vector<16xf32>
      %swap3A_415 = vector.shape_cast %broadcast_in_dim3A_408 : vector<16xf32> to vector<1x1x16xf32>
      tpu.vector_store %arg8[%swap3A_410, %swap3A_411, %swap3A_412], %swap3A_415 {strides = array<i32>} : memref<2x80x128xf32, #tpu.memory_space<vmem>>, vector<1x1x16xf32>,
      %broadcast_in_dim3A_416 = arith.constant 0.000000e+00 : f32
      %broadcast_in_dim3A_417 = vector.broadcast %broadcast_in_dim3A_416 : f32 to vector<16xf32>
      %swap3A_418 = arith.constant 1 : i32
      %swap3A_419 = arith.index_cast %swap3A_418 : i32 to index
      %swap3A_420 = arith.index_cast %scan3A_354 : i32 to index
      %swap3A_421 = arith.constant 112 : index
      %swap3A_422 = tpu.vector_load %arg8[%swap3A_419, %swap3A_420, %swap3A_421] {strides = array<i32>} : memref<2x80x128xf32, #tpu.memory_space<vmem>>, vector<1x1x16xf32>,
      %swap3A_423 = vector.shape_cast %swap3A_422 : vector<1x1x16xf32> to vector<16xf32>
      %swap3A_424 = vector.shape_cast %broadcast_in_dim3A_417 : vector<16xf32> to vector<1x1x16xf32>
      tpu.vector_store %arg8[%swap3A_419, %swap3A_420, %swap3A_421], %swap3A_424 {strides = array<i32>} : memref<2x80x128xf32, #tpu.memory_space<vmem>>, vector<1x1x16xf32>,
    }
    %scan3A_13 = arith.constant 80 : i32
    %add3A_14 = arith.constant 0 : i32
    %add3A_15 = arith.addi %mul3A_2, %add3A_14 : i32
    %run_scoped3A = arith.constant 0 : i32
    "tpu.region"() ({
      %run_scoped3A_354 = tpu.sem_alloc : memref<!tpu.dma_semaphore, #tpu.memory_space<semaphore_mem>>
      %dma_start3A_355 = arith.constant 0 : i32
      %dma_start3A_356 = arith.constant 0 : i32
      %dma_start3A_357 = tpu.memref_slice %arg8[%run_scoped3A, %dma_start3A_355, %dma_start3A_356] : memref<2x80x128xf32, #tpu.memory_space<vmem>> -> memref<1x80x128xf32, #tpu.memory_space<vmem>>
      %dma_start3A_358 = tpu.memref_squeeze %dma_start3A_357 : memref<1x80x128xf32, #tpu.memory_space<vmem>> -> memref<80x128xf32, #tpu.memory_space<vmem>>
      %dma_start3A_359 = arith.constant 0 : i32
      %dma_start3A_360 = tpu.memref_slice %arg11[%add3A_15, %dma_start3A_359] : memref<10240x128xf32, #tpu.memory_space<vmem_shared>> -> memref<80x128xf32, #tpu.memory_space<vmem_shared>>
      %dma_start3A_361 = arith.constant 0 : i32
      %dma_start3A_362 = tpu.memref_slice %arg11[%add3A_15, %dma_start3A_361] : memref<10240x128xf32, #tpu.memory_space<vmem_shared>> -> memref<80x128xf32, #tpu.memory_space<vmem_shared>>
      %dma_start3A_363 = arith.constant 0 : i32
      %dma_start3A_364 = arith.constant 0 : i32
      %dma_start3A_365 = tpu.memref_slice %arg8[%run_scoped3A, %dma_start3A_363, %dma_start3A_364] : memref<2x80x128xf32, #tpu.memory_space<vmem>> -> memref<1x80x128xf32, #tpu.memory_space<vmem>>
      %dma_start3A_366 = tpu.memref_squeeze %dma_start3A_365 : memref<1x80x128xf32, #tpu.memory_space<vmem>> -> memref<80x128xf32, #tpu.memory_space<vmem>>
      tpu.enqueue_dma source(%dma_start3A_366 : memref<80x128xf32, #tpu.memory_space<vmem>>) target(%dma_start3A_362 : memref<80x128xf32, #tpu.memory_space<vmem_shared>>) target_semaphore(%run_scoped3A_354 : memref<!tpu.dma_semaphore, #tpu.memory_space<semaphore_mem>>)
      %dma_wait3A_367 = arith.constant 0 : i32
      %dma_wait3A_368 = arith.constant 0 : i32
      %dma_wait3A_369 = tpu.memref_slice %arg8[%run_scoped3A, %dma_wait3A_367, %dma_wait3A_368] : memref<2x80x128xf32, #tpu.memory_space<vmem>> -> memref<1x80x128xf32, #tpu.memory_space<vmem>>
      %dma_wait3A_370 = tpu.memref_squeeze %dma_wait3A_369 : memref<1x80x128xf32, #tpu.memory_space<vmem>> -> memref<80x128xf32, #tpu.memory_space<vmem>>
      %dma_wait3A_371 = arith.constant 0 : i32
      %dma_wait3A_372 = tpu.memref_slice %arg11[%add3A_15, %dma_wait3A_371] : memref<10240x128xf32, #tpu.memory_space<vmem_shared>> -> memref<80x128xf32, #tpu.memory_space<vmem_shared>>
      %dma_wait3A_373 = arith.constant 0 : i32
      %dma_wait3A_374 = tpu.memref_slice %arg11[%add3A_15, %dma_wait3A_373] : memref<10240x128xf32, #tpu.memory_space<vmem_shared>> -> memref<80x128xf32, #tpu.memory_space<vmem_shared>>
      %dma_wait3A_375 = arith.constant 0 : i32
      %dma_wait3A_376 = arith.constant 0 : i32
      %dma_wait3A_377 = tpu.memref_slice %arg8[%run_scoped3A, %dma_wait3A_375, %dma_wait3A_376] : memref<2x80x128xf32, #tpu.memory_space<vmem>> -> memref<1x80x128xf32, #tpu.memory_space<vmem>>
      %dma_wait3A_378 = tpu.memref_squeeze %dma_wait3A_377 : memref<1x80x128xf32, #tpu.memory_space<vmem>> -> memref<80x128xf32, #tpu.memory_space<vmem>>
      tpu.wait_dma2 semaphore(%run_scoped3A_354 : memref<!tpu.dma_semaphore, #tpu.memory_space<semaphore_mem>>) src(%dma_wait3A_378 : memref<80x128xf32, #tpu.memory_space<vmem>>) dst(%dma_wait3A_374 : memref<80x128xf32, #tpu.memory_space<vmem_shared>>)
      tpu.yield
    }) : () -> ()
    %add3A_16 = arith.constant 80 : i32
    %add3A_17 = arith.addi %mul3A_2, %add3A_16 : i32
    %run_scoped3A_18 = arith.constant 1 : i32
    "tpu.region"() ({
      %run_scoped3A_354 = tpu.sem_alloc : memref<!tpu.dma_semaphore, #tpu.memory_space<semaphore_mem>>
      %dma_start3A_355 = arith.constant 0 : i32
      %dma_start3A_356 = arith.constant 0 : i32
      %dma_start3A_357 = tpu.memref_slice %arg8[%run_scoped3A_18, %dma_start3A_355, %dma_start3A_356] : memref<2x80x128xf32, #tpu.memory_space<vmem>> -> memref<1x80x128xf32, #tpu.memory_space<vmem>>
      %dma_start3A_358 = tpu.memref_squeeze %dma_start3A_357 : memref<1x80x128xf32, #tpu.memory_space<vmem>> -> memref<80x128xf32, #tpu.memory_space<vmem>>
      %dma_start3A_359 = arith.constant 0 : i32
      %dma_start3A_360 = tpu.memref_slice %arg11[%add3A_17, %dma_start3A_359] : memref<10240x128xf32, #tpu.memory_space<vmem_shared>> -> memref<80x128xf32, #tpu.memory_space<vmem_shared>>
      %dma_start3A_361 = arith.constant 0 : i32
      %dma_start3A_362 = tpu.memref_slice %arg11[%add3A_17, %dma_start3A_361] : memref<10240x128xf32, #tpu.memory_space<vmem_shared>> -> memref<80x128xf32, #tpu.memory_space<vmem_shared>>
      %dma_start3A_363 = arith.constant 0 : i32
      %dma_start3A_364 = arith.constant 0 : i32
      %dma_start3A_365 = tpu.memref_slice %arg8[%run_scoped3A_18, %dma_start3A_363, %dma_start3A_364] : memref<2x80x128xf32, #tpu.memory_space<vmem>> -> memref<1x80x128xf32, #tpu.memory_space<vmem>>
      %dma_start3A_366 = tpu.memref_squeeze %dma_start3A_365 : memref<1x80x128xf32, #tpu.memory_space<vmem>> -> memref<80x128xf32, #tpu.memory_space<vmem>>
      tpu.enqueue_dma source(%dma_start3A_366 : memref<80x128xf32, #tpu.memory_space<vmem>>) target(%dma_start3A_362 : memref<80x128xf32, #tpu.memory_space<vmem_shared>>) target_semaphore(%run_scoped3A_354 : memref<!tpu.dma_semaphore, #tpu.memory_space<semaphore_mem>>)
      %dma_wait3A_367 = arith.constant 0 : i32
      %dma_wait3A_368 = arith.constant 0 : i32
      %dma_wait3A_369 = tpu.memref_slice %arg8[%run_scoped3A_18, %dma_wait3A_367, %dma_wait3A_368] : memref<2x80x128xf32, #tpu.memory_space<vmem>> -> memref<1x80x128xf32, #tpu.memory_space<vmem>>
      %dma_wait3A_370 = tpu.memref_squeeze %dma_wait3A_369 : memref<1x80x128xf32, #tpu.memory_space<vmem>> -> memref<80x128xf32, #tpu.memory_space<vmem>>
      %dma_wait3A_371 = arith.constant 0 : i32
      %dma_wait3A_372 = tpu.memref_slice %arg11[%add3A_17, %dma_wait3A_371] : memref<10240x128xf32, #tpu.memory_space<vmem_shared>> -> memref<80x128xf32, #tpu.memory_space<vmem_shared>>
      %dma_wait3A_373 = arith.constant 0 : i32
      %dma_wait3A_374 = tpu.memref_slice %arg11[%add3A_17, %dma_wait3A_373] : memref<10240x128xf32, #tpu.memory_space<vmem_shared>> -> memref<80x128xf32, #tpu.memory_space<vmem_shared>>
      %dma_wait3A_375 = arith.constant 0 : i32
      %dma_wait3A_376 = arith.constant 0 : i32
      %dma_wait3A_377 = tpu.memref_slice %arg8[%run_scoped3A_18, %dma_wait3A_375, %dma_wait3A_376] : memref<2x80x128xf32, #tpu.memory_space<vmem>> -> memref<1x80x128xf32, #tpu.memory_space<vmem>>
      %dma_wait3A_378 = tpu.memref_squeeze %dma_wait3A_377 : memref<1x80x128xf32, #tpu.memory_space<vmem>> -> memref<80x128xf32, #tpu.memory_space<vmem>>
      tpu.wait_dma2 semaphore(%run_scoped3A_354 : memref<!tpu.dma_semaphore, #tpu.memory_space<semaphore_mem>>) src(%dma_wait3A_378 : memref<80x128xf32, #tpu.memory_space<vmem>>) dst(%dma_wait3A_374 : memref<80x128xf32, #tpu.memory_space<vmem_shared>>)
      tpu.yield
    }) : () -> ()
    %add3A_19 = arith.constant 160 : i32
    %add3A_20 = arith.addi %mul3A_2, %add3A_19 : i32
    %run_scoped3A_21 = arith.constant 0 : i32
    "tpu.region"() ({
      %run_scoped3A_354 = tpu.sem_alloc : memref<!tpu.dma_semaphore, #tpu.memory_space<semaphore_mem>>
      %dma_start3A_355 = arith.constant 0 : i32
      %dma_start3A_356 = arith.constant 0 : i32
      %dma_start3A_357 = tpu.memref_slice %arg8[%run_scoped3A_21, %dma_start3A_355, %dma_start3A_356] : memref<2x80x128xf32, #tpu.memory_space<vmem>> -> memref<1x80x128xf32, #tpu.memory_space<vmem>>
      %dma_start3A_358 = tpu.memref_squeeze %dma_start3A_357 : memref<1x80x128xf32, #tpu.memory_space<vmem>> -> memref<80x128xf32, #tpu.memory_space<vmem>>
      %dma_start3A_359 = arith.constant 0 : i32
      %dma_start3A_360 = tpu.memref_slice %arg11[%add3A_20, %dma_start3A_359] : memref<10240x128xf32, #tpu.memory_space<vmem_shared>> -> memref<80x128xf32, #tpu.memory_space<vmem_shared>>
      %dma_start3A_361 = arith.constant 0 : i32
      %dma_start3A_362 = tpu.memref_slice %arg11[%add3A_20, %dma_start3A_361] : memref<10240x128xf32, #tpu.memory_space<vmem_shared>> -> memref<80x128xf32, #tpu.memory_space<vmem_shared>>
      %dma_start3A_363 = arith.constant 0 : i32
      %dma_start3A_364 = arith.constant 0 : i32
      %dma_start3A_365 = tpu.memref_slice %arg8[%run_scoped3A_21, %dma_start3A_363, %dma_start3A_364] : memref<2x80x128xf32, #tpu.memory_space<vmem>> -> memref<1x80x128xf32, #tpu.memory_space<vmem>>
      %dma_start3A_366 = tpu.memref_squeeze %dma_start3A_365 : memref<1x80x128xf32, #tpu.memory_space<vmem>> -> memref<80x128xf32, #tpu.memory_space<vmem>>
      tpu.enqueue_dma source(%dma_start3A_366 : memref<80x128xf32, #tpu.memory_space<vmem>>) target(%dma_start3A_362 : memref<80x128xf32, #tpu.memory_space<vmem_shared>>) target_semaphore(%run_scoped3A_354 : memref<!tpu.dma_semaphore, #tpu.memory_space<semaphore_mem>>)
      %dma_wait3A_367 = arith.constant 0 : i32
      %dma_wait3A_368 = arith.constant 0 : i32
      %dma_wait3A_369 = tpu.memref_slice %arg8[%run_scoped3A_21, %dma_wait3A_367, %dma_wait3A_368] : memref<2x80x128xf32, #tpu.memory_space<vmem>> -> memref<1x80x128xf32, #tpu.memory_space<vmem>>
      %dma_wait3A_370 = tpu.memref_squeeze %dma_wait3A_369 : memref<1x80x128xf32, #tpu.memory_space<vmem>> -> memref<80x128xf32, #tpu.memory_space<vmem>>
      %dma_wait3A_371 = arith.constant 0 : i32
      %dma_wait3A_372 = tpu.memref_slice %arg11[%add3A_20, %dma_wait3A_371] : memref<10240x128xf32, #tpu.memory_space<vmem_shared>> -> memref<80x128xf32, #tpu.memory_space<vmem_shared>>
      %dma_wait3A_373 = arith.constant 0 : i32
      %dma_wait3A_374 = tpu.memref_slice %arg11[%add3A_20, %dma_wait3A_373] : memref<10240x128xf32, #tpu.memory_space<vmem_shared>> -> memref<80x128xf32, #tpu.memory_space<vmem_shared>>
      %dma_wait3A_375 = arith.constant 0 : i32
      %dma_wait3A_376 = arith.constant 0 : i32
      %dma_wait3A_377 = tpu.memref_slice %arg8[%run_scoped3A_21, %dma_wait3A_375, %dma_wait3A_376] : memref<2x80x128xf32, #tpu.memory_space<vmem>> -> memref<1x80x128xf32, #tpu.memory_space<vmem>>
      %dma_wait3A_378 = tpu.memref_squeeze %dma_wait3A_377 : memref<1x80x128xf32, #tpu.memory_space<vmem>> -> memref<80x128xf32, #tpu.memory_space<vmem>>
      tpu.wait_dma2 semaphore(%run_scoped3A_354 : memref<!tpu.dma_semaphore, #tpu.memory_space<semaphore_mem>>) src(%dma_wait3A_378 : memref<80x128xf32, #tpu.memory_space<vmem>>) dst(%dma_wait3A_374 : memref<80x128xf32, #tpu.memory_space<vmem_shared>>)
      tpu.yield
    }) : () -> ()
    %add3A_22 = arith.constant 240 : i32
    %add3A_23 = arith.addi %mul3A_2, %add3A_22 : i32
    %run_scoped3A_24 = arith.constant 1 : i32
    "tpu.region"() ({
      %run_scoped3A_354 = tpu.sem_alloc : memref<!tpu.dma_semaphore, #tpu.memory_space<semaphore_mem>>
      %dma_start3A_355 = arith.constant 0 : i32
      %dma_start3A_356 = arith.constant 0 : i32
      %dma_start3A_357 = tpu.memref_slice %arg8[%run_scoped3A_24, %dma_start3A_355, %dma_start3A_356] : memref<2x80x128xf32, #tpu.memory_space<vmem>> -> memref<1x80x128xf32, #tpu.memory_space<vmem>>
      %dma_start3A_358 = tpu.memref_squeeze %dma_start3A_357 : memref<1x80x128xf32, #tpu.memory_space<vmem>> -> memref<80x128xf32, #tpu.memory_space<vmem>>
      %dma_start3A_359 = arith.constant 0 : i32
      %dma_start3A_360 = tpu.memref_slice %arg11[%add3A_23, %dma_start3A_359] : memref<10240x128xf32, #tpu.memory_space<vmem_shared>> -> memref<80x128xf32, #tpu.memory_space<vmem_shared>>
      %dma_start3A_361 = arith.constant 0 : i32
      %dma_start3A_362 = tpu.memref_slice %arg11[%add3A_23, %dma_start3A_361] : memref<10240x128xf32, #tpu.memory_space<vmem_shared>> -> memref<80x128xf32, #tpu.memory_space<vmem_shared>>
      %dma_start3A_363 = arith.constant 0 : i32
      %dma_start3A_364 = arith.constant 0 : i32
      %dma_start3A_365 = tpu.memref_slice %arg8[%run_scoped3A_24, %dma_start3A_363, %dma_start3A_364] : memref<2x80x128xf32, #tpu.memory_space<vmem>> -> memref<1x80x128xf32, #tpu.memory_space<vmem>>
      %dma_start3A_366 = tpu.memref_squeeze %dma_start3A_365 : memref<1x80x128xf32, #tpu.memory_space<vmem>> -> memref<80x128xf32, #tpu.memory_space<vmem>>
      tpu.enqueue_dma source(%dma_start3A_366 : memref<80x128xf32, #tpu.memory_space<vmem>>) target(%dma_start3A_362 : memref<80x128xf32, #tpu.memory_space<vmem_shared>>) target_semaphore(%run_scoped3A_354 : memref<!tpu.dma_semaphore, #tpu.memory_space<semaphore_mem>>)
      %dma_wait3A_367 = arith.constant 0 : i32
      %dma_wait3A_368 = arith.constant 0 : i32
      %dma_wait3A_369 = tpu.memref_slice %arg8[%run_scoped3A_24, %dma_wait3A_367, %dma_wait3A_368] : memref<2x80x128xf32, #tpu.memory_space<vmem>> -> memref<1x80x128xf32, #tpu.memory_space<vmem>>
      %dma_wait3A_370 = tpu.memref_squeeze %dma_wait3A_369 : memref<1x80x128xf32, #tpu.memory_space<vmem>> -> memref<80x128xf32, #tpu.memory_space<vmem>>
      %dma_wait3A_371 = arith.constant 0 : i32
      %dma_wait3A_372 = tpu.memref_slice %arg11[%add3A_23, %dma_wait3A_371] : memref<10240x128xf32, #tpu.memory_space<vmem_shared>> -> memref<80x128xf32, #tpu.memory_space<vmem_shared>>
      %dma_wait3A_373 = arith.constant 0 : i32
      %dma_wait3A_374 = tpu.memref_slice %arg11[%add3A_23, %dma_wait3A_373] : memref<10240x128xf32, #tpu.memory_space<vmem_shared>> -> memref<80x128xf32, #tpu.memory_space<vmem_shared>>
      %dma_wait3A_375 = arith.constant 0 : i32
      %dma_wait3A_376 = arith.constant 0 : i32
      %dma_wait3A_377 = tpu.memref_slice %arg8[%run_scoped3A_24, %dma_wait3A_375, %dma_wait3A_376] : memref<2x80x128xf32, #tpu.memory_space<vmem>> -> memref<1x80x128xf32, #tpu.memory_space<vmem>>
      %dma_wait3A_378 = tpu.memref_squeeze %dma_wait3A_377 : memref<1x80x128xf32, #tpu.memory_space<vmem>> -> memref<80x128xf32, #tpu.memory_space<vmem>>
      tpu.wait_dma2 semaphore(%run_scoped3A_354 : memref<!tpu.dma_semaphore, #tpu.memory_space<semaphore_mem>>) src(%dma_wait3A_378 : memref<80x128xf32, #tpu.memory_space<vmem>>) dst(%dma_wait3A_374 : memref<80x128xf32, #tpu.memory_space<vmem_shared>>)
      tpu.yield
    }) : () -> ()
    %add3A_25 = arith.constant 320 : i32
    %add3A_26 = arith.addi %mul3A_2, %add3A_25 : i32
    %run_scoped3A_27 = arith.constant 0 : i32
    "tpu.region"() ({
      %run_scoped3A_354 = tpu.sem_alloc : memref<!tpu.dma_semaphore, #tpu.memory_space<semaphore_mem>>
      %dma_start3A_355 = arith.constant 0 : i32
      %dma_start3A_356 = arith.constant 0 : i32
      %dma_start3A_357 = tpu.memref_slice %arg8[%run_scoped3A_27, %dma_start3A_355, %dma_start3A_356] : memref<2x80x128xf32, #tpu.memory_space<vmem>> -> memref<1x80x128xf32, #tpu.memory_space<vmem>>
      %dma_start3A_358 = tpu.memref_squeeze %dma_start3A_357 : memref<1x80x128xf32, #tpu.memory_space<vmem>> -> memref<80x128xf32, #tpu.memory_space<vmem>>
      %dma_start3A_359 = arith.constant 0 : i32
      %dma_start3A_360 = tpu.memref_slice %arg11[%add3A_26, %dma_start3A_359] : memref<10240x128xf32, #tpu.memory_space<vmem_shared>> -> memref<80x128xf32, #tpu.memory_space<vmem_shared>>
      %dma_start3A_361 = arith.constant 0 : i32
      %dma_start3A_362 = tpu.memref_slice %arg11[%add3A_26, %dma_start3A_361] : memref<10240x128xf32, #tpu.memory_space<vmem_shared>> -> memref<80x128xf32, #tpu.memory_space<vmem_shared>>
      %dma_start3A_363 = arith.constant 0 : i32
      %dma_start3A_364 = arith.constant 0 : i32
      %dma_start3A_365 = tpu.memref_slice %arg8[%run_scoped3A_27, %dma_start3A_363, %dma_start3A_364] : memref<2x80x128xf32, #tpu.memory_space<vmem>> -> memref<1x80x128xf32, #tpu.memory_space<vmem>>
      %dma_start3A_366 = tpu.memref_squeeze %dma_start3A_365 : memref<1x80x128xf32, #tpu.memory_space<vmem>> -> memref<80x128xf32, #tpu.memory_space<vmem>>
      tpu.enqueue_dma source(%dma_start3A_366 : memref<80x128xf32, #tpu.memory_space<vmem>>) target(%dma_start3A_362 : memref<80x128xf32, #tpu.memory_space<vmem_shared>>) target_semaphore(%run_scoped3A_354 : memref<!tpu.dma_semaphore, #tpu.memory_space<semaphore_mem>>)
      %dma_wait3A_367 = arith.constant 0 : i32
      %dma_wait3A_368 = arith.constant 0 : i32
      %dma_wait3A_369 = tpu.memref_slice %arg8[%run_scoped3A_27, %dma_wait3A_367, %dma_wait3A_368] : memref<2x80x128xf32, #tpu.memory_space<vmem>> -> memref<1x80x128xf32, #tpu.memory_space<vmem>>
      %dma_wait3A_370 = tpu.memref_squeeze %dma_wait3A_369 : memref<1x80x128xf32, #tpu.memory_space<vmem>> -> memref<80x128xf32, #tpu.memory_space<vmem>>
      %dma_wait3A_371 = arith.constant 0 : i32
      %dma_wait3A_372 = tpu.memref_slice %arg11[%add3A_26, %dma_wait3A_371] : memref<10240x128xf32, #tpu.memory_space<vmem_shared>> -> memref<80x128xf32, #tpu.memory_space<vmem_shared>>
      %dma_wait3A_373 = arith.constant 0 : i32
      %dma_wait3A_374 = tpu.memref_slice %arg11[%add3A_26, %dma_wait3A_373] : memref<10240x128xf32, #tpu.memory_space<vmem_shared>> -> memref<80x128xf32, #tpu.memory_space<vmem_shared>>
      %dma_wait3A_375 = arith.constant 0 : i32
      %dma_wait3A_376 = arith.constant 0 : i32
      %dma_wait3A_377 = tpu.memref_slice %arg8[%run_scoped3A_27, %dma_wait3A_375, %dma_wait3A_376] : memref<2x80x128xf32, #tpu.memory_space<vmem>> -> memref<1x80x128xf32, #tpu.memory_space<vmem>>
      %dma_wait3A_378 = tpu.memref_squeeze %dma_wait3A_377 : memref<1x80x128xf32, #tpu.memory_space<vmem>> -> memref<80x128xf32, #tpu.memory_space<vmem>>
      tpu.wait_dma2 semaphore(%run_scoped3A_354 : memref<!tpu.dma_semaphore, #tpu.memory_space<semaphore_mem>>) src(%dma_wait3A_378 : memref<80x128xf32, #tpu.memory_space<vmem>>) dst(%dma_wait3A_374 : memref<80x128xf32, #tpu.memory_space<vmem_shared>>)
      tpu.yield
    }) : () -> ()
    %add3A_28 = arith.constant 400 : i32
    %add3A_29 = arith.addi %mul3A_2, %add3A_28 : i32
    %run_scoped3A_30 = arith.constant 1 : i32
    "tpu.region"() ({
      %run_scoped3A_354 = tpu.sem_alloc : memref<!tpu.dma_semaphore, #tpu.memory_space<semaphore_mem>>
      %dma_start3A_355 = arith.constant 0 : i32
      %dma_start3A_356 = arith.constant 0 : i32
      %dma_start3A_357 = tpu.memref_slice %arg8[%run_scoped3A_30, %dma_start3A_355, %dma_start3A_356] : memref<2x80x128xf32, #tpu.memory_space<vmem>> -> memref<1x80x128xf32, #tpu.memory_space<vmem>>
      %dma_start3A_358 = tpu.memref_squeeze %dma_start3A_357 : memref<1x80x128xf32, #tpu.memory_space<vmem>> -> memref<80x128xf32, #tpu.memory_space<vmem>>
      %dma_start3A_359 = arith.constant 0 : i32
      %dma_start3A_360 = tpu.memref_slice %arg11[%add3A_29, %dma_start3A_359] : memref<10240x128xf32, #tpu.memory_space<vmem_shared>> -> memref<80x128xf32, #tpu.memory_space<vmem_shared>>
      %dma_start3A_361 = arith.constant 0 : i32
      %dma_start3A_362 = tpu.memref_slice %arg11[%add3A_29, %dma_start3A_361] : memref<10240x128xf32, #tpu.memory_space<vmem_shared>> -> memref<80x128xf32, #tpu.memory_space<vmem_shared>>
      %dma_start3A_363 = arith.constant 0 : i32
      %dma_start3A_364 = arith.constant 0 : i32
      %dma_start3A_365 = tpu.memref_slice %arg8[%run_scoped3A_30, %dma_start3A_363, %dma_start3A_364] : memref<2x80x128xf32, #tpu.memory_space<vmem>> -> memref<1x80x128xf32, #tpu.memory_space<vmem>>
      %dma_start3A_366 = tpu.memref_squeeze %dma_start3A_365 : memref<1x80x128xf32, #tpu.memory_space<vmem>> -> memref<80x128xf32, #tpu.memory_space<vmem>>
      tpu.enqueue_dma source(%dma_start3A_366 : memref<80x128xf32, #tpu.memory_space<vmem>>) target(%dma_start3A_362 : memref<80x128xf32, #tpu.memory_space<vmem_shared>>) target_semaphore(%run_scoped3A_354 : memref<!tpu.dma_semaphore, #tpu.memory_space<semaphore_mem>>)
      %dma_wait3A_367 = arith.constant 0 : i32
      %dma_wait3A_368 = arith.constant 0 : i32
      %dma_wait3A_369 = tpu.memref_slice %arg8[%run_scoped3A_30, %dma_wait3A_367, %dma_wait3A_368] : memref<2x80x128xf32, #tpu.memory_space<vmem>> -> memref<1x80x128xf32, #tpu.memory_space<vmem>>
      %dma_wait3A_370 = tpu.memref_squeeze %dma_wait3A_369 : memref<1x80x128xf32, #tpu.memory_space<vmem>> -> memref<80x128xf32, #tpu.memory_space<vmem>>
      %dma_wait3A_371 = arith.constant 0 : i32
      %dma_wait3A_372 = tpu.memref_slice %arg11[%add3A_29, %dma_wait3A_371] : memref<10240x128xf32, #tpu.memory_space<vmem_shared>> -> memref<80x128xf32, #tpu.memory_space<vmem_shared>>
      %dma_wait3A_373 = arith.constant 0 : i32
      %dma_wait3A_374 = tpu.memref_slice %arg11[%add3A_29, %dma_wait3A_373] : memref<10240x128xf32, #tpu.memory_space<vmem_shared>> -> memref<80x128xf32, #tpu.memory_space<vmem_shared>>
      %dma_wait3A_375 = arith.constant 0 : i32
      %dma_wait3A_376 = arith.constant 0 : i32
      %dma_wait3A_377 = tpu.memref_slice %arg8[%run_scoped3A_30, %dma_wait3A_375, %dma_wait3A_376] : memref<2x80x128xf32, #tpu.memory_space<vmem>> -> memref<1x80x128xf32, #tpu.memory_space<vmem>>
      %dma_wait3A_378 = tpu.memref_squeeze %dma_wait3A_377 : memref<1x80x128xf32, #tpu.memory_space<vmem>> -> memref<80x128xf32, #tpu.memory_space<vmem>>
      tpu.wait_dma2 semaphore(%run_scoped3A_354 : memref<!tpu.dma_semaphore, #tpu.memory_space<semaphore_mem>>) src(%dma_wait3A_378 : memref<80x128xf32, #tpu.memory_space<vmem>>) dst(%dma_wait3A_374 : memref<80x128xf32, #tpu.memory_space<vmem_shared>>)
      tpu.yield
    }) : () -> ()
    %add3A_31 = arith.constant 480 : i32
    %add3A_32 = arith.addi %mul3A_2, %add3A_31 : i32
    %run_scoped3A_33 = arith.constant 0 : i32
    "tpu.region"() ({
      %run_scoped3A_354 = tpu.sem_alloc : memref<!tpu.dma_semaphore, #tpu.memory_space<semaphore_mem>>
      %dma_start3A_355 = arith.constant 0 : i32
      %dma_start3A_356 = arith.constant 0 : i32
      %dma_start3A_357 = tpu.memref_slice %arg8[%run_scoped3A_33, %dma_start3A_355, %dma_start3A_356] : memref<2x80x128xf32, #tpu.memory_space<vmem>> -> memref<1x80x128xf32, #tpu.memory_space<vmem>>
      %dma_start3A_358 = tpu.memref_squeeze %dma_start3A_357 : memref<1x80x128xf32, #tpu.memory_space<vmem>> -> memref<80x128xf32, #tpu.memory_space<vmem>>
      %dma_start3A_359 = arith.constant 0 : i32
      %dma_start3A_360 = tpu.memref_slice %arg11[%add3A_32, %dma_start3A_359] : memref<10240x128xf32, #tpu.memory_space<vmem_shared>> -> memref<80x128xf32, #tpu.memory_space<vmem_shared>>
      %dma_start3A_361 = arith.constant 0 : i32
      %dma_start3A_362 = tpu.memref_slice %arg11[%add3A_32, %dma_start3A_361] : memref<10240x128xf32, #tpu.memory_space<vmem_shared>> -> memref<80x128xf32, #tpu.memory_space<vmem_shared>>
      %dma_start3A_363 = arith.constant 0 : i32
      %dma_start3A_364 = arith.constant 0 : i32
      %dma_start3A_365 = tpu.memref_slice %arg8[%run_scoped3A_33, %dma_start3A_363, %dma_start3A_364] : memref<2x80x128xf32, #tpu.memory_space<vmem>> -> memref<1x80x128xf32, #tpu.memory_space<vmem>>
      %dma_start3A_366 = tpu.memref_squeeze %dma_start3A_365 : memref<1x80x128xf32, #tpu.memory_space<vmem>> -> memref<80x128xf32, #tpu.memory_space<vmem>>
      tpu.enqueue_dma source(%dma_start3A_366 : memref<80x128xf32, #tpu.memory_space<vmem>>) target(%dma_start3A_362 : memref<80x128xf32, #tpu.memory_space<vmem_shared>>) target_semaphore(%run_scoped3A_354 : memref<!tpu.dma_semaphore, #tpu.memory_space<semaphore_mem>>)
      %dma_wait3A_367 = arith.constant 0 : i32
      %dma_wait3A_368 = arith.constant 0 : i32
      %dma_wait3A_369 = tpu.memref_slice %arg8[%run_scoped3A_33, %dma_wait3A_367, %dma_wait3A_368] : memref<2x80x128xf32, #tpu.memory_space<vmem>> -> memref<1x80x128xf32, #tpu.memory_space<vmem>>
      %dma_wait3A_370 = tpu.memref_squeeze %dma_wait3A_369 : memref<1x80x128xf32, #tpu.memory_space<vmem>> -> memref<80x128xf32, #tpu.memory_space<vmem>>
      %dma_wait3A_371 = arith.constant 0 : i32
      %dma_wait3A_372 = tpu.memref_slice %arg11[%add3A_32, %dma_wait3A_371] : memref<10240x128xf32, #tpu.memory_space<vmem_shared>> -> memref<80x128xf32, #tpu.memory_space<vmem_shared>>
      %dma_wait3A_373 = arith.constant 0 : i32
      %dma_wait3A_374 = tpu.memref_slice %arg11[%add3A_32, %dma_wait3A_373] : memref<10240x128xf32, #tpu.memory_space<vmem_shared>> -> memref<80x128xf32, #tpu.memory_space<vmem_shared>>
      %dma_wait3A_375 = arith.constant 0 : i32
      %dma_wait3A_376 = arith.constant 0 : i32
      %dma_wait3A_377 = tpu.memref_slice %arg8[%run_scoped3A_33, %dma_wait3A_375, %dma_wait3A_376] : memref<2x80x128xf32, #tpu.memory_space<vmem>> -> memref<1x80x128xf32, #tpu.memory_space<vmem>>
      %dma_wait3A_378 = tpu.memref_squeeze %dma_wait3A_377 : memref<1x80x128xf32, #tpu.memory_space<vmem>> -> memref<80x128xf32, #tpu.memory_space<vmem>>
      tpu.wait_dma2 semaphore(%run_scoped3A_354 : memref<!tpu.dma_semaphore, #tpu.memory_space<semaphore_mem>>) src(%dma_wait3A_378 : memref<80x128xf32, #tpu.memory_space<vmem>>) dst(%dma_wait3A_374 : memref<80x128xf32, #tpu.memory_space<vmem_shared>>)
      tpu.yield
    }) : () -> ()
    %add3A_34 = arith.constant 560 : i32
    %add3A_35 = arith.addi %mul3A_2, %add3A_34 : i32
    %run_scoped3A_36 = arith.constant 1 : i32
    "tpu.region"() ({
      %run_scoped3A_354 = tpu.sem_alloc : memref<!tpu.dma_semaphore, #tpu.memory_space<semaphore_mem>>
      %dma_start3A_355 = arith.constant 0 : i32
      %dma_start3A_356 = arith.constant 0 : i32
      %dma_start3A_357 = tpu.memref_slice %arg8[%run_scoped3A_36, %dma_start3A_355, %dma_start3A_356] : memref<2x80x128xf32, #tpu.memory_space<vmem>> -> memref<1x80x128xf32, #tpu.memory_space<vmem>>
      %dma_start3A_358 = tpu.memref_squeeze %dma_start3A_357 : memref<1x80x128xf32, #tpu.memory_space<vmem>> -> memref<80x128xf32, #tpu.memory_space<vmem>>
      %dma_start3A_359 = arith.constant 0 : i32
      %dma_start3A_360 = tpu.memref_slice %arg11[%add3A_35, %dma_start3A_359] : memref<10240x128xf32, #tpu.memory_space<vmem_shared>> -> memref<80x128xf32, #tpu.memory_space<vmem_shared>>
      %dma_start3A_361 = arith.constant 0 : i32
      %dma_start3A_362 = tpu.memref_slice %arg11[%add3A_35, %dma_start3A_361] : memref<10240x128xf32, #tpu.memory_space<vmem_shared>> -> memref<80x128xf32, #tpu.memory_space<vmem_shared>>
      %dma_start3A_363 = arith.constant 0 : i32
      %dma_start3A_364 = arith.constant 0 : i32
      %dma_start3A_365 = tpu.memref_slice %arg8[%run_scoped3A_36, %dma_start3A_363, %dma_start3A_364] : memref<2x80x128xf32, #tpu.memory_space<vmem>> -> memref<1x80x128xf32, #tpu.memory_space<vmem>>
      %dma_start3A_366 = tpu.memref_squeeze %dma_start3A_365 : memref<1x80x128xf32, #tpu.memory_space<vmem>> -> memref<80x128xf32, #tpu.memory_space<vmem>>
      tpu.enqueue_dma source(%dma_start3A_366 : memref<80x128xf32, #tpu.memory_space<vmem>>) target(%dma_start3A_362 : memref<80x128xf32, #tpu.memory_space<vmem_shared>>) target_semaphore(%run_scoped3A_354 : memref<!tpu.dma_semaphore, #tpu.memory_space<semaphore_mem>>)
      %dma_wait3A_367 = arith.constant 0 : i32
      %dma_wait3A_368 = arith.constant 0 : i32
      %dma_wait3A_369 = tpu.memref_slice %arg8[%run_scoped3A_36, %dma_wait3A_367, %dma_wait3A_368] : memref<2x80x128xf32, #tpu.memory_space<vmem>> -> memref<1x80x128xf32, #tpu.memory_space<vmem>>
      %dma_wait3A_370 = tpu.memref_squeeze %dma_wait3A_369 : memref<1x80x128xf32, #tpu.memory_space<vmem>> -> memref<80x128xf32, #tpu.memory_space<vmem>>
      %dma_wait3A_371 = arith.constant 0 : i32
      %dma_wait3A_372 = tpu.memref_slice %arg11[%add3A_35, %dma_wait3A_371] : memref<10240x128xf32, #tpu.memory_space<vmem_shared>> -> memref<80x128xf32, #tpu.memory_space<vmem_shared>>
      %dma_wait3A_373 = arith.constant 0 : i32
      %dma_wait3A_374 = tpu.memref_slice %arg11[%add3A_35, %dma_wait3A_373] : memref<10240x128xf32, #tpu.memory_space<vmem_shared>> -> memref<80x128xf32, #tpu.memory_space<vmem_shared>>
      %dma_wait3A_375 = arith.constant 0 : i32
      %dma_wait3A_376 = arith.constant 0 : i32
      %dma_wait3A_377 = tpu.memref_slice %arg8[%run_scoped3A_36, %dma_wait3A_375, %dma_wait3A_376] : memref<2x80x128xf32, #tpu.memory_space<vmem>> -> memref<1x80x128xf32, #tpu.memory_space<vmem>>
      %dma_wait3A_378 = tpu.memref_squeeze %dma_wait3A_377 : memref<1x80x128xf32, #tpu.memory_space<vmem>> -> memref<80x128xf32, #tpu.memory_space<vmem>>
      tpu.wait_dma2 semaphore(%run_scoped3A_354 : memref<!tpu.dma_semaphore, #tpu.memory_space<semaphore_mem>>) src(%dma_wait3A_378 : memref<80x128xf32, #tpu.memory_space<vmem>>) dst(%dma_wait3A_374 : memref<80x128xf32, #tpu.memory_space<vmem_shared>>)
      tpu.yield
    }) : () -> ()
    %barrier3A = arith.constant 0 : index
    tpu.barrier barrier_id(%barrier3A)
    %mul3A_37 = arith.constant 5120 : i32
    %mul3A_38 = arith.muli %add3A, %mul3A_37 : i32
    %run_scoped3A_39 = arith.constant 0 : i32
    %run_scoped3A_40 = arith.constant 0 : i32
    "tpu.region"() ({
      %run_scoped3A_354 = tpu.sem_alloc : memref<!tpu.dma_semaphore, #tpu.memory_space<semaphore_mem>>
      %dma_start3A_355 = arith.constant 0 : i32
      %dma_start3A_356 = arith.constant 0 : i32
      %dma_start3A_357 = tpu.memref_slice %arg7[%run_scoped3A_40, %dma_start3A_355, %dma_start3A_356] : memref<2x8x80xi32, #tpu.memory_space<vmem>> -> memref<1x8x80xi32, #tpu.memory_space<vmem>>
      %dma_start3A_358 = tpu.memref_squeeze %dma_start3A_357 : memref<1x8x80xi32, #tpu.memory_space<vmem>> -> memref<8x80xi32, #tpu.memory_space<vmem>>
      %dma_start3A_359 = arith.constant 0 : i32
      %dma_start3A_360 = arith.constant 0 : i32
      %dma_start3A_361 = tpu.memref_slice %arg3[%add3A, %run_scoped3A_39, %dma_start3A_359, %dma_start3A_360] : memref<32x8x8x80xi32, #tpu.memory_space<hbm>> -> memref<1x1x8x80xi32, #tpu.memory_space<hbm>>
      %dma_start3A_362 = tpu.memref_squeeze %dma_start3A_361 : memref<1x1x8x80xi32, #tpu.memory_space<hbm>> -> memref<8x80xi32, #tpu.memory_space<hbm>>
      %dma_start3A_363 = arith.constant 0 : i32
      %dma_start3A_364 = arith.constant 0 : i32
      %dma_start3A_365 = tpu.memref_slice %arg7[%run_scoped3A_40, %dma_start3A_363, %dma_start3A_364] : memref<2x8x80xi32, #tpu.memory_space<vmem>> -> memref<1x8x80xi32, #tpu.memory_space<vmem>>
      %dma_start3A_366 = tpu.memref_squeeze %dma_start3A_365 : memref<1x8x80xi32, #tpu.memory_space<vmem>> -> memref<8x80xi32, #tpu.memory_space<vmem>>
      %dma_start3A_367 = arith.constant 0 : i32
      %dma_start3A_368 = arith.constant 0 : i32
      %dma_start3A_369 = tpu.memref_slice %arg3[%add3A, %run_scoped3A_39, %dma_start3A_367, %dma_start3A_368] : memref<32x8x8x80xi32, #tpu.memory_space<hbm>> -> memref<1x1x8x80xi32, #tpu.memory_space<hbm>>
      %dma_start3A_370 = tpu.memref_squeeze %dma_start3A_369 : memref<1x1x8x80xi32, #tpu.memory_space<hbm>> -> memref<8x80xi32, #tpu.memory_space<hbm>>
      tpu.enqueue_dma source(%dma_start3A_370 : memref<8x80xi32, #tpu.memory_space<hbm>>) target(%dma_start3A_366 : memref<8x80xi32, #tpu.memory_space<vmem>>) target_semaphore(%run_scoped3A_354 : memref<!tpu.dma_semaphore, #tpu.memory_space<semaphore_mem>>)
      %dma_wait3A_371 = arith.constant 0 : i32
      %dma_wait3A_372 = arith.constant 0 : i32
      %dma_wait3A_373 = tpu.memref_slice %arg7[%run_scoped3A_40, %dma_wait3A_371, %dma_wait3A_372] : memref<2x8x80xi32, #tpu.memory_space<vmem>> -> memref<1x8x80xi32, #tpu.memory_space<vmem>>
      %dma_wait3A_374 = tpu.memref_squeeze %dma_wait3A_373 : memref<1x8x80xi32, #tpu.memory_space<vmem>> -> memref<8x80xi32, #tpu.memory_space<vmem>>
      %dma_wait3A_375 = arith.constant 0 : i32
      %dma_wait3A_376 = arith.constant 0 : i32
      %dma_wait3A_377 = tpu.memref_slice %arg3[%add3A, %run_scoped3A_39, %dma_wait3A_375, %dma_wait3A_376] : memref<32x8x8x80xi32, #tpu.memory_space<hbm>> -> memref<1x1x8x80xi32, #tpu.memory_space<hbm>>
      %dma_wait3A_378 = tpu.memref_squeeze %dma_wait3A_377 : memref<1x1x8x80xi32, #tpu.memory_space<hbm>> -> memref<8x80xi32, #tpu.memory_space<hbm>>
      %dma_wait3A_379 = arith.constant 0 : i32
      %dma_wait3A_380 = arith.constant 0 : i32
      %dma_wait3A_381 = tpu.memref_slice %arg7[%run_scoped3A_40, %dma_wait3A_379, %dma_wait3A_380] : memref<2x8x80xi32, #tpu.memory_space<vmem>> -> memref<1x8x80xi32, #tpu.memory_space<vmem>>
      %dma_wait3A_382 = tpu.memref_squeeze %dma_wait3A_381 : memref<1x8x80xi32, #tpu.memory_space<vmem>> -> memref<8x80xi32, #tpu.memory_space<vmem>>
      %dma_wait3A_383 = arith.constant 0 : i32
      %dma_wait3A_384 = arith.constant 0 : i32
      %dma_wait3A_385 = tpu.memref_slice %arg3[%add3A, %run_scoped3A_39, %dma_wait3A_383, %dma_wait3A_384] : memref<32x8x8x80xi32, #tpu.memory_space<hbm>> -> memref<1x1x8x80xi32, #tpu.memory_space<hbm>>
      %dma_wait3A_386 = tpu.memref_squeeze %dma_wait3A_385 : memref<1x1x8x80xi32, #tpu.memory_space<hbm>> -> memref<8x80xi32, #tpu.memory_space<hbm>>
      tpu.wait_dma2 semaphore(%run_scoped3A_354 : memref<!tpu.dma_semaphore, #tpu.memory_space<semaphore_mem>>) src(%dma_wait3A_386 : memref<8x80xi32, #tpu.memory_space<hbm>>) dst(%dma_wait3A_382 : memref<8x80xi32, #tpu.memory_space<vmem>>)
      tpu.yield
    }) : () -> ()
    %dma_start3A = arith.constant 0 : i32
    %dma_start3A_41 = arith.constant 0 : i32
    %dma_start3A_42 = arith.constant 0 : i32
    %dma_start3A_43 = arith.constant 0 : i32
    %dma_start3A_44 = arith.constant 0 : i32
    %dma_start3A_45 = arith.constant 0 : i32
    %dma_start3A_46 = tpu.memref_slice %arg8[%dma_start3A_42, %dma_start3A_44, %dma_start3A_45] : memref<2x80x128xf32, #tpu.memory_space<vmem>> -> memref<1x80x128xf32, #tpu.memory_space<vmem>>
    %dma_start3A_47 = tpu.memref_squeeze %dma_start3A_46 : memref<1x80x128xf32, #tpu.memory_space<vmem>> -> memref<80x128xf32, #tpu.memory_space<vmem>>
    %dma_start3A_48 = arith.constant 0 : i32
    %dma_start3A_49 = tpu.memref_slice %arg7[%dma_start3A, %dma_start3A_41, %dma_start3A_48] : memref<2x8x80xi32, #tpu.memory_space<vmem>> -> memref<1x1x80xi32, #tpu.memory_space<vmem>>
    %dma_start3A_50 = tpu.memref_squeeze %dma_start3A_49 : memref<1x1x80xi32, #tpu.memory_space<vmem>> -> memref<80xi32, #tpu.memory_space<vmem>>
    %dma_start3A_51 = arith.constant 0 : i32
    %dma_start3A_52 = arith.constant 0 : i32
    %dma_start3A_53 = tpu.memref_slice %arg2[%dma_start3A_51, %dma_start3A_52] : memref<10000x128xf32, #tpu.memory_space<hbm>> -> memref<10000x128xf32, #tpu.memory_space<hbm>>
    %dma_start3A_54 = tpu.memref_slice %arg12[%dma_start3A_43] : memref<2x!tpu.dma_semaphore, #tpu.memory_space<semaphore_mem>> -> memref<1x!tpu.dma_semaphore, #tpu.memory_space<semaphore_mem>>
    %dma_start3A_55 = tpu.memref_squeeze %dma_start3A_54 : memref<1x!tpu.dma_semaphore, #tpu.memory_space<semaphore_mem>> -> memref<!tpu.dma_semaphore, #tpu.memory_space<semaphore_mem>>
    tpu.enqueue_indirect_dma source(%dma_start3A_53 : memref<10000x128xf32, #tpu.memory_space<hbm>>) target(%dma_start3A_47 : memref<80x128xf32, #tpu.memory_space<vmem>>) offsets(%dma_start3A_50 : memref<80xi32, #tpu.memory_space<vmem>>) semaphore(%dma_start3A_55 : memref<!tpu.dma_semaphore, #tpu.memory_space<semaphore_mem>>)
    %add3A_56 = arith.constant 0 : i32
    %add3A_57 = arith.addi %mul3A_38, %add3A_56 : i32
    %dma_start3A_58 = arith.constant 0 : i32
    %dma_start3A_59 = arith.constant 0 : i32
    %dma_start3A_60 = tpu.memref_slice %arg4[%add3A_57, %dma_start3A_59] : memref<163840x128xf32, #tpu.memory_space<hbm>> -> memref<80x128xf32, #tpu.memory_space<hbm>>
    %dma_start3A_61 = tpu.memref_slice %arg13[%dma_start3A_58] : memref<2x!tpu.dma_semaphore, #tpu.memory_space<semaphore_mem>> -> memref<1x!tpu.dma_semaphore, #tpu.memory_space<semaphore_mem>>
    %dma_start3A_62 = tpu.memref_squeeze %dma_start3A_61 : memref<1x!tpu.dma_semaphore, #tpu.memory_space<semaphore_mem>> -> memref<!tpu.dma_semaphore, #tpu.memory_space<semaphore_mem>>
    %dma_start3A_63 = arith.constant 0 : i32
    %dma_start3A_64 = tpu.memref_slice %arg4[%add3A_57, %dma_start3A_63] : memref<163840x128xf32, #tpu.memory_space<hbm>> -> memref<80x128xf32, #tpu.memory_space<hbm>>
    tpu.enqueue_dma source(%dma_start3A_64 : memref<80x128xf32, #tpu.memory_space<hbm>>) target(%arg9 : memref<80x128xf32, #tpu.memory_space<vmem>>) target_semaphore(%dma_start3A_62 : memref<!tpu.dma_semaphore, #tpu.memory_space<semaphore_mem>>)
    %scan3A_65 = arith.constant 0 : i32
    %scan3A_66 = arith.constant 0 : i32
    %scan3A_67 = arith.constant 31 : i32
    %scan3A_68 = arith.addi %scan3A_66, %scan3A_67 : i32
    %scan3A_69 = arith.constant 1 : i32
    scf.for %scan3A_354 = %scan3A_66 to %scan3A_68 step %scan3A_69  : i32 {
      %mul3A_355 = arith.constant 2 : i32
      %mul3A_356 = arith.muli %mul3A_355, %scan3A_354 : i32
      %div3A_357 = arith.constant 8 : i32
      %div3A_358 = arith.divsi %mul3A_356, %div3A_357 : i32
      %rem3A_359 = arith.constant 8 : i32
      %rem3A_360 = arith.remsi %mul3A_356, %rem3A_359 : i32
      %rem3A_361 = arith.constant 2 : i32
      %rem3A_362 = arith.remsi %div3A_358, %rem3A_361 : i32
      %sub3A_363 = arith.constant 1 : i32
      %sub3A_364 = arith.subi %sub3A_363, %rem3A_362 : i32
      %ge3A = arith.constant 1 : i32
      %ge3A_365 = arith.cmpi sge, %mul3A_356, %ge3A : i32
      %convert_element_type3A_366 = arith.extui %ge3A_365 : i1 to i32
      %cond3A_367 = arith.constant 0 : i32
      %cond3A_368 = arith.cmpi ne, %convert_element_type3A_366, %cond3A_367 : i32
      scf.if %cond3A_368 {
        %sub3A_608 = arith.constant 1 : i32
        %sub3A_609 = arith.subi %mul3A_356, %sub3A_608 : i32
        %sub3A_610 = arith.constant 1 : i32
        %sub3A_611 = arith.subi %mul3A_356, %sub3A_610 : i32
        %div3A_612 = arith.constant 8 : i32
        %div3A_613 = arith.divsi %sub3A_611, %div3A_612 : i32
        %rem3A_614 = arith.constant 2 : i32
        %rem3A_615 = arith.remsi %div3A_613, %rem3A_614 : i32
        %sub3A_616 = arith.constant 1 : i32
        %sub3A_617 = arith.subi %mul3A_356, %sub3A_616 : i32
        %rem3A_618 = arith.constant 8 : i32
        %rem3A_619 = arith.remsi %sub3A_617, %rem3A_618 : i32
        %add3A_620 = arith.constant 0 : i32
        %add3A_621 = arith.addi %add3A_620, %mul3A_38 : i32
        %mul3A_622 = arith.constant 80 : i32
        %mul3A_623 = arith.muli %sub3A_609, %mul3A_622 : i32
        %add3A_624 = arith.addi %add3A_621, %mul3A_623 : i32
        %dma_wait3A_625 = arith.constant 1 : i32
        %dma_wait3A_626 = arith.constant 1 : i32
        %dma_wait3A_627 = arith.constant 0 : i32
        %dma_wait3A_628 = arith.constant 0 : i32
        %dma_wait3A_629 = tpu.memref_slice %arg8[%dma_wait3A_625, %dma_wait3A_627, %dma_wait3A_628] : memref<2x80x128xf32, #tpu.memory_space<vmem>> -> memref<1x80x128xf32, #tpu.memory_space<vmem>>
        %dma_wait3A_630 = tpu.memref_squeeze %dma_wait3A_629 : memref<1x80x128xf32, #tpu.memory_space<vmem>> -> memref<80x128xf32, #tpu.memory_space<vmem>>
        %dma_wait3A_631 = arith.constant 0 : i32
        %dma_wait3A_632 = tpu.memref_slice %arg5[%add3A_624, %dma_wait3A_631] : memref<320000x128xf32, #tpu.memory_space<hbm>> -> memref<80x128xf32, #tpu.memory_space<hbm>>
        %dma_wait3A_633 = tpu.memref_slice %arg14[%dma_wait3A_626] : memref<2x!tpu.dma_semaphore, #tpu.memory_space<semaphore_mem>> -> memref<1x!tpu.dma_semaphore, #tpu.memory_space<semaphore_mem>>
        %dma_wait3A_634 = tpu.memref_squeeze %dma_wait3A_633 : memref<1x!tpu.dma_semaphore, #tpu.memory_space<semaphore_mem>> -> memref<!tpu.dma_semaphore, #tpu.memory_space<semaphore_mem>>
        %dma_wait3A_635 = arith.constant 0 : i32
        %dma_wait3A_636 = tpu.memref_slice %arg5[%add3A_624, %dma_wait3A_635] : memref<320000x128xf32, #tpu.memory_space<hbm>> -> memref<80x128xf32, #tpu.memory_space<hbm>>
        %dma_wait3A_637 = arith.constant 0 : i32
        %dma_wait3A_638 = arith.constant 0 : i32
        %dma_wait3A_639 = tpu.memref_slice %arg8[%dma_wait3A_625, %dma_wait3A_637, %dma_wait3A_638] : memref<2x80x128xf32, #tpu.memory_space<vmem>> -> memref<1x80x128xf32, #tpu.memory_space<vmem>>
        %dma_wait3A_640 = tpu.memref_squeeze %dma_wait3A_639 : memref<1x80x128xf32, #tpu.memory_space<vmem>> -> memref<80x128xf32, #tpu.memory_space<vmem>>
        tpu.wait_dma2 semaphore(%dma_wait3A_634 : memref<!tpu.dma_semaphore, #tpu.memory_space<semaphore_mem>>) src(%dma_wait3A_640 : memref<80x128xf32, #tpu.memory_space<vmem>>) dst(%dma_wait3A_636 : memref<80x128xf32, #tpu.memory_space<hbm>>)
        %dma_wait3A_641 = arith.constant 1 : i32
        %dma_wait3A_642 = arith.constant 1 : i32
        %dma_wait3A_643 = arith.constant 0 : i32
        %dma_wait3A_644 = arith.constant 0 : i32
        %dma_wait3A_645 = tpu.memref_slice %arg8[%dma_wait3A_641, %dma_wait3A_643, %dma_wait3A_644] : memref<2x80x128xf32, #tpu.memory_space<vmem>> -> memref<1x80x128xf32, #tpu.memory_space<vmem>>
        %dma_wait3A_646 = tpu.memref_squeeze %dma_wait3A_645 : memref<1x80x128xf32, #tpu.memory_space<vmem>> -> memref<80x128xf32, #tpu.memory_space<vmem>>
        %dma_wait3A_647 = arith.constant 0 : i32
        %dma_wait3A_648 = tpu.memref_slice %arg7[%rem3A_615, %rem3A_619, %dma_wait3A_647] : memref<2x8x80xi32, #tpu.memory_space<vmem>> -> memref<1x1x80xi32, #tpu.memory_space<vmem>>
        %dma_wait3A_649 = tpu.memref_squeeze %dma_wait3A_648 : memref<1x1x80xi32, #tpu.memory_space<vmem>> -> memref<80xi32, #tpu.memory_space<vmem>>
        %dma_wait3A_650 = arith.constant 0 : i32
        %dma_wait3A_651 = arith.constant 0 : i32
        %dma_wait3A_652 = tpu.memref_slice %arg11[%dma_wait3A_650, %dma_wait3A_651] : memref<10240x128xf32, #tpu.memory_space<vmem_shared>> -> memref<10240x128xf32, #tpu.memory_space<vmem_shared>>
        %dma_wait3A_653 = tpu.memref_slice %arg15[%dma_wait3A_642] : memref<2x!tpu.dma_semaphore, #tpu.memory_space<semaphore_mem>> -> memref<1x!tpu.dma_semaphore, #tpu.memory_space<semaphore_mem>>
        %dma_wait3A_654 = tpu.memref_squeeze %dma_wait3A_653 : memref<1x!tpu.dma_semaphore, #tpu.memory_space<semaphore_mem>> -> memref<!tpu.dma_semaphore, #tpu.memory_space<semaphore_mem>>
        tpu.wait_indirect_dma semaphore(%dma_wait3A_654 : memref<!tpu.dma_semaphore, #tpu.memory_space<semaphore_mem>>) src(%dma_wait3A_646 : memref<80x128xf32, #tpu.memory_space<vmem>>) dst(%dma_wait3A_652 : memref<10240x128xf32, #tpu.memory_space<vmem_shared>>)
      } else {
      }
      %eq3A_369 = arith.constant 1 : i32
      %eq3A_370 = arith.cmpi eq, %rem3A_360, %eq3A_369 : i32
      %lt3A_371 = arith.constant 7 : i32
      %lt3A_372 = arith.cmpi slt, %div3A_358, %lt3A_371 : i32
      %and3A_373 = arith.andi %eq3A_370, %lt3A_372 : i1
      %convert_element_type3A_374 = arith.extui %and3A_373 : i1 to i32
      %cond3A_375 = arith.constant 0 : i32
      %cond3A_376 = arith.cmpi ne, %convert_element_type3A_374, %cond3A_375 : i32
      scf.if %cond3A_376 {
        %add3A_608 = arith.constant 1 : i32
        %add3A_609 = arith.addi %div3A_358, %add3A_608 : i32
        %dma_start3A_610 = arith.constant 0 : i32
        %dma_start3A_611 = arith.constant 0 : i32
        %dma_start3A_612 = tpu.memref_slice %arg7[%sub3A_364, %dma_start3A_610, %dma_start3A_611] : memref<2x8x80xi32, #tpu.memory_space<vmem>> -> memref<1x8x80xi32, #tpu.memory_space<vmem>>
        %dma_start3A_613 = tpu.memref_squeeze %dma_start3A_612 : memref<1x8x80xi32, #tpu.memory_space<vmem>> -> memref<8x80xi32, #tpu.memory_space<vmem>>
        %dma_start3A_614 = arith.constant 0 : i32
        %dma_start3A_615 = arith.constant 0 : i32
        %dma_start3A_616 = tpu.memref_slice %arg3[%add3A, %add3A_609, %dma_start3A_614, %dma_start3A_615] : memref<32x8x8x80xi32, #tpu.memory_space<hbm>> -> memref<1x1x8x80xi32, #tpu.memory_space<hbm>>
        %dma_start3A_617 = tpu.memref_squeeze %dma_start3A_616 : memref<1x1x8x80xi32, #tpu.memory_space<hbm>> -> memref<8x80xi32, #tpu.memory_space<hbm>>
        %dma_start3A_618 = tpu.memref_slice %arg16[%sub3A_364] : memref<2x!tpu.dma_semaphore, #tpu.memory_space<semaphore_mem>> -> memref<1x!tpu.dma_semaphore, #tpu.memory_space<semaphore_mem>>
        %dma_start3A_619 = tpu.memref_squeeze %dma_start3A_618 : memref<1x!tpu.dma_semaphore, #tpu.memory_space<semaphore_mem>> -> memref<!tpu.dma_semaphore, #tpu.memory_space<semaphore_mem>>
        %dma_start3A_620 = arith.constant 0 : i32
        %dma_start3A_621 = arith.constant 0 : i32
        %dma_start3A_622 = tpu.memref_slice %arg7[%sub3A_364, %dma_start3A_620, %dma_start3A_621] : memref<2x8x80xi32, #tpu.memory_space<vmem>> -> memref<1x8x80xi32, #tpu.memory_space<vmem>>
        %dma_start3A_623 = tpu.memref_squeeze %dma_start3A_622 : memref<1x8x80xi32, #tpu.memory_space<vmem>> -> memref<8x80xi32, #tpu.memory_space<vmem>>
        %dma_start3A_624 = arith.constant 0 : i32
        %dma_start3A_625 = arith.constant 0 : i32
        %dma_start3A_626 = tpu.memref_slice %arg3[%add3A, %add3A_609, %dma_start3A_624, %dma_start3A_625] : memref<32x8x8x80xi32, #tpu.memory_space<hbm>> -> memref<1x1x8x80xi32, #tpu.memory_space<hbm>>
        %dma_start3A_627 = tpu.memref_squeeze %dma_start3A_626 : memref<1x1x8x80xi32, #tpu.memory_space<hbm>> -> memref<8x80xi32, #tpu.memory_space<hbm>>
        tpu.enqueue_dma source(%dma_start3A_627 : memref<8x80xi32, #tpu.memory_space<hbm>>) target(%dma_start3A_623 : memref<8x80xi32, #tpu.memory_space<vmem>>) target_semaphore(%dma_start3A_619 : memref<!tpu.dma_semaphore, #tpu.memory_space<semaphore_mem>>)
      } else {
      }
      %eq3A_377 = arith.constant 7 : i32
      %eq3A_378 = arith.cmpi eq, %rem3A_360, %eq3A_377 : i32
      %convert_element_type3A_379 = arith.extui %eq3A_378 : i1 to i32
      %cond3A_380 = arith.constant 0 : i32
      %cond3A_381 = arith.cmpi ne, %convert_element_type3A_379, %cond3A_380 : i32
      scf.if %cond3A_381 {
        %add3A_608 = arith.constant 1 : i32
        %add3A_609 = arith.addi %div3A_358, %add3A_608 : i32
        %dma_wait3A_610 = arith.constant 0 : i32
        %dma_wait3A_611 = arith.constant 0 : i32
        %dma_wait3A_612 = tpu.memref_slice %arg7[%sub3A_364, %dma_wait3A_610, %dma_wait3A_611] : memref<2x8x80xi32, #tpu.memory_space<vmem>> -> memref<1x8x80xi32, #tpu.memory_space<vmem>>
        %dma_wait3A_613 = tpu.memref_squeeze %dma_wait3A_612 : memref<1x8x80xi32, #tpu.memory_space<vmem>> -> memref<8x80xi32, #tpu.memory_space<vmem>>
        %dma_wait3A_614 = arith.constant 0 : i32
        %dma_wait3A_615 = arith.constant 0 : i32
        %dma_wait3A_616 = tpu.memref_slice %arg3[%add3A, %add3A_609, %dma_wait3A_614, %dma_wait3A_615] : memref<32x8x8x80xi32, #tpu.memory_space<hbm>> -> memref<1x1x8x80xi32, #tpu.memory_space<hbm>>
        %dma_wait3A_617 = tpu.memref_squeeze %dma_wait3A_616 : memref<1x1x8x80xi32, #tpu.memory_space<hbm>> -> memref<8x80xi32, #tpu.memory_space<hbm>>
        %dma_wait3A_618 = tpu.memref_slice %arg16[%sub3A_364] : memref<2x!tpu.dma_semaphore, #tpu.memory_space<semaphore_mem>> -> memref<1x!tpu.dma_semaphore, #tpu.memory_space<semaphore_mem>>
        %dma_wait3A_619 = tpu.memref_squeeze %dma_wait3A_618 : memref<1x!tpu.dma_semaphore, #tpu.memory_space<semaphore_mem>> -> memref<!tpu.dma_semaphore, #tpu.memory_space<semaphore_mem>>
        %dma_wait3A_620 = arith.constant 0 : i32
        %dma_wait3A_621 = arith.constant 0 : i32
        %dma_wait3A_622 = tpu.memref_slice %arg7[%sub3A_364, %dma_wait3A_620, %dma_wait3A_621] : memref<2x8x80xi32, #tpu.memory_space<vmem>> -> memref<1x8x80xi32, #tpu.memory_space<vmem>>
        %dma_wait3A_623 = tpu.memref_squeeze %dma_wait3A_622 : memref<1x8x80xi32, #tpu.memory_space<vmem>> -> memref<8x80xi32, #tpu.memory_space<vmem>>
        %dma_wait3A_624 = arith.constant 0 : i32
        %dma_wait3A_625 = arith.constant 0 : i32
        %dma_wait3A_626 = tpu.memref_slice %arg3[%add3A, %add3A_609, %dma_wait3A_624, %dma_wait3A_625] : memref<32x8x8x80xi32, #tpu.memory_space<hbm>> -> memref<1x1x8x80xi32, #tpu.memory_space<hbm>>
        %dma_wait3A_627 = tpu.memref_squeeze %dma_wait3A_626 : memref<1x1x8x80xi32, #tpu.memory_space<hbm>> -> memref<8x80xi32, #tpu.memory_space<hbm>>
        tpu.wait_dma2 semaphore(%dma_wait3A_619 : memref<!tpu.dma_semaphore, #tpu.memory_space<semaphore_mem>>) src(%dma_wait3A_627 : memref<8x80xi32, #tpu.memory_space<hbm>>) dst(%dma_wait3A_623 : memref<8x80xi32, #tpu.memory_space<vmem>>)
      } else {
      }
      %add3A_382 = arith.constant 1 : i32
      %add3A_383 = arith.addi %mul3A_356, %add3A_382 : i32
      %div3A_384 = arith.constant 8 : i32
      %div3A_385 = arith.divsi %add3A_383, %div3A_384 : i32
      %rem3A_386 = arith.constant 2 : i32
      %rem3A_387 = arith.remsi %div3A_385, %rem3A_386 : i32
      %add3A_388 = arith.constant 1 : i32
      %add3A_389 = arith.addi %mul3A_356, %add3A_388 : i32
      %add3A_390 = arith.constant 1 : i32
      %add3A_391 = arith.addi %mul3A_356, %add3A_390 : i32
      %rem3A_392 = arith.constant 8 : i32
      %rem3A_393 = arith.remsi %add3A_391, %rem3A_392 : i32
      %dma_start3A_394 = arith.constant 1 : i32
      %dma_start3A_395 = arith.constant 1 : i32
      %dma_start3A_396 = arith.constant 0 : i32
      %dma_start3A_397 = arith.constant 0 : i32
      %dma_start3A_398 = tpu.memref_slice %arg8[%dma_start3A_394, %dma_start3A_396, %dma_start3A_397] : memref<2x80x128xf32, #tpu.memory_space<vmem>> -> memref<1x80x128xf32, #tpu.memory_space<vmem>>
      %dma_start3A_399 = tpu.memref_squeeze %dma_start3A_398 : memref<1x80x128xf32, #tpu.memory_space<vmem>> -> memref<80x128xf32, #tpu.memory_space<vmem>>
      %dma_start3A_400 = arith.constant 0 : i32
      %dma_start3A_401 = tpu.memref_slice %arg7[%rem3A_387, %rem3A_393, %dma_start3A_400] : memref<2x8x80xi32, #tpu.memory_space<vmem>> -> memref<1x1x80xi32, #tpu.memory_space<vmem>>
      %dma_start3A_402 = tpu.memref_squeeze %dma_start3A_401 : memref<1x1x80xi32, #tpu.memory_space<vmem>> -> memref<80xi32, #tpu.memory_space<vmem>>
      %dma_start3A_403 = arith.constant 0 : i32
      %dma_start3A_404 = arith.constant 0 : i32
      %dma_start3A_405 = tpu.memref_slice %arg2[%dma_start3A_403, %dma_start3A_404] : memref<10000x128xf32, #tpu.memory_space<hbm>> -> memref<10000x128xf32, #tpu.memory_space<hbm>>
      %dma_start3A_406 = tpu.memref_slice %arg12[%dma_start3A_395] : memref<2x!tpu.dma_semaphore, #tpu.memory_space<semaphore_mem>> -> memref<1x!tpu.dma_semaphore, #tpu.memory_space<semaphore_mem>>
      %dma_start3A_407 = tpu.memref_squeeze %dma_start3A_406 : memref<1x!tpu.dma_semaphore, #tpu.memory_space<semaphore_mem>> -> memref<!tpu.dma_semaphore, #tpu.memory_space<semaphore_mem>>
      tpu.enqueue_indirect_dma source(%dma_start3A_405 : memref<10000x128xf32, #tpu.memory_space<hbm>>) target(%dma_start3A_399 : memref<80x128xf32, #tpu.memory_space<vmem>>) offsets(%dma_start3A_402 : memref<80xi32, #tpu.memory_space<vmem>>) semaphore(%dma_start3A_407 : memref<!tpu.dma_semaphore, #tpu.memory_space<semaphore_mem>>)
      %mul3A_408 = arith.constant 80 : i32
      %mul3A_409 = arith.muli %add3A_389, %mul3A_408 : i32
      %add3A_410 = arith.addi %mul3A_38, %mul3A_409 : i32
      %dma_start3A_411 = arith.constant 1 : i32
      %dma_start3A_412 = arith.constant 0 : i32
      %dma_start3A_413 = tpu.memref_slice %arg4[%add3A_410, %dma_start3A_412] : memref<163840x128xf32, #tpu.memory_space<hbm>> -> memref<80x128xf32, #tpu.memory_space<hbm>>
      %dma_start3A_414 = tpu.memref_slice %arg13[%dma_start3A_411] : memref<2x!tpu.dma_semaphore, #tpu.memory_space<semaphore_mem>> -> memref<1x!tpu.dma_semaphore, #tpu.memory_space<semaphore_mem>>
      %dma_start3A_415 = tpu.memref_squeeze %dma_start3A_414 : memref<1x!tpu.dma_semaphore, #tpu.memory_space<semaphore_mem>> -> memref<!tpu.dma_semaphore, #tpu.memory_space<semaphore_mem>>
      %dma_start3A_416 = arith.constant 0 : i32
      %dma_start3A_417 = tpu.memref_slice %arg4[%add3A_410, %dma_start3A_416] : memref<163840x128xf32, #tpu.memory_space<hbm>> -> memref<80x128xf32, #tpu.memory_space<hbm>>
      tpu.enqueue_dma source(%dma_start3A_417 : memref<80x128xf32, #tpu.memory_space<hbm>>) target(%arg10 : memref<80x128xf32, #tpu.memory_space<vmem>>) target_semaphore(%dma_start3A_415 : memref<!tpu.dma_semaphore, #tpu.memory_space<semaphore_mem>>)
      %dma_wait3A_418 = arith.constant 0 : i32
      %dma_wait3A_419 = arith.constant 0 : i32
      %dma_wait3A_420 = arith.constant 0 : i32
      %dma_wait3A_421 = arith.constant 0 : i32
      %dma_wait3A_422 = tpu.memref_slice %arg8[%dma_wait3A_418, %dma_wait3A_420, %dma_wait3A_421] : memref<2x80x128xf32, #tpu.memory_space<vmem>> -> memref<1x80x128xf32, #tpu.memory_space<vmem>>
      %dma_wait3A_423 = tpu.memref_squeeze %dma_wait3A_422 : memref<1x80x128xf32, #tpu.memory_space<vmem>> -> memref<80x128xf32, #tpu.memory_space<vmem>>
      %dma_wait3A_424 = arith.constant 0 : i32
      %dma_wait3A_425 = tpu.memref_slice %arg7[%rem3A_362, %rem3A_360, %dma_wait3A_424] : memref<2x8x80xi32, #tpu.memory_space<vmem>> -> memref<1x1x80xi32, #tpu.memory_space<vmem>>
      %dma_wait3A_426 = tpu.memref_squeeze %dma_wait3A_425 : memref<1x1x80xi32, #tpu.memory_space<vmem>> -> memref<80xi32, #tpu.memory_space<vmem>>
      %dma_wait3A_427 = arith.constant 0 : i32
      %dma_wait3A_428 = arith.constant 0 : i32
      %dma_wait3A_429 = tpu.memref_slice %arg2[%dma_wait3A_427, %dma_wait3A_428] : memref<10000x128xf32, #tpu.memory_space<hbm>> -> memref<10000x128xf32, #tpu.memory_space<hbm>>
      %dma_wait3A_430 = tpu.memref_slice %arg12[%dma_wait3A_419] : memref<2x!tpu.dma_semaphore, #tpu.memory_space<semaphore_mem>> -> memref<1x!tpu.dma_semaphore, #tpu.memory_space<semaphore_mem>>
      %dma_wait3A_431 = tpu.memref_squeeze %dma_wait3A_430 : memref<1x!tpu.dma_semaphore, #tpu.memory_space<semaphore_mem>> -> memref<!tpu.dma_semaphore, #tpu.memory_space<semaphore_mem>>
      tpu.wait_indirect_dma semaphore(%dma_wait3A_431 : memref<!tpu.dma_semaphore, #tpu.memory_space<semaphore_mem>>) src(%dma_wait3A_429 : memref<10000x128xf32, #tpu.memory_space<hbm>>) dst(%dma_wait3A_423 : memref<80x128xf32, #tpu.memory_space<vmem>>)
      %mul3A_432 = arith.constant 80 : i32
      %mul3A_433 = arith.muli %mul3A_356, %mul3A_432 : i32
      %add3A_434 = arith.addi %mul3A_38, %mul3A_433 : i32
      %dma_wait3A_435 = arith.constant 0 : i32
      %dma_wait3A_436 = arith.constant 0 : i32
      %dma_wait3A_437 = tpu.memref_slice %arg4[%add3A_434, %dma_wait3A_436] : memref<163840x128xf32, #tpu.memory_space<hbm>> -> memref<80x128xf32, #tpu.memory_space<hbm>>
      %dma_wait3A_438 = tpu.memref_slice %arg13[%dma_wait3A_435] : memref<2x!tpu.dma_semaphore, #tpu.memory_space<semaphore_mem>> -> memref<1x!tpu.dma_semaphore, #tpu.memory_space<semaphore_mem>>
      %dma_wait3A_439 = tpu.memref_squeeze %dma_wait3A_438 : memref<1x!tpu.dma_semaphore, #tpu.memory_space<semaphore_mem>> -> memref<!tpu.dma_semaphore, #tpu.memory_space<semaphore_mem>>
      %dma_wait3A_440 = arith.constant 0 : i32
      %dma_wait3A_441 = tpu.memref_slice %arg4[%add3A_434, %dma_wait3A_440] : memref<163840x128xf32, #tpu.memory_space<hbm>> -> memref<80x128xf32, #tpu.memory_space<hbm>>
      tpu.wait_dma2 semaphore(%dma_wait3A_439 : memref<!tpu.dma_semaphore, #tpu.memory_space<semaphore_mem>>) src(%dma_wait3A_441 : memref<80x128xf32, #tpu.memory_space<hbm>>) dst(%arg9 : memref<80x128xf32, #tpu.memory_space<vmem>>)
      %parallel_loop3A_442 = arith.constant 0 : i32
      %parallel_loop3A_443 = arith.constant 80 : i32
      %parallel_loop3A_444 = arith.constant 1 : i32
      scf.for %parallel_loop3A_608 = %parallel_loop3A_442 to %parallel_loop3A_443 step %parallel_loop3A_444  : i32 {
        %parallel_loop3A_609 = arith.constant 0 : i32
        %parallel_loop3A_610 = arith.index_cast %parallel_loop3A_609 : i32 to index
        %parallel_loop3A_611 = arith.index_cast %parallel_loop3A_608 : i32 to index
        %parallel_loop3A_612 = arith.constant 0 : index
        %parallel_loop3A_613 = tpu.vector_load %arg8[%parallel_loop3A_610, %parallel_loop3A_611, %parallel_loop3A_612] {strides = array<i32>} : memref<2x80x128xf32, #tpu.memory_space<vmem>>, vector<1x1x16xf32>,
        %parallel_loop3A_614 = vector.shape_cast %parallel_loop3A_613 : vector<1x1x16xf32> to vector<16xf32>
        %parallel_loop3A_615 = arith.index_cast %parallel_loop3A_608 : i32 to index
        %parallel_loop3A_616 = arith.constant 0 : index
        %parallel_loop3A_617 = tpu.vector_load %arg9[%parallel_loop3A_615, %parallel_loop3A_616] {strides = array<i32>} : memref<80x128xf32, #tpu.memory_space<vmem>>, vector<1x16xf32>,
        %parallel_loop3A_618 = vector.shape_cast %parallel_loop3A_617 : vector<1x16xf32> to vector<16xf32>
        %parallel_loop3A_619 = arith.mulf %parallel_loop3A_614, %parallel_loop3A_618 : vector<16xf32>
        %parallel_loop3A_620 = arith.constant 0 : i32
        %parallel_loop3A_621 = arith.index_cast %parallel_loop3A_620 : i32 to index
        %parallel_loop3A_622 = arith.index_cast %parallel_loop3A_608 : i32 to index
        %parallel_loop3A_623 = arith.constant 0 : index
        %parallel_loop3A_624 = tpu.vector_load %arg8[%parallel_loop3A_621, %parallel_loop3A_622, %parallel_loop3A_623] {strides = array<i32>} : memref<2x80x128xf32, #tpu.memory_space<vmem>>, vector<1x1x16xf32>,
        %parallel_loop3A_625 = vector.shape_cast %parallel_loop3A_624 : vector<1x1x16xf32> to vector<16xf32>
        %parallel_loop3A_626 = vector.shape_cast %parallel_loop3A_619 : vector<16xf32> to vector<1x1x16xf32>
        tpu.vector_store %arg8[%parallel_loop3A_621, %parallel_loop3A_622, %parallel_loop3A_623], %parallel_loop3A_626 {strides = array<i32>} : memref<2x80x128xf32, #tpu.memory_space<vmem>>, vector<1x1x16xf32>,
        %parallel_loop3A_627 = arith.constant 0 : i32
        %parallel_loop3A_628 = arith.index_cast %parallel_loop3A_627 : i32 to index
        %parallel_loop3A_629 = arith.index_cast %parallel_loop3A_608 : i32 to index
        %parallel_loop3A_630 = arith.constant 16 : index
        %parallel_loop3A_631 = tpu.vector_load %arg8[%parallel_loop3A_628, %parallel_loop3A_629, %parallel_loop3A_630] {strides = array<i32>} : memref<2x80x128xf32, #tpu.memory_space<vmem>>, vector<1x1x16xf32>,
        %parallel_loop3A_632 = vector.shape_cast %parallel_loop3A_631 : vector<1x1x16xf32> to vector<16xf32>
        %parallel_loop3A_633 = arith.index_cast %parallel_loop3A_608 : i32 to index
        %parallel_loop3A_634 = arith.constant 16 : index
        %parallel_loop3A_635 = tpu.vector_load %arg9[%parallel_loop3A_633, %parallel_loop3A_634] {strides = array<i32>} : memref<80x128xf32, #tpu.memory_space<vmem>>, vector<1x16xf32>,
        %parallel_loop3A_636 = vector.shape_cast %parallel_loop3A_635 : vector<1x16xf32> to vector<16xf32>
        %parallel_loop3A_637 = arith.mulf %parallel_loop3A_632, %parallel_loop3A_636 : vector<16xf32>
        %parallel_loop3A_638 = arith.constant 0 : i32
        %parallel_loop3A_639 = arith.index_cast %parallel_loop3A_638 : i32 to index
        %parallel_loop3A_640 = arith.index_cast %parallel_loop3A_608 : i32 to index
        %parallel_loop3A_641 = arith.constant 16 : index
        %parallel_loop3A_642 = tpu.vector_load %arg8[%parallel_loop3A_639, %parallel_loop3A_640, %parallel_loop3A_641] {strides = array<i32>} : memref<2x80x128xf32, #tpu.memory_space<vmem>>, vector<1x1x16xf32>,
        %parallel_loop3A_643 = vector.shape_cast %parallel_loop3A_642 : vector<1x1x16xf32> to vector<16xf32>
        %parallel_loop3A_644 = vector.shape_cast %parallel_loop3A_637 : vector<16xf32> to vector<1x1x16xf32>
        tpu.vector_store %arg8[%parallel_loop3A_639, %parallel_loop3A_640, %parallel_loop3A_641], %parallel_loop3A_644 {strides = array<i32>} : memref<2x80x128xf32, #tpu.memory_space<vmem>>, vector<1x1x16xf32>,
        %parallel_loop3A_645 = arith.constant 0 : i32
        %parallel_loop3A_646 = arith.index_cast %parallel_loop3A_645 : i32 to index
        %parallel_loop3A_647 = arith.index_cast %parallel_loop3A_608 : i32 to index
        %parallel_loop3A_648 = arith.constant 32 : index
        %parallel_loop3A_649 = tpu.vector_load %arg8[%parallel_loop3A_646, %parallel_loop3A_647, %parallel_loop3A_648] {strides = array<i32>} : memref<2x80x128xf32, #tpu.memory_space<vmem>>, vector<1x1x16xf32>,
        %parallel_loop3A_650 = vector.shape_cast %parallel_loop3A_649 : vector<1x1x16xf32> to vector<16xf32>
        %parallel_loop3A_651 = arith.index_cast %parallel_loop3A_608 : i32 to index
        %parallel_loop3A_652 = arith.constant 32 : index
        %parallel_loop3A_653 = tpu.vector_load %arg9[%parallel_loop3A_651, %parallel_loop3A_652] {strides = array<i32>} : memref<80x128xf32, #tpu.memory_space<vmem>>, vector<1x16xf32>,
        %parallel_loop3A_654 = vector.shape_cast %parallel_loop3A_653 : vector<1x16xf32> to vector<16xf32>
        %parallel_loop3A_655 = arith.mulf %parallel_loop3A_650, %parallel_loop3A_654 : vector<16xf32>
        %parallel_loop3A_656 = arith.constant 0 : i32
        %parallel_loop3A_657 = arith.index_cast %parallel_loop3A_656 : i32 to index
        %parallel_loop3A_658 = arith.index_cast %parallel_loop3A_608 : i32 to index
        %parallel_loop3A_659 = arith.constant 32 : index
        %parallel_loop3A_660 = tpu.vector_load %arg8[%parallel_loop3A_657, %parallel_loop3A_658, %parallel_loop3A_659] {strides = array<i32>} : memref<2x80x128xf32, #tpu.memory_space<vmem>>, vector<1x1x16xf32>,
        %parallel_loop3A_661 = vector.shape_cast %parallel_loop3A_660 : vector<1x1x16xf32> to vector<16xf32>
        %parallel_loop3A_662 = vector.shape_cast %parallel_loop3A_655 : vector<16xf32> to vector<1x1x16xf32>
        tpu.vector_store %arg8[%parallel_loop3A_657, %parallel_loop3A_658, %parallel_loop3A_659], %parallel_loop3A_662 {strides = array<i32>} : memref<2x80x128xf32, #tpu.memory_space<vmem>>, vector<1x1x16xf32>,
        %parallel_loop3A_663 = arith.constant 0 : i32
        %parallel_loop3A_664 = arith.index_cast %parallel_loop3A_663 : i32 to index
        %parallel_loop3A_665 = arith.index_cast %parallel_loop3A_608 : i32 to index
        %parallel_loop3A_666 = arith.constant 48 : index
        %parallel_loop3A_667 = tpu.vector_load %arg8[%parallel_loop3A_664, %parallel_loop3A_665, %parallel_loop3A_666] {strides = array<i32>} : memref<2x80x128xf32, #tpu.memory_space<vmem>>, vector<1x1x16xf32>,
        %parallel_loop3A_668 = vector.shape_cast %parallel_loop3A_667 : vector<1x1x16xf32> to vector<16xf32>
        %parallel_loop3A_669 = arith.index_cast %parallel_loop3A_608 : i32 to index
        %parallel_loop3A_670 = arith.constant 48 : index
        %parallel_loop3A_671 = tpu.vector_load %arg9[%parallel_loop3A_669, %parallel_loop3A_670] {strides = array<i32>} : memref<80x128xf32, #tpu.memory_space<vmem>>, vector<1x16xf32>,
        %parallel_loop3A_672 = vector.shape_cast %parallel_loop3A_671 : vector<1x16xf32> to vector<16xf32>
        %parallel_loop3A_673 = arith.mulf %parallel_loop3A_668, %parallel_loop3A_672 : vector<16xf32>
        %parallel_loop3A_674 = arith.constant 0 : i32
        %parallel_loop3A_675 = arith.index_cast %parallel_loop3A_674 : i32 to index
        %parallel_loop3A_676 = arith.index_cast %parallel_loop3A_608 : i32 to index
        %parallel_loop3A_677 = arith.constant 48 : index
        %parallel_loop3A_678 = tpu.vector_load %arg8[%parallel_loop3A_675, %parallel_loop3A_676, %parallel_loop3A_677] {strides = array<i32>} : memref<2x80x128xf32, #tpu.memory_space<vmem>>, vector<1x1x16xf32>,
        %parallel_loop3A_679 = vector.shape_cast %parallel_loop3A_678 : vector<1x1x16xf32> to vector<16xf32>
        %parallel_loop3A_680 = vector.shape_cast %parallel_loop3A_673 : vector<16xf32> to vector<1x1x16xf32>
        tpu.vector_store %arg8[%parallel_loop3A_675, %parallel_loop3A_676, %parallel_loop3A_677], %parallel_loop3A_680 {strides = array<i32>} : memref<2x80x128xf32, #tpu.memory_space<vmem>>, vector<1x1x16xf32>,
        %parallel_loop3A_681 = arith.constant 0 : i32
        %parallel_loop3A_682 = arith.index_cast %parallel_loop3A_681 : i32 to index
        %parallel_loop3A_683 = arith.index_cast %parallel_loop3A_608 : i32 to index
        %parallel_loop3A_684 = arith.constant 64 : index
        %parallel_loop3A_685 = tpu.vector_load %arg8[%parallel_loop3A_682, %parallel_loop3A_683, %parallel_loop3A_684] {strides = array<i32>} : memref<2x80x128xf32, #tpu.memory_space<vmem>>, vector<1x1x16xf32>,
        %parallel_loop3A_686 = vector.shape_cast %parallel_loop3A_685 : vector<1x1x16xf32> to vector<16xf32>
        %parallel_loop3A_687 = arith.index_cast %parallel_loop3A_608 : i32 to index
        %parallel_loop3A_688 = arith.constant 64 : index
        %parallel_loop3A_689 = tpu.vector_load %arg9[%parallel_loop3A_687, %parallel_loop3A_688] {strides = array<i32>} : memref<80x128xf32, #tpu.memory_space<vmem>>, vector<1x16xf32>,
        %parallel_loop3A_690 = vector.shape_cast %parallel_loop3A_689 : vector<1x16xf32> to vector<16xf32>
        %parallel_loop3A_691 = arith.mulf %parallel_loop3A_686, %parallel_loop3A_690 : vector<16xf32>
        %parallel_loop3A_692 = arith.constant 0 : i32
        %parallel_loop3A_693 = arith.index_cast %parallel_loop3A_692 : i32 to index
        %parallel_loop3A_694 = arith.index_cast %parallel_loop3A_608 : i32 to index
        %parallel_loop3A_695 = arith.constant 64 : index
        %parallel_loop3A_696 = tpu.vector_load %arg8[%parallel_loop3A_693, %parallel_loop3A_694, %parallel_loop3A_695] {strides = array<i32>} : memref<2x80x128xf32, #tpu.memory_space<vmem>>, vector<1x1x16xf32>,
        %parallel_loop3A_697 = vector.shape_cast %parallel_loop3A_696 : vector<1x1x16xf32> to vector<16xf32>
        %parallel_loop3A_698 = vector.shape_cast %parallel_loop3A_691 : vector<16xf32> to vector<1x1x16xf32>
        tpu.vector_store %arg8[%parallel_loop3A_693, %parallel_loop3A_694, %parallel_loop3A_695], %parallel_loop3A_698 {strides = array<i32>} : memref<2x80x128xf32, #tpu.memory_space<vmem>>, vector<1x1x16xf32>,
        %parallel_loop3A_699 = arith.constant 0 : i32
        %parallel_loop3A_700 = arith.index_cast %parallel_loop3A_699 : i32 to index
        %parallel_loop3A_701 = arith.index_cast %parallel_loop3A_608 : i32 to index
        %parallel_loop3A_702 = arith.constant 80 : index
        %parallel_loop3A_703 = tpu.vector_load %arg8[%parallel_loop3A_700, %parallel_loop3A_701, %parallel_loop3A_702] {strides = array<i32>} : memref<2x80x128xf32, #tpu.memory_space<vmem>>, vector<1x1x16xf32>,
        %parallel_loop3A_704 = vector.shape_cast %parallel_loop3A_703 : vector<1x1x16xf32> to vector<16xf32>
        %parallel_loop3A_705 = arith.index_cast %parallel_loop3A_608 : i32 to index
        %parallel_loop3A_706 = arith.constant 80 : index
        %parallel_loop3A_707 = tpu.vector_load %arg9[%parallel_loop3A_705, %parallel_loop3A_706] {strides = array<i32>} : memref<80x128xf32, #tpu.memory_space<vmem>>, vector<1x16xf32>,
        %parallel_loop3A_708 = vector.shape_cast %parallel_loop3A_707 : vector<1x16xf32> to vector<16xf32>
        %parallel_loop3A_709 = arith.mulf %parallel_loop3A_704, %parallel_loop3A_708 : vector<16xf32>
        %parallel_loop3A_710 = arith.constant 0 : i32
        %parallel_loop3A_711 = arith.index_cast %parallel_loop3A_710 : i32 to index
        %parallel_loop3A_712 = arith.index_cast %parallel_loop3A_608 : i32 to index
        %parallel_loop3A_713 = arith.constant 80 : index
        %parallel_loop3A_714 = tpu.vector_load %arg8[%parallel_loop3A_711, %parallel_loop3A_712, %parallel_loop3A_713] {strides = array<i32>} : memref<2x80x128xf32, #tpu.memory_space<vmem>>, vector<1x1x16xf32>,
        %parallel_loop3A_715 = vector.shape_cast %parallel_loop3A_714 : vector<1x1x16xf32> to vector<16xf32>
        %parallel_loop3A_716 = vector.shape_cast %parallel_loop3A_709 : vector<16xf32> to vector<1x1x16xf32>
        tpu.vector_store %arg8[%parallel_loop3A_711, %parallel_loop3A_712, %parallel_loop3A_713], %parallel_loop3A_716 {strides = array<i32>} : memref<2x80x128xf32, #tpu.memory_space<vmem>>, vector<1x1x16xf32>,
        %parallel_loop3A_717 = arith.constant 0 : i32
        %parallel_loop3A_718 = arith.index_cast %parallel_loop3A_717 : i32 to index
        %parallel_loop3A_719 = arith.index_cast %parallel_loop3A_608 : i32 to index
        %parallel_loop3A_720 = arith.constant 96 : index
        %parallel_loop3A_721 = tpu.vector_load %arg8[%parallel_loop3A_718, %parallel_loop3A_719, %parallel_loop3A_720] {strides = array<i32>} : memref<2x80x128xf32, #tpu.memory_space<vmem>>, vector<1x1x16xf32>,
        %parallel_loop3A_722 = vector.shape_cast %parallel_loop3A_721 : vector<1x1x16xf32> to vector<16xf32>
        %parallel_loop3A_723 = arith.index_cast %parallel_loop3A_608 : i32 to index
        %parallel_loop3A_724 = arith.constant 96 : index
        %parallel_loop3A_725 = tpu.vector_load %arg9[%parallel_loop3A_723, %parallel_loop3A_724] {strides = array<i32>} : memref<80x128xf32, #tpu.memory_space<vmem>>, vector<1x16xf32>,
        %parallel_loop3A_726 = vector.shape_cast %parallel_loop3A_725 : vector<1x16xf32> to vector<16xf32>
        %parallel_loop3A_727 = arith.mulf %parallel_loop3A_722, %parallel_loop3A_726 : vector<16xf32>
        %parallel_loop3A_728 = arith.constant 0 : i32
        %parallel_loop3A_729 = arith.index_cast %parallel_loop3A_728 : i32 to index
        %parallel_loop3A_730 = arith.index_cast %parallel_loop3A_608 : i32 to index
        %parallel_loop3A_731 = arith.constant 96 : index
        %parallel_loop3A_732 = tpu.vector_load %arg8[%parallel_loop3A_729, %parallel_loop3A_730, %parallel_loop3A_731] {strides = array<i32>} : memref<2x80x128xf32, #tpu.memory_space<vmem>>, vector<1x1x16xf32>,
        %parallel_loop3A_733 = vector.shape_cast %parallel_loop3A_732 : vector<1x1x16xf32> to vector<16xf32>
        %parallel_loop3A_734 = vector.shape_cast %parallel_loop3A_727 : vector<16xf32> to vector<1x1x16xf32>
        tpu.vector_store %arg8[%parallel_loop3A_729, %parallel_loop3A_730, %parallel_loop3A_731], %parallel_loop3A_734 {strides = array<i32>} : memref<2x80x128xf32, #tpu.memory_space<vmem>>, vector<1x1x16xf32>,
        %parallel_loop3A_735 = arith.constant 0 : i32
        %parallel_loop3A_736 = arith.index_cast %parallel_loop3A_735 : i32 to index
        %parallel_loop3A_737 = arith.index_cast %parallel_loop3A_608 : i32 to index
        %parallel_loop3A_738 = arith.constant 112 : index
        %parallel_loop3A_739 = tpu.vector_load %arg8[%parallel_loop3A_736, %parallel_loop3A_737, %parallel_loop3A_738] {strides = array<i32>} : memref<2x80x128xf32, #tpu.memory_space<vmem>>, vector<1x1x16xf32>,
        %parallel_loop3A_740 = vector.shape_cast %parallel_loop3A_739 : vector<1x1x16xf32> to vector<16xf32>
        %parallel_loop3A_741 = arith.index_cast %parallel_loop3A_608 : i32 to index
        %parallel_loop3A_742 = arith.constant 112 : index
        %parallel_loop3A_743 = tpu.vector_load %arg9[%parallel_loop3A_741, %parallel_loop3A_742] {strides = array<i32>} : memref<80x128xf32, #tpu.memory_space<vmem>>, vector<1x16xf32>,
        %parallel_loop3A_744 = vector.shape_cast %parallel_loop3A_743 : vector<1x16xf32> to vector<16xf32>
        %parallel_loop3A_745 = arith.mulf %parallel_loop3A_740, %parallel_loop3A_744 : vector<16xf32>
        %parallel_loop3A_746 = arith.constant 0 : i32
        %parallel_loop3A_747 = arith.index_cast %parallel_loop3A_746 : i32 to index
        %parallel_loop3A_748 = arith.index_cast %parallel_loop3A_608 : i32 to index
        %parallel_loop3A_749 = arith.constant 112 : index
        %parallel_loop3A_750 = tpu.vector_load %arg8[%parallel_loop3A_747, %parallel_loop3A_748, %parallel_loop3A_749] {strides = array<i32>} : memref<2x80x128xf32, #tpu.memory_space<vmem>>, vector<1x1x16xf32>,
        %parallel_loop3A_751 = vector.shape_cast %parallel_loop3A_750 : vector<1x1x16xf32> to vector<16xf32>
        %parallel_loop3A_752 = vector.shape_cast %parallel_loop3A_745 : vector<16xf32> to vector<1x1x16xf32>
        tpu.vector_store %arg8[%parallel_loop3A_747, %parallel_loop3A_748, %parallel_loop3A_749], %parallel_loop3A_752 {strides = array<i32>} : memref<2x80x128xf32, #tpu.memory_space<vmem>>, vector<1x1x16xf32>,
      } {sc.loop_unroll_factor = 4 : i64, sc.parallel_access}
      %add3A_445 = arith.constant 0 : i32
      %add3A_446 = arith.addi %add3A_445, %mul3A_38 : i32
      %mul3A_447 = arith.constant 80 : i32
      %mul3A_448 = arith.muli %mul3A_356, %mul3A_447 : i32
      %add3A_449 = arith.addi %add3A_446, %mul3A_448 : i32
      %dma_start3A_450 = arith.constant 0 : i32
      %dma_start3A_451 = arith.constant 0 : i32
      %dma_start3A_452 = arith.constant 0 : i32
      %dma_start3A_453 = arith.constant 0 : i32
      %dma_start3A_454 = tpu.memref_slice %arg8[%dma_start3A_450, %dma_start3A_452, %dma_start3A_453] : memref<2x80x128xf32, #tpu.memory_space<vmem>> -> memref<1x80x128xf32, #tpu.memory_space<vmem>>
      %dma_start3A_455 = tpu.memref_squeeze %dma_start3A_454 : memref<1x80x128xf32, #tpu.memory_space<vmem>> -> memref<80x128xf32, #tpu.memory_space<vmem>>
      %dma_start3A_456 = arith.constant 0 : i32
      %dma_start3A_457 = tpu.memref_slice %arg5[%add3A_449, %dma_start3A_456] : memref<320000x128xf32, #tpu.memory_space<hbm>> -> memref<80x128xf32, #tpu.memory_space<hbm>>
      %dma_start3A_458 = tpu.memref_slice %arg14[%dma_start3A_451] : memref<2x!tpu.dma_semaphore, #tpu.memory_space<semaphore_mem>> -> memref<1x!tpu.dma_semaphore, #tpu.memory_space<semaphore_mem>>
      %dma_start3A_459 = tpu.memref_squeeze %dma_start3A_458 : memref<1x!tpu.dma_semaphore, #tpu.memory_space<semaphore_mem>> -> memref<!tpu.dma_semaphore, #tpu.memory_space<semaphore_mem>>
      %dma_start3A_460 = arith.constant 0 : i32
      %dma_start3A_461 = tpu.memref_slice %arg5[%add3A_449, %dma_start3A_460] : memref<320000x128xf32, #tpu.memory_space<hbm>> -> memref<80x128xf32, #tpu.memory_space<hbm>>
      %dma_start3A_462 = arith.constant 0 : i32
      %dma_start3A_463 = arith.constant 0 : i32
      %dma_start3A_464 = tpu.memref_slice %arg8[%dma_start3A_450, %dma_start3A_462, %dma_start3A_463] : memref<2x80x128xf32, #tpu.memory_space<vmem>> -> memref<1x80x128xf32, #tpu.memory_space<vmem>>
      %dma_start3A_465 = tpu.memref_squeeze %dma_start3A_464 : memref<1x80x128xf32, #tpu.memory_space<vmem>> -> memref<80x128xf32, #tpu.memory_space<vmem>>
      tpu.enqueue_dma source(%dma_start3A_465 : memref<80x128xf32, #tpu.memory_space<vmem>>) target(%dma_start3A_461 : memref<80x128xf32, #tpu.memory_space<hbm>>) target_semaphore(%dma_start3A_459 : memref<!tpu.dma_semaphore, #tpu.memory_space<semaphore_mem>>)
      %dma_start3A_466 = arith.constant 0 : i32
      %dma_start3A_467 = arith.constant 0 : i32
      %dma_start3A_468 = arith.constant 0 : i32
      %dma_start3A_469 = arith.constant 0 : i32
      %dma_start3A_470 = tpu.memref_slice %arg8[%dma_start3A_466, %dma_start3A_468, %dma_start3A_469] : memref<2x80x128xf32, #tpu.memory_space<vmem>> -> memref<1x80x128xf32, #tpu.memory_space<vmem>>
      %dma_start3A_471 = tpu.memref_squeeze %dma_start3A_470 : memref<1x80x128xf32, #tpu.memory_space<vmem>> -> memref<80x128xf32, #tpu.memory_space<vmem>>
      %dma_start3A_472 = arith.constant 0 : i32
      %dma_start3A_473 = tpu.memref_slice %arg7[%rem3A_362, %rem3A_360, %dma_start3A_472] : memref<2x8x80xi32, #tpu.memory_space<vmem>> -> memref<1x1x80xi32, #tpu.memory_space<vmem>>
      %dma_start3A_474 = tpu.memref_squeeze %dma_start3A_473 : memref<1x1x80xi32, #tpu.memory_space<vmem>> -> memref<80xi32, #tpu.memory_space<vmem>>
      %dma_start3A_475 = arith.constant 0 : i32
      %dma_start3A_476 = arith.constant 0 : i32
      %dma_start3A_477 = tpu.memref_slice %arg11[%dma_start3A_475, %dma_start3A_476] : memref<10240x128xf32, #tpu.memory_space<vmem_shared>> -> memref<10240x128xf32, #tpu.memory_space<vmem_shared>>
      %dma_start3A_478 = tpu.memref_slice %arg15[%dma_start3A_467] : memref<2x!tpu.dma_semaphore, #tpu.memory_space<semaphore_mem>> -> memref<1x!tpu.dma_semaphore, #tpu.memory_space<semaphore_mem>>
      %dma_start3A_479 = tpu.memref_squeeze %dma_start3A_478 : memref<1x!tpu.dma_semaphore, #tpu.memory_space<semaphore_mem>> -> memref<!tpu.dma_semaphore, #tpu.memory_space<semaphore_mem>>
      tpu.enqueue_indirect_dma source(%dma_start3A_471 : memref<80x128xf32, #tpu.memory_space<vmem>>) target(%dma_start3A_477 : memref<10240x128xf32, #tpu.memory_space<vmem_shared>>) offsets(%dma_start3A_474 : memref<80xi32, #tpu.memory_space<vmem>>) semaphore(%dma_start3A_479 : memref<!tpu.dma_semaphore, #tpu.memory_space<semaphore_mem>>) {add = true}
      %mul3A_480 = arith.constant 2 : i32
      %mul3A_481 = arith.muli %mul3A_480, %scan3A_354 : i32
      %add3A_482 = arith.constant 1 : i32
      %add3A_483 = arith.addi %mul3A_481, %add3A_482 : i32
      %div3A_484 = arith.constant 8 : i32
      %div3A_485 = arith.divsi %add3A_483, %div3A_484 : i32
      %rem3A_486 = arith.constant 8 : i32
      %rem3A_487 = arith.remsi %add3A_483, %rem3A_486 : i32
      %rem3A_488 = arith.constant 2 : i32
      %rem3A_489 = arith.remsi %div3A_485, %rem3A_488 : i32
      %sub3A_490 = arith.constant 1 : i32
      %sub3A_491 = arith.subi %sub3A_490, %rem3A_489 : i32
      %ge3A_492 = arith.constant 1 : i32
      %ge3A_493 = arith.cmpi sge, %add3A_483, %ge3A_492 : i32
      %convert_element_type3A_494 = arith.extui %ge3A_493 : i1 to i32
      %cond3A_495 = arith.constant 0 : i32
      %cond3A_496 = arith.cmpi ne, %convert_element_type3A_494, %cond3A_495 : i32
      scf.if %cond3A_496 {
        %sub3A_608 = arith.constant 1 : i32
        %sub3A_609 = arith.subi %add3A_483, %sub3A_608 : i32
        %sub3A_610 = arith.constant 1 : i32
        %sub3A_611 = arith.subi %add3A_483, %sub3A_610 : i32
        %div3A_612 = arith.constant 8 : i32
        %div3A_613 = arith.divsi %sub3A_611, %div3A_612 : i32
        %rem3A_614 = arith.constant 2 : i32
        %rem3A_615 = arith.remsi %div3A_613, %rem3A_614 : i32
        %sub3A_616 = arith.constant 1 : i32
        %sub3A_617 = arith.subi %add3A_483, %sub3A_616 : i32
        %rem3A_618 = arith.constant 8 : i32
        %rem3A_619 = arith.remsi %sub3A_617, %rem3A_618 : i32
        %add3A_620 = arith.constant 0 : i32
        %add3A_621 = arith.addi %add3A_620, %mul3A_38 : i32
        %mul3A_622 = arith.constant 80 : i32
        %mul3A_623 = arith.muli %sub3A_609, %mul3A_622 : i32
        %add3A_624 = arith.addi %add3A_621, %mul3A_623 : i32
        %dma_wait3A_625 = arith.constant 0 : i32
        %dma_wait3A_626 = arith.constant 0 : i32
        %dma_wait3A_627 = arith.constant 0 : i32
        %dma_wait3A_628 = arith.constant 0 : i32
        %dma_wait3A_629 = tpu.memref_slice %arg8[%dma_wait3A_625, %dma_wait3A_627, %dma_wait3A_628] : memref<2x80x128xf32, #tpu.memory_space<vmem>> -> memref<1x80x128xf32, #tpu.memory_space<vmem>>
        %dma_wait3A_630 = tpu.memref_squeeze %dma_wait3A_629 : memref<1x80x128xf32, #tpu.memory_space<vmem>> -> memref<80x128xf32, #tpu.memory_space<vmem>>
        %dma_wait3A_631 = arith.constant 0 : i32
        %dma_wait3A_632 = tpu.memref_slice %arg5[%add3A_624, %dma_wait3A_631] : memref<320000x128xf32, #tpu.memory_space<hbm>> -> memref<80x128xf32, #tpu.memory_space<hbm>>
        %dma_wait3A_633 = tpu.memref_slice %arg14[%dma_wait3A_626] : memref<2x!tpu.dma_semaphore, #tpu.memory_space<semaphore_mem>> -> memref<1x!tpu.dma_semaphore, #tpu.memory_space<semaphore_mem>>
        %dma_wait3A_634 = tpu.memref_squeeze %dma_wait3A_633 : memref<1x!tpu.dma_semaphore, #tpu.memory_space<semaphore_mem>> -> memref<!tpu.dma_semaphore, #tpu.memory_space<semaphore_mem>>
        %dma_wait3A_635 = arith.constant 0 : i32
        %dma_wait3A_636 = tpu.memref_slice %arg5[%add3A_624, %dma_wait3A_635] : memref<320000x128xf32, #tpu.memory_space<hbm>> -> memref<80x128xf32, #tpu.memory_space<hbm>>
        %dma_wait3A_637 = arith.constant 0 : i32
        %dma_wait3A_638 = arith.constant 0 : i32
        %dma_wait3A_639 = tpu.memref_slice %arg8[%dma_wait3A_625, %dma_wait3A_637, %dma_wait3A_638] : memref<2x80x128xf32, #tpu.memory_space<vmem>> -> memref<1x80x128xf32, #tpu.memory_space<vmem>>
        %dma_wait3A_640 = tpu.memref_squeeze %dma_wait3A_639 : memref<1x80x128xf32, #tpu.memory_space<vmem>> -> memref<80x128xf32, #tpu.memory_space<vmem>>
        tpu.wait_dma2 semaphore(%dma_wait3A_634 : memref<!tpu.dma_semaphore, #tpu.memory_space<semaphore_mem>>) src(%dma_wait3A_640 : memref<80x128xf32, #tpu.memory_space<vmem>>) dst(%dma_wait3A_636 : memref<80x128xf32, #tpu.memory_space<hbm>>)
        %dma_wait3A_641 = arith.constant 0 : i32
        %dma_wait3A_642 = arith.constant 0 : i32
        %dma_wait3A_643 = arith.constant 0 : i32
        %dma_wait3A_644 = arith.constant 0 : i32
        %dma_wait3A_645 = tpu.memref_slice %arg8[%dma_wait3A_641, %dma_wait3A_643, %dma_wait3A_644] : memref<2x80x128xf32, #tpu.memory_space<vmem>> -> memref<1x80x128xf32, #tpu.memory_space<vmem>>
        %dma_wait3A_646 = tpu.memref_squeeze %dma_wait3A_645 : memref<1x80x128xf32, #tpu.memory_space<vmem>> -> memref<80x128xf32, #tpu.memory_space<vmem>>
        %dma_wait3A_647 = arith.constant 0 : i32
        %dma_wait3A_648 = tpu.memref_slice %arg7[%rem3A_615, %rem3A_619, %dma_wait3A_647] : memref<2x8x80xi32, #tpu.memory_space<vmem>> -> memref<1x1x80xi32, #tpu.memory_space<vmem>>
        %dma_wait3A_649 = tpu.memref_squeeze %dma_wait3A_648 : memref<1x1x80xi32, #tpu.memory_space<vmem>> -> memref<80xi32, #tpu.memory_space<vmem>>
        %dma_wait3A_650 = arith.constant 0 : i32
        %dma_wait3A_651 = arith.constant 0 : i32
        %dma_wait3A_652 = tpu.memref_slice %arg11[%dma_wait3A_650, %dma_wait3A_651] : memref<10240x128xf32, #tpu.memory_space<vmem_shared>> -> memref<10240x128xf32, #tpu.memory_space<vmem_shared>>
        %dma_wait3A_653 = tpu.memref_slice %arg15[%dma_wait3A_642] : memref<2x!tpu.dma_semaphore, #tpu.memory_space<semaphore_mem>> -> memref<1x!tpu.dma_semaphore, #tpu.memory_space<semaphore_mem>>
        %dma_wait3A_654 = tpu.memref_squeeze %dma_wait3A_653 : memref<1x!tpu.dma_semaphore, #tpu.memory_space<semaphore_mem>> -> memref<!tpu.dma_semaphore, #tpu.memory_space<semaphore_mem>>
        tpu.wait_indirect_dma semaphore(%dma_wait3A_654 : memref<!tpu.dma_semaphore, #tpu.memory_space<semaphore_mem>>) src(%dma_wait3A_646 : memref<80x128xf32, #tpu.memory_space<vmem>>) dst(%dma_wait3A_652 : memref<10240x128xf32, #tpu.memory_space<vmem_shared>>)
      } else {
      }
      %eq3A_497 = arith.constant 1 : i32
      %eq3A_498 = arith.cmpi eq, %rem3A_487, %eq3A_497 : i32
      %lt3A_499 = arith.constant 7 : i32
      %lt3A_500 = arith.cmpi slt, %div3A_485, %lt3A_499 : i32
      %and3A_501 = arith.andi %eq3A_498, %lt3A_500 : i1
      %convert_element_type3A_502 = arith.extui %and3A_501 : i1 to i32
      %cond3A_503 = arith.constant 0 : i32
      %cond3A_504 = arith.cmpi ne, %convert_element_type3A_502, %cond3A_503 : i32
      scf.if %cond3A_504 {
        %add3A_608 = arith.constant 1 : i32
        %add3A_609 = arith.addi %div3A_485, %add3A_608 : i32
        %dma_start3A_610 = arith.constant 0 : i32
        %dma_start3A_611 = arith.constant 0 : i32
        %dma_start3A_612 = tpu.memref_slice %arg7[%sub3A_491, %dma_start3A_610, %dma_start3A_611] : memref<2x8x80xi32, #tpu.memory_space<vmem>> -> memref<1x8x80xi32, #tpu.memory_space<vmem>>
        %dma_start3A_613 = tpu.memref_squeeze %dma_start3A_612 : memref<1x8x80xi32, #tpu.memory_space<vmem>> -> memref<8x80xi32, #tpu.memory_space<vmem>>
        %dma_start3A_614 = arith.constant 0 : i32
        %dma_start3A_615 = arith.constant 0 : i32
        %dma_start3A_616 = tpu.memref_slice %arg3[%add3A, %add3A_609, %dma_start3A_614, %dma_start3A_615] : memref<32x8x8x80xi32, #tpu.memory_space<hbm>> -> memref<1x1x8x80xi32, #tpu.memory_space<hbm>>
        %dma_start3A_617 = tpu.memref_squeeze %dma_start3A_616 : memref<1x1x8x80xi32, #tpu.memory_space<hbm>> -> memref<8x80xi32, #tpu.memory_space<hbm>>
        %dma_start3A_618 = tpu.memref_slice %arg16[%sub3A_491] : memref<2x!tpu.dma_semaphore, #tpu.memory_space<semaphore_mem>> -> memref<1x!tpu.dma_semaphore, #tpu.memory_space<semaphore_mem>>
        %dma_start3A_619 = tpu.memref_squeeze %dma_start3A_618 : memref<1x!tpu.dma_semaphore, #tpu.memory_space<semaphore_mem>> -> memref<!tpu.dma_semaphore, #tpu.memory_space<semaphore_mem>>
        %dma_start3A_620 = arith.constant 0 : i32
        %dma_start3A_621 = arith.constant 0 : i32
        %dma_start3A_622 = tpu.memref_slice %arg7[%sub3A_491, %dma_start3A_620, %dma_start3A_621] : memref<2x8x80xi32, #tpu.memory_space<vmem>> -> memref<1x8x80xi32, #tpu.memory_space<vmem>>
        %dma_start3A_623 = tpu.memref_squeeze %dma_start3A_622 : memref<1x8x80xi32, #tpu.memory_space<vmem>> -> memref<8x80xi32, #tpu.memory_space<vmem>>
        %dma_start3A_624 = arith.constant 0 : i32
        %dma_start3A_625 = arith.constant 0 : i32
        %dma_start3A_626 = tpu.memref_slice %arg3[%add3A, %add3A_609, %dma_start3A_624, %dma_start3A_625] : memref<32x8x8x80xi32, #tpu.memory_space<hbm>> -> memref<1x1x8x80xi32, #tpu.memory_space<hbm>>
        %dma_start3A_627 = tpu.memref_squeeze %dma_start3A_626 : memref<1x1x8x80xi32, #tpu.memory_space<hbm>> -> memref<8x80xi32, #tpu.memory_space<hbm>>
        tpu.enqueue_dma source(%dma_start3A_627 : memref<8x80xi32, #tpu.memory_space<hbm>>) target(%dma_start3A_623 : memref<8x80xi32, #tpu.memory_space<vmem>>) target_semaphore(%dma_start3A_619 : memref<!tpu.dma_semaphore, #tpu.memory_space<semaphore_mem>>)
      } else {
      }
      %eq3A_505 = arith.constant 7 : i32
      %eq3A_506 = arith.cmpi eq, %rem3A_487, %eq3A_505 : i32
      %convert_element_type3A_507 = arith.extui %eq3A_506 : i1 to i32
      %cond3A_508 = arith.constant 0 : i32
      %cond3A_509 = arith.cmpi ne, %convert_element_type3A_507, %cond3A_508 : i32
      scf.if %cond3A_509 {
        %add3A_608 = arith.constant 1 : i32
        %add3A_609 = arith.addi %div3A_485, %add3A_608 : i32
        %dma_wait3A_610 = arith.constant 0 : i32
        %dma_wait3A_611 = arith.constant 0 : i32
        %dma_wait3A_612 = tpu.memref_slice %arg7[%sub3A_491, %dma_wait3A_610, %dma_wait3A_611] : memref<2x8x80xi32, #tpu.memory_space<vmem>> -> memref<1x8x80xi32, #tpu.memory_space<vmem>>
        %dma_wait3A_613 = tpu.memref_squeeze %dma_wait3A_612 : memref<1x8x80xi32, #tpu.memory_space<vmem>> -> memref<8x80xi32, #tpu.memory_space<vmem>>
        %dma_wait3A_614 = arith.constant 0 : i32
        %dma_wait3A_615 = arith.constant 0 : i32
        %dma_wait3A_616 = tpu.memref_slice %arg3[%add3A, %add3A_609, %dma_wait3A_614, %dma_wait3A_615] : memref<32x8x8x80xi32, #tpu.memory_space<hbm>> -> memref<1x1x8x80xi32, #tpu.memory_space<hbm>>
        %dma_wait3A_617 = tpu.memref_squeeze %dma_wait3A_616 : memref<1x1x8x80xi32, #tpu.memory_space<hbm>> -> memref<8x80xi32, #tpu.memory_space<hbm>>
        %dma_wait3A_618 = tpu.memref_slice %arg16[%sub3A_491] : memref<2x!tpu.dma_semaphore, #tpu.memory_space<semaphore_mem>> -> memref<1x!tpu.dma_semaphore, #tpu.memory_space<semaphore_mem>>
        %dma_wait3A_619 = tpu.memref_squeeze %dma_wait3A_618 : memref<1x!tpu.dma_semaphore, #tpu.memory_space<semaphore_mem>> -> memref<!tpu.dma_semaphore, #tpu.memory_space<semaphore_mem>>
        %dma_wait3A_620 = arith.constant 0 : i32
        %dma_wait3A_621 = arith.constant 0 : i32
        %dma_wait3A_622 = tpu.memref_slice %arg7[%sub3A_491, %dma_wait3A_620, %dma_wait3A_621] : memref<2x8x80xi32, #tpu.memory_space<vmem>> -> memref<1x8x80xi32, #tpu.memory_space<vmem>>
        %dma_wait3A_623 = tpu.memref_squeeze %dma_wait3A_622 : memref<1x8x80xi32, #tpu.memory_space<vmem>> -> memref<8x80xi32, #tpu.memory_space<vmem>>
        %dma_wait3A_624 = arith.constant 0 : i32
        %dma_wait3A_625 = arith.constant 0 : i32
        %dma_wait3A_626 = tpu.memref_slice %arg3[%add3A, %add3A_609, %dma_wait3A_624, %dma_wait3A_625] : memref<32x8x8x80xi32, #tpu.memory_space<hbm>> -> memref<1x1x8x80xi32, #tpu.memory_space<hbm>>
        %dma_wait3A_627 = tpu.memref_squeeze %dma_wait3A_626 : memref<1x1x8x80xi32, #tpu.memory_space<hbm>> -> memref<8x80xi32, #tpu.memory_space<hbm>>
        tpu.wait_dma2 semaphore(%dma_wait3A_619 : memref<!tpu.dma_semaphore, #tpu.memory_space<semaphore_mem>>) src(%dma_wait3A_627 : memref<8x80xi32, #tpu.memory_space<hbm>>) dst(%dma_wait3A_623 : memref<8x80xi32, #tpu.memory_space<vmem>>)
      } else {
      }
      %add3A_510 = arith.constant 1 : i32
      %add3A_511 = arith.addi %add3A_483, %add3A_510 : i32
      %div3A_512 = arith.constant 8 : i32
      %div3A_513 = arith.divsi %add3A_511, %div3A_512 : i32
      %rem3A_514 = arith.constant 2 : i32
      %rem3A_515 = arith.remsi %div3A_513, %rem3A_514 : i32
      %add3A_516 = arith.constant 1 : i32
      %add3A_517 = arith.addi %add3A_483, %add3A_516 : i32
      %add3A_518 = arith.constant 1 : i32
      %add3A_519 = arith.addi %add3A_483, %add3A_518 : i32
      %rem3A_520 = arith.constant 8 : i32
      %rem3A_521 = arith.remsi %add3A_519, %rem3A_520 : i32
      %dma_start3A_522 = arith.constant 0 : i32
      %dma_start3A_523 = arith.constant 0 : i32
      %dma_start3A_524 = arith.constant 0 : i32
      %dma_start3A_525 = arith.constant 0 : i32
      %dma_start3A_526 = tpu.memref_slice %arg8[%dma_start3A_522, %dma_start3A_524, %dma_start3A_525] : memref<2x80x128xf32, #tpu.memory_space<vmem>> -> memref<1x80x128xf32, #tpu.memory_space<vmem>>
      %dma_start3A_527 = tpu.memref_squeeze %dma_start3A_526 : memref<1x80x128xf32, #tpu.memory_space<vmem>> -> memref<80x128xf32, #tpu.memory_space<vmem>>
      %dma_start3A_528 = arith.constant 0 : i32
      %dma_start3A_529 = tpu.memref_slice %arg7[%rem3A_515, %rem3A_521, %dma_start3A_528] : memref<2x8x80xi32, #tpu.memory_space<vmem>> -> memref<1x1x80xi32, #tpu.memory_space<vmem>>
      %dma_start3A_530 = tpu.memref_squeeze %dma_start3A_529 : memref<1x1x80xi32, #tpu.memory_space<vmem>> -> memref<80xi32, #tpu.memory_space<vmem>>
      %dma_start3A_531 = arith.constant 0 : i32
      %dma_start3A_532 = arith.constant 0 : i32
      %dma_start3A_533 = tpu.memref_slice %arg2[%dma_start3A_531, %dma_start3A_532] : memref<10000x128xf32, #tpu.memory_space<hbm>> -> memref<10000x128xf32, #tpu.memory_space<hbm>>
      %dma_start3A_534 = tpu.memref_slice %arg12[%dma_start3A_523] : memref<2x!tpu.dma_semaphore, #tpu.memory_space<semaphore_mem>> -> memref<1x!tpu.dma_semaphore, #tpu.memory_space<semaphore_mem>>
      %dma_start3A_535 = tpu.memref_squeeze %dma_start3A_534 : memref<1x!tpu.dma_semaphore, #tpu.memory_space<semaphore_mem>> -> memref<!tpu.dma_semaphore, #tpu.memory_space<semaphore_mem>>
      tpu.enqueue_indirect_dma source(%dma_start3A_533 : memref<10000x128xf32, #tpu.memory_space<hbm>>) target(%dma_start3A_527 : memref<80x128xf32, #tpu.memory_space<vmem>>) offsets(%dma_start3A_530 : memref<80xi32, #tpu.memory_space<vmem>>) semaphore(%dma_start3A_535 : memref<!tpu.dma_semaphore, #tpu.memory_space<semaphore_mem>>)
      %mul3A_536 = arith.constant 80 : i32
      %mul3A_537 = arith.muli %add3A_517, %mul3A_536 : i32
      %add3A_538 = arith.addi %mul3A_38, %mul3A_537 : i32
      %dma_start3A_539 = arith.constant 0 : i32
      %dma_start3A_540 = arith.constant 0 : i32
      %dma_start3A_541 = tpu.memref_slice %arg4[%add3A_538, %dma_start3A_540] : memref<163840x128xf32, #tpu.memory_space<hbm>> -> memref<80x128xf32, #tpu.memory_space<hbm>>
      %dma_start3A_542 = tpu.memref_slice %arg13[%dma_start3A_539] : memref<2x!tpu.dma_semaphore, #tpu.memory_space<semaphore_mem>> -> memref<1x!tpu.dma_semaphore, #tpu.memory_space<semaphore_mem>>
      %dma_start3A_543 = tpu.memref_squeeze %dma_start3A_542 : memref<1x!tpu.dma_semaphore, #tpu.memory_space<semaphore_mem>> -> memref<!tpu.dma_semaphore, #tpu.memory_space<semaphore_mem>>
      %dma_start3A_544 = arith.constant 0 : i32
      %dma_start3A_545 = tpu.memref_slice %arg4[%add3A_538, %dma_start3A_544] : memref<163840x128xf32, #tpu.memory_space<hbm>> -> memref<80x128xf32, #tpu.memory_space<hbm>>
      tpu.enqueue_dma source(%dma_start3A_545 : memref<80x128xf32, #tpu.memory_space<hbm>>) target(%arg9 : memref<80x128xf32, #tpu.memory_space<vmem>>) target_semaphore(%dma_start3A_543 : memref<!tpu.dma_semaphore, #tpu.memory_space<semaphore_mem>>)
      %dma_wait3A_546 = arith.constant 1 : i32
      %dma_wait3A_547 = arith.constant 1 : i32
      %dma_wait3A_548 = arith.constant 0 : i32
      %dma_wait3A_549 = arith.constant 0 : i32
      %dma_wait3A_550 = tpu.memref_slice %arg8[%dma_wait3A_546, %dma_wait3A_548, %dma_wait3A_549] : memref<2x80x128xf32, #tpu.memory_space<vmem>> -> memref<1x80x128xf32, #tpu.memory_space<vmem>>
      %dma_wait3A_551 = tpu.memref_squeeze %dma_wait3A_550 : memref<1x80x128xf32, #tpu.memory_space<vmem>> -> memref<80x128xf32, #tpu.memory_space<vmem>>
      %dma_wait3A_552 = arith.constant 0 : i32
      %dma_wait3A_553 = tpu.memref_slice %arg7[%rem3A_489, %rem3A_487, %dma_wait3A_552] : memref<2x8x80xi32, #tpu.memory_space<vmem>> -> memref<1x1x80xi32, #tpu.memory_space<vmem>>
      %dma_wait3A_554 = tpu.memref_squeeze %dma_wait3A_553 : memref<1x1x80xi32, #tpu.memory_space<vmem>> -> memref<80xi32, #tpu.memory_space<vmem>>
      %dma_wait3A_555 = arith.constant 0 : i32
      %dma_wait3A_556 = arith.constant 0 : i32
      %dma_wait3A_557 = tpu.memref_slice %arg2[%dma_wait3A_555, %dma_wait3A_556] : memref<10000x128xf32, #tpu.memory_space<hbm>> -> memref<10000x128xf32, #tpu.memory_space<hbm>>
      %dma_wait3A_558 = tpu.memref_slice %arg12[%dma_wait3A_547] : memref<2x!tpu.dma_semaphore, #tpu.memory_space<semaphore_mem>> -> memref<1x!tpu.dma_semaphore, #tpu.memory_space<semaphore_mem>>
      %dma_wait3A_559 = tpu.memref_squeeze %dma_wait3A_558 : memref<1x!tpu.dma_semaphore, #tpu.memory_space<semaphore_mem>> -> memref<!tpu.dma_semaphore, #tpu.memory_space<semaphore_mem>>
      tpu.wait_indirect_dma semaphore(%dma_wait3A_559 : memref<!tpu.dma_semaphore, #tpu.memory_space<semaphore_mem>>) src(%dma_wait3A_557 : memref<10000x128xf32, #tpu.memory_space<hbm>>) dst(%dma_wait3A_551 : memref<80x128xf32, #tpu.memory_space<vmem>>)
      %mul3A_560 = arith.constant 80 : i32
      %mul3A_561 = arith.muli %add3A_483, %mul3A_560 : i32
      %add3A_562 = arith.addi %mul3A_38, %mul3A_561 : i32
      %dma_wait3A_563 = arith.constant 1 : i32
      %dma_wait3A_564 = arith.constant 0 : i32
      %dma_wait3A_565 = tpu.memref_slice %arg4[%add3A_562, %dma_wait3A_564] : memref<163840x128xf32, #tpu.memory_space<hbm>> -> memref<80x128xf32, #tpu.memory_space<hbm>>
      %dma_wait3A_566 = tpu.memref_slice %arg13[%dma_wait3A_563] : memref<2x!tpu.dma_semaphore, #tpu.memory_space<semaphore_mem>> -> memref<1x!tpu.dma_semaphore, #tpu.memory_space<semaphore_mem>>
      %dma_wait3A_567 = tpu.memref_squeeze %dma_wait3A_566 : memref<1x!tpu.dma_semaphore, #tpu.memory_space<semaphore_mem>> -> memref<!tpu.dma_semaphore, #tpu.memory_space<semaphore_mem>>
      %dma_wait3A_568 = arith.constant 0 : i32
      %dma_wait3A_569 = tpu.memref_slice %arg4[%add3A_562, %dma_wait3A_568] : memref<163840x128xf32, #tpu.memory_space<hbm>> -> memref<80x128xf32, #tpu.memory_space<hbm>>
      tpu.wait_dma2 semaphore(%dma_wait3A_567 : memref<!tpu.dma_semaphore, #tpu.memory_space<semaphore_mem>>) src(%dma_wait3A_569 : memref<80x128xf32, #tpu.memory_space<hbm>>) dst(%arg10 : memref<80x128xf32, #tpu.memory_space<vmem>>)
      %parallel_loop3A_570 = arith.constant 0 : i32
      %parallel_loop3A_571 = arith.constant 80 : i32
      %parallel_loop3A_572 = arith.constant 1 : i32
      scf.for %parallel_loop3A_608 = %parallel_loop3A_570 to %parallel_loop3A_571 step %parallel_loop3A_572  : i32 {
        %parallel_loop3A_609 = arith.constant 1 : i32
        %parallel_loop3A_610 = arith.index_cast %parallel_loop3A_609 : i32 to index
        %parallel_loop3A_611 = arith.index_cast %parallel_loop3A_608 : i32 to index
        %parallel_loop3A_612 = arith.constant 0 : index
        %parallel_loop3A_613 = tpu.vector_load %arg8[%parallel_loop3A_610, %parallel_loop3A_611, %parallel_loop3A_612] {strides = array<i32>} : memref<2x80x128xf32, #tpu.memory_space<vmem>>, vector<1x1x16xf32>,
        %parallel_loop3A_614 = vector.shape_cast %parallel_loop3A_613 : vector<1x1x16xf32> to vector<16xf32>
        %parallel_loop3A_615 = arith.index_cast %parallel_loop3A_608 : i32 to index
        %parallel_loop3A_616 = arith.constant 0 : index
        %parallel_loop3A_617 = tpu.vector_load %arg10[%parallel_loop3A_615, %parallel_loop3A_616] {strides = array<i32>} : memref<80x128xf32, #tpu.memory_space<vmem>>, vector<1x16xf32>,
        %parallel_loop3A_618 = vector.shape_cast %parallel_loop3A_617 : vector<1x16xf32> to vector<16xf32>
        %parallel_loop3A_619 = arith.mulf %parallel_loop3A_614, %parallel_loop3A_618 : vector<16xf32>
        %parallel_loop3A_620 = arith.constant 1 : i32
        %parallel_loop3A_621 = arith.index_cast %parallel_loop3A_620 : i32 to index
        %parallel_loop3A_622 = arith.index_cast %parallel_loop3A_608 : i32 to index
        %parallel_loop3A_623 = arith.constant 0 : index
        %parallel_loop3A_624 = tpu.vector_load %arg8[%parallel_loop3A_621, %parallel_loop3A_622, %parallel_loop3A_623] {strides = array<i32>} : memref<2x80x128xf32, #tpu.memory_space<vmem>>, vector<1x1x16xf32>,
        %parallel_loop3A_625 = vector.shape_cast %parallel_loop3A_624 : vector<1x1x16xf32> to vector<16xf32>
        %parallel_loop3A_626 = vector.shape_cast %parallel_loop3A_619 : vector<16xf32> to vector<1x1x16xf32>
        tpu.vector_store %arg8[%parallel_loop3A_621, %parallel_loop3A_622, %parallel_loop3A_623], %parallel_loop3A_626 {strides = array<i32>} : memref<2x80x128xf32, #tpu.memory_space<vmem>>, vector<1x1x16xf32>,
        %parallel_loop3A_627 = arith.constant 1 : i32
        %parallel_loop3A_628 = arith.index_cast %parallel_loop3A_627 : i32 to index
        %parallel_loop3A_629 = arith.index_cast %parallel_loop3A_608 : i32 to index
        %parallel_loop3A_630 = arith.constant 16 : index
        %parallel_loop3A_631 = tpu.vector_load %arg8[%parallel_loop3A_628, %parallel_loop3A_629, %parallel_loop3A_630] {strides = array<i32>} : memref<2x80x128xf32, #tpu.memory_space<vmem>>, vector<1x1x16xf32>,
        %parallel_loop3A_632 = vector.shape_cast %parallel_loop3A_631 : vector<1x1x16xf32> to vector<16xf32>
        %parallel_loop3A_633 = arith.index_cast %parallel_loop3A_608 : i32 to index
        %parallel_loop3A_634 = arith.constant 16 : index
        %parallel_loop3A_635 = tpu.vector_load %arg10[%parallel_loop3A_633, %parallel_loop3A_634] {strides = array<i32>} : memref<80x128xf32, #tpu.memory_space<vmem>>, vector<1x16xf32>,
        %parallel_loop3A_636 = vector.shape_cast %parallel_loop3A_635 : vector<1x16xf32> to vector<16xf32>
        %parallel_loop3A_637 = arith.mulf %parallel_loop3A_632, %parallel_loop3A_636 : vector<16xf32>
        %parallel_loop3A_638 = arith.constant 1 : i32
        %parallel_loop3A_639 = arith.index_cast %parallel_loop3A_638 : i32 to index
        %parallel_loop3A_640 = arith.index_cast %parallel_loop3A_608 : i32 to index
        %parallel_loop3A_641 = arith.constant 16 : index
        %parallel_loop3A_642 = tpu.vector_load %arg8[%parallel_loop3A_639, %parallel_loop3A_640, %parallel_loop3A_641] {strides = array<i32>} : memref<2x80x128xf32, #tpu.memory_space<vmem>>, vector<1x1x16xf32>,
        %parallel_loop3A_643 = vector.shape_cast %parallel_loop3A_642 : vector<1x1x16xf32> to vector<16xf32>
        %parallel_loop3A_644 = vector.shape_cast %parallel_loop3A_637 : vector<16xf32> to vector<1x1x16xf32>
        tpu.vector_store %arg8[%parallel_loop3A_639, %parallel_loop3A_640, %parallel_loop3A_641], %parallel_loop3A_644 {strides = array<i32>} : memref<2x80x128xf32, #tpu.memory_space<vmem>>, vector<1x1x16xf32>,
        %parallel_loop3A_645 = arith.constant 1 : i32
        %parallel_loop3A_646 = arith.index_cast %parallel_loop3A_645 : i32 to index
        %parallel_loop3A_647 = arith.index_cast %parallel_loop3A_608 : i32 to index
        %parallel_loop3A_648 = arith.constant 32 : index
        %parallel_loop3A_649 = tpu.vector_load %arg8[%parallel_loop3A_646, %parallel_loop3A_647, %parallel_loop3A_648] {strides = array<i32>} : memref<2x80x128xf32, #tpu.memory_space<vmem>>, vector<1x1x16xf32>,
        %parallel_loop3A_650 = vector.shape_cast %parallel_loop3A_649 : vector<1x1x16xf32> to vector<16xf32>
        %parallel_loop3A_651 = arith.index_cast %parallel_loop3A_608 : i32 to index
        %parallel_loop3A_652 = arith.constant 32 : index
        %parallel_loop3A_653 = tpu.vector_load %arg10[%parallel_loop3A_651, %parallel_loop3A_652] {strides = array<i32>} : memref<80x128xf32, #tpu.memory_space<vmem>>, vector<1x16xf32>,
        %parallel_loop3A_654 = vector.shape_cast %parallel_loop3A_653 : vector<1x16xf32> to vector<16xf32>
        %parallel_loop3A_655 = arith.mulf %parallel_loop3A_650, %parallel_loop3A_654 : vector<16xf32>
        %parallel_loop3A_656 = arith.constant 1 : i32
        %parallel_loop3A_657 = arith.index_cast %parallel_loop3A_656 : i32 to index
        %parallel_loop3A_658 = arith.index_cast %parallel_loop3A_608 : i32 to index
        %parallel_loop3A_659 = arith.constant 32 : index
        %parallel_loop3A_660 = tpu.vector_load %arg8[%parallel_loop3A_657, %parallel_loop3A_658, %parallel_loop3A_659] {strides = array<i32>} : memref<2x80x128xf32, #tpu.memory_space<vmem>>, vector<1x1x16xf32>,
        %parallel_loop3A_661 = vector.shape_cast %parallel_loop3A_660 : vector<1x1x16xf32> to vector<16xf32>
        %parallel_loop3A_662 = vector.shape_cast %parallel_loop3A_655 : vector<16xf32> to vector<1x1x16xf32>
        tpu.vector_store %arg8[%parallel_loop3A_657, %parallel_loop3A_658, %parallel_loop3A_659], %parallel_loop3A_662 {strides = array<i32>} : memref<2x80x128xf32, #tpu.memory_space<vmem>>, vector<1x1x16xf32>,
        %parallel_loop3A_663 = arith.constant 1 : i32
        %parallel_loop3A_664 = arith.index_cast %parallel_loop3A_663 : i32 to index
        %parallel_loop3A_665 = arith.index_cast %parallel_loop3A_608 : i32 to index
        %parallel_loop3A_666 = arith.constant 48 : index
        %parallel_loop3A_667 = tpu.vector_load %arg8[%parallel_loop3A_664, %parallel_loop3A_665, %parallel_loop3A_666] {strides = array<i32>} : memref<2x80x128xf32, #tpu.memory_space<vmem>>, vector<1x1x16xf32>,
        %parallel_loop3A_668 = vector.shape_cast %parallel_loop3A_667 : vector<1x1x16xf32> to vector<16xf32>
        %parallel_loop3A_669 = arith.index_cast %parallel_loop3A_608 : i32 to index
        %parallel_loop3A_670 = arith.constant 48 : index
        %parallel_loop3A_671 = tpu.vector_load %arg10[%parallel_loop3A_669, %parallel_loop3A_670] {strides = array<i32>} : memref<80x128xf32, #tpu.memory_space<vmem>>, vector<1x16xf32>,
        %parallel_loop3A_672 = vector.shape_cast %parallel_loop3A_671 : vector<1x16xf32> to vector<16xf32>
        %parallel_loop3A_673 = arith.mulf %parallel_loop3A_668, %parallel_loop3A_672 : vector<16xf32>
        %parallel_loop3A_674 = arith.constant 1 : i32
        %parallel_loop3A_675 = arith.index_cast %parallel_loop3A_674 : i32 to index
        %parallel_loop3A_676 = arith.index_cast %parallel_loop3A_608 : i32 to index
        %parallel_loop3A_677 = arith.constant 48 : index
        %parallel_loop3A_678 = tpu.vector_load %arg8[%parallel_loop3A_675, %parallel_loop3A_676, %parallel_loop3A_677] {strides = array<i32>} : memref<2x80x128xf32, #tpu.memory_space<vmem>>, vector<1x1x16xf32>,
        %parallel_loop3A_679 = vector.shape_cast %parallel_loop3A_678 : vector<1x1x16xf32> to vector<16xf32>
        %parallel_loop3A_680 = vector.shape_cast %parallel_loop3A_673 : vector<16xf32> to vector<1x1x16xf32>
        tpu.vector_store %arg8[%parallel_loop3A_675, %parallel_loop3A_676, %parallel_loop3A_677], %parallel_loop3A_680 {strides = array<i32>} : memref<2x80x128xf32, #tpu.memory_space<vmem>>, vector<1x1x16xf32>,
        %parallel_loop3A_681 = arith.constant 1 : i32
        %parallel_loop3A_682 = arith.index_cast %parallel_loop3A_681 : i32 to index
        %parallel_loop3A_683 = arith.index_cast %parallel_loop3A_608 : i32 to index
        %parallel_loop3A_684 = arith.constant 64 : index
        %parallel_loop3A_685 = tpu.vector_load %arg8[%parallel_loop3A_682, %parallel_loop3A_683, %parallel_loop3A_684] {strides = array<i32>} : memref<2x80x128xf32, #tpu.memory_space<vmem>>, vector<1x1x16xf32>,
        %parallel_loop3A_686 = vector.shape_cast %parallel_loop3A_685 : vector<1x1x16xf32> to vector<16xf32>
        %parallel_loop3A_687 = arith.index_cast %parallel_loop3A_608 : i32 to index
        %parallel_loop3A_688 = arith.constant 64 : index
        %parallel_loop3A_689 = tpu.vector_load %arg10[%parallel_loop3A_687, %parallel_loop3A_688] {strides = array<i32>} : memref<80x128xf32, #tpu.memory_space<vmem>>, vector<1x16xf32>,
        %parallel_loop3A_690 = vector.shape_cast %parallel_loop3A_689 : vector<1x16xf32> to vector<16xf32>
        %parallel_loop3A_691 = arith.mulf %parallel_loop3A_686, %parallel_loop3A_690 : vector<16xf32>
        %parallel_loop3A_692 = arith.constant 1 : i32
        %parallel_loop3A_693 = arith.index_cast %parallel_loop3A_692 : i32 to index
        %parallel_loop3A_694 = arith.index_cast %parallel_loop3A_608 : i32 to index
        %parallel_loop3A_695 = arith.constant 64 : index
        %parallel_loop3A_696 = tpu.vector_load %arg8[%parallel_loop3A_693, %parallel_loop3A_694, %parallel_loop3A_695] {strides = array<i32>} : memref<2x80x128xf32, #tpu.memory_space<vmem>>, vector<1x1x16xf32>,
        %parallel_loop3A_697 = vector.shape_cast %parallel_loop3A_696 : vector<1x1x16xf32> to vector<16xf32>
        %parallel_loop3A_698 = vector.shape_cast %parallel_loop3A_691 : vector<16xf32> to vector<1x1x16xf32>
        tpu.vector_store %arg8[%parallel_loop3A_693, %parallel_loop3A_694, %parallel_loop3A_695], %parallel_loop3A_698 {strides = array<i32>} : memref<2x80x128xf32, #tpu.memory_space<vmem>>, vector<1x1x16xf32>,
        %parallel_loop3A_699 = arith.constant 1 : i32
        %parallel_loop3A_700 = arith.index_cast %parallel_loop3A_699 : i32 to index
        %parallel_loop3A_701 = arith.index_cast %parallel_loop3A_608 : i32 to index
        %parallel_loop3A_702 = arith.constant 80 : index
        %parallel_loop3A_703 = tpu.vector_load %arg8[%parallel_loop3A_700, %parallel_loop3A_701, %parallel_loop3A_702] {strides = array<i32>} : memref<2x80x128xf32, #tpu.memory_space<vmem>>, vector<1x1x16xf32>,
        %parallel_loop3A_704 = vector.shape_cast %parallel_loop3A_703 : vector<1x1x16xf32> to vector<16xf32>
        %parallel_loop3A_705 = arith.index_cast %parallel_loop3A_608 : i32 to index
        %parallel_loop3A_706 = arith.constant 80 : index
        %parallel_loop3A_707 = tpu.vector_load %arg10[%parallel_loop3A_705, %parallel_loop3A_706] {strides = array<i32>} : memref<80x128xf32, #tpu.memory_space<vmem>>, vector<1x16xf32>,
        %parallel_loop3A_708 = vector.shape_cast %parallel_loop3A_707 : vector<1x16xf32> to vector<16xf32>
        %parallel_loop3A_709 = arith.mulf %parallel_loop3A_704, %parallel_loop3A_708 : vector<16xf32>
        %parallel_loop3A_710 = arith.constant 1 : i32
        %parallel_loop3A_711 = arith.index_cast %parallel_loop3A_710 : i32 to index
        %parallel_loop3A_712 = arith.index_cast %parallel_loop3A_608 : i32 to index
        %parallel_loop3A_713 = arith.constant 80 : index
        %parallel_loop3A_714 = tpu.vector_load %arg8[%parallel_loop3A_711, %parallel_loop3A_712, %parallel_loop3A_713] {strides = array<i32>} : memref<2x80x128xf32, #tpu.memory_space<vmem>>, vector<1x1x16xf32>,
        %parallel_loop3A_715 = vector.shape_cast %parallel_loop3A_714 : vector<1x1x16xf32> to vector<16xf32>
        %parallel_loop3A_716 = vector.shape_cast %parallel_loop3A_709 : vector<16xf32> to vector<1x1x16xf32>
        tpu.vector_store %arg8[%parallel_loop3A_711, %parallel_loop3A_712, %parallel_loop3A_713], %parallel_loop3A_716 {strides = array<i32>} : memref<2x80x128xf32, #tpu.memory_space<vmem>>, vector<1x1x16xf32>,
        %parallel_loop3A_717 = arith.constant 1 : i32
        %parallel_loop3A_718 = arith.index_cast %parallel_loop3A_717 : i32 to index
        %parallel_loop3A_719 = arith.index_cast %parallel_loop3A_608 : i32 to index
        %parallel_loop3A_720 = arith.constant 96 : index
        %parallel_loop3A_721 = tpu.vector_load %arg8[%parallel_loop3A_718, %parallel_loop3A_719, %parallel_loop3A_720] {strides = array<i32>} : memref<2x80x128xf32, #tpu.memory_space<vmem>>, vector<1x1x16xf32>,
        %parallel_loop3A_722 = vector.shape_cast %parallel_loop3A_721 : vector<1x1x16xf32> to vector<16xf32>
        %parallel_loop3A_723 = arith.index_cast %parallel_loop3A_608 : i32 to index
        %parallel_loop3A_724 = arith.constant 96 : index
        %parallel_loop3A_725 = tpu.vector_load %arg10[%parallel_loop3A_723, %parallel_loop3A_724] {strides = array<i32>} : memref<80x128xf32, #tpu.memory_space<vmem>>, vector<1x16xf32>,
        %parallel_loop3A_726 = vector.shape_cast %parallel_loop3A_725 : vector<1x16xf32> to vector<16xf32>
        %parallel_loop3A_727 = arith.mulf %parallel_loop3A_722, %parallel_loop3A_726 : vector<16xf32>
        %parallel_loop3A_728 = arith.constant 1 : i32
        %parallel_loop3A_729 = arith.index_cast %parallel_loop3A_728 : i32 to index
        %parallel_loop3A_730 = arith.index_cast %parallel_loop3A_608 : i32 to index
        %parallel_loop3A_731 = arith.constant 96 : index
        %parallel_loop3A_732 = tpu.vector_load %arg8[%parallel_loop3A_729, %parallel_loop3A_730, %parallel_loop3A_731] {strides = array<i32>} : memref<2x80x128xf32, #tpu.memory_space<vmem>>, vector<1x1x16xf32>,
        %parallel_loop3A_733 = vector.shape_cast %parallel_loop3A_732 : vector<1x1x16xf32> to vector<16xf32>
        %parallel_loop3A_734 = vector.shape_cast %parallel_loop3A_727 : vector<16xf32> to vector<1x1x16xf32>
        tpu.vector_store %arg8[%parallel_loop3A_729, %parallel_loop3A_730, %parallel_loop3A_731], %parallel_loop3A_734 {strides = array<i32>} : memref<2x80x128xf32, #tpu.memory_space<vmem>>, vector<1x1x16xf32>,
        %parallel_loop3A_735 = arith.constant 1 : i32
        %parallel_loop3A_736 = arith.index_cast %parallel_loop3A_735 : i32 to index
        %parallel_loop3A_737 = arith.index_cast %parallel_loop3A_608 : i32 to index
        %parallel_loop3A_738 = arith.constant 112 : index
        %parallel_loop3A_739 = tpu.vector_load %arg8[%parallel_loop3A_736, %parallel_loop3A_737, %parallel_loop3A_738] {strides = array<i32>} : memref<2x80x128xf32, #tpu.memory_space<vmem>>, vector<1x1x16xf32>,
        %parallel_loop3A_740 = vector.shape_cast %parallel_loop3A_739 : vector<1x1x16xf32> to vector<16xf32>
        %parallel_loop3A_741 = arith.index_cast %parallel_loop3A_608 : i32 to index
        %parallel_loop3A_742 = arith.constant 112 : index
        %parallel_loop3A_743 = tpu.vector_load %arg10[%parallel_loop3A_741, %parallel_loop3A_742] {strides = array<i32>} : memref<80x128xf32, #tpu.memory_space<vmem>>, vector<1x16xf32>,
        %parallel_loop3A_744 = vector.shape_cast %parallel_loop3A_743 : vector<1x16xf32> to vector<16xf32>
        %parallel_loop3A_745 = arith.mulf %parallel_loop3A_740, %parallel_loop3A_744 : vector<16xf32>
        %parallel_loop3A_746 = arith.constant 1 : i32
        %parallel_loop3A_747 = arith.index_cast %parallel_loop3A_746 : i32 to index
        %parallel_loop3A_748 = arith.index_cast %parallel_loop3A_608 : i32 to index
        %parallel_loop3A_749 = arith.constant 112 : index
        %parallel_loop3A_750 = tpu.vector_load %arg8[%parallel_loop3A_747, %parallel_loop3A_748, %parallel_loop3A_749] {strides = array<i32>} : memref<2x80x128xf32, #tpu.memory_space<vmem>>, vector<1x1x16xf32>,
        %parallel_loop3A_751 = vector.shape_cast %parallel_loop3A_750 : vector<1x1x16xf32> to vector<16xf32>
        %parallel_loop3A_752 = vector.shape_cast %parallel_loop3A_745 : vector<16xf32> to vector<1x1x16xf32>
        tpu.vector_store %arg8[%parallel_loop3A_747, %parallel_loop3A_748, %parallel_loop3A_749], %parallel_loop3A_752 {strides = array<i32>} : memref<2x80x128xf32, #tpu.memory_space<vmem>>, vector<1x1x16xf32>,
      } {sc.loop_unroll_factor = 4 : i64, sc.parallel_access}
      %add3A_573 = arith.constant 0 : i32
      %add3A_574 = arith.addi %add3A_573, %mul3A_38 : i32
      %mul3A_575 = arith.constant 80 : i32
      %mul3A_576 = arith.muli %add3A_483, %mul3A_575 : i32
      %add3A_577 = arith.addi %add3A_574, %mul3A_576 : i32
      %dma_start3A_578 = arith.constant 1 : i32
      %dma_start3A_579 = arith.constant 1 : i32
      %dma_start3A_580 = arith.constant 0 : i32
      %dma_start3A_581 = arith.constant 0 : i32
      %dma_start3A_582 = tpu.memref_slice %arg8[%dma_start3A_578, %dma_start3A_580, %dma_start3A_581] : memref<2x80x128xf32, #tpu.memory_space<vmem>> -> memref<1x80x128xf32, #tpu.memory_space<vmem>>
      %dma_start3A_583 = tpu.memref_squeeze %dma_start3A_582 : memref<1x80x128xf32, #tpu.memory_space<vmem>> -> memref<80x128xf32, #tpu.memory_space<vmem>>
      %dma_start3A_584 = arith.constant 0 : i32
      %dma_start3A_585 = tpu.memref_slice %arg5[%add3A_577, %dma_start3A_584] : memref<320000x128xf32, #tpu.memory_space<hbm>> -> memref<80x128xf32, #tpu.memory_space<hbm>>
      %dma_start3A_586 = tpu.memref_slice %arg14[%dma_start3A_579] : memref<2x!tpu.dma_semaphore, #tpu.memory_space<semaphore_mem>> -> memref<1x!tpu.dma_semaphore, #tpu.memory_space<semaphore_mem>>
      %dma_start3A_587 = tpu.memref_squeeze %dma_start3A_586 : memref<1x!tpu.dma_semaphore, #tpu.memory_space<semaphore_mem>> -> memref<!tpu.dma_semaphore, #tpu.memory_space<semaphore_mem>>
      %dma_start3A_588 = arith.constant 0 : i32
      %dma_start3A_589 = tpu.memref_slice %arg5[%add3A_577, %dma_start3A_588] : memref<320000x128xf32, #tpu.memory_space<hbm>> -> memref<80x128xf32, #tpu.memory_space<hbm>>
      %dma_start3A_590 = arith.constant 0 : i32
      %dma_start3A_591 = arith.constant 0 : i32
      %dma_start3A_592 = tpu.memref_slice %arg8[%dma_start3A_578, %dma_start3A_590, %dma_start3A_591] : memref<2x80x128xf32, #tpu.memory_space<vmem>> -> memref<1x80x128xf32, #tpu.memory_space<vmem>>
      %dma_start3A_593 = tpu.memref_squeeze %dma_start3A_592 : memref<1x80x128xf32, #tpu.memory_space<vmem>> -> memref<80x128xf32, #tpu.memory_space<vmem>>
      tpu.enqueue_dma source(%dma_start3A_593 : memref<80x128xf32, #tpu.memory_space<vmem>>) target(%dma_start3A_589 : memref<80x128xf32, #tpu.memory_space<hbm>>) target_semaphore(%dma_start3A_587 : memref<!tpu.dma_semaphore, #tpu.memory_space<semaphore_mem>>)
      %dma_start3A_594 = arith.constant 1 : i32
      %dma_start3A_595 = arith.constant 1 : i32
      %dma_start3A_596 = arith.constant 0 : i32
      %dma_start3A_597 = arith.constant 0 : i32
      %dma_start3A_598 = tpu.memref_slice %arg8[%dma_start3A_594, %dma_start3A_596, %dma_start3A_597] : memref<2x80x128xf32, #tpu.memory_space<vmem>> -> memref<1x80x128xf32, #tpu.memory_space<vmem>>
      %dma_start3A_599 = tpu.memref_squeeze %dma_start3A_598 : memref<1x80x128xf32, #tpu.memory_space<vmem>> -> memref<80x128xf32, #tpu.memory_space<vmem>>
      %dma_start3A_600 = arith.constant 0 : i32
      %dma_start3A_601 = tpu.memref_slice %arg7[%rem3A_489, %rem3A_487, %dma_start3A_600] : memref<2x8x80xi32, #tpu.memory_space<vmem>> -> memref<1x1x80xi32, #tpu.memory_space<vmem>>
      %dma_start3A_602 = tpu.memref_squeeze %dma_start3A_601 : memref<1x1x80xi32, #tpu.memory_space<vmem>> -> memref<80xi32, #tpu.memory_space<vmem>>
      %dma_start3A_603 = arith.constant 0 : i32
      %dma_start3A_604 = arith.constant 0 : i32
      %dma_start3A_605 = tpu.memref_slice %arg11[%dma_start3A_603, %dma_start3A_604] : memref<10240x128xf32, #tpu.memory_space<vmem_shared>> -> memref<10240x128xf32, #tpu.memory_space<vmem_shared>>
      %dma_start3A_606 = tpu.memref_slice %arg15[%dma_start3A_595] : memref<2x!tpu.dma_semaphore, #tpu.memory_space<semaphore_mem>> -> memref<1x!tpu.dma_semaphore, #tpu.memory_space<semaphore_mem>>
      %dma_start3A_607 = tpu.memref_squeeze %dma_start3A_606 : memref<1x!tpu.dma_semaphore, #tpu.memory_space<semaphore_mem>> -> memref<!tpu.dma_semaphore, #tpu.memory_space<semaphore_mem>>
      tpu.enqueue_indirect_dma source(%dma_start3A_599 : memref<80x128xf32, #tpu.memory_space<vmem>>) target(%dma_start3A_605 : memref<10240x128xf32, #tpu.memory_space<vmem_shared>>) offsets(%dma_start3A_602 : memref<80xi32, #tpu.memory_space<vmem>>) semaphore(%dma_start3A_607 : memref<!tpu.dma_semaphore, #tpu.memory_space<semaphore_mem>>) {add = true}
    }
    %scan3A_70 = arith.constant 31 : i32
    %div3A = arith.constant 62 : i32
    %div3A_71 = arith.constant 8 : i32
    %div3A_72 = arith.divsi %div3A, %div3A_71 : i32
    %rem3A = arith.constant 62 : i32
    %rem3A_73 = arith.constant 8 : i32
    %rem3A_74 = arith.remsi %rem3A, %rem3A_73 : i32
    %rem3A_75 = arith.constant 2 : i32
    %rem3A_76 = arith.remsi %div3A_72, %rem3A_75 : i32
    %sub3A = arith.constant 1 : i32
    %sub3A_77 = arith.subi %sub3A, %rem3A_76 : i32
    %div3A_78 = arith.constant 61 : i32
    %div3A_79 = arith.constant 8 : i32
    %div3A_80 = arith.divsi %div3A_78, %div3A_79 : i32
    %rem3A_81 = arith.constant 2 : i32
    %rem3A_82 = arith.remsi %div3A_80, %rem3A_81 : i32
    %rem3A_83 = arith.constant 61 : i32
    %rem3A_84 = arith.constant 8 : i32
    %rem3A_85 = arith.remsi %rem3A_83, %rem3A_84 : i32
    %add3A_86 = arith.constant 0 : i32
    %add3A_87 = arith.addi %add3A_86, %mul3A_38 : i32
    %add3A_88 = arith.constant 4880 : i32
    %add3A_89 = arith.addi %add3A_87, %add3A_88 : i32
    %dma_wait3A = arith.constant 1 : i32
    %dma_wait3A_90 = arith.constant 1 : i32
    %dma_wait3A_91 = arith.constant 0 : i32
    %dma_wait3A_92 = arith.constant 0 : i32
    %dma_wait3A_93 = tpu.memref_slice %arg8[%dma_wait3A, %dma_wait3A_91, %dma_wait3A_92] : memref<2x80x128xf32, #tpu.memory_space<vmem>> -> memref<1x80x128xf32, #tpu.memory_space<vmem>>
    %dma_wait3A_94 = tpu.memref_squeeze %dma_wait3A_93 : memref<1x80x128xf32, #tpu.memory_space<vmem>> -> memref<80x128xf32, #tpu.memory_space<vmem>>
    %dma_wait3A_95 = arith.constant 0 : i32
    %dma_wait3A_96 = tpu.memref_slice %arg5[%add3A_89, %dma_wait3A_95] : memref<320000x128xf32, #tpu.memory_space<hbm>> -> memref<80x128xf32, #tpu.memory_space<hbm>>
    %dma_wait3A_97 = tpu.memref_slice %arg14[%dma_wait3A_90] : memref<2x!tpu.dma_semaphore, #tpu.memory_space<semaphore_mem>> -> memref<1x!tpu.dma_semaphore, #tpu.memory_space<semaphore_mem>>
    %dma_wait3A_98 = tpu.memref_squeeze %dma_wait3A_97 : memref<1x!tpu.dma_semaphore, #tpu.memory_space<semaphore_mem>> -> memref<!tpu.dma_semaphore, #tpu.memory_space<semaphore_mem>>
    %dma_wait3A_99 = arith.constant 0 : i32
    %dma_wait3A_100 = tpu.memref_slice %arg5[%add3A_89, %dma_wait3A_99] : memref<320000x128xf32, #tpu.memory_space<hbm>> -> memref<80x128xf32, #tpu.memory_space<hbm>>
    %dma_wait3A_101 = arith.constant 0 : i32
    %dma_wait3A_102 = arith.constant 0 : i32
    %dma_wait3A_103 = tpu.memref_slice %arg8[%dma_wait3A, %dma_wait3A_101, %dma_wait3A_102] : memref<2x80x128xf32, #tpu.memory_space<vmem>> -> memref<1x80x128xf32, #tpu.memory_space<vmem>>
    %dma_wait3A_104 = tpu.memref_squeeze %dma_wait3A_103 : memref<1x80x128xf32, #tpu.memory_space<vmem>> -> memref<80x128xf32, #tpu.memory_space<vmem>>
    tpu.wait_dma2 semaphore(%dma_wait3A_98 : memref<!tpu.dma_semaphore, #tpu.memory_space<semaphore_mem>>) src(%dma_wait3A_104 : memref<80x128xf32, #tpu.memory_space<vmem>>) dst(%dma_wait3A_100 : memref<80x128xf32, #tpu.memory_space<hbm>>)
    %dma_wait3A_105 = arith.constant 1 : i32
    %dma_wait3A_106 = arith.constant 1 : i32
    %dma_wait3A_107 = arith.constant 0 : i32
    %dma_wait3A_108 = arith.constant 0 : i32
    %dma_wait3A_109 = tpu.memref_slice %arg8[%dma_wait3A_105, %dma_wait3A_107, %dma_wait3A_108] : memref<2x80x128xf32, #tpu.memory_space<vmem>> -> memref<1x80x128xf32, #tpu.memory_space<vmem>>
    %dma_wait3A_110 = tpu.memref_squeeze %dma_wait3A_109 : memref<1x80x128xf32, #tpu.memory_space<vmem>> -> memref<80x128xf32, #tpu.memory_space<vmem>>
    %dma_wait3A_111 = arith.constant 0 : i32
    %dma_wait3A_112 = tpu.memref_slice %arg7[%rem3A_82, %rem3A_85, %dma_wait3A_111] : memref<2x8x80xi32, #tpu.memory_space<vmem>> -> memref<1x1x80xi32, #tpu.memory_space<vmem>>
    %dma_wait3A_113 = tpu.memref_squeeze %dma_wait3A_112 : memref<1x1x80xi32, #tpu.memory_space<vmem>> -> memref<80xi32, #tpu.memory_space<vmem>>
    %dma_wait3A_114 = arith.constant 0 : i32
    %dma_wait3A_115 = arith.constant 0 : i32
    %dma_wait3A_116 = tpu.memref_slice %arg11[%dma_wait3A_114, %dma_wait3A_115] : memref<10240x128xf32, #tpu.memory_space<vmem_shared>> -> memref<10240x128xf32, #tpu.memory_space<vmem_shared>>
    %dma_wait3A_117 = tpu.memref_slice %arg15[%dma_wait3A_106] : memref<2x!tpu.dma_semaphore, #tpu.memory_space<semaphore_mem>> -> memref<1x!tpu.dma_semaphore, #tpu.memory_space<semaphore_mem>>
    %dma_wait3A_118 = tpu.memref_squeeze %dma_wait3A_117 : memref<1x!tpu.dma_semaphore, #tpu.memory_space<semaphore_mem>> -> memref<!tpu.dma_semaphore, #tpu.memory_space<semaphore_mem>>
    tpu.wait_indirect_dma semaphore(%dma_wait3A_118 : memref<!tpu.dma_semaphore, #tpu.memory_space<semaphore_mem>>) src(%dma_wait3A_110 : memref<80x128xf32, #tpu.memory_space<vmem>>) dst(%dma_wait3A_116 : memref<10240x128xf32, #tpu.memory_space<vmem_shared>>)
    %eq3A = arith.constant 1 : i32
    %eq3A_119 = arith.cmpi eq, %rem3A_74, %eq3A : i32
    %lt3A = arith.constant 7 : i32
    %lt3A_120 = arith.cmpi slt, %div3A_72, %lt3A : i32
    %and3A = arith.andi %eq3A_119, %lt3A_120 : i1
    %convert_element_type3A = arith.extui %and3A : i1 to i32
    %cond3A = arith.constant 0 : i32
    %cond3A_121 = arith.cmpi ne, %convert_element_type3A, %cond3A : i32
    scf.if %cond3A_121 {
      %add3A_354 = arith.constant 1 : i32
      %add3A_355 = arith.addi %div3A_72, %add3A_354 : i32
      %dma_start3A_356 = arith.constant 0 : i32
      %dma_start3A_357 = arith.constant 0 : i32
      %dma_start3A_358 = tpu.memref_slice %arg7[%sub3A_77, %dma_start3A_356, %dma_start3A_357] : memref<2x8x80xi32, #tpu.memory_space<vmem>> -> memref<1x8x80xi32, #tpu.memory_space<vmem>>
      %dma_start3A_359 = tpu.memref_squeeze %dma_start3A_358 : memref<1x8x80xi32, #tpu.memory_space<vmem>> -> memref<8x80xi32, #tpu.memory_space<vmem>>
      %dma_start3A_360 = arith.constant 0 : i32
      %dma_start3A_361 = arith.constant 0 : i32
      %dma_start3A_362 = tpu.memref_slice %arg3[%add3A, %add3A_355, %dma_start3A_360, %dma_start3A_361] : memref<32x8x8x80xi32, #tpu.memory_space<hbm>> -> memref<1x1x8x80xi32, #tpu.memory_space<hbm>>
      %dma_start3A_363 = tpu.memref_squeeze %dma_start3A_362 : memref<1x1x8x80xi32, #tpu.memory_space<hbm>> -> memref<8x80xi32, #tpu.memory_space<hbm>>
      %dma_start3A_364 = tpu.memref_slice %arg16[%sub3A_77] : memref<2x!tpu.dma_semaphore, #tpu.memory_space<semaphore_mem>> -> memref<1x!tpu.dma_semaphore, #tpu.memory_space<semaphore_mem>>
      %dma_start3A_365 = tpu.memref_squeeze %dma_start3A_364 : memref<1x!tpu.dma_semaphore, #tpu.memory_space<semaphore_mem>> -> memref<!tpu.dma_semaphore, #tpu.memory_space<semaphore_mem>>
      %dma_start3A_366 = arith.constant 0 : i32
      %dma_start3A_367 = arith.constant 0 : i32
      %dma_start3A_368 = tpu.memref_slice %arg7[%sub3A_77, %dma_start3A_366, %dma_start3A_367] : memref<2x8x80xi32, #tpu.memory_space<vmem>> -> memref<1x8x80xi32, #tpu.memory_space<vmem>>
      %dma_start3A_369 = tpu.memref_squeeze %dma_start3A_368 : memref<1x8x80xi32, #tpu.memory_space<vmem>> -> memref<8x80xi32, #tpu.memory_space<vmem>>
      %dma_start3A_370 = arith.constant 0 : i32
      %dma_start3A_371 = arith.constant 0 : i32
      %dma_start3A_372 = tpu.memref_slice %arg3[%add3A, %add3A_355, %dma_start3A_370, %dma_start3A_371] : memref<32x8x8x80xi32, #tpu.memory_space<hbm>> -> memref<1x1x8x80xi32, #tpu.memory_space<hbm>>
      %dma_start3A_373 = tpu.memref_squeeze %dma_start3A_372 : memref<1x1x8x80xi32, #tpu.memory_space<hbm>> -> memref<8x80xi32, #tpu.memory_space<hbm>>
      tpu.enqueue_dma source(%dma_start3A_373 : memref<8x80xi32, #tpu.memory_space<hbm>>) target(%dma_start3A_369 : memref<8x80xi32, #tpu.memory_space<vmem>>) target_semaphore(%dma_start3A_365 : memref<!tpu.dma_semaphore, #tpu.memory_space<semaphore_mem>>)
    } else {
    }
    %eq3A_122 = arith.constant 7 : i32
    %eq3A_123 = arith.cmpi eq, %rem3A_74, %eq3A_122 : i32
    %convert_element_type3A_124 = arith.extui %eq3A_123 : i1 to i32
    %cond3A_125 = arith.constant 0 : i32
    %cond3A_126 = arith.cmpi ne, %convert_element_type3A_124, %cond3A_125 : i32
    scf.if %cond3A_126 {
      %add3A_354 = arith.constant 1 : i32
      %add3A_355 = arith.addi %div3A_72, %add3A_354 : i32
      %dma_wait3A_356 = arith.constant 0 : i32
      %dma_wait3A_357 = arith.constant 0 : i32
      %dma_wait3A_358 = tpu.memref_slice %arg7[%sub3A_77, %dma_wait3A_356, %dma_wait3A_357] : memref<2x8x80xi32, #tpu.memory_space<vmem>> -> memref<1x8x80xi32, #tpu.memory_space<vmem>>
      %dma_wait3A_359 = tpu.memref_squeeze %dma_wait3A_358 : memref<1x8x80xi32, #tpu.memory_space<vmem>> -> memref<8x80xi32, #tpu.memory_space<vmem>>
      %dma_wait3A_360 = arith.constant 0 : i32
      %dma_wait3A_361 = arith.constant 0 : i32
      %dma_wait3A_362 = tpu.memref_slice %arg3[%add3A, %add3A_355, %dma_wait3A_360, %dma_wait3A_361] : memref<32x8x8x80xi32, #tpu.memory_space<hbm>> -> memref<1x1x8x80xi32, #tpu.memory_space<hbm>>
      %dma_wait3A_363 = tpu.memref_squeeze %dma_wait3A_362 : memref<1x1x8x80xi32, #tpu.memory_space<hbm>> -> memref<8x80xi32, #tpu.memory_space<hbm>>
      %dma_wait3A_364 = tpu.memref_slice %arg16[%sub3A_77] : memref<2x!tpu.dma_semaphore, #tpu.memory_space<semaphore_mem>> -> memref<1x!tpu.dma_semaphore, #tpu.memory_space<semaphore_mem>>
      %dma_wait3A_365 = tpu.memref_squeeze %dma_wait3A_364 : memref<1x!tpu.dma_semaphore, #tpu.memory_space<semaphore_mem>> -> memref<!tpu.dma_semaphore, #tpu.memory_space<semaphore_mem>>
      %dma_wait3A_366 = arith.constant 0 : i32
      %dma_wait3A_367 = arith.constant 0 : i32
      %dma_wait3A_368 = tpu.memref_slice %arg7[%sub3A_77, %dma_wait3A_366, %dma_wait3A_367] : memref<2x8x80xi32, #tpu.memory_space<vmem>> -> memref<1x8x80xi32, #tpu.memory_space<vmem>>
      %dma_wait3A_369 = tpu.memref_squeeze %dma_wait3A_368 : memref<1x8x80xi32, #tpu.memory_space<vmem>> -> memref<8x80xi32, #tpu.memory_space<vmem>>
      %dma_wait3A_370 = arith.constant 0 : i32
      %dma_wait3A_371 = arith.constant 0 : i32
      %dma_wait3A_372 = tpu.memref_slice %arg3[%add3A, %add3A_355, %dma_wait3A_370, %dma_wait3A_371] : memref<32x8x8x80xi32, #tpu.memory_space<hbm>> -> memref<1x1x8x80xi32, #tpu.memory_space<hbm>>
      %dma_wait3A_373 = tpu.memref_squeeze %dma_wait3A_372 : memref<1x1x8x80xi32, #tpu.memory_space<hbm>> -> memref<8x80xi32, #tpu.memory_space<hbm>>
      tpu.wait_dma2 semaphore(%dma_wait3A_365 : memref<!tpu.dma_semaphore, #tpu.memory_space<semaphore_mem>>) src(%dma_wait3A_373 : memref<8x80xi32, #tpu.memory_space<hbm>>) dst(%dma_wait3A_369 : memref<8x80xi32, #tpu.memory_space<vmem>>)
    } else {
    }
    %div3A_127 = arith.constant 63 : i32
    %div3A_128 = arith.constant 8 : i32
    %div3A_129 = arith.divsi %div3A_127, %div3A_128 : i32
    %rem3A_130 = arith.constant 2 : i32
    %rem3A_131 = arith.remsi %div3A_129, %rem3A_130 : i32
    %rem3A_132 = arith.constant 63 : i32
    %rem3A_133 = arith.constant 8 : i32
    %rem3A_134 = arith.remsi %rem3A_132, %rem3A_133 : i32
    %dma_start3A_135 = arith.constant 1 : i32
    %dma_start3A_136 = arith.constant 1 : i32
    %dma_start3A_137 = arith.constant 0 : i32
    %dma_start3A_138 = arith.constant 0 : i32
    %dma_start3A_139 = tpu.memref_slice %arg8[%dma_start3A_135, %dma_start3A_137, %dma_start3A_138] : memref<2x80x128xf32, #tpu.memory_space<vmem>> -> memref<1x80x128xf32, #tpu.memory_space<vmem>>
    %dma_start3A_140 = tpu.memref_squeeze %dma_start3A_139 : memref<1x80x128xf32, #tpu.memory_space<vmem>> -> memref<80x128xf32, #tpu.memory_space<vmem>>
    %dma_start3A_141 = arith.constant 0 : i32
    %dma_start3A_142 = tpu.memref_slice %arg7[%rem3A_131, %rem3A_134, %dma_start3A_141] : memref<2x8x80xi32, #tpu.memory_space<vmem>> -> memref<1x1x80xi32, #tpu.memory_space<vmem>>
    %dma_start3A_143 = tpu.memref_squeeze %dma_start3A_142 : memref<1x1x80xi32, #tpu.memory_space<vmem>> -> memref<80xi32, #tpu.memory_space<vmem>>
    %dma_start3A_144 = arith.constant 0 : i32
    %dma_start3A_145 = arith.constant 0 : i32
    %dma_start3A_146 = tpu.memref_slice %arg2[%dma_start3A_144, %dma_start3A_145] : memref<10000x128xf32, #tpu.memory_space<hbm>> -> memref<10000x128xf32, #tpu.memory_space<hbm>>
    %dma_start3A_147 = tpu.memref_slice %arg12[%dma_start3A_136] : memref<2x!tpu.dma_semaphore, #tpu.memory_space<semaphore_mem>> -> memref<1x!tpu.dma_semaphore, #tpu.memory_space<semaphore_mem>>
    %dma_start3A_148 = tpu.memref_squeeze %dma_start3A_147 : memref<1x!tpu.dma_semaphore, #tpu.memory_space<semaphore_mem>> -> memref<!tpu.dma_semaphore, #tpu.memory_space<semaphore_mem>>
    tpu.enqueue_indirect_dma source(%dma_start3A_146 : memref<10000x128xf32, #tpu.memory_space<hbm>>) target(%dma_start3A_140 : memref<80x128xf32, #tpu.memory_space<vmem>>) offsets(%dma_start3A_143 : memref<80xi32, #tpu.memory_space<vmem>>) semaphore(%dma_start3A_148 : memref<!tpu.dma_semaphore, #tpu.memory_space<semaphore_mem>>)
    %add3A_149 = arith.constant 5040 : i32
    %add3A_150 = arith.addi %mul3A_38, %add3A_149 : i32
    %dma_start3A_151 = arith.constant 1 : i32
    %dma_start3A_152 = arith.constant 0 : i32
    %dma_start3A_153 = tpu.memref_slice %arg4[%add3A_150, %dma_start3A_152] : memref<163840x128xf32, #tpu.memory_space<hbm>> -> memref<80x128xf32, #tpu.memory_space<hbm>>
    %dma_start3A_154 = tpu.memref_slice %arg13[%dma_start3A_151] : memref<2x!tpu.dma_semaphore, #tpu.memory_space<semaphore_mem>> -> memref<1x!tpu.dma_semaphore, #tpu.memory_space<semaphore_mem>>
    %dma_start3A_155 = tpu.memref_squeeze %dma_start3A_154 : memref<1x!tpu.dma_semaphore, #tpu.memory_space<semaphore_mem>> -> memref<!tpu.dma_semaphore, #tpu.memory_space<semaphore_mem>>
    %dma_start3A_156 = arith.constant 0 : i32
    %dma_start3A_157 = tpu.memref_slice %arg4[%add3A_150, %dma_start3A_156] : memref<163840x128xf32, #tpu.memory_space<hbm>> -> memref<80x128xf32, #tpu.memory_space<hbm>>
    tpu.enqueue_dma source(%dma_start3A_157 : memref<80x128xf32, #tpu.memory_space<hbm>>) target(%arg10 : memref<80x128xf32, #tpu.memory_space<vmem>>) target_semaphore(%dma_start3A_155 : memref<!tpu.dma_semaphore, #tpu.memory_space<semaphore_mem>>)
    %dma_wait3A_158 = arith.constant 0 : i32
    %dma_wait3A_159 = arith.constant 0 : i32
    %dma_wait3A_160 = arith.constant 0 : i32
    %dma_wait3A_161 = arith.constant 0 : i32
    %dma_wait3A_162 = tpu.memref_slice %arg8[%dma_wait3A_158, %dma_wait3A_160, %dma_wait3A_161] : memref<2x80x128xf32, #tpu.memory_space<vmem>> -> memref<1x80x128xf32, #tpu.memory_space<vmem>>
    %dma_wait3A_163 = tpu.memref_squeeze %dma_wait3A_162 : memref<1x80x128xf32, #tpu.memory_space<vmem>> -> memref<80x128xf32, #tpu.memory_space<vmem>>
    %dma_wait3A_164 = arith.constant 0 : i32
    %dma_wait3A_165 = tpu.memref_slice %arg7[%rem3A_76, %rem3A_74, %dma_wait3A_164] : memref<2x8x80xi32, #tpu.memory_space<vmem>> -> memref<1x1x80xi32, #tpu.memory_space<vmem>>
    %dma_wait3A_166 = tpu.memref_squeeze %dma_wait3A_165 : memref<1x1x80xi32, #tpu.memory_space<vmem>> -> memref<80xi32, #tpu.memory_space<vmem>>
    %dma_wait3A_167 = arith.constant 0 : i32
    %dma_wait3A_168 = arith.constant 0 : i32
    %dma_wait3A_169 = tpu.memref_slice %arg2[%dma_wait3A_167, %dma_wait3A_168] : memref<10000x128xf32, #tpu.memory_space<hbm>> -> memref<10000x128xf32, #tpu.memory_space<hbm>>
    %dma_wait3A_170 = tpu.memref_slice %arg12[%dma_wait3A_159] : memref<2x!tpu.dma_semaphore, #tpu.memory_space<semaphore_mem>> -> memref<1x!tpu.dma_semaphore, #tpu.memory_space<semaphore_mem>>
    %dma_wait3A_171 = tpu.memref_squeeze %dma_wait3A_170 : memref<1x!tpu.dma_semaphore, #tpu.memory_space<semaphore_mem>> -> memref<!tpu.dma_semaphore, #tpu.memory_space<semaphore_mem>>
    tpu.wait_indirect_dma semaphore(%dma_wait3A_171 : memref<!tpu.dma_semaphore, #tpu.memory_space<semaphore_mem>>) src(%dma_wait3A_169 : memref<10000x128xf32, #tpu.memory_space<hbm>>) dst(%dma_wait3A_163 : memref<80x128xf32, #tpu.memory_space<vmem>>)
    %add3A_172 = arith.constant 4960 : i32
    %add3A_173 = arith.addi %mul3A_38, %add3A_172 : i32
    %dma_wait3A_174 = arith.constant 0 : i32
    %dma_wait3A_175 = arith.constant 0 : i32
    %dma_wait3A_176 = tpu.memref_slice %arg4[%add3A_173, %dma_wait3A_175] : memref<163840x128xf32, #tpu.memory_space<hbm>> -> memref<80x128xf32, #tpu.memory_space<hbm>>
    %dma_wait3A_177 = tpu.memref_slice %arg13[%dma_wait3A_174] : memref<2x!tpu.dma_semaphore, #tpu.memory_space<semaphore_mem>> -> memref<1x!tpu.dma_semaphore, #tpu.memory_space<semaphore_mem>>
    %dma_wait3A_178 = tpu.memref_squeeze %dma_wait3A_177 : memref<1x!tpu.dma_semaphore, #tpu.memory_space<semaphore_mem>> -> memref<!tpu.dma_semaphore, #tpu.memory_space<semaphore_mem>>
    %dma_wait3A_179 = arith.constant 0 : i32
    %dma_wait3A_180 = tpu.memref_slice %arg4[%add3A_173, %dma_wait3A_179] : memref<163840x128xf32, #tpu.memory_space<hbm>> -> memref<80x128xf32, #tpu.memory_space<hbm>>
    tpu.wait_dma2 semaphore(%dma_wait3A_178 : memref<!tpu.dma_semaphore, #tpu.memory_space<semaphore_mem>>) src(%dma_wait3A_180 : memref<80x128xf32, #tpu.memory_space<hbm>>) dst(%arg9 : memref<80x128xf32, #tpu.memory_space<vmem>>)
    %parallel_loop3A = arith.constant 0 : i32
    %parallel_loop3A_181 = arith.constant 80 : i32
    %parallel_loop3A_182 = arith.constant 1 : i32
    scf.for %parallel_loop3A_354 = %parallel_loop3A to %parallel_loop3A_181 step %parallel_loop3A_182  : i32 {
      %parallel_loop3A_355 = arith.constant 0 : i32
      %parallel_loop3A_356 = arith.index_cast %parallel_loop3A_355 : i32 to index
      %parallel_loop3A_357 = arith.index_cast %parallel_loop3A_354 : i32 to index
      %parallel_loop3A_358 = arith.constant 0 : index
      %parallel_loop3A_359 = tpu.vector_load %arg8[%parallel_loop3A_356, %parallel_loop3A_357, %parallel_loop3A_358] {strides = array<i32>} : memref<2x80x128xf32, #tpu.memory_space<vmem>>, vector<1x1x16xf32>,
      %parallel_loop3A_360 = vector.shape_cast %parallel_loop3A_359 : vector<1x1x16xf32> to vector<16xf32>
      %parallel_loop3A_361 = arith.index_cast %parallel_loop3A_354 : i32 to index
      %parallel_loop3A_362 = arith.constant 0 : index
      %parallel_loop3A_363 = tpu.vector_load %arg9[%parallel_loop3A_361, %parallel_loop3A_362] {strides = array<i32>} : memref<80x128xf32, #tpu.memory_space<vmem>>, vector<1x16xf32>,
      %parallel_loop3A_364 = vector.shape_cast %parallel_loop3A_363 : vector<1x16xf32> to vector<16xf32>
      %parallel_loop3A_365 = arith.mulf %parallel_loop3A_360, %parallel_loop3A_364 : vector<16xf32>
      %parallel_loop3A_366 = arith.constant 0 : i32
      %parallel_loop3A_367 = arith.index_cast %parallel_loop3A_366 : i32 to index
      %parallel_loop3A_368 = arith.index_cast %parallel_loop3A_354 : i32 to index
      %parallel_loop3A_369 = arith.constant 0 : index
      %parallel_loop3A_370 = tpu.vector_load %arg8[%parallel_loop3A_367, %parallel_loop3A_368, %parallel_loop3A_369] {strides = array<i32>} : memref<2x80x128xf32, #tpu.memory_space<vmem>>, vector<1x1x16xf32>,
      %parallel_loop3A_371 = vector.shape_cast %parallel_loop3A_370 : vector<1x1x16xf32> to vector<16xf32>
      %parallel_loop3A_372 = vector.shape_cast %parallel_loop3A_365 : vector<16xf32> to vector<1x1x16xf32>
      tpu.vector_store %arg8[%parallel_loop3A_367, %parallel_loop3A_368, %parallel_loop3A_369], %parallel_loop3A_372 {strides = array<i32>} : memref<2x80x128xf32, #tpu.memory_space<vmem>>, vector<1x1x16xf32>,
      %parallel_loop3A_373 = arith.constant 0 : i32
      %parallel_loop3A_374 = arith.index_cast %parallel_loop3A_373 : i32 to index
      %parallel_loop3A_375 = arith.index_cast %parallel_loop3A_354 : i32 to index
      %parallel_loop3A_376 = arith.constant 16 : index
      %parallel_loop3A_377 = tpu.vector_load %arg8[%parallel_loop3A_374, %parallel_loop3A_375, %parallel_loop3A_376] {strides = array<i32>} : memref<2x80x128xf32, #tpu.memory_space<vmem>>, vector<1x1x16xf32>,
      %parallel_loop3A_378 = vector.shape_cast %parallel_loop3A_377 : vector<1x1x16xf32> to vector<16xf32>
      %parallel_loop3A_379 = arith.index_cast %parallel_loop3A_354 : i32 to index
      %parallel_loop3A_380 = arith.constant 16 : index
      %parallel_loop3A_381 = tpu.vector_load %arg9[%parallel_loop3A_379, %parallel_loop3A_380] {strides = array<i32>} : memref<80x128xf32, #tpu.memory_space<vmem>>, vector<1x16xf32>,
      %parallel_loop3A_382 = vector.shape_cast %parallel_loop3A_381 : vector<1x16xf32> to vector<16xf32>
      %parallel_loop3A_383 = arith.mulf %parallel_loop3A_378, %parallel_loop3A_382 : vector<16xf32>
      %parallel_loop3A_384 = arith.constant 0 : i32
      %parallel_loop3A_385 = arith.index_cast %parallel_loop3A_384 : i32 to index
      %parallel_loop3A_386 = arith.index_cast %parallel_loop3A_354 : i32 to index
      %parallel_loop3A_387 = arith.constant 16 : index
      %parallel_loop3A_388 = tpu.vector_load %arg8[%parallel_loop3A_385, %parallel_loop3A_386, %parallel_loop3A_387] {strides = array<i32>} : memref<2x80x128xf32, #tpu.memory_space<vmem>>, vector<1x1x16xf32>,
      %parallel_loop3A_389 = vector.shape_cast %parallel_loop3A_388 : vector<1x1x16xf32> to vector<16xf32>
      %parallel_loop3A_390 = vector.shape_cast %parallel_loop3A_383 : vector<16xf32> to vector<1x1x16xf32>
      tpu.vector_store %arg8[%parallel_loop3A_385, %parallel_loop3A_386, %parallel_loop3A_387], %parallel_loop3A_390 {strides = array<i32>} : memref<2x80x128xf32, #tpu.memory_space<vmem>>, vector<1x1x16xf32>,
      %parallel_loop3A_391 = arith.constant 0 : i32
      %parallel_loop3A_392 = arith.index_cast %parallel_loop3A_391 : i32 to index
      %parallel_loop3A_393 = arith.index_cast %parallel_loop3A_354 : i32 to index
      %parallel_loop3A_394 = arith.constant 32 : index
      %parallel_loop3A_395 = tpu.vector_load %arg8[%parallel_loop3A_392, %parallel_loop3A_393, %parallel_loop3A_394] {strides = array<i32>} : memref<2x80x128xf32, #tpu.memory_space<vmem>>, vector<1x1x16xf32>,
      %parallel_loop3A_396 = vector.shape_cast %parallel_loop3A_395 : vector<1x1x16xf32> to vector<16xf32>
      %parallel_loop3A_397 = arith.index_cast %parallel_loop3A_354 : i32 to index
      %parallel_loop3A_398 = arith.constant 32 : index
      %parallel_loop3A_399 = tpu.vector_load %arg9[%parallel_loop3A_397, %parallel_loop3A_398] {strides = array<i32>} : memref<80x128xf32, #tpu.memory_space<vmem>>, vector<1x16xf32>,
      %parallel_loop3A_400 = vector.shape_cast %parallel_loop3A_399 : vector<1x16xf32> to vector<16xf32>
      %parallel_loop3A_401 = arith.mulf %parallel_loop3A_396, %parallel_loop3A_400 : vector<16xf32>
      %parallel_loop3A_402 = arith.constant 0 : i32
      %parallel_loop3A_403 = arith.index_cast %parallel_loop3A_402 : i32 to index
      %parallel_loop3A_404 = arith.index_cast %parallel_loop3A_354 : i32 to index
      %parallel_loop3A_405 = arith.constant 32 : index
      %parallel_loop3A_406 = tpu.vector_load %arg8[%parallel_loop3A_403, %parallel_loop3A_404, %parallel_loop3A_405] {strides = array<i32>} : memref<2x80x128xf32, #tpu.memory_space<vmem>>, vector<1x1x16xf32>,
      %parallel_loop3A_407 = vector.shape_cast %parallel_loop3A_406 : vector<1x1x16xf32> to vector<16xf32>
      %parallel_loop3A_408 = vector.shape_cast %parallel_loop3A_401 : vector<16xf32> to vector<1x1x16xf32>
      tpu.vector_store %arg8[%parallel_loop3A_403, %parallel_loop3A_404, %parallel_loop3A_405], %parallel_loop3A_408 {strides = array<i32>} : memref<2x80x128xf32, #tpu.memory_space<vmem>>, vector<1x1x16xf32>,
      %parallel_loop3A_409 = arith.constant 0 : i32
      %parallel_loop3A_410 = arith.index_cast %parallel_loop3A_409 : i32 to index
      %parallel_loop3A_411 = arith.index_cast %parallel_loop3A_354 : i32 to index
      %parallel_loop3A_412 = arith.constant 48 : index
      %parallel_loop3A_413 = tpu.vector_load %arg8[%parallel_loop3A_410, %parallel_loop3A_411, %parallel_loop3A_412] {strides = array<i32>} : memref<2x80x128xf32, #tpu.memory_space<vmem>>, vector<1x1x16xf32>,
      %parallel_loop3A_414 = vector.shape_cast %parallel_loop3A_413 : vector<1x1x16xf32> to vector<16xf32>
      %parallel_loop3A_415 = arith.index_cast %parallel_loop3A_354 : i32 to index
      %parallel_loop3A_416 = arith.constant 48 : index
      %parallel_loop3A_417 = tpu.vector_load %arg9[%parallel_loop3A_415, %parallel_loop3A_416] {strides = array<i32>} : memref<80x128xf32, #tpu.memory_space<vmem>>, vector<1x16xf32>,
      %parallel_loop3A_418 = vector.shape_cast %parallel_loop3A_417 : vector<1x16xf32> to vector<16xf32>
      %parallel_loop3A_419 = arith.mulf %parallel_loop3A_414, %parallel_loop3A_418 : vector<16xf32>
      %parallel_loop3A_420 = arith.constant 0 : i32
      %parallel_loop3A_421 = arith.index_cast %parallel_loop3A_420 : i32 to index
      %parallel_loop3A_422 = arith.index_cast %parallel_loop3A_354 : i32 to index
      %parallel_loop3A_423 = arith.constant 48 : index
      %parallel_loop3A_424 = tpu.vector_load %arg8[%parallel_loop3A_421, %parallel_loop3A_422, %parallel_loop3A_423] {strides = array<i32>} : memref<2x80x128xf32, #tpu.memory_space<vmem>>, vector<1x1x16xf32>,
      %parallel_loop3A_425 = vector.shape_cast %parallel_loop3A_424 : vector<1x1x16xf32> to vector<16xf32>
      %parallel_loop3A_426 = vector.shape_cast %parallel_loop3A_419 : vector<16xf32> to vector<1x1x16xf32>
      tpu.vector_store %arg8[%parallel_loop3A_421, %parallel_loop3A_422, %parallel_loop3A_423], %parallel_loop3A_426 {strides = array<i32>} : memref<2x80x128xf32, #tpu.memory_space<vmem>>, vector<1x1x16xf32>,
      %parallel_loop3A_427 = arith.constant 0 : i32
      %parallel_loop3A_428 = arith.index_cast %parallel_loop3A_427 : i32 to index
      %parallel_loop3A_429 = arith.index_cast %parallel_loop3A_354 : i32 to index
      %parallel_loop3A_430 = arith.constant 64 : index
      %parallel_loop3A_431 = tpu.vector_load %arg8[%parallel_loop3A_428, %parallel_loop3A_429, %parallel_loop3A_430] {strides = array<i32>} : memref<2x80x128xf32, #tpu.memory_space<vmem>>, vector<1x1x16xf32>,
      %parallel_loop3A_432 = vector.shape_cast %parallel_loop3A_431 : vector<1x1x16xf32> to vector<16xf32>
      %parallel_loop3A_433 = arith.index_cast %parallel_loop3A_354 : i32 to index
      %parallel_loop3A_434 = arith.constant 64 : index
      %parallel_loop3A_435 = tpu.vector_load %arg9[%parallel_loop3A_433, %parallel_loop3A_434] {strides = array<i32>} : memref<80x128xf32, #tpu.memory_space<vmem>>, vector<1x16xf32>,
      %parallel_loop3A_436 = vector.shape_cast %parallel_loop3A_435 : vector<1x16xf32> to vector<16xf32>
      %parallel_loop3A_437 = arith.mulf %parallel_loop3A_432, %parallel_loop3A_436 : vector<16xf32>
      %parallel_loop3A_438 = arith.constant 0 : i32
      %parallel_loop3A_439 = arith.index_cast %parallel_loop3A_438 : i32 to index
      %parallel_loop3A_440 = arith.index_cast %parallel_loop3A_354 : i32 to index
      %parallel_loop3A_441 = arith.constant 64 : index
      %parallel_loop3A_442 = tpu.vector_load %arg8[%parallel_loop3A_439, %parallel_loop3A_440, %parallel_loop3A_441] {strides = array<i32>} : memref<2x80x128xf32, #tpu.memory_space<vmem>>, vector<1x1x16xf32>,
      %parallel_loop3A_443 = vector.shape_cast %parallel_loop3A_442 : vector<1x1x16xf32> to vector<16xf32>
      %parallel_loop3A_444 = vector.shape_cast %parallel_loop3A_437 : vector<16xf32> to vector<1x1x16xf32>
      tpu.vector_store %arg8[%parallel_loop3A_439, %parallel_loop3A_440, %parallel_loop3A_441], %parallel_loop3A_444 {strides = array<i32>} : memref<2x80x128xf32, #tpu.memory_space<vmem>>, vector<1x1x16xf32>,
      %parallel_loop3A_445 = arith.constant 0 : i32
      %parallel_loop3A_446 = arith.index_cast %parallel_loop3A_445 : i32 to index
      %parallel_loop3A_447 = arith.index_cast %parallel_loop3A_354 : i32 to index
      %parallel_loop3A_448 = arith.constant 80 : index
      %parallel_loop3A_449 = tpu.vector_load %arg8[%parallel_loop3A_446, %parallel_loop3A_447, %parallel_loop3A_448] {strides = array<i32>} : memref<2x80x128xf32, #tpu.memory_space<vmem>>, vector<1x1x16xf32>,
      %parallel_loop3A_450 = vector.shape_cast %parallel_loop3A_449 : vector<1x1x16xf32> to vector<16xf32>
      %parallel_loop3A_451 = arith.index_cast %parallel_loop3A_354 : i32 to index
      %parallel_loop3A_452 = arith.constant 80 : index
      %parallel_loop3A_453 = tpu.vector_load %arg9[%parallel_loop3A_451, %parallel_loop3A_452] {strides = array<i32>} : memref<80x128xf32, #tpu.memory_space<vmem>>, vector<1x16xf32>,
      %parallel_loop3A_454 = vector.shape_cast %parallel_loop3A_453 : vector<1x16xf32> to vector<16xf32>
      %parallel_loop3A_455 = arith.mulf %parallel_loop3A_450, %parallel_loop3A_454 : vector<16xf32>
      %parallel_loop3A_456 = arith.constant 0 : i32
      %parallel_loop3A_457 = arith.index_cast %parallel_loop3A_456 : i32 to index
      %parallel_loop3A_458 = arith.index_cast %parallel_loop3A_354 : i32 to index
      %parallel_loop3A_459 = arith.constant 80 : index
      %parallel_loop3A_460 = tpu.vector_load %arg8[%parallel_loop3A_457, %parallel_loop3A_458, %parallel_loop3A_459] {strides = array<i32>} : memref<2x80x128xf32, #tpu.memory_space<vmem>>, vector<1x1x16xf32>,
      %parallel_loop3A_461 = vector.shape_cast %parallel_loop3A_460 : vector<1x1x16xf32> to vector<16xf32>
      %parallel_loop3A_462 = vector.shape_cast %parallel_loop3A_455 : vector<16xf32> to vector<1x1x16xf32>
      tpu.vector_store %arg8[%parallel_loop3A_457, %parallel_loop3A_458, %parallel_loop3A_459], %parallel_loop3A_462 {strides = array<i32>} : memref<2x80x128xf32, #tpu.memory_space<vmem>>, vector<1x1x16xf32>,
      %parallel_loop3A_463 = arith.constant 0 : i32
      %parallel_loop3A_464 = arith.index_cast %parallel_loop3A_463 : i32 to index
      %parallel_loop3A_465 = arith.index_cast %parallel_loop3A_354 : i32 to index
      %parallel_loop3A_466 = arith.constant 96 : index
      %parallel_loop3A_467 = tpu.vector_load %arg8[%parallel_loop3A_464, %parallel_loop3A_465, %parallel_loop3A_466] {strides = array<i32>} : memref<2x80x128xf32, #tpu.memory_space<vmem>>, vector<1x1x16xf32>,
      %parallel_loop3A_468 = vector.shape_cast %parallel_loop3A_467 : vector<1x1x16xf32> to vector<16xf32>
      %parallel_loop3A_469 = arith.index_cast %parallel_loop3A_354 : i32 to index
      %parallel_loop3A_470 = arith.constant 96 : index
      %parallel_loop3A_471 = tpu.vector_load %arg9[%parallel_loop3A_469, %parallel_loop3A_470] {strides = array<i32>} : memref<80x128xf32, #tpu.memory_space<vmem>>, vector<1x16xf32>,
      %parallel_loop3A_472 = vector.shape_cast %parallel_loop3A_471 : vector<1x16xf32> to vector<16xf32>
      %parallel_loop3A_473 = arith.mulf %parallel_loop3A_468, %parallel_loop3A_472 : vector<16xf32>
      %parallel_loop3A_474 = arith.constant 0 : i32
      %parallel_loop3A_475 = arith.index_cast %parallel_loop3A_474 : i32 to index
      %parallel_loop3A_476 = arith.index_cast %parallel_loop3A_354 : i32 to index
      %parallel_loop3A_477 = arith.constant 96 : index
      %parallel_loop3A_478 = tpu.vector_load %arg8[%parallel_loop3A_475, %parallel_loop3A_476, %parallel_loop3A_477] {strides = array<i32>} : memref<2x80x128xf32, #tpu.memory_space<vmem>>, vector<1x1x16xf32>,
      %parallel_loop3A_479 = vector.shape_cast %parallel_loop3A_478 : vector<1x1x16xf32> to vector<16xf32>
      %parallel_loop3A_480 = vector.shape_cast %parallel_loop3A_473 : vector<16xf32> to vector<1x1x16xf32>
      tpu.vector_store %arg8[%parallel_loop3A_475, %parallel_loop3A_476, %parallel_loop3A_477], %parallel_loop3A_480 {strides = array<i32>} : memref<2x80x128xf32, #tpu.memory_space<vmem>>, vector<1x1x16xf32>,
      %parallel_loop3A_481 = arith.constant 0 : i32
      %parallel_loop3A_482 = arith.index_cast %parallel_loop3A_481 : i32 to index
      %parallel_loop3A_483 = arith.index_cast %parallel_loop3A_354 : i32 to index
      %parallel_loop3A_484 = arith.constant 112 : index
      %parallel_loop3A_485 = tpu.vector_load %arg8[%parallel_loop3A_482, %parallel_loop3A_483, %parallel_loop3A_484] {strides = array<i32>} : memref<2x80x128xf32, #tpu.memory_space<vmem>>, vector<1x1x16xf32>,
      %parallel_loop3A_486 = vector.shape_cast %parallel_loop3A_485 : vector<1x1x16xf32> to vector<16xf32>
      %parallel_loop3A_487 = arith.index_cast %parallel_loop3A_354 : i32 to index
      %parallel_loop3A_488 = arith.constant 112 : index
      %parallel_loop3A_489 = tpu.vector_load %arg9[%parallel_loop3A_487, %parallel_loop3A_488] {strides = array<i32>} : memref<80x128xf32, #tpu.memory_space<vmem>>, vector<1x16xf32>,
      %parallel_loop3A_490 = vector.shape_cast %parallel_loop3A_489 : vector<1x16xf32> to vector<16xf32>
      %parallel_loop3A_491 = arith.mulf %parallel_loop3A_486, %parallel_loop3A_490 : vector<16xf32>
      %parallel_loop3A_492 = arith.constant 0 : i32
      %parallel_loop3A_493 = arith.index_cast %parallel_loop3A_492 : i32 to index
      %parallel_loop3A_494 = arith.index_cast %parallel_loop3A_354 : i32 to index
      %parallel_loop3A_495 = arith.constant 112 : index
      %parallel_loop3A_496 = tpu.vector_load %arg8[%parallel_loop3A_493, %parallel_loop3A_494, %parallel_loop3A_495] {strides = array<i32>} : memref<2x80x128xf32, #tpu.memory_space<vmem>>, vector<1x1x16xf32>,
      %parallel_loop3A_497 = vector.shape_cast %parallel_loop3A_496 : vector<1x1x16xf32> to vector<16xf32>
      %parallel_loop3A_498 = vector.shape_cast %parallel_loop3A_491 : vector<16xf32> to vector<1x1x16xf32>
      tpu.vector_store %arg8[%parallel_loop3A_493, %parallel_loop3A_494, %parallel_loop3A_495], %parallel_loop3A_498 {strides = array<i32>} : memref<2x80x128xf32, #tpu.memory_space<vmem>>, vector<1x1x16xf32>,
    } {sc.loop_unroll_factor = 4 : i64, sc.parallel_access}
    %add3A_183 = arith.constant 0 : i32
    %add3A_184 = arith.addi %add3A_183, %mul3A_38 : i32
    %add3A_185 = arith.constant 4960 : i32
    %add3A_186 = arith.addi %add3A_184, %add3A_185 : i32
    %dma_start3A_187 = arith.constant 0 : i32
    %dma_start3A_188 = arith.constant 0 : i32
    %dma_start3A_189 = arith.constant 0 : i32
    %dma_start3A_190 = arith.constant 0 : i32
    %dma_start3A_191 = tpu.memref_slice %arg8[%dma_start3A_187, %dma_start3A_189, %dma_start3A_190] : memref<2x80x128xf32, #tpu.memory_space<vmem>> -> memref<1x80x128xf32, #tpu.memory_space<vmem>>
    %dma_start3A_192 = tpu.memref_squeeze %dma_start3A_191 : memref<1x80x128xf32, #tpu.memory_space<vmem>> -> memref<80x128xf32, #tpu.memory_space<vmem>>
    %dma_start3A_193 = arith.constant 0 : i32
    %dma_start3A_194 = tpu.memref_slice %arg5[%add3A_186, %dma_start3A_193] : memref<320000x128xf32, #tpu.memory_space<hbm>> -> memref<80x128xf32, #tpu.memory_space<hbm>>
    %dma_start3A_195 = tpu.memref_slice %arg14[%dma_start3A_188] : memref<2x!tpu.dma_semaphore, #tpu.memory_space<semaphore_mem>> -> memref<1x!tpu.dma_semaphore, #tpu.memory_space<semaphore_mem>>
    %dma_start3A_196 = tpu.memref_squeeze %dma_start3A_195 : memref<1x!tpu.dma_semaphore, #tpu.memory_space<semaphore_mem>> -> memref<!tpu.dma_semaphore, #tpu.memory_space<semaphore_mem>>
    %dma_start3A_197 = arith.constant 0 : i32
    %dma_start3A_198 = tpu.memref_slice %arg5[%add3A_186, %dma_start3A_197] : memref<320000x128xf32, #tpu.memory_space<hbm>> -> memref<80x128xf32, #tpu.memory_space<hbm>>
    %dma_start3A_199 = arith.constant 0 : i32
    %dma_start3A_200 = arith.constant 0 : i32
    %dma_start3A_201 = tpu.memref_slice %arg8[%dma_start3A_187, %dma_start3A_199, %dma_start3A_200] : memref<2x80x128xf32, #tpu.memory_space<vmem>> -> memref<1x80x128xf32, #tpu.memory_space<vmem>>
    %dma_start3A_202 = tpu.memref_squeeze %dma_start3A_201 : memref<1x80x128xf32, #tpu.memory_space<vmem>> -> memref<80x128xf32, #tpu.memory_space<vmem>>
    tpu.enqueue_dma source(%dma_start3A_202 : memref<80x128xf32, #tpu.memory_space<vmem>>) target(%dma_start3A_198 : memref<80x128xf32, #tpu.memory_space<hbm>>) target_semaphore(%dma_start3A_196 : memref<!tpu.dma_semaphore, #tpu.memory_space<semaphore_mem>>)
    %dma_start3A_203 = arith.constant 0 : i32
    %dma_start3A_204 = arith.constant 0 : i32
    %dma_start3A_205 = arith.constant 0 : i32
    %dma_start3A_206 = arith.constant 0 : i32
    %dma_start3A_207 = tpu.memref_slice %arg8[%dma_start3A_203, %dma_start3A_205, %dma_start3A_206] : memref<2x80x128xf32, #tpu.memory_space<vmem>> -> memref<1x80x128xf32, #tpu.memory_space<vmem>>
    %dma_start3A_208 = tpu.memref_squeeze %dma_start3A_207 : memref<1x80x128xf32, #tpu.memory_space<vmem>> -> memref<80x128xf32, #tpu.memory_space<vmem>>
    %dma_start3A_209 = arith.constant 0 : i32
    %dma_start3A_210 = tpu.memref_slice %arg7[%rem3A_76, %rem3A_74, %dma_start3A_209] : memref<2x8x80xi32, #tpu.memory_space<vmem>> -> memref<1x1x80xi32, #tpu.memory_space<vmem>>
    %dma_start3A_211 = tpu.memref_squeeze %dma_start3A_210 : memref<1x1x80xi32, #tpu.memory_space<vmem>> -> memref<80xi32, #tpu.memory_space<vmem>>
    %dma_start3A_212 = arith.constant 0 : i32
    %dma_start3A_213 = arith.constant 0 : i32
    %dma_start3A_214 = tpu.memref_slice %arg11[%dma_start3A_212, %dma_start3A_213] : memref<10240x128xf32, #tpu.memory_space<vmem_shared>> -> memref<10240x128xf32, #tpu.memory_space<vmem_shared>>
    %dma_start3A_215 = tpu.memref_slice %arg15[%dma_start3A_204] : memref<2x!tpu.dma_semaphore, #tpu.memory_space<semaphore_mem>> -> memref<1x!tpu.dma_semaphore, #tpu.memory_space<semaphore_mem>>
    %dma_start3A_216 = tpu.memref_squeeze %dma_start3A_215 : memref<1x!tpu.dma_semaphore, #tpu.memory_space<semaphore_mem>> -> memref<!tpu.dma_semaphore, #tpu.memory_space<semaphore_mem>>
    tpu.enqueue_indirect_dma source(%dma_start3A_208 : memref<80x128xf32, #tpu.memory_space<vmem>>) target(%dma_start3A_214 : memref<10240x128xf32, #tpu.memory_space<vmem_shared>>) offsets(%dma_start3A_211 : memref<80xi32, #tpu.memory_space<vmem>>) semaphore(%dma_start3A_216 : memref<!tpu.dma_semaphore, #tpu.memory_space<semaphore_mem>>) {add = true}
    %dma_wait3A_217 = arith.constant 1 : i32
    %dma_wait3A_218 = arith.constant 7 : i32
    %dma_wait3A_219 = arith.constant 1 : i32
    %dma_wait3A_220 = arith.constant 1 : i32
    %dma_wait3A_221 = arith.constant 0 : i32
    %dma_wait3A_222 = arith.constant 0 : i32
    %dma_wait3A_223 = tpu.memref_slice %arg8[%dma_wait3A_219, %dma_wait3A_221, %dma_wait3A_222] : memref<2x80x128xf32, #tpu.memory_space<vmem>> -> memref<1x80x128xf32, #tpu.memory_space<vmem>>
    %dma_wait3A_224 = tpu.memref_squeeze %dma_wait3A_223 : memref<1x80x128xf32, #tpu.memory_space<vmem>> -> memref<80x128xf32, #tpu.memory_space<vmem>>
    %dma_wait3A_225 = arith.constant 0 : i32
    %dma_wait3A_226 = tpu.memref_slice %arg7[%dma_wait3A_217, %dma_wait3A_218, %dma_wait3A_225] : memref<2x8x80xi32, #tpu.memory_space<vmem>> -> memref<1x1x80xi32, #tpu.memory_space<vmem>>
    %dma_wait3A_227 = tpu.memref_squeeze %dma_wait3A_226 : memref<1x1x80xi32, #tpu.memory_space<vmem>> -> memref<80xi32, #tpu.memory_space<vmem>>
    %dma_wait3A_228 = arith.constant 0 : i32
    %dma_wait3A_229 = arith.constant 0 : i32
    %dma_wait3A_230 = tpu.memref_slice %arg2[%dma_wait3A_228, %dma_wait3A_229] : memref<10000x128xf32, #tpu.memory_space<hbm>> -> memref<10000x128xf32, #tpu.memory_space<hbm>>
    %dma_wait3A_231 = tpu.memref_slice %arg12[%dma_wait3A_220] : memref<2x!tpu.dma_semaphore, #tpu.memory_space<semaphore_mem>> -> memref<1x!tpu.dma_semaphore, #tpu.memory_space<semaphore_mem>>
    %dma_wait3A_232 = tpu.memref_squeeze %dma_wait3A_231 : memref<1x!tpu.dma_semaphore, #tpu.memory_space<semaphore_mem>> -> memref<!tpu.dma_semaphore, #tpu.memory_space<semaphore_mem>>
    tpu.wait_indirect_dma semaphore(%dma_wait3A_232 : memref<!tpu.dma_semaphore, #tpu.memory_space<semaphore_mem>>) src(%dma_wait3A_230 : memref<10000x128xf32, #tpu.memory_space<hbm>>) dst(%dma_wait3A_224 : memref<80x128xf32, #tpu.memory_space<vmem>>)
    %add3A_233 = arith.constant 5040 : i32
    %add3A_234 = arith.addi %mul3A_38, %add3A_233 : i32
    %dma_wait3A_235 = arith.constant 1 : i32
    %dma_wait3A_236 = arith.constant 0 : i32
    %dma_wait3A_237 = tpu.memref_slice %arg4[%add3A_234, %dma_wait3A_236] : memref<163840x128xf32, #tpu.memory_space<hbm>> -> memref<80x128xf32, #tpu.memory_space<hbm>>
    %dma_wait3A_238 = tpu.memref_slice %arg13[%dma_wait3A_235] : memref<2x!tpu.dma_semaphore, #tpu.memory_space<semaphore_mem>> -> memref<1x!tpu.dma_semaphore, #tpu.memory_space<semaphore_mem>>
    %dma_wait3A_239 = tpu.memref_squeeze %dma_wait3A_238 : memref<1x!tpu.dma_semaphore, #tpu.memory_space<semaphore_mem>> -> memref<!tpu.dma_semaphore, #tpu.memory_space<semaphore_mem>>
    %dma_wait3A_240 = arith.constant 0 : i32
    %dma_wait3A_241 = tpu.memref_slice %arg4[%add3A_234, %dma_wait3A_240] : memref<163840x128xf32, #tpu.memory_space<hbm>> -> memref<80x128xf32, #tpu.memory_space<hbm>>
    tpu.wait_dma2 semaphore(%dma_wait3A_239 : memref<!tpu.dma_semaphore, #tpu.memory_space<semaphore_mem>>) src(%dma_wait3A_241 : memref<80x128xf32, #tpu.memory_space<hbm>>) dst(%arg10 : memref<80x128xf32, #tpu.memory_space<vmem>>)
    %parallel_loop3A_242 = arith.constant 0 : i32
    %parallel_loop3A_243 = arith.constant 80 : i32
    %parallel_loop3A_244 = arith.constant 1 : i32
    scf.for %parallel_loop3A_354 = %parallel_loop3A_242 to %parallel_loop3A_243 step %parallel_loop3A_244  : i32 {
      %parallel_loop3A_355 = arith.constant 1 : i32
      %parallel_loop3A_356 = arith.index_cast %parallel_loop3A_355 : i32 to index
      %parallel_loop3A_357 = arith.index_cast %parallel_loop3A_354 : i32 to index
      %parallel_loop3A_358 = arith.constant 0 : index
      %parallel_loop3A_359 = tpu.vector_load %arg8[%parallel_loop3A_356, %parallel_loop3A_357, %parallel_loop3A_358] {strides = array<i32>} : memref<2x80x128xf32, #tpu.memory_space<vmem>>, vector<1x1x16xf32>,
      %parallel_loop3A_360 = vector.shape_cast %parallel_loop3A_359 : vector<1x1x16xf32> to vector<16xf32>
      %parallel_loop3A_361 = arith.index_cast %parallel_loop3A_354 : i32 to index
      %parallel_loop3A_362 = arith.constant 0 : index
      %parallel_loop3A_363 = tpu.vector_load %arg10[%parallel_loop3A_361, %parallel_loop3A_362] {strides = array<i32>} : memref<80x128xf32, #tpu.memory_space<vmem>>, vector<1x16xf32>,
      %parallel_loop3A_364 = vector.shape_cast %parallel_loop3A_363 : vector<1x16xf32> to vector<16xf32>
      %parallel_loop3A_365 = arith.mulf %parallel_loop3A_360, %parallel_loop3A_364 : vector<16xf32>
      %parallel_loop3A_366 = arith.constant 1 : i32
      %parallel_loop3A_367 = arith.index_cast %parallel_loop3A_366 : i32 to index
      %parallel_loop3A_368 = arith.index_cast %parallel_loop3A_354 : i32 to index
      %parallel_loop3A_369 = arith.constant 0 : index
      %parallel_loop3A_370 = tpu.vector_load %arg8[%parallel_loop3A_367, %parallel_loop3A_368, %parallel_loop3A_369] {strides = array<i32>} : memref<2x80x128xf32, #tpu.memory_space<vmem>>, vector<1x1x16xf32>,
      %parallel_loop3A_371 = vector.shape_cast %parallel_loop3A_370 : vector<1x1x16xf32> to vector<16xf32>
      %parallel_loop3A_372 = vector.shape_cast %parallel_loop3A_365 : vector<16xf32> to vector<1x1x16xf32>
      tpu.vector_store %arg8[%parallel_loop3A_367, %parallel_loop3A_368, %parallel_loop3A_369], %parallel_loop3A_372 {strides = array<i32>} : memref<2x80x128xf32, #tpu.memory_space<vmem>>, vector<1x1x16xf32>,
      %parallel_loop3A_373 = arith.constant 1 : i32
      %parallel_loop3A_374 = arith.index_cast %parallel_loop3A_373 : i32 to index
      %parallel_loop3A_375 = arith.index_cast %parallel_loop3A_354 : i32 to index
      %parallel_loop3A_376 = arith.constant 16 : index
      %parallel_loop3A_377 = tpu.vector_load %arg8[%parallel_loop3A_374, %parallel_loop3A_375, %parallel_loop3A_376] {strides = array<i32>} : memref<2x80x128xf32, #tpu.memory_space<vmem>>, vector<1x1x16xf32>,
      %parallel_loop3A_378 = vector.shape_cast %parallel_loop3A_377 : vector<1x1x16xf32> to vector<16xf32>
      %parallel_loop3A_379 = arith.index_cast %parallel_loop3A_354 : i32 to index
      %parallel_loop3A_380 = arith.constant 16 : index
      %parallel_loop3A_381 = tpu.vector_load %arg10[%parallel_loop3A_379, %parallel_loop3A_380] {strides = array<i32>} : memref<80x128xf32, #tpu.memory_space<vmem>>, vector<1x16xf32>,
      %parallel_loop3A_382 = vector.shape_cast %parallel_loop3A_381 : vector<1x16xf32> to vector<16xf32>
      %parallel_loop3A_383 = arith.mulf %parallel_loop3A_378, %parallel_loop3A_382 : vector<16xf32>
      %parallel_loop3A_384 = arith.constant 1 : i32
      %parallel_loop3A_385 = arith.index_cast %parallel_loop3A_384 : i32 to index
      %parallel_loop3A_386 = arith.index_cast %parallel_loop3A_354 : i32 to index
      %parallel_loop3A_387 = arith.constant 16 : index
      %parallel_loop3A_388 = tpu.vector_load %arg8[%parallel_loop3A_385, %parallel_loop3A_386, %parallel_loop3A_387] {strides = array<i32>} : memref<2x80x128xf32, #tpu.memory_space<vmem>>, vector<1x1x16xf32>,
      %parallel_loop3A_389 = vector.shape_cast %parallel_loop3A_388 : vector<1x1x16xf32> to vector<16xf32>
      %parallel_loop3A_390 = vector.shape_cast %parallel_loop3A_383 : vector<16xf32> to vector<1x1x16xf32>
      tpu.vector_store %arg8[%parallel_loop3A_385, %parallel_loop3A_386, %parallel_loop3A_387], %parallel_loop3A_390 {strides = array<i32>} : memref<2x80x128xf32, #tpu.memory_space<vmem>>, vector<1x1x16xf32>,
      %parallel_loop3A_391 = arith.constant 1 : i32
      %parallel_loop3A_392 = arith.index_cast %parallel_loop3A_391 : i32 to index
      %parallel_loop3A_393 = arith.index_cast %parallel_loop3A_354 : i32 to index
      %parallel_loop3A_394 = arith.constant 32 : index
      %parallel_loop3A_395 = tpu.vector_load %arg8[%parallel_loop3A_392, %parallel_loop3A_393, %parallel_loop3A_394] {strides = array<i32>} : memref<2x80x128xf32, #tpu.memory_space<vmem>>, vector<1x1x16xf32>,
      %parallel_loop3A_396 = vector.shape_cast %parallel_loop3A_395 : vector<1x1x16xf32> to vector<16xf32>
      %parallel_loop3A_397 = arith.index_cast %parallel_loop3A_354 : i32 to index
      %parallel_loop3A_398 = arith.constant 32 : index
      %parallel_loop3A_399 = tpu.vector_load %arg10[%parallel_loop3A_397, %parallel_loop3A_398] {strides = array<i32>} : memref<80x128xf32, #tpu.memory_space<vmem>>, vector<1x16xf32>,
      %parallel_loop3A_400 = vector.shape_cast %parallel_loop3A_399 : vector<1x16xf32> to vector<16xf32>
      %parallel_loop3A_401 = arith.mulf %parallel_loop3A_396, %parallel_loop3A_400 : vector<16xf32>
      %parallel_loop3A_402 = arith.constant 1 : i32
      %parallel_loop3A_403 = arith.index_cast %parallel_loop3A_402 : i32 to index
      %parallel_loop3A_404 = arith.index_cast %parallel_loop3A_354 : i32 to index
      %parallel_loop3A_405 = arith.constant 32 : index
      %parallel_loop3A_406 = tpu.vector_load %arg8[%parallel_loop3A_403, %parallel_loop3A_404, %parallel_loop3A_405] {strides = array<i32>} : memref<2x80x128xf32, #tpu.memory_space<vmem>>, vector<1x1x16xf32>,
      %parallel_loop3A_407 = vector.shape_cast %parallel_loop3A_406 : vector<1x1x16xf32> to vector<16xf32>
      %parallel_loop3A_408 = vector.shape_cast %parallel_loop3A_401 : vector<16xf32> to vector<1x1x16xf32>
      tpu.vector_store %arg8[%parallel_loop3A_403, %parallel_loop3A_404, %parallel_loop3A_405], %parallel_loop3A_408 {strides = array<i32>} : memref<2x80x128xf32, #tpu.memory_space<vmem>>, vector<1x1x16xf32>,
      %parallel_loop3A_409 = arith.constant 1 : i32
      %parallel_loop3A_410 = arith.index_cast %parallel_loop3A_409 : i32 to index
      %parallel_loop3A_411 = arith.index_cast %parallel_loop3A_354 : i32 to index
      %parallel_loop3A_412 = arith.constant 48 : index
      %parallel_loop3A_413 = tpu.vector_load %arg8[%parallel_loop3A_410, %parallel_loop3A_411, %parallel_loop3A_412] {strides = array<i32>} : memref<2x80x128xf32, #tpu.memory_space<vmem>>, vector<1x1x16xf32>,
      %parallel_loop3A_414 = vector.shape_cast %parallel_loop3A_413 : vector<1x1x16xf32> to vector<16xf32>
      %parallel_loop3A_415 = arith.index_cast %parallel_loop3A_354 : i32 to index
      %parallel_loop3A_416 = arith.constant 48 : index
      %parallel_loop3A_417 = tpu.vector_load %arg10[%parallel_loop3A_415, %parallel_loop3A_416] {strides = array<i32>} : memref<80x128xf32, #tpu.memory_space<vmem>>, vector<1x16xf32>,
      %parallel_loop3A_418 = vector.shape_cast %parallel_loop3A_417 : vector<1x16xf32> to vector<16xf32>
      %parallel_loop3A_419 = arith.mulf %parallel_loop3A_414, %parallel_loop3A_418 : vector<16xf32>
      %parallel_loop3A_420 = arith.constant 1 : i32
      %parallel_loop3A_421 = arith.index_cast %parallel_loop3A_420 : i32 to index
      %parallel_loop3A_422 = arith.index_cast %parallel_loop3A_354 : i32 to index
      %parallel_loop3A_423 = arith.constant 48 : index
      %parallel_loop3A_424 = tpu.vector_load %arg8[%parallel_loop3A_421, %parallel_loop3A_422, %parallel_loop3A_423] {strides = array<i32>} : memref<2x80x128xf32, #tpu.memory_space<vmem>>, vector<1x1x16xf32>,
      %parallel_loop3A_425 = vector.shape_cast %parallel_loop3A_424 : vector<1x1x16xf32> to vector<16xf32>
      %parallel_loop3A_426 = vector.shape_cast %parallel_loop3A_419 : vector<16xf32> to vector<1x1x16xf32>
      tpu.vector_store %arg8[%parallel_loop3A_421, %parallel_loop3A_422, %parallel_loop3A_423], %parallel_loop3A_426 {strides = array<i32>} : memref<2x80x128xf32, #tpu.memory_space<vmem>>, vector<1x1x16xf32>,
      %parallel_loop3A_427 = arith.constant 1 : i32
      %parallel_loop3A_428 = arith.index_cast %parallel_loop3A_427 : i32 to index
      %parallel_loop3A_429 = arith.index_cast %parallel_loop3A_354 : i32 to index
      %parallel_loop3A_430 = arith.constant 64 : index
      %parallel_loop3A_431 = tpu.vector_load %arg8[%parallel_loop3A_428, %parallel_loop3A_429, %parallel_loop3A_430] {strides = array<i32>} : memref<2x80x128xf32, #tpu.memory_space<vmem>>, vector<1x1x16xf32>,
      %parallel_loop3A_432 = vector.shape_cast %parallel_loop3A_431 : vector<1x1x16xf32> to vector<16xf32>
      %parallel_loop3A_433 = arith.index_cast %parallel_loop3A_354 : i32 to index
      %parallel_loop3A_434 = arith.constant 64 : index
      %parallel_loop3A_435 = tpu.vector_load %arg10[%parallel_loop3A_433, %parallel_loop3A_434] {strides = array<i32>} : memref<80x128xf32, #tpu.memory_space<vmem>>, vector<1x16xf32>,
      %parallel_loop3A_436 = vector.shape_cast %parallel_loop3A_435 : vector<1x16xf32> to vector<16xf32>
      %parallel_loop3A_437 = arith.mulf %parallel_loop3A_432, %parallel_loop3A_436 : vector<16xf32>
      %parallel_loop3A_438 = arith.constant 1 : i32
      %parallel_loop3A_439 = arith.index_cast %parallel_loop3A_438 : i32 to index
      %parallel_loop3A_440 = arith.index_cast %parallel_loop3A_354 : i32 to index
      %parallel_loop3A_441 = arith.constant 64 : index
      %parallel_loop3A_442 = tpu.vector_load %arg8[%parallel_loop3A_439, %parallel_loop3A_440, %parallel_loop3A_441] {strides = array<i32>} : memref<2x80x128xf32, #tpu.memory_space<vmem>>, vector<1x1x16xf32>,
      %parallel_loop3A_443 = vector.shape_cast %parallel_loop3A_442 : vector<1x1x16xf32> to vector<16xf32>
      %parallel_loop3A_444 = vector.shape_cast %parallel_loop3A_437 : vector<16xf32> to vector<1x1x16xf32>
      tpu.vector_store %arg8[%parallel_loop3A_439, %parallel_loop3A_440, %parallel_loop3A_441], %parallel_loop3A_444 {strides = array<i32>} : memref<2x80x128xf32, #tpu.memory_space<vmem>>, vector<1x1x16xf32>,
      %parallel_loop3A_445 = arith.constant 1 : i32
      %parallel_loop3A_446 = arith.index_cast %parallel_loop3A_445 : i32 to index
      %parallel_loop3A_447 = arith.index_cast %parallel_loop3A_354 : i32 to index
      %parallel_loop3A_448 = arith.constant 80 : index
      %parallel_loop3A_449 = tpu.vector_load %arg8[%parallel_loop3A_446, %parallel_loop3A_447, %parallel_loop3A_448] {strides = array<i32>} : memref<2x80x128xf32, #tpu.memory_space<vmem>>, vector<1x1x16xf32>,
      %parallel_loop3A_450 = vector.shape_cast %parallel_loop3A_449 : vector<1x1x16xf32> to vector<16xf32>
      %parallel_loop3A_451 = arith.index_cast %parallel_loop3A_354 : i32 to index
      %parallel_loop3A_452 = arith.constant 80 : index
      %parallel_loop3A_453 = tpu.vector_load %arg10[%parallel_loop3A_451, %parallel_loop3A_452] {strides = array<i32>} : memref<80x128xf32, #tpu.memory_space<vmem>>, vector<1x16xf32>,
      %parallel_loop3A_454 = vector.shape_cast %parallel_loop3A_453 : vector<1x16xf32> to vector<16xf32>
      %parallel_loop3A_455 = arith.mulf %parallel_loop3A_450, %parallel_loop3A_454 : vector<16xf32>
      %parallel_loop3A_456 = arith.constant 1 : i32
      %parallel_loop3A_457 = arith.index_cast %parallel_loop3A_456 : i32 to index
      %parallel_loop3A_458 = arith.index_cast %parallel_loop3A_354 : i32 to index
      %parallel_loop3A_459 = arith.constant 80 : index
      %parallel_loop3A_460 = tpu.vector_load %arg8[%parallel_loop3A_457, %parallel_loop3A_458, %parallel_loop3A_459] {strides = array<i32>} : memref<2x80x128xf32, #tpu.memory_space<vmem>>, vector<1x1x16xf32>,
      %parallel_loop3A_461 = vector.shape_cast %parallel_loop3A_460 : vector<1x1x16xf32> to vector<16xf32>
      %parallel_loop3A_462 = vector.shape_cast %parallel_loop3A_455 : vector<16xf32> to vector<1x1x16xf32>
      tpu.vector_store %arg8[%parallel_loop3A_457, %parallel_loop3A_458, %parallel_loop3A_459], %parallel_loop3A_462 {strides = array<i32>} : memref<2x80x128xf32, #tpu.memory_space<vmem>>, vector<1x1x16xf32>,
      %parallel_loop3A_463 = arith.constant 1 : i32
      %parallel_loop3A_464 = arith.index_cast %parallel_loop3A_463 : i32 to index
      %parallel_loop3A_465 = arith.index_cast %parallel_loop3A_354 : i32 to index
      %parallel_loop3A_466 = arith.constant 96 : index
      %parallel_loop3A_467 = tpu.vector_load %arg8[%parallel_loop3A_464, %parallel_loop3A_465, %parallel_loop3A_466] {strides = array<i32>} : memref<2x80x128xf32, #tpu.memory_space<vmem>>, vector<1x1x16xf32>,
      %parallel_loop3A_468 = vector.shape_cast %parallel_loop3A_467 : vector<1x1x16xf32> to vector<16xf32>
      %parallel_loop3A_469 = arith.index_cast %parallel_loop3A_354 : i32 to index
      %parallel_loop3A_470 = arith.constant 96 : index
      %parallel_loop3A_471 = tpu.vector_load %arg10[%parallel_loop3A_469, %parallel_loop3A_470] {strides = array<i32>} : memref<80x128xf32, #tpu.memory_space<vmem>>, vector<1x16xf32>,
      %parallel_loop3A_472 = vector.shape_cast %parallel_loop3A_471 : vector<1x16xf32> to vector<16xf32>
      %parallel_loop3A_473 = arith.mulf %parallel_loop3A_468, %parallel_loop3A_472 : vector<16xf32>
      %parallel_loop3A_474 = arith.constant 1 : i32
      %parallel_loop3A_475 = arith.index_cast %parallel_loop3A_474 : i32 to index
      %parallel_loop3A_476 = arith.index_cast %parallel_loop3A_354 : i32 to index
      %parallel_loop3A_477 = arith.constant 96 : index
      %parallel_loop3A_478 = tpu.vector_load %arg8[%parallel_loop3A_475, %parallel_loop3A_476, %parallel_loop3A_477] {strides = array<i32>} : memref<2x80x128xf32, #tpu.memory_space<vmem>>, vector<1x1x16xf32>,
      %parallel_loop3A_479 = vector.shape_cast %parallel_loop3A_478 : vector<1x1x16xf32> to vector<16xf32>
      %parallel_loop3A_480 = vector.shape_cast %parallel_loop3A_473 : vector<16xf32> to vector<1x1x16xf32>
      tpu.vector_store %arg8[%parallel_loop3A_475, %parallel_loop3A_476, %parallel_loop3A_477], %parallel_loop3A_480 {strides = array<i32>} : memref<2x80x128xf32, #tpu.memory_space<vmem>>, vector<1x1x16xf32>,
      %parallel_loop3A_481 = arith.constant 1 : i32
      %parallel_loop3A_482 = arith.index_cast %parallel_loop3A_481 : i32 to index
      %parallel_loop3A_483 = arith.index_cast %parallel_loop3A_354 : i32 to index
      %parallel_loop3A_484 = arith.constant 112 : index
      %parallel_loop3A_485 = tpu.vector_load %arg8[%parallel_loop3A_482, %parallel_loop3A_483, %parallel_loop3A_484] {strides = array<i32>} : memref<2x80x128xf32, #tpu.memory_space<vmem>>, vector<1x1x16xf32>,
      %parallel_loop3A_486 = vector.shape_cast %parallel_loop3A_485 : vector<1x1x16xf32> to vector<16xf32>
      %parallel_loop3A_487 = arith.index_cast %parallel_loop3A_354 : i32 to index
      %parallel_loop3A_488 = arith.constant 112 : index
      %parallel_loop3A_489 = tpu.vector_load %arg10[%parallel_loop3A_487, %parallel_loop3A_488] {strides = array<i32>} : memref<80x128xf32, #tpu.memory_space<vmem>>, vector<1x16xf32>,
      %parallel_loop3A_490 = vector.shape_cast %parallel_loop3A_489 : vector<1x16xf32> to vector<16xf32>
      %parallel_loop3A_491 = arith.mulf %parallel_loop3A_486, %parallel_loop3A_490 : vector<16xf32>
      %parallel_loop3A_492 = arith.constant 1 : i32
      %parallel_loop3A_493 = arith.index_cast %parallel_loop3A_492 : i32 to index
      %parallel_loop3A_494 = arith.index_cast %parallel_loop3A_354 : i32 to index
      %parallel_loop3A_495 = arith.constant 112 : index
      %parallel_loop3A_496 = tpu.vector_load %arg8[%parallel_loop3A_493, %parallel_loop3A_494, %parallel_loop3A_495] {strides = array<i32>} : memref<2x80x128xf32, #tpu.memory_space<vmem>>, vector<1x1x16xf32>,
      %parallel_loop3A_497 = vector.shape_cast %parallel_loop3A_496 : vector<1x1x16xf32> to vector<16xf32>
      %parallel_loop3A_498 = vector.shape_cast %parallel_loop3A_491 : vector<16xf32> to vector<1x1x16xf32>
      tpu.vector_store %arg8[%parallel_loop3A_493, %parallel_loop3A_494, %parallel_loop3A_495], %parallel_loop3A_498 {strides = array<i32>} : memref<2x80x128xf32, #tpu.memory_space<vmem>>, vector<1x1x16xf32>,
    } {sc.loop_unroll_factor = 4 : i64, sc.parallel_access}
    %add3A_245 = arith.constant 0 : i32
    %add3A_246 = arith.addi %add3A_245, %mul3A_38 : i32
    %add3A_247 = arith.constant 5040 : i32
    %add3A_248 = arith.addi %add3A_246, %add3A_247 : i32
    %dma_start3A_249 = arith.constant 1 : i32
    %dma_start3A_250 = arith.constant 1 : i32
    %dma_start3A_251 = arith.constant 0 : i32
    %dma_start3A_252 = arith.constant 0 : i32
    %dma_start3A_253 = tpu.memref_slice %arg8[%dma_start3A_249, %dma_start3A_251, %dma_start3A_252] : memref<2x80x128xf32, #tpu.memory_space<vmem>> -> memref<1x80x128xf32, #tpu.memory_space<vmem>>
    %dma_start3A_254 = tpu.memref_squeeze %dma_start3A_253 : memref<1x80x128xf32, #tpu.memory_space<vmem>> -> memref<80x128xf32, #tpu.memory_space<vmem>>
    %dma_start3A_255 = arith.constant 0 : i32
    %dma_start3A_256 = tpu.memref_slice %arg5[%add3A_248, %dma_start3A_255] : memref<320000x128xf32, #tpu.memory_space<hbm>> -> memref<80x128xf32, #tpu.memory_space<hbm>>
    %dma_start3A_257 = tpu.memref_slice %arg14[%dma_start3A_250] : memref<2x!tpu.dma_semaphore, #tpu.memory_space<semaphore_mem>> -> memref<1x!tpu.dma_semaphore, #tpu.memory_space<semaphore_mem>>
    %dma_start3A_258 = tpu.memref_squeeze %dma_start3A_257 : memref<1x!tpu.dma_semaphore, #tpu.memory_space<semaphore_mem>> -> memref<!tpu.dma_semaphore, #tpu.memory_space<semaphore_mem>>
    %dma_start3A_259 = arith.constant 0 : i32
    %dma_start3A_260 = tpu.memref_slice %arg5[%add3A_248, %dma_start3A_259] : memref<320000x128xf32, #tpu.memory_space<hbm>> -> memref<80x128xf32, #tpu.memory_space<hbm>>
    %dma_start3A_261 = arith.constant 0 : i32
    %dma_start3A_262 = arith.constant 0 : i32
    %dma_start3A_263 = tpu.memref_slice %arg8[%dma_start3A_249, %dma_start3A_261, %dma_start3A_262] : memref<2x80x128xf32, #tpu.memory_space<vmem>> -> memref<1x80x128xf32, #tpu.memory_space<vmem>>
    %dma_start3A_264 = tpu.memref_squeeze %dma_start3A_263 : memref<1x80x128xf32, #tpu.memory_space<vmem>> -> memref<80x128xf32, #tpu.memory_space<vmem>>
    tpu.enqueue_dma source(%dma_start3A_264 : memref<80x128xf32, #tpu.memory_space<vmem>>) target(%dma_start3A_260 : memref<80x128xf32, #tpu.memory_space<hbm>>) target_semaphore(%dma_start3A_258 : memref<!tpu.dma_semaphore, #tpu.memory_space<semaphore_mem>>)
    %dma_start3A_265 = arith.constant 1 : i32
    %dma_start3A_266 = arith.constant 1 : i32
    %dma_start3A_267 = arith.constant 7 : i32
    %dma_start3A_268 = arith.constant 1 : i32
    %dma_start3A_269 = arith.constant 0 : i32
    %dma_start3A_270 = arith.constant 0 : i32
    %dma_start3A_271 = tpu.memref_slice %arg8[%dma_start3A_265, %dma_start3A_269, %dma_start3A_270] : memref<2x80x128xf32, #tpu.memory_space<vmem>> -> memref<1x80x128xf32, #tpu.memory_space<vmem>>
    %dma_start3A_272 = tpu.memref_squeeze %dma_start3A_271 : memref<1x80x128xf32, #tpu.memory_space<vmem>> -> memref<80x128xf32, #tpu.memory_space<vmem>>
    %dma_start3A_273 = arith.constant 0 : i32
    %dma_start3A_274 = tpu.memref_slice %arg7[%dma_start3A_266, %dma_start3A_267, %dma_start3A_273] : memref<2x8x80xi32, #tpu.memory_space<vmem>> -> memref<1x1x80xi32, #tpu.memory_space<vmem>>
    %dma_start3A_275 = tpu.memref_squeeze %dma_start3A_274 : memref<1x1x80xi32, #tpu.memory_space<vmem>> -> memref<80xi32, #tpu.memory_space<vmem>>
    %dma_start3A_276 = arith.constant 0 : i32
    %dma_start3A_277 = arith.constant 0 : i32
    %dma_start3A_278 = tpu.memref_slice %arg11[%dma_start3A_276, %dma_start3A_277] : memref<10240x128xf32, #tpu.memory_space<vmem_shared>> -> memref<10240x128xf32, #tpu.memory_space<vmem_shared>>
    %dma_start3A_279 = tpu.memref_slice %arg15[%dma_start3A_268] : memref<2x!tpu.dma_semaphore, #tpu.memory_space<semaphore_mem>> -> memref<1x!tpu.dma_semaphore, #tpu.memory_space<semaphore_mem>>
    %dma_start3A_280 = tpu.memref_squeeze %dma_start3A_279 : memref<1x!tpu.dma_semaphore, #tpu.memory_space<semaphore_mem>> -> memref<!tpu.dma_semaphore, #tpu.memory_space<semaphore_mem>>
    tpu.enqueue_indirect_dma source(%dma_start3A_272 : memref<80x128xf32, #tpu.memory_space<vmem>>) target(%dma_start3A_278 : memref<10240x128xf32, #tpu.memory_space<vmem_shared>>) offsets(%dma_start3A_275 : memref<80xi32, #tpu.memory_space<vmem>>) semaphore(%dma_start3A_280 : memref<!tpu.dma_semaphore, #tpu.memory_space<semaphore_mem>>) {add = true}
    %add3A_281 = arith.constant 0 : i32
    %add3A_282 = arith.addi %add3A_281, %mul3A_38 : i32
    %add3A_283 = arith.constant 4960 : i32
    %add3A_284 = arith.addi %add3A_282, %add3A_283 : i32
    %dma_wait3A_285 = arith.constant 0 : i32
    %dma_wait3A_286 = arith.constant 0 : i32
    %dma_wait3A_287 = arith.constant 0 : i32
    %dma_wait3A_288 = arith.constant 0 : i32
    %dma_wait3A_289 = tpu.memref_slice %arg8[%dma_wait3A_285, %dma_wait3A_287, %dma_wait3A_288] : memref<2x80x128xf32, #tpu.memory_space<vmem>> -> memref<1x80x128xf32, #tpu.memory_space<vmem>>
    %dma_wait3A_290 = tpu.memref_squeeze %dma_wait3A_289 : memref<1x80x128xf32, #tpu.memory_space<vmem>> -> memref<80x128xf32, #tpu.memory_space<vmem>>
    %dma_wait3A_291 = arith.constant 0 : i32
    %dma_wait3A_292 = tpu.memref_slice %arg5[%add3A_284, %dma_wait3A_291] : memref<320000x128xf32, #tpu.memory_space<hbm>> -> memref<80x128xf32, #tpu.memory_space<hbm>>
    %dma_wait3A_293 = tpu.memref_slice %arg14[%dma_wait3A_286] : memref<2x!tpu.dma_semaphore, #tpu.memory_space<semaphore_mem>> -> memref<1x!tpu.dma_semaphore, #tpu.memory_space<semaphore_mem>>
    %dma_wait3A_294 = tpu.memref_squeeze %dma_wait3A_293 : memref<1x!tpu.dma_semaphore, #tpu.memory_space<semaphore_mem>> -> memref<!tpu.dma_semaphore, #tpu.memory_space<semaphore_mem>>
    %dma_wait3A_295 = arith.constant 0 : i32
    %dma_wait3A_296 = tpu.memref_slice %arg5[%add3A_284, %dma_wait3A_295] : memref<320000x128xf32, #tpu.memory_space<hbm>> -> memref<80x128xf32, #tpu.memory_space<hbm>>
    %dma_wait3A_297 = arith.constant 0 : i32
    %dma_wait3A_298 = arith.constant 0 : i32
    %dma_wait3A_299 = tpu.memref_slice %arg8[%dma_wait3A_285, %dma_wait3A_297, %dma_wait3A_298] : memref<2x80x128xf32, #tpu.memory_space<vmem>> -> memref<1x80x128xf32, #tpu.memory_space<vmem>>
    %dma_wait3A_300 = tpu.memref_squeeze %dma_wait3A_299 : memref<1x80x128xf32, #tpu.memory_space<vmem>> -> memref<80x128xf32, #tpu.memory_space<vmem>>
    tpu.wait_dma2 semaphore(%dma_wait3A_294 : memref<!tpu.dma_semaphore, #tpu.memory_space<semaphore_mem>>) src(%dma_wait3A_300 : memref<80x128xf32, #tpu.memory_space<vmem>>) dst(%dma_wait3A_296 : memref<80x128xf32, #tpu.memory_space<hbm>>)
    %dma_wait3A_301 = arith.constant 0 : i32
    %dma_wait3A_302 = arith.constant 1 : i32
    %dma_wait3A_303 = arith.constant 6 : i32
    %dma_wait3A_304 = arith.constant 0 : i32
    %dma_wait3A_305 = arith.constant 0 : i32
    %dma_wait3A_306 = arith.constant 0 : i32
    %dma_wait3A_307 = tpu.memref_slice %arg8[%dma_wait3A_301, %dma_wait3A_305, %dma_wait3A_306] : memref<2x80x128xf32, #tpu.memory_space<vmem>> -> memref<1x80x128xf32, #tpu.memory_space<vmem>>
    %dma_wait3A_308 = tpu.memref_squeeze %dma_wait3A_307 : memref<1x80x128xf32, #tpu.memory_space<vmem>> -> memref<80x128xf32, #tpu.memory_space<vmem>>
    %dma_wait3A_309 = arith.constant 0 : i32
    %dma_wait3A_310 = tpu.memref_slice %arg7[%dma_wait3A_302, %dma_wait3A_303, %dma_wait3A_309] : memref<2x8x80xi32, #tpu.memory_space<vmem>> -> memref<1x1x80xi32, #tpu.memory_space<vmem>>
    %dma_wait3A_311 = tpu.memref_squeeze %dma_wait3A_310 : memref<1x1x80xi32, #tpu.memory_space<vmem>> -> memref<80xi32, #tpu.memory_space<vmem>>
    %dma_wait3A_312 = arith.constant 0 : i32
    %dma_wait3A_313 = arith.constant 0 : i32
    %dma_wait3A_314 = tpu.memref_slice %arg11[%dma_wait3A_312, %dma_wait3A_313] : memref<10240x128xf32, #tpu.memory_space<vmem_shared>> -> memref<10240x128xf32, #tpu.memory_space<vmem_shared>>
    %dma_wait3A_315 = tpu.memref_slice %arg15[%dma_wait3A_304] : memref<2x!tpu.dma_semaphore, #tpu.memory_space<semaphore_mem>> -> memref<1x!tpu.dma_semaphore, #tpu.memory_space<semaphore_mem>>
    %dma_wait3A_316 = tpu.memref_squeeze %dma_wait3A_315 : memref<1x!tpu.dma_semaphore, #tpu.memory_space<semaphore_mem>> -> memref<!tpu.dma_semaphore, #tpu.memory_space<semaphore_mem>>
    tpu.wait_indirect_dma semaphore(%dma_wait3A_316 : memref<!tpu.dma_semaphore, #tpu.memory_space<semaphore_mem>>) src(%dma_wait3A_308 : memref<80x128xf32, #tpu.memory_space<vmem>>) dst(%dma_wait3A_314 : memref<10240x128xf32, #tpu.memory_space<vmem_shared>>)
    %add3A_317 = arith.constant 0 : i32
    %add3A_318 = arith.addi %add3A_317, %mul3A_38 : i32
    %add3A_319 = arith.constant 5040 : i32
    %add3A_320 = arith.addi %add3A_318, %add3A_319 : i32
    %dma_wait3A_321 = arith.constant 1 : i32
    %dma_wait3A_322 = arith.constant 1 : i32
    %dma_wait3A_323 = arith.constant 0 : i32
    %dma_wait3A_324 = arith.constant 0 : i32
    %dma_wait3A_325 = tpu.memref_slice %arg8[%dma_wait3A_321, %dma_wait3A_323, %dma_wait3A_324] : memref<2x80x128xf32, #tpu.memory_space<vmem>> -> memref<1x80x128xf32, #tpu.memory_space<vmem>>
    %dma_wait3A_326 = tpu.memref_squeeze %dma_wait3A_325 : memref<1x80x128xf32, #tpu.memory_space<vmem>> -> memref<80x128xf32, #tpu.memory_space<vmem>>
    %dma_wait3A_327 = arith.constant 0 : i32
    %dma_wait3A_328 = tpu.memref_slice %arg5[%add3A_320, %dma_wait3A_327] : memref<320000x128xf32, #tpu.memory_space<hbm>> -> memref<80x128xf32, #tpu.memory_space<hbm>>
    %dma_wait3A_329 = tpu.memref_slice %arg14[%dma_wait3A_322] : memref<2x!tpu.dma_semaphore, #tpu.memory_space<semaphore_mem>> -> memref<1x!tpu.dma_semaphore, #tpu.memory_space<semaphore_mem>>
    %dma_wait3A_330 = tpu.memref_squeeze %dma_wait3A_329 : memref<1x!tpu.dma_semaphore, #tpu.memory_space<semaphore_mem>> -> memref<!tpu.dma_semaphore, #tpu.memory_space<semaphore_mem>>
    %dma_wait3A_331 = arith.constant 0 : i32
    %dma_wait3A_332 = tpu.memref_slice %arg5[%add3A_320, %dma_wait3A_331] : memref<320000x128xf32, #tpu.memory_space<hbm>> -> memref<80x128xf32, #tpu.memory_space<hbm>>
    %dma_wait3A_333 = arith.constant 0 : i32
    %dma_wait3A_334 = arith.constant 0 : i32
    %dma_wait3A_335 = tpu.memref_slice %arg8[%dma_wait3A_321, %dma_wait3A_333, %dma_wait3A_334] : memref<2x80x128xf32, #tpu.memory_space<vmem>> -> memref<1x80x128xf32, #tpu.memory_space<vmem>>
    %dma_wait3A_336 = tpu.memref_squeeze %dma_wait3A_335 : memref<1x80x128xf32, #tpu.memory_space<vmem>> -> memref<80x128xf32, #tpu.memory_space<vmem>>
    tpu.wait_dma2 semaphore(%dma_wait3A_330 : memref<!tpu.dma_semaphore, #tpu.memory_space<semaphore_mem>>) src(%dma_wait3A_336 : memref<80x128xf32, #tpu.memory_space<vmem>>) dst(%dma_wait3A_332 : memref<80x128xf32, #tpu.memory_space<hbm>>)
    %dma_wait3A_337 = arith.constant 1 : i32
    %dma_wait3A_338 = arith.constant 1 : i32
    %dma_wait3A_339 = arith.constant 7 : i32
    %dma_wait3A_340 = arith.constant 1 : i32
    %dma_wait3A_341 = arith.constant 0 : i32
    %dma_wait3A_342 = arith.constant 0 : i32
    %dma_wait3A_343 = tpu.memref_slice %arg8[%dma_wait3A_337, %dma_wait3A_341, %dma_wait3A_342] : memref<2x80x128xf32, #tpu.memory_space<vmem>> -> memref<1x80x128xf32, #tpu.memory_space<vmem>>
    %dma_wait3A_344 = tpu.memref_squeeze %dma_wait3A_343 : memref<1x80x128xf32, #tpu.memory_space<vmem>> -> memref<80x128xf32, #tpu.memory_space<vmem>>
    %dma_wait3A_345 = arith.constant 0 : i32
    %dma_wait3A_346 = tpu.memref_slice %arg7[%dma_wait3A_338, %dma_wait3A_339, %dma_wait3A_345] : memref<2x8x80xi32, #tpu.memory_space<vmem>> -> memref<1x1x80xi32, #tpu.memory_space<vmem>>
    %dma_wait3A_347 = tpu.memref_squeeze %dma_wait3A_346 : memref<1x1x80xi32, #tpu.memory_space<vmem>> -> memref<80xi32, #tpu.memory_space<vmem>>
    %dma_wait3A_348 = arith.constant 0 : i32
    %dma_wait3A_349 = arith.constant 0 : i32
    %dma_wait3A_350 = tpu.memref_slice %arg11[%dma_wait3A_348, %dma_wait3A_349] : memref<10240x128xf32, #tpu.memory_space<vmem_shared>> -> memref<10240x128xf32, #tpu.memory_space<vmem_shared>>
    %dma_wait3A_351 = tpu.memref_slice %arg15[%dma_wait3A_340] : memref<2x!tpu.dma_semaphore, #tpu.memory_space<semaphore_mem>> -> memref<1x!tpu.dma_semaphore, #tpu.memory_space<semaphore_mem>>
    %dma_wait3A_352 = tpu.memref_squeeze %dma_wait3A_351 : memref<1x!tpu.dma_semaphore, #tpu.memory_space<semaphore_mem>> -> memref<!tpu.dma_semaphore, #tpu.memory_space<semaphore_mem>>
    tpu.wait_indirect_dma semaphore(%dma_wait3A_352 : memref<!tpu.dma_semaphore, #tpu.memory_space<semaphore_mem>>) src(%dma_wait3A_344 : memref<80x128xf32, #tpu.memory_space<vmem>>) dst(%dma_wait3A_350 : memref<10240x128xf32, #tpu.memory_space<vmem_shared>>)
    %barrier3A_353 = arith.constant 0 : index
    tpu.barrier barrier_id(%barrier3A_353)
    "tpu.region"() ({
      %run_scoped3A_354 = tpu.sem_alloc : memref<!tpu.dma_semaphore, #tpu.memory_space<semaphore_mem>>
      %dma_start3A_355 = arith.constant 0 : i32
      %dma_start3A_356 = tpu.memref_slice %arg6[%arg0, %mul3A_2, %dma_start3A_355] : memref<2x10240x128xf32, #tpu.memory_space<hbm>> -> memref<1x640x128xf32, #tpu.memory_space<hbm>>
      %dma_start3A_357 = tpu.memref_squeeze %dma_start3A_356 : memref<1x640x128xf32, #tpu.memory_space<hbm>> -> memref<640x128xf32, #tpu.memory_space<hbm>>
      %dma_start3A_358 = arith.constant 0 : i32
      %dma_start3A_359 = tpu.memref_slice %arg11[%mul3A_2, %dma_start3A_358] : memref<10240x128xf32, #tpu.memory_space<vmem_shared>> -> memref<640x128xf32, #tpu.memory_space<vmem_shared>>
      tpu.enqueue_dma source(%dma_start3A_359 : memref<640x128xf32, #tpu.memory_space<vmem_shared>>) target(%dma_start3A_357 : memref<640x128xf32, #tpu.memory_space<hbm>>) target_semaphore(%run_scoped3A_354 : memref<!tpu.dma_semaphore, #tpu.memory_space<semaphore_mem>>)
      %dma_wait3A_360 = arith.constant 0 : i32
      %dma_wait3A_361 = tpu.memref_slice %arg6[%arg0, %mul3A_2, %dma_wait3A_360] : memref<2x10240x128xf32, #tpu.memory_space<hbm>> -> memref<1x640x128xf32, #tpu.memory_space<hbm>>
      %dma_wait3A_362 = tpu.memref_squeeze %dma_wait3A_361 : memref<1x640x128xf32, #tpu.memory_space<hbm>> -> memref<640x128xf32, #tpu.memory_space<hbm>>
      %dma_wait3A_363 = arith.constant 0 : i32
      %dma_wait3A_364 = tpu.memref_slice %arg11[%mul3A_2, %dma_wait3A_363] : memref<10240x128xf32, #tpu.memory_space<vmem_shared>> -> memref<640x128xf32, #tpu.memory_space<vmem_shared>>
      tpu.wait_dma2 semaphore(%run_scoped3A_354 : memref<!tpu.dma_semaphore, #tpu.memory_space<semaphore_mem>>) src(%dma_wait3A_364 : memref<640x128xf32, #tpu.memory_space<vmem_shared>>) dst(%dma_wait3A_362 : memref<640x128xf32, #tpu.memory_space<hbm>>)
      tpu.yield
    }) : () -> ()
    return
  }
}

#map = affine_map<(d0, d1) -> (0, 0)>
#map1 = affine_map<(d0, d1) -> (0, 0, 0, 0)>
#map2 = affine_map<(d0, d1) -> (0, 0, 0)>
module attributes {stable_mosaic.version = 14 : i64} {
  func.func @new_body(%arg0: i32, %arg1: i32, %arg2: memref<10000x128xf32, #tpu.memory_space<hbm>>, %arg3: memref<32x8x8x80xi32, #tpu.memory_space<hbm>>, %arg4: memref<156160x128xf32, #tpu.memory_space<hbm>>, %arg5: memref<2x10240x128xf32, #tpu.memory_space<hbm>>, %arg6: memref<320000x128xf32, #tpu.memory_space<hbm>>, %arg7: memref<2x10240x128xf32, #tpu.memory_space<hbm>>, %arg8: memref<320000x128xf32, #tpu.memory_space<hbm>>, %arg9: memref<2x8x80xi32, #tpu.memory_space<vmem>>, %arg10: memref<2x80x128xf32, #tpu.memory_space<vmem>>, %arg11: memref<80x128xf32, #tpu.memory_space<vmem>>, %arg12: memref<80x128xf32, #tpu.memory_space<vmem>>, %arg13: memref<10240x128xf32, #tpu.memory_space<vmem_shared>>, %arg14: memref<2x!tpu.dma_semaphore, #tpu.memory_space<semaphore_mem>>, %arg15: memref<2x!tpu.dma_semaphore, #tpu.memory_space<semaphore_mem>>, %arg16: memref<2x!tpu.dma_semaphore, #tpu.memory_space<semaphore_mem>>, %arg17: memref<2x!tpu.dma_semaphore, #tpu.memory_space<semaphore_mem>>, %arg18: memref<2x!tpu.dma_semaphore, #tpu.memory_space<semaphore_mem>>) attributes {dimension_semantics = [#tpu.dimension_semantics<core_parallel>, #tpu.dimension_semantics<subcore_parallel>], iteration_bounds = array<i64: 2, 16>, scalar_prefetch = 0 : i64, scratch_operands = 10 : i64, tpu.core_type = #tpu.core_type<sc_vector_subcore>, window_params = [{transform_indices = #map}, {transform_indices = #map1}, {transform_indices = #map}, {transform_indices = #map2}, {transform_indices = #map}, {transform_indices = #map2}, {transform_indices = #map}]} {
    %mul3A = arith.constant 16 : i32
    %mul3A_0 = arith.muli %arg0, %mul3A : i32
    %add3A = arith.addi %mul3A_0, %arg1 : i32
    %mul3A_1 = arith.constant 640 : i32
    %mul3A_2 = arith.muli %arg1, %mul3A_1 : i32
    "tpu.region"() ({
      %run_scoped3A_170 = tpu.sem_alloc : memref<!tpu.dma_semaphore, #tpu.memory_space<semaphore_mem>>
      %dma_start3A_171 = arith.constant 0 : i32
      %dma_start3A_172 = tpu.memref_slice %arg13[%mul3A_2, %dma_start3A_171] : memref<10240x128xf32, #tpu.memory_space<vmem_shared>> -> memref<640x128xf32, #tpu.memory_space<vmem_shared>>
      %dma_start3A_173 = arith.constant 0 : i32
      %dma_start3A_174 = tpu.memref_slice %arg5[%arg0, %mul3A_2, %dma_start3A_173] : memref<2x10240x128xf32, #tpu.memory_space<hbm>> -> memref<1x640x128xf32, #tpu.memory_space<hbm>>
      %dma_start3A_175 = tpu.memref_squeeze %dma_start3A_174 : memref<1x640x128xf32, #tpu.memory_space<hbm>> -> memref<640x128xf32, #tpu.memory_space<hbm>>
      tpu.enqueue_dma source(%dma_start3A_175 : memref<640x128xf32, #tpu.memory_space<hbm>>) target(%dma_start3A_172 : memref<640x128xf32, #tpu.memory_space<vmem_shared>>) target_semaphore(%run_scoped3A_170 : memref<!tpu.dma_semaphore, #tpu.memory_space<semaphore_mem>>)
      %dma_wait3A_176 = arith.constant 0 : i32
      %dma_wait3A_177 = tpu.memref_slice %arg13[%mul3A_2, %dma_wait3A_176] : memref<10240x128xf32, #tpu.memory_space<vmem_shared>> -> memref<640x128xf32, #tpu.memory_space<vmem_shared>>
      %dma_wait3A_178 = arith.constant 0 : i32
      %dma_wait3A_179 = tpu.memref_slice %arg5[%arg0, %mul3A_2, %dma_wait3A_178] : memref<2x10240x128xf32, #tpu.memory_space<hbm>> -> memref<1x640x128xf32, #tpu.memory_space<hbm>>
      %dma_wait3A_180 = tpu.memref_squeeze %dma_wait3A_179 : memref<1x640x128xf32, #tpu.memory_space<hbm>> -> memref<640x128xf32, #tpu.memory_space<hbm>>
      tpu.wait_dma2 semaphore(%run_scoped3A_170 : memref<!tpu.dma_semaphore, #tpu.memory_space<semaphore_mem>>) src(%dma_wait3A_180 : memref<640x128xf32, #tpu.memory_space<hbm>>) dst(%dma_wait3A_177 : memref<640x128xf32, #tpu.memory_space<vmem_shared>>)
      tpu.yield
    }) : () -> ()
    %barrier3A = arith.constant 0 : index
    tpu.barrier barrier_id(%barrier3A)
    %mul3A_3 = arith.constant 4880 : i32
    %mul3A_4 = arith.muli %add3A, %mul3A_3 : i32
    %run_scoped3A = arith.constant 0 : i32
    %run_scoped3A_5 = arith.constant 0 : i32
    "tpu.region"() ({
      %run_scoped3A_170 = tpu.sem_alloc : memref<!tpu.dma_semaphore, #tpu.memory_space<semaphore_mem>>
      %dma_start3A_171 = arith.constant 0 : i32
      %dma_start3A_172 = arith.constant 0 : i32
      %dma_start3A_173 = tpu.memref_slice %arg9[%run_scoped3A_5, %dma_start3A_171, %dma_start3A_172] : memref<2x8x80xi32, #tpu.memory_space<vmem>> -> memref<1x8x80xi32, #tpu.memory_space<vmem>>
      %dma_start3A_174 = tpu.memref_squeeze %dma_start3A_173 : memref<1x8x80xi32, #tpu.memory_space<vmem>> -> memref<8x80xi32, #tpu.memory_space<vmem>>
      %dma_start3A_175 = arith.constant 0 : i32
      %dma_start3A_176 = arith.constant 0 : i32
      %dma_start3A_177 = tpu.memref_slice %arg3[%add3A, %run_scoped3A, %dma_start3A_175, %dma_start3A_176] : memref<32x8x8x80xi32, #tpu.memory_space<hbm>> -> memref<1x1x8x80xi32, #tpu.memory_space<hbm>>
      %dma_start3A_178 = tpu.memref_squeeze %dma_start3A_177 : memref<1x1x8x80xi32, #tpu.memory_space<hbm>> -> memref<8x80xi32, #tpu.memory_space<hbm>>
      %dma_start3A_179 = arith.constant 0 : i32
      %dma_start3A_180 = arith.constant 0 : i32
      %dma_start3A_181 = tpu.memref_slice %arg9[%run_scoped3A_5, %dma_start3A_179, %dma_start3A_180] : memref<2x8x80xi32, #tpu.memory_space<vmem>> -> memref<1x8x80xi32, #tpu.memory_space<vmem>>
      %dma_start3A_182 = tpu.memref_squeeze %dma_start3A_181 : memref<1x8x80xi32, #tpu.memory_space<vmem>> -> memref<8x80xi32, #tpu.memory_space<vmem>>
      %dma_start3A_183 = arith.constant 0 : i32
      %dma_start3A_184 = arith.constant 0 : i32
      %dma_start3A_185 = tpu.memref_slice %arg3[%add3A, %run_scoped3A, %dma_start3A_183, %dma_start3A_184] : memref<32x8x8x80xi32, #tpu.memory_space<hbm>> -> memref<1x1x8x80xi32, #tpu.memory_space<hbm>>
      %dma_start3A_186 = tpu.memref_squeeze %dma_start3A_185 : memref<1x1x8x80xi32, #tpu.memory_space<hbm>> -> memref<8x80xi32, #tpu.memory_space<hbm>>
      tpu.enqueue_dma source(%dma_start3A_186 : memref<8x80xi32, #tpu.memory_space<hbm>>) target(%dma_start3A_182 : memref<8x80xi32, #tpu.memory_space<vmem>>) target_semaphore(%run_scoped3A_170 : memref<!tpu.dma_semaphore, #tpu.memory_space<semaphore_mem>>)
      %dma_wait3A_187 = arith.constant 0 : i32
      %dma_wait3A_188 = arith.constant 0 : i32
      %dma_wait3A_189 = tpu.memref_slice %arg9[%run_scoped3A_5, %dma_wait3A_187, %dma_wait3A_188] : memref<2x8x80xi32, #tpu.memory_space<vmem>> -> memref<1x8x80xi32, #tpu.memory_space<vmem>>
      %dma_wait3A_190 = tpu.memref_squeeze %dma_wait3A_189 : memref<1x8x80xi32, #tpu.memory_space<vmem>> -> memref<8x80xi32, #tpu.memory_space<vmem>>
      %dma_wait3A_191 = arith.constant 0 : i32
      %dma_wait3A_192 = arith.constant 0 : i32
      %dma_wait3A_193 = tpu.memref_slice %arg3[%add3A, %run_scoped3A, %dma_wait3A_191, %dma_wait3A_192] : memref<32x8x8x80xi32, #tpu.memory_space<hbm>> -> memref<1x1x8x80xi32, #tpu.memory_space<hbm>>
      %dma_wait3A_194 = tpu.memref_squeeze %dma_wait3A_193 : memref<1x1x8x80xi32, #tpu.memory_space<hbm>> -> memref<8x80xi32, #tpu.memory_space<hbm>>
      %dma_wait3A_195 = arith.constant 0 : i32
      %dma_wait3A_196 = arith.constant 0 : i32
      %dma_wait3A_197 = tpu.memref_slice %arg9[%run_scoped3A_5, %dma_wait3A_195, %dma_wait3A_196] : memref<2x8x80xi32, #tpu.memory_space<vmem>> -> memref<1x8x80xi32, #tpu.memory_space<vmem>>
      %dma_wait3A_198 = tpu.memref_squeeze %dma_wait3A_197 : memref<1x8x80xi32, #tpu.memory_space<vmem>> -> memref<8x80xi32, #tpu.memory_space<vmem>>
      %dma_wait3A_199 = arith.constant 0 : i32
      %dma_wait3A_200 = arith.constant 0 : i32
      %dma_wait3A_201 = tpu.memref_slice %arg3[%add3A, %run_scoped3A, %dma_wait3A_199, %dma_wait3A_200] : memref<32x8x8x80xi32, #tpu.memory_space<hbm>> -> memref<1x1x8x80xi32, #tpu.memory_space<hbm>>
      %dma_wait3A_202 = tpu.memref_squeeze %dma_wait3A_201 : memref<1x1x8x80xi32, #tpu.memory_space<hbm>> -> memref<8x80xi32, #tpu.memory_space<hbm>>
      tpu.wait_dma2 semaphore(%run_scoped3A_170 : memref<!tpu.dma_semaphore, #tpu.memory_space<semaphore_mem>>) src(%dma_wait3A_202 : memref<8x80xi32, #tpu.memory_space<hbm>>) dst(%dma_wait3A_198 : memref<8x80xi32, #tpu.memory_space<vmem>>)
      tpu.yield
    }) : () -> ()
    %dma_start3A = arith.constant 0 : i32
    %dma_start3A_6 = arith.constant 0 : i32
    %dma_start3A_7 = arith.constant 0 : i32
    %dma_start3A_8 = arith.constant 0 : i32
    %dma_start3A_9 = arith.constant 0 : i32
    %dma_start3A_10 = arith.constant 0 : i32
    %dma_start3A_11 = tpu.memref_slice %arg10[%dma_start3A_7, %dma_start3A_9, %dma_start3A_10] : memref<2x80x128xf32, #tpu.memory_space<vmem>> -> memref<1x80x128xf32, #tpu.memory_space<vmem>>
    %dma_start3A_12 = tpu.memref_squeeze %dma_start3A_11 : memref<1x80x128xf32, #tpu.memory_space<vmem>> -> memref<80x128xf32, #tpu.memory_space<vmem>>
    %dma_start3A_13 = arith.constant 0 : i32
    %dma_start3A_14 = tpu.memref_slice %arg9[%dma_start3A, %dma_start3A_6, %dma_start3A_13] : memref<2x8x80xi32, #tpu.memory_space<vmem>> -> memref<1x1x80xi32, #tpu.memory_space<vmem>>
    %dma_start3A_15 = tpu.memref_squeeze %dma_start3A_14 : memref<1x1x80xi32, #tpu.memory_space<vmem>> -> memref<80xi32, #tpu.memory_space<vmem>>
    %dma_start3A_16 = arith.constant 0 : i32
    %dma_start3A_17 = arith.constant 0 : i32
    %dma_start3A_18 = tpu.memref_slice %arg2[%dma_start3A_16, %dma_start3A_17] : memref<10000x128xf32, #tpu.memory_space<hbm>> -> memref<10000x128xf32, #tpu.memory_space<hbm>>
    %dma_start3A_19 = tpu.memref_slice %arg14[%dma_start3A_8] : memref<2x!tpu.dma_semaphore, #tpu.memory_space<semaphore_mem>> -> memref<1x!tpu.dma_semaphore, #tpu.memory_space<semaphore_mem>>
    %dma_start3A_20 = tpu.memref_squeeze %dma_start3A_19 : memref<1x!tpu.dma_semaphore, #tpu.memory_space<semaphore_mem>> -> memref<!tpu.dma_semaphore, #tpu.memory_space<semaphore_mem>>
    tpu.enqueue_indirect_dma source(%dma_start3A_18 : memref<10000x128xf32, #tpu.memory_space<hbm>>) target(%dma_start3A_12 : memref<80x128xf32, #tpu.memory_space<vmem>>) offsets(%dma_start3A_15 : memref<80xi32, #tpu.memory_space<vmem>>) semaphore(%dma_start3A_20 : memref<!tpu.dma_semaphore, #tpu.memory_space<semaphore_mem>>)
    %add3A_21 = arith.constant 0 : i32
    %add3A_22 = arith.addi %mul3A_4, %add3A_21 : i32
    %dma_start3A_23 = arith.constant 0 : i32
    %dma_start3A_24 = arith.constant 0 : i32
    %dma_start3A_25 = tpu.memref_slice %arg4[%add3A_22, %dma_start3A_24] : memref<156160x128xf32, #tpu.memory_space<hbm>> -> memref<80x128xf32, #tpu.memory_space<hbm>>
    %dma_start3A_26 = tpu.memref_slice %arg15[%dma_start3A_23] : memref<2x!tpu.dma_semaphore, #tpu.memory_space<semaphore_mem>> -> memref<1x!tpu.dma_semaphore, #tpu.memory_space<semaphore_mem>>
    %dma_start3A_27 = tpu.memref_squeeze %dma_start3A_26 : memref<1x!tpu.dma_semaphore, #tpu.memory_space<semaphore_mem>> -> memref<!tpu.dma_semaphore, #tpu.memory_space<semaphore_mem>>
    %dma_start3A_28 = arith.constant 0 : i32
    %dma_start3A_29 = tpu.memref_slice %arg4[%add3A_22, %dma_start3A_28] : memref<156160x128xf32, #tpu.memory_space<hbm>> -> memref<80x128xf32, #tpu.memory_space<hbm>>
    tpu.enqueue_dma source(%dma_start3A_29 : memref<80x128xf32, #tpu.memory_space<hbm>>) target(%arg11 : memref<80x128xf32, #tpu.memory_space<vmem>>) target_semaphore(%dma_start3A_27 : memref<!tpu.dma_semaphore, #tpu.memory_space<semaphore_mem>>)
    %scan3A = arith.constant 0 : i32
    %scan3A_30 = arith.constant 0 : i32
    %scan3A_31 = arith.constant 30 : i32
    %scan3A_32 = arith.addi %scan3A_30, %scan3A_31 : i32
    %scan3A_33 = arith.constant 1 : i32
    scf.for %scan3A_170 = %scan3A_30 to %scan3A_32 step %scan3A_33  : i32 {
      %mul3A_171 = arith.constant 2 : i32
      %mul3A_172 = arith.muli %mul3A_171, %scan3A_170 : i32
      %div3A = arith.constant 8 : i32
      %div3A_173 = arith.divsi %mul3A_172, %div3A : i32
      %rem3A = arith.constant 8 : i32
      %rem3A_174 = arith.remsi %mul3A_172, %rem3A : i32
      %rem3A_175 = arith.constant 2 : i32
      %rem3A_176 = arith.remsi %div3A_173, %rem3A_175 : i32
      %sub3A = arith.constant 1 : i32
      %sub3A_177 = arith.subi %sub3A, %rem3A_176 : i32
      %ge3A = arith.constant 1 : i32
      %ge3A_178 = arith.cmpi sge, %mul3A_172, %ge3A : i32
      %convert_element_type3A = arith.extui %ge3A_178 : i1 to i32
      %cond3A = arith.constant 0 : i32
      %cond3A_179 = arith.cmpi ne, %convert_element_type3A, %cond3A : i32
      scf.if %cond3A_179 {
        %sub3A_416 = arith.constant 1 : i32
        %sub3A_417 = arith.subi %mul3A_172, %sub3A_416 : i32
        %sub3A_418 = arith.constant 1 : i32
        %sub3A_419 = arith.subi %mul3A_172, %sub3A_418 : i32
        %div3A_420 = arith.constant 8 : i32
        %div3A_421 = arith.divsi %sub3A_419, %div3A_420 : i32
        %rem3A_422 = arith.constant 2 : i32
        %rem3A_423 = arith.remsi %div3A_421, %rem3A_422 : i32
        %sub3A_424 = arith.constant 1 : i32
        %sub3A_425 = arith.subi %mul3A_172, %sub3A_424 : i32
        %rem3A_426 = arith.constant 8 : i32
        %rem3A_427 = arith.remsi %sub3A_425, %rem3A_426 : i32
        %add3A_428 = arith.constant 163840 : i32
        %add3A_429 = arith.addi %add3A_428, %mul3A_4 : i32
        %mul3A_430 = arith.constant 80 : i32
        %mul3A_431 = arith.muli %sub3A_417, %mul3A_430 : i32
        %add3A_432 = arith.addi %add3A_429, %mul3A_431 : i32
        %dma_wait3A_433 = arith.constant 1 : i32
        %dma_wait3A_434 = arith.constant 1 : i32
        %dma_wait3A_435 = arith.constant 0 : i32
        %dma_wait3A_436 = arith.constant 0 : i32
        %dma_wait3A_437 = tpu.memref_slice %arg10[%dma_wait3A_433, %dma_wait3A_435, %dma_wait3A_436] : memref<2x80x128xf32, #tpu.memory_space<vmem>> -> memref<1x80x128xf32, #tpu.memory_space<vmem>>
        %dma_wait3A_438 = tpu.memref_squeeze %dma_wait3A_437 : memref<1x80x128xf32, #tpu.memory_space<vmem>> -> memref<80x128xf32, #tpu.memory_space<vmem>>
        %dma_wait3A_439 = arith.constant 0 : i32
        %dma_wait3A_440 = tpu.memref_slice %arg6[%add3A_432, %dma_wait3A_439] : memref<320000x128xf32, #tpu.memory_space<hbm>> -> memref<80x128xf32, #tpu.memory_space<hbm>>
        %dma_wait3A_441 = tpu.memref_slice %arg16[%dma_wait3A_434] : memref<2x!tpu.dma_semaphore, #tpu.memory_space<semaphore_mem>> -> memref<1x!tpu.dma_semaphore, #tpu.memory_space<semaphore_mem>>
        %dma_wait3A_442 = tpu.memref_squeeze %dma_wait3A_441 : memref<1x!tpu.dma_semaphore, #tpu.memory_space<semaphore_mem>> -> memref<!tpu.dma_semaphore, #tpu.memory_space<semaphore_mem>>
        %dma_wait3A_443 = arith.constant 0 : i32
        %dma_wait3A_444 = tpu.memref_slice %arg6[%add3A_432, %dma_wait3A_443] : memref<320000x128xf32, #tpu.memory_space<hbm>> -> memref<80x128xf32, #tpu.memory_space<hbm>>
        %dma_wait3A_445 = arith.constant 0 : i32
        %dma_wait3A_446 = arith.constant 0 : i32
        %dma_wait3A_447 = tpu.memref_slice %arg10[%dma_wait3A_433, %dma_wait3A_445, %dma_wait3A_446] : memref<2x80x128xf32, #tpu.memory_space<vmem>> -> memref<1x80x128xf32, #tpu.memory_space<vmem>>
        %dma_wait3A_448 = tpu.memref_squeeze %dma_wait3A_447 : memref<1x80x128xf32, #tpu.memory_space<vmem>> -> memref<80x128xf32, #tpu.memory_space<vmem>>
        tpu.wait_dma2 semaphore(%dma_wait3A_442 : memref<!tpu.dma_semaphore, #tpu.memory_space<semaphore_mem>>) src(%dma_wait3A_448 : memref<80x128xf32, #tpu.memory_space<vmem>>) dst(%dma_wait3A_444 : memref<80x128xf32, #tpu.memory_space<hbm>>)
        %dma_wait3A_449 = arith.constant 1 : i32
        %dma_wait3A_450 = arith.constant 1 : i32
        %dma_wait3A_451 = arith.constant 0 : i32
        %dma_wait3A_452 = arith.constant 0 : i32
        %dma_wait3A_453 = tpu.memref_slice %arg10[%dma_wait3A_449, %dma_wait3A_451, %dma_wait3A_452] : memref<2x80x128xf32, #tpu.memory_space<vmem>> -> memref<1x80x128xf32, #tpu.memory_space<vmem>>
        %dma_wait3A_454 = tpu.memref_squeeze %dma_wait3A_453 : memref<1x80x128xf32, #tpu.memory_space<vmem>> -> memref<80x128xf32, #tpu.memory_space<vmem>>
        %dma_wait3A_455 = arith.constant 0 : i32
        %dma_wait3A_456 = tpu.memref_slice %arg9[%rem3A_423, %rem3A_427, %dma_wait3A_455] : memref<2x8x80xi32, #tpu.memory_space<vmem>> -> memref<1x1x80xi32, #tpu.memory_space<vmem>>
        %dma_wait3A_457 = tpu.memref_squeeze %dma_wait3A_456 : memref<1x1x80xi32, #tpu.memory_space<vmem>> -> memref<80xi32, #tpu.memory_space<vmem>>
        %dma_wait3A_458 = arith.constant 0 : i32
        %dma_wait3A_459 = arith.constant 0 : i32
        %dma_wait3A_460 = tpu.memref_slice %arg13[%dma_wait3A_458, %dma_wait3A_459] : memref<10240x128xf32, #tpu.memory_space<vmem_shared>> -> memref<10240x128xf32, #tpu.memory_space<vmem_shared>>
        %dma_wait3A_461 = tpu.memref_slice %arg17[%dma_wait3A_450] : memref<2x!tpu.dma_semaphore, #tpu.memory_space<semaphore_mem>> -> memref<1x!tpu.dma_semaphore, #tpu.memory_space<semaphore_mem>>
        %dma_wait3A_462 = tpu.memref_squeeze %dma_wait3A_461 : memref<1x!tpu.dma_semaphore, #tpu.memory_space<semaphore_mem>> -> memref<!tpu.dma_semaphore, #tpu.memory_space<semaphore_mem>>
        tpu.wait_indirect_dma semaphore(%dma_wait3A_462 : memref<!tpu.dma_semaphore, #tpu.memory_space<semaphore_mem>>) src(%dma_wait3A_454 : memref<80x128xf32, #tpu.memory_space<vmem>>) dst(%dma_wait3A_460 : memref<10240x128xf32, #tpu.memory_space<vmem_shared>>)
      } else {
      }
      %eq3A = arith.constant 1 : i32
      %eq3A_180 = arith.cmpi eq, %rem3A_174, %eq3A : i32
      %lt3A = arith.constant 7 : i32
      %lt3A_181 = arith.cmpi slt, %div3A_173, %lt3A : i32
      %and3A = arith.andi %eq3A_180, %lt3A_181 : i1
      %convert_element_type3A_182 = arith.extui %and3A : i1 to i32
      %cond3A_183 = arith.constant 0 : i32
      %cond3A_184 = arith.cmpi ne, %convert_element_type3A_182, %cond3A_183 : i32
      scf.if %cond3A_184 {
        %add3A_416 = arith.constant 1 : i32
        %add3A_417 = arith.addi %div3A_173, %add3A_416 : i32
        %dma_start3A_418 = arith.constant 0 : i32
        %dma_start3A_419 = arith.constant 0 : i32
        %dma_start3A_420 = tpu.memref_slice %arg9[%sub3A_177, %dma_start3A_418, %dma_start3A_419] : memref<2x8x80xi32, #tpu.memory_space<vmem>> -> memref<1x8x80xi32, #tpu.memory_space<vmem>>
        %dma_start3A_421 = tpu.memref_squeeze %dma_start3A_420 : memref<1x8x80xi32, #tpu.memory_space<vmem>> -> memref<8x80xi32, #tpu.memory_space<vmem>>
        %dma_start3A_422 = arith.constant 0 : i32
        %dma_start3A_423 = arith.constant 0 : i32
        %dma_start3A_424 = tpu.memref_slice %arg3[%add3A, %add3A_417, %dma_start3A_422, %dma_start3A_423] : memref<32x8x8x80xi32, #tpu.memory_space<hbm>> -> memref<1x1x8x80xi32, #tpu.memory_space<hbm>>
        %dma_start3A_425 = tpu.memref_squeeze %dma_start3A_424 : memref<1x1x8x80xi32, #tpu.memory_space<hbm>> -> memref<8x80xi32, #tpu.memory_space<hbm>>
        %dma_start3A_426 = tpu.memref_slice %arg18[%sub3A_177] : memref<2x!tpu.dma_semaphore, #tpu.memory_space<semaphore_mem>> -> memref<1x!tpu.dma_semaphore, #tpu.memory_space<semaphore_mem>>
        %dma_start3A_427 = tpu.memref_squeeze %dma_start3A_426 : memref<1x!tpu.dma_semaphore, #tpu.memory_space<semaphore_mem>> -> memref<!tpu.dma_semaphore, #tpu.memory_space<semaphore_mem>>
        %dma_start3A_428 = arith.constant 0 : i32
        %dma_start3A_429 = arith.constant 0 : i32
        %dma_start3A_430 = tpu.memref_slice %arg9[%sub3A_177, %dma_start3A_428, %dma_start3A_429] : memref<2x8x80xi32, #tpu.memory_space<vmem>> -> memref<1x8x80xi32, #tpu.memory_space<vmem>>
        %dma_start3A_431 = tpu.memref_squeeze %dma_start3A_430 : memref<1x8x80xi32, #tpu.memory_space<vmem>> -> memref<8x80xi32, #tpu.memory_space<vmem>>
        %dma_start3A_432 = arith.constant 0 : i32
        %dma_start3A_433 = arith.constant 0 : i32
        %dma_start3A_434 = tpu.memref_slice %arg3[%add3A, %add3A_417, %dma_start3A_432, %dma_start3A_433] : memref<32x8x8x80xi32, #tpu.memory_space<hbm>> -> memref<1x1x8x80xi32, #tpu.memory_space<hbm>>
        %dma_start3A_435 = tpu.memref_squeeze %dma_start3A_434 : memref<1x1x8x80xi32, #tpu.memory_space<hbm>> -> memref<8x80xi32, #tpu.memory_space<hbm>>
        tpu.enqueue_dma source(%dma_start3A_435 : memref<8x80xi32, #tpu.memory_space<hbm>>) target(%dma_start3A_431 : memref<8x80xi32, #tpu.memory_space<vmem>>) target_semaphore(%dma_start3A_427 : memref<!tpu.dma_semaphore, #tpu.memory_space<semaphore_mem>>)
      } else {
      }
      %eq3A_185 = arith.constant 7 : i32
      %eq3A_186 = arith.cmpi eq, %rem3A_174, %eq3A_185 : i32
      %convert_element_type3A_187 = arith.extui %eq3A_186 : i1 to i32
      %cond3A_188 = arith.constant 0 : i32
      %cond3A_189 = arith.cmpi ne, %convert_element_type3A_187, %cond3A_188 : i32
      scf.if %cond3A_189 {
        %add3A_416 = arith.constant 1 : i32
        %add3A_417 = arith.addi %div3A_173, %add3A_416 : i32
        %dma_wait3A_418 = arith.constant 0 : i32
        %dma_wait3A_419 = arith.constant 0 : i32
        %dma_wait3A_420 = tpu.memref_slice %arg9[%sub3A_177, %dma_wait3A_418, %dma_wait3A_419] : memref<2x8x80xi32, #tpu.memory_space<vmem>> -> memref<1x8x80xi32, #tpu.memory_space<vmem>>
        %dma_wait3A_421 = tpu.memref_squeeze %dma_wait3A_420 : memref<1x8x80xi32, #tpu.memory_space<vmem>> -> memref<8x80xi32, #tpu.memory_space<vmem>>
        %dma_wait3A_422 = arith.constant 0 : i32
        %dma_wait3A_423 = arith.constant 0 : i32
        %dma_wait3A_424 = tpu.memref_slice %arg3[%add3A, %add3A_417, %dma_wait3A_422, %dma_wait3A_423] : memref<32x8x8x80xi32, #tpu.memory_space<hbm>> -> memref<1x1x8x80xi32, #tpu.memory_space<hbm>>
        %dma_wait3A_425 = tpu.memref_squeeze %dma_wait3A_424 : memref<1x1x8x80xi32, #tpu.memory_space<hbm>> -> memref<8x80xi32, #tpu.memory_space<hbm>>
        %dma_wait3A_426 = tpu.memref_slice %arg18[%sub3A_177] : memref<2x!tpu.dma_semaphore, #tpu.memory_space<semaphore_mem>> -> memref<1x!tpu.dma_semaphore, #tpu.memory_space<semaphore_mem>>
        %dma_wait3A_427 = tpu.memref_squeeze %dma_wait3A_426 : memref<1x!tpu.dma_semaphore, #tpu.memory_space<semaphore_mem>> -> memref<!tpu.dma_semaphore, #tpu.memory_space<semaphore_mem>>
        %dma_wait3A_428 = arith.constant 0 : i32
        %dma_wait3A_429 = arith.constant 0 : i32
        %dma_wait3A_430 = tpu.memref_slice %arg9[%sub3A_177, %dma_wait3A_428, %dma_wait3A_429] : memref<2x8x80xi32, #tpu.memory_space<vmem>> -> memref<1x8x80xi32, #tpu.memory_space<vmem>>
        %dma_wait3A_431 = tpu.memref_squeeze %dma_wait3A_430 : memref<1x8x80xi32, #tpu.memory_space<vmem>> -> memref<8x80xi32, #tpu.memory_space<vmem>>
        %dma_wait3A_432 = arith.constant 0 : i32
        %dma_wait3A_433 = arith.constant 0 : i32
        %dma_wait3A_434 = tpu.memref_slice %arg3[%add3A, %add3A_417, %dma_wait3A_432, %dma_wait3A_433] : memref<32x8x8x80xi32, #tpu.memory_space<hbm>> -> memref<1x1x8x80xi32, #tpu.memory_space<hbm>>
        %dma_wait3A_435 = tpu.memref_squeeze %dma_wait3A_434 : memref<1x1x8x80xi32, #tpu.memory_space<hbm>> -> memref<8x80xi32, #tpu.memory_space<hbm>>
        tpu.wait_dma2 semaphore(%dma_wait3A_427 : memref<!tpu.dma_semaphore, #tpu.memory_space<semaphore_mem>>) src(%dma_wait3A_435 : memref<8x80xi32, #tpu.memory_space<hbm>>) dst(%dma_wait3A_431 : memref<8x80xi32, #tpu.memory_space<vmem>>)
      } else {
      }
      %add3A_190 = arith.constant 1 : i32
      %add3A_191 = arith.addi %mul3A_172, %add3A_190 : i32
      %div3A_192 = arith.constant 8 : i32
      %div3A_193 = arith.divsi %add3A_191, %div3A_192 : i32
      %rem3A_194 = arith.constant 2 : i32
      %rem3A_195 = arith.remsi %div3A_193, %rem3A_194 : i32
      %add3A_196 = arith.constant 1 : i32
      %add3A_197 = arith.addi %mul3A_172, %add3A_196 : i32
      %add3A_198 = arith.constant 1 : i32
      %add3A_199 = arith.addi %mul3A_172, %add3A_198 : i32
      %rem3A_200 = arith.constant 8 : i32
      %rem3A_201 = arith.remsi %add3A_199, %rem3A_200 : i32
      %dma_start3A_202 = arith.constant 1 : i32
      %dma_start3A_203 = arith.constant 1 : i32
      %dma_start3A_204 = arith.constant 0 : i32
      %dma_start3A_205 = arith.constant 0 : i32
      %dma_start3A_206 = tpu.memref_slice %arg10[%dma_start3A_202, %dma_start3A_204, %dma_start3A_205] : memref<2x80x128xf32, #tpu.memory_space<vmem>> -> memref<1x80x128xf32, #tpu.memory_space<vmem>>
      %dma_start3A_207 = tpu.memref_squeeze %dma_start3A_206 : memref<1x80x128xf32, #tpu.memory_space<vmem>> -> memref<80x128xf32, #tpu.memory_space<vmem>>
      %dma_start3A_208 = arith.constant 0 : i32
      %dma_start3A_209 = tpu.memref_slice %arg9[%rem3A_195, %rem3A_201, %dma_start3A_208] : memref<2x8x80xi32, #tpu.memory_space<vmem>> -> memref<1x1x80xi32, #tpu.memory_space<vmem>>
      %dma_start3A_210 = tpu.memref_squeeze %dma_start3A_209 : memref<1x1x80xi32, #tpu.memory_space<vmem>> -> memref<80xi32, #tpu.memory_space<vmem>>
      %dma_start3A_211 = arith.constant 0 : i32
      %dma_start3A_212 = arith.constant 0 : i32
      %dma_start3A_213 = tpu.memref_slice %arg2[%dma_start3A_211, %dma_start3A_212] : memref<10000x128xf32, #tpu.memory_space<hbm>> -> memref<10000x128xf32, #tpu.memory_space<hbm>>
      %dma_start3A_214 = tpu.memref_slice %arg14[%dma_start3A_203] : memref<2x!tpu.dma_semaphore, #tpu.memory_space<semaphore_mem>> -> memref<1x!tpu.dma_semaphore, #tpu.memory_space<semaphore_mem>>
      %dma_start3A_215 = tpu.memref_squeeze %dma_start3A_214 : memref<1x!tpu.dma_semaphore, #tpu.memory_space<semaphore_mem>> -> memref<!tpu.dma_semaphore, #tpu.memory_space<semaphore_mem>>
      tpu.enqueue_indirect_dma source(%dma_start3A_213 : memref<10000x128xf32, #tpu.memory_space<hbm>>) target(%dma_start3A_207 : memref<80x128xf32, #tpu.memory_space<vmem>>) offsets(%dma_start3A_210 : memref<80xi32, #tpu.memory_space<vmem>>) semaphore(%dma_start3A_215 : memref<!tpu.dma_semaphore, #tpu.memory_space<semaphore_mem>>)
      %mul3A_216 = arith.constant 80 : i32
      %mul3A_217 = arith.muli %add3A_197, %mul3A_216 : i32
      %add3A_218 = arith.addi %mul3A_4, %mul3A_217 : i32
      %dma_start3A_219 = arith.constant 1 : i32
      %dma_start3A_220 = arith.constant 0 : i32
      %dma_start3A_221 = tpu.memref_slice %arg4[%add3A_218, %dma_start3A_220] : memref<156160x128xf32, #tpu.memory_space<hbm>> -> memref<80x128xf32, #tpu.memory_space<hbm>>
      %dma_start3A_222 = tpu.memref_slice %arg15[%dma_start3A_219] : memref<2x!tpu.dma_semaphore, #tpu.memory_space<semaphore_mem>> -> memref<1x!tpu.dma_semaphore, #tpu.memory_space<semaphore_mem>>
      %dma_start3A_223 = tpu.memref_squeeze %dma_start3A_222 : memref<1x!tpu.dma_semaphore, #tpu.memory_space<semaphore_mem>> -> memref<!tpu.dma_semaphore, #tpu.memory_space<semaphore_mem>>
      %dma_start3A_224 = arith.constant 0 : i32
      %dma_start3A_225 = tpu.memref_slice %arg4[%add3A_218, %dma_start3A_224] : memref<156160x128xf32, #tpu.memory_space<hbm>> -> memref<80x128xf32, #tpu.memory_space<hbm>>
      tpu.enqueue_dma source(%dma_start3A_225 : memref<80x128xf32, #tpu.memory_space<hbm>>) target(%arg12 : memref<80x128xf32, #tpu.memory_space<vmem>>) target_semaphore(%dma_start3A_223 : memref<!tpu.dma_semaphore, #tpu.memory_space<semaphore_mem>>)
      %dma_wait3A_226 = arith.constant 0 : i32
      %dma_wait3A_227 = arith.constant 0 : i32
      %dma_wait3A_228 = arith.constant 0 : i32
      %dma_wait3A_229 = arith.constant 0 : i32
      %dma_wait3A_230 = tpu.memref_slice %arg10[%dma_wait3A_226, %dma_wait3A_228, %dma_wait3A_229] : memref<2x80x128xf32, #tpu.memory_space<vmem>> -> memref<1x80x128xf32, #tpu.memory_space<vmem>>
      %dma_wait3A_231 = tpu.memref_squeeze %dma_wait3A_230 : memref<1x80x128xf32, #tpu.memory_space<vmem>> -> memref<80x128xf32, #tpu.memory_space<vmem>>
      %dma_wait3A_232 = arith.constant 0 : i32
      %dma_wait3A_233 = tpu.memref_slice %arg9[%rem3A_176, %rem3A_174, %dma_wait3A_232] : memref<2x8x80xi32, #tpu.memory_space<vmem>> -> memref<1x1x80xi32, #tpu.memory_space<vmem>>
      %dma_wait3A_234 = tpu.memref_squeeze %dma_wait3A_233 : memref<1x1x80xi32, #tpu.memory_space<vmem>> -> memref<80xi32, #tpu.memory_space<vmem>>
      %dma_wait3A_235 = arith.constant 0 : i32
      %dma_wait3A_236 = arith.constant 0 : i32
      %dma_wait3A_237 = tpu.memref_slice %arg2[%dma_wait3A_235, %dma_wait3A_236] : memref<10000x128xf32, #tpu.memory_space<hbm>> -> memref<10000x128xf32, #tpu.memory_space<hbm>>
      %dma_wait3A_238 = tpu.memref_slice %arg14[%dma_wait3A_227] : memref<2x!tpu.dma_semaphore, #tpu.memory_space<semaphore_mem>> -> memref<1x!tpu.dma_semaphore, #tpu.memory_space<semaphore_mem>>
      %dma_wait3A_239 = tpu.memref_squeeze %dma_wait3A_238 : memref<1x!tpu.dma_semaphore, #tpu.memory_space<semaphore_mem>> -> memref<!tpu.dma_semaphore, #tpu.memory_space<semaphore_mem>>
      tpu.wait_indirect_dma semaphore(%dma_wait3A_239 : memref<!tpu.dma_semaphore, #tpu.memory_space<semaphore_mem>>) src(%dma_wait3A_237 : memref<10000x128xf32, #tpu.memory_space<hbm>>) dst(%dma_wait3A_231 : memref<80x128xf32, #tpu.memory_space<vmem>>)
      %mul3A_240 = arith.constant 80 : i32
      %mul3A_241 = arith.muli %mul3A_172, %mul3A_240 : i32
      %add3A_242 = arith.addi %mul3A_4, %mul3A_241 : i32
      %dma_wait3A_243 = arith.constant 0 : i32
      %dma_wait3A_244 = arith.constant 0 : i32
      %dma_wait3A_245 = tpu.memref_slice %arg4[%add3A_242, %dma_wait3A_244] : memref<156160x128xf32, #tpu.memory_space<hbm>> -> memref<80x128xf32, #tpu.memory_space<hbm>>
      %dma_wait3A_246 = tpu.memref_slice %arg15[%dma_wait3A_243] : memref<2x!tpu.dma_semaphore, #tpu.memory_space<semaphore_mem>> -> memref<1x!tpu.dma_semaphore, #tpu.memory_space<semaphore_mem>>
      %dma_wait3A_247 = tpu.memref_squeeze %dma_wait3A_246 : memref<1x!tpu.dma_semaphore, #tpu.memory_space<semaphore_mem>> -> memref<!tpu.dma_semaphore, #tpu.memory_space<semaphore_mem>>
      %dma_wait3A_248 = arith.constant 0 : i32
      %dma_wait3A_249 = tpu.memref_slice %arg4[%add3A_242, %dma_wait3A_248] : memref<156160x128xf32, #tpu.memory_space<hbm>> -> memref<80x128xf32, #tpu.memory_space<hbm>>
      tpu.wait_dma2 semaphore(%dma_wait3A_247 : memref<!tpu.dma_semaphore, #tpu.memory_space<semaphore_mem>>) src(%dma_wait3A_249 : memref<80x128xf32, #tpu.memory_space<hbm>>) dst(%arg11 : memref<80x128xf32, #tpu.memory_space<vmem>>)
      %parallel_loop3A_250 = arith.constant 0 : i32
      %parallel_loop3A_251 = arith.constant 80 : i32
      %parallel_loop3A_252 = arith.constant 1 : i32
      scf.for %parallel_loop3A_416 = %parallel_loop3A_250 to %parallel_loop3A_251 step %parallel_loop3A_252  : i32 {
        %parallel_loop3A_417 = arith.constant 0 : i32
        %parallel_loop3A_418 = arith.index_cast %parallel_loop3A_417 : i32 to index
        %parallel_loop3A_419 = arith.index_cast %parallel_loop3A_416 : i32 to index
        %parallel_loop3A_420 = arith.constant 0 : index
        %parallel_loop3A_421 = tpu.vector_load %arg10[%parallel_loop3A_418, %parallel_loop3A_419, %parallel_loop3A_420] {strides = array<i32>} : memref<2x80x128xf32, #tpu.memory_space<vmem>>, vector<1x1x16xf32>,
        %parallel_loop3A_422 = vector.shape_cast %parallel_loop3A_421 : vector<1x1x16xf32> to vector<16xf32>
        %parallel_loop3A_423 = arith.index_cast %parallel_loop3A_416 : i32 to index
        %parallel_loop3A_424 = arith.constant 0 : index
        %parallel_loop3A_425 = tpu.vector_load %arg11[%parallel_loop3A_423, %parallel_loop3A_424] {strides = array<i32>} : memref<80x128xf32, #tpu.memory_space<vmem>>, vector<1x16xf32>,
        %parallel_loop3A_426 = vector.shape_cast %parallel_loop3A_425 : vector<1x16xf32> to vector<16xf32>
        %parallel_loop3A_427 = arith.mulf %parallel_loop3A_422, %parallel_loop3A_426 : vector<16xf32>
        %parallel_loop3A_428 = arith.constant 0 : i32
        %parallel_loop3A_429 = arith.index_cast %parallel_loop3A_428 : i32 to index
        %parallel_loop3A_430 = arith.index_cast %parallel_loop3A_416 : i32 to index
        %parallel_loop3A_431 = arith.constant 0 : index
        %parallel_loop3A_432 = tpu.vector_load %arg10[%parallel_loop3A_429, %parallel_loop3A_430, %parallel_loop3A_431] {strides = array<i32>} : memref<2x80x128xf32, #tpu.memory_space<vmem>>, vector<1x1x16xf32>,
        %parallel_loop3A_433 = vector.shape_cast %parallel_loop3A_432 : vector<1x1x16xf32> to vector<16xf32>
        %parallel_loop3A_434 = vector.shape_cast %parallel_loop3A_427 : vector<16xf32> to vector<1x1x16xf32>
        tpu.vector_store %arg10[%parallel_loop3A_429, %parallel_loop3A_430, %parallel_loop3A_431], %parallel_loop3A_434 {strides = array<i32>} : memref<2x80x128xf32, #tpu.memory_space<vmem>>, vector<1x1x16xf32>,
        %parallel_loop3A_435 = arith.constant 0 : i32
        %parallel_loop3A_436 = arith.index_cast %parallel_loop3A_435 : i32 to index
        %parallel_loop3A_437 = arith.index_cast %parallel_loop3A_416 : i32 to index
        %parallel_loop3A_438 = arith.constant 16 : index
        %parallel_loop3A_439 = tpu.vector_load %arg10[%parallel_loop3A_436, %parallel_loop3A_437, %parallel_loop3A_438] {strides = array<i32>} : memref<2x80x128xf32, #tpu.memory_space<vmem>>, vector<1x1x16xf32>,
        %parallel_loop3A_440 = vector.shape_cast %parallel_loop3A_439 : vector<1x1x16xf32> to vector<16xf32>
        %parallel_loop3A_441 = arith.index_cast %parallel_loop3A_416 : i32 to index
        %parallel_loop3A_442 = arith.constant 16 : index
        %parallel_loop3A_443 = tpu.vector_load %arg11[%parallel_loop3A_441, %parallel_loop3A_442] {strides = array<i32>} : memref<80x128xf32, #tpu.memory_space<vmem>>, vector<1x16xf32>,
        %parallel_loop3A_444 = vector.shape_cast %parallel_loop3A_443 : vector<1x16xf32> to vector<16xf32>
        %parallel_loop3A_445 = arith.mulf %parallel_loop3A_440, %parallel_loop3A_444 : vector<16xf32>
        %parallel_loop3A_446 = arith.constant 0 : i32
        %parallel_loop3A_447 = arith.index_cast %parallel_loop3A_446 : i32 to index
        %parallel_loop3A_448 = arith.index_cast %parallel_loop3A_416 : i32 to index
        %parallel_loop3A_449 = arith.constant 16 : index
        %parallel_loop3A_450 = tpu.vector_load %arg10[%parallel_loop3A_447, %parallel_loop3A_448, %parallel_loop3A_449] {strides = array<i32>} : memref<2x80x128xf32, #tpu.memory_space<vmem>>, vector<1x1x16xf32>,
        %parallel_loop3A_451 = vector.shape_cast %parallel_loop3A_450 : vector<1x1x16xf32> to vector<16xf32>
        %parallel_loop3A_452 = vector.shape_cast %parallel_loop3A_445 : vector<16xf32> to vector<1x1x16xf32>
        tpu.vector_store %arg10[%parallel_loop3A_447, %parallel_loop3A_448, %parallel_loop3A_449], %parallel_loop3A_452 {strides = array<i32>} : memref<2x80x128xf32, #tpu.memory_space<vmem>>, vector<1x1x16xf32>,
        %parallel_loop3A_453 = arith.constant 0 : i32
        %parallel_loop3A_454 = arith.index_cast %parallel_loop3A_453 : i32 to index
        %parallel_loop3A_455 = arith.index_cast %parallel_loop3A_416 : i32 to index
        %parallel_loop3A_456 = arith.constant 32 : index
        %parallel_loop3A_457 = tpu.vector_load %arg10[%parallel_loop3A_454, %parallel_loop3A_455, %parallel_loop3A_456] {strides = array<i32>} : memref<2x80x128xf32, #tpu.memory_space<vmem>>, vector<1x1x16xf32>,
        %parallel_loop3A_458 = vector.shape_cast %parallel_loop3A_457 : vector<1x1x16xf32> to vector<16xf32>
        %parallel_loop3A_459 = arith.index_cast %parallel_loop3A_416 : i32 to index
        %parallel_loop3A_460 = arith.constant 32 : index
        %parallel_loop3A_461 = tpu.vector_load %arg11[%parallel_loop3A_459, %parallel_loop3A_460] {strides = array<i32>} : memref<80x128xf32, #tpu.memory_space<vmem>>, vector<1x16xf32>,
        %parallel_loop3A_462 = vector.shape_cast %parallel_loop3A_461 : vector<1x16xf32> to vector<16xf32>
        %parallel_loop3A_463 = arith.mulf %parallel_loop3A_458, %parallel_loop3A_462 : vector<16xf32>
        %parallel_loop3A_464 = arith.constant 0 : i32
        %parallel_loop3A_465 = arith.index_cast %parallel_loop3A_464 : i32 to index
        %parallel_loop3A_466 = arith.index_cast %parallel_loop3A_416 : i32 to index
        %parallel_loop3A_467 = arith.constant 32 : index
        %parallel_loop3A_468 = tpu.vector_load %arg10[%parallel_loop3A_465, %parallel_loop3A_466, %parallel_loop3A_467] {strides = array<i32>} : memref<2x80x128xf32, #tpu.memory_space<vmem>>, vector<1x1x16xf32>,
        %parallel_loop3A_469 = vector.shape_cast %parallel_loop3A_468 : vector<1x1x16xf32> to vector<16xf32>
        %parallel_loop3A_470 = vector.shape_cast %parallel_loop3A_463 : vector<16xf32> to vector<1x1x16xf32>
        tpu.vector_store %arg10[%parallel_loop3A_465, %parallel_loop3A_466, %parallel_loop3A_467], %parallel_loop3A_470 {strides = array<i32>} : memref<2x80x128xf32, #tpu.memory_space<vmem>>, vector<1x1x16xf32>,
        %parallel_loop3A_471 = arith.constant 0 : i32
        %parallel_loop3A_472 = arith.index_cast %parallel_loop3A_471 : i32 to index
        %parallel_loop3A_473 = arith.index_cast %parallel_loop3A_416 : i32 to index
        %parallel_loop3A_474 = arith.constant 48 : index
        %parallel_loop3A_475 = tpu.vector_load %arg10[%parallel_loop3A_472, %parallel_loop3A_473, %parallel_loop3A_474] {strides = array<i32>} : memref<2x80x128xf32, #tpu.memory_space<vmem>>, vector<1x1x16xf32>,
        %parallel_loop3A_476 = vector.shape_cast %parallel_loop3A_475 : vector<1x1x16xf32> to vector<16xf32>
        %parallel_loop3A_477 = arith.index_cast %parallel_loop3A_416 : i32 to index
        %parallel_loop3A_478 = arith.constant 48 : index
        %parallel_loop3A_479 = tpu.vector_load %arg11[%parallel_loop3A_477, %parallel_loop3A_478] {strides = array<i32>} : memref<80x128xf32, #tpu.memory_space<vmem>>, vector<1x16xf32>,
        %parallel_loop3A_480 = vector.shape_cast %parallel_loop3A_479 : vector<1x16xf32> to vector<16xf32>
        %parallel_loop3A_481 = arith.mulf %parallel_loop3A_476, %parallel_loop3A_480 : vector<16xf32>
        %parallel_loop3A_482 = arith.constant 0 : i32
        %parallel_loop3A_483 = arith.index_cast %parallel_loop3A_482 : i32 to index
        %parallel_loop3A_484 = arith.index_cast %parallel_loop3A_416 : i32 to index
        %parallel_loop3A_485 = arith.constant 48 : index
        %parallel_loop3A_486 = tpu.vector_load %arg10[%parallel_loop3A_483, %parallel_loop3A_484, %parallel_loop3A_485] {strides = array<i32>} : memref<2x80x128xf32, #tpu.memory_space<vmem>>, vector<1x1x16xf32>,
        %parallel_loop3A_487 = vector.shape_cast %parallel_loop3A_486 : vector<1x1x16xf32> to vector<16xf32>
        %parallel_loop3A_488 = vector.shape_cast %parallel_loop3A_481 : vector<16xf32> to vector<1x1x16xf32>
        tpu.vector_store %arg10[%parallel_loop3A_483, %parallel_loop3A_484, %parallel_loop3A_485], %parallel_loop3A_488 {strides = array<i32>} : memref<2x80x128xf32, #tpu.memory_space<vmem>>, vector<1x1x16xf32>,
        %parallel_loop3A_489 = arith.constant 0 : i32
        %parallel_loop3A_490 = arith.index_cast %parallel_loop3A_489 : i32 to index
        %parallel_loop3A_491 = arith.index_cast %parallel_loop3A_416 : i32 to index
        %parallel_loop3A_492 = arith.constant 64 : index
        %parallel_loop3A_493 = tpu.vector_load %arg10[%parallel_loop3A_490, %parallel_loop3A_491, %parallel_loop3A_492] {strides = array<i32>} : memref<2x80x128xf32, #tpu.memory_space<vmem>>, vector<1x1x16xf32>,
        %parallel_loop3A_494 = vector.shape_cast %parallel_loop3A_493 : vector<1x1x16xf32> to vector<16xf32>
        %parallel_loop3A_495 = arith.index_cast %parallel_loop3A_416 : i32 to index
        %parallel_loop3A_496 = arith.constant 64 : index
        %parallel_loop3A_497 = tpu.vector_load %arg11[%parallel_loop3A_495, %parallel_loop3A_496] {strides = array<i32>} : memref<80x128xf32, #tpu.memory_space<vmem>>, vector<1x16xf32>,
        %parallel_loop3A_498 = vector.shape_cast %parallel_loop3A_497 : vector<1x16xf32> to vector<16xf32>
        %parallel_loop3A_499 = arith.mulf %parallel_loop3A_494, %parallel_loop3A_498 : vector<16xf32>
        %parallel_loop3A_500 = arith.constant 0 : i32
        %parallel_loop3A_501 = arith.index_cast %parallel_loop3A_500 : i32 to index
        %parallel_loop3A_502 = arith.index_cast %parallel_loop3A_416 : i32 to index
        %parallel_loop3A_503 = arith.constant 64 : index
        %parallel_loop3A_504 = tpu.vector_load %arg10[%parallel_loop3A_501, %parallel_loop3A_502, %parallel_loop3A_503] {strides = array<i32>} : memref<2x80x128xf32, #tpu.memory_space<vmem>>, vector<1x1x16xf32>,
        %parallel_loop3A_505 = vector.shape_cast %parallel_loop3A_504 : vector<1x1x16xf32> to vector<16xf32>
        %parallel_loop3A_506 = vector.shape_cast %parallel_loop3A_499 : vector<16xf32> to vector<1x1x16xf32>
        tpu.vector_store %arg10[%parallel_loop3A_501, %parallel_loop3A_502, %parallel_loop3A_503], %parallel_loop3A_506 {strides = array<i32>} : memref<2x80x128xf32, #tpu.memory_space<vmem>>, vector<1x1x16xf32>,
        %parallel_loop3A_507 = arith.constant 0 : i32
        %parallel_loop3A_508 = arith.index_cast %parallel_loop3A_507 : i32 to index
        %parallel_loop3A_509 = arith.index_cast %parallel_loop3A_416 : i32 to index
        %parallel_loop3A_510 = arith.constant 80 : index
        %parallel_loop3A_511 = tpu.vector_load %arg10[%parallel_loop3A_508, %parallel_loop3A_509, %parallel_loop3A_510] {strides = array<i32>} : memref<2x80x128xf32, #tpu.memory_space<vmem>>, vector<1x1x16xf32>,
        %parallel_loop3A_512 = vector.shape_cast %parallel_loop3A_511 : vector<1x1x16xf32> to vector<16xf32>
        %parallel_loop3A_513 = arith.index_cast %parallel_loop3A_416 : i32 to index
        %parallel_loop3A_514 = arith.constant 80 : index
        %parallel_loop3A_515 = tpu.vector_load %arg11[%parallel_loop3A_513, %parallel_loop3A_514] {strides = array<i32>} : memref<80x128xf32, #tpu.memory_space<vmem>>, vector<1x16xf32>,
        %parallel_loop3A_516 = vector.shape_cast %parallel_loop3A_515 : vector<1x16xf32> to vector<16xf32>
        %parallel_loop3A_517 = arith.mulf %parallel_loop3A_512, %parallel_loop3A_516 : vector<16xf32>
        %parallel_loop3A_518 = arith.constant 0 : i32
        %parallel_loop3A_519 = arith.index_cast %parallel_loop3A_518 : i32 to index
        %parallel_loop3A_520 = arith.index_cast %parallel_loop3A_416 : i32 to index
        %parallel_loop3A_521 = arith.constant 80 : index
        %parallel_loop3A_522 = tpu.vector_load %arg10[%parallel_loop3A_519, %parallel_loop3A_520, %parallel_loop3A_521] {strides = array<i32>} : memref<2x80x128xf32, #tpu.memory_space<vmem>>, vector<1x1x16xf32>,
        %parallel_loop3A_523 = vector.shape_cast %parallel_loop3A_522 : vector<1x1x16xf32> to vector<16xf32>
        %parallel_loop3A_524 = vector.shape_cast %parallel_loop3A_517 : vector<16xf32> to vector<1x1x16xf32>
        tpu.vector_store %arg10[%parallel_loop3A_519, %parallel_loop3A_520, %parallel_loop3A_521], %parallel_loop3A_524 {strides = array<i32>} : memref<2x80x128xf32, #tpu.memory_space<vmem>>, vector<1x1x16xf32>,
        %parallel_loop3A_525 = arith.constant 0 : i32
        %parallel_loop3A_526 = arith.index_cast %parallel_loop3A_525 : i32 to index
        %parallel_loop3A_527 = arith.index_cast %parallel_loop3A_416 : i32 to index
        %parallel_loop3A_528 = arith.constant 96 : index
        %parallel_loop3A_529 = tpu.vector_load %arg10[%parallel_loop3A_526, %parallel_loop3A_527, %parallel_loop3A_528] {strides = array<i32>} : memref<2x80x128xf32, #tpu.memory_space<vmem>>, vector<1x1x16xf32>,
        %parallel_loop3A_530 = vector.shape_cast %parallel_loop3A_529 : vector<1x1x16xf32> to vector<16xf32>
        %parallel_loop3A_531 = arith.index_cast %parallel_loop3A_416 : i32 to index
        %parallel_loop3A_532 = arith.constant 96 : index
        %parallel_loop3A_533 = tpu.vector_load %arg11[%parallel_loop3A_531, %parallel_loop3A_532] {strides = array<i32>} : memref<80x128xf32, #tpu.memory_space<vmem>>, vector<1x16xf32>,
        %parallel_loop3A_534 = vector.shape_cast %parallel_loop3A_533 : vector<1x16xf32> to vector<16xf32>
        %parallel_loop3A_535 = arith.mulf %parallel_loop3A_530, %parallel_loop3A_534 : vector<16xf32>
        %parallel_loop3A_536 = arith.constant 0 : i32
        %parallel_loop3A_537 = arith.index_cast %parallel_loop3A_536 : i32 to index
        %parallel_loop3A_538 = arith.index_cast %parallel_loop3A_416 : i32 to index
        %parallel_loop3A_539 = arith.constant 96 : index
        %parallel_loop3A_540 = tpu.vector_load %arg10[%parallel_loop3A_537, %parallel_loop3A_538, %parallel_loop3A_539] {strides = array<i32>} : memref<2x80x128xf32, #tpu.memory_space<vmem>>, vector<1x1x16xf32>,
        %parallel_loop3A_541 = vector.shape_cast %parallel_loop3A_540 : vector<1x1x16xf32> to vector<16xf32>
        %parallel_loop3A_542 = vector.shape_cast %parallel_loop3A_535 : vector<16xf32> to vector<1x1x16xf32>
        tpu.vector_store %arg10[%parallel_loop3A_537, %parallel_loop3A_538, %parallel_loop3A_539], %parallel_loop3A_542 {strides = array<i32>} : memref<2x80x128xf32, #tpu.memory_space<vmem>>, vector<1x1x16xf32>,
        %parallel_loop3A_543 = arith.constant 0 : i32
        %parallel_loop3A_544 = arith.index_cast %parallel_loop3A_543 : i32 to index
        %parallel_loop3A_545 = arith.index_cast %parallel_loop3A_416 : i32 to index
        %parallel_loop3A_546 = arith.constant 112 : index
        %parallel_loop3A_547 = tpu.vector_load %arg10[%parallel_loop3A_544, %parallel_loop3A_545, %parallel_loop3A_546] {strides = array<i32>} : memref<2x80x128xf32, #tpu.memory_space<vmem>>, vector<1x1x16xf32>,
        %parallel_loop3A_548 = vector.shape_cast %parallel_loop3A_547 : vector<1x1x16xf32> to vector<16xf32>
        %parallel_loop3A_549 = arith.index_cast %parallel_loop3A_416 : i32 to index
        %parallel_loop3A_550 = arith.constant 112 : index
        %parallel_loop3A_551 = tpu.vector_load %arg11[%parallel_loop3A_549, %parallel_loop3A_550] {strides = array<i32>} : memref<80x128xf32, #tpu.memory_space<vmem>>, vector<1x16xf32>,
        %parallel_loop3A_552 = vector.shape_cast %parallel_loop3A_551 : vector<1x16xf32> to vector<16xf32>
        %parallel_loop3A_553 = arith.mulf %parallel_loop3A_548, %parallel_loop3A_552 : vector<16xf32>
        %parallel_loop3A_554 = arith.constant 0 : i32
        %parallel_loop3A_555 = arith.index_cast %parallel_loop3A_554 : i32 to index
        %parallel_loop3A_556 = arith.index_cast %parallel_loop3A_416 : i32 to index
        %parallel_loop3A_557 = arith.constant 112 : index
        %parallel_loop3A_558 = tpu.vector_load %arg10[%parallel_loop3A_555, %parallel_loop3A_556, %parallel_loop3A_557] {strides = array<i32>} : memref<2x80x128xf32, #tpu.memory_space<vmem>>, vector<1x1x16xf32>,
        %parallel_loop3A_559 = vector.shape_cast %parallel_loop3A_558 : vector<1x1x16xf32> to vector<16xf32>
        %parallel_loop3A_560 = vector.shape_cast %parallel_loop3A_553 : vector<16xf32> to vector<1x1x16xf32>
        tpu.vector_store %arg10[%parallel_loop3A_555, %parallel_loop3A_556, %parallel_loop3A_557], %parallel_loop3A_560 {strides = array<i32>} : memref<2x80x128xf32, #tpu.memory_space<vmem>>, vector<1x1x16xf32>,
      } {sc.loop_unroll_factor = 4 : i64, sc.parallel_access}
      %add3A_253 = arith.constant 163840 : i32
      %add3A_254 = arith.addi %add3A_253, %mul3A_4 : i32
      %mul3A_255 = arith.constant 80 : i32
      %mul3A_256 = arith.muli %mul3A_172, %mul3A_255 : i32
      %add3A_257 = arith.addi %add3A_254, %mul3A_256 : i32
      %dma_start3A_258 = arith.constant 0 : i32
      %dma_start3A_259 = arith.constant 0 : i32
      %dma_start3A_260 = arith.constant 0 : i32
      %dma_start3A_261 = arith.constant 0 : i32
      %dma_start3A_262 = tpu.memref_slice %arg10[%dma_start3A_258, %dma_start3A_260, %dma_start3A_261] : memref<2x80x128xf32, #tpu.memory_space<vmem>> -> memref<1x80x128xf32, #tpu.memory_space<vmem>>
      %dma_start3A_263 = tpu.memref_squeeze %dma_start3A_262 : memref<1x80x128xf32, #tpu.memory_space<vmem>> -> memref<80x128xf32, #tpu.memory_space<vmem>>
      %dma_start3A_264 = arith.constant 0 : i32
      %dma_start3A_265 = tpu.memref_slice %arg6[%add3A_257, %dma_start3A_264] : memref<320000x128xf32, #tpu.memory_space<hbm>> -> memref<80x128xf32, #tpu.memory_space<hbm>>
      %dma_start3A_266 = tpu.memref_slice %arg16[%dma_start3A_259] : memref<2x!tpu.dma_semaphore, #tpu.memory_space<semaphore_mem>> -> memref<1x!tpu.dma_semaphore, #tpu.memory_space<semaphore_mem>>
      %dma_start3A_267 = tpu.memref_squeeze %dma_start3A_266 : memref<1x!tpu.dma_semaphore, #tpu.memory_space<semaphore_mem>> -> memref<!tpu.dma_semaphore, #tpu.memory_space<semaphore_mem>>
      %dma_start3A_268 = arith.constant 0 : i32
      %dma_start3A_269 = tpu.memref_slice %arg6[%add3A_257, %dma_start3A_268] : memref<320000x128xf32, #tpu.memory_space<hbm>> -> memref<80x128xf32, #tpu.memory_space<hbm>>
      %dma_start3A_270 = arith.constant 0 : i32
      %dma_start3A_271 = arith.constant 0 : i32
      %dma_start3A_272 = tpu.memref_slice %arg10[%dma_start3A_258, %dma_start3A_270, %dma_start3A_271] : memref<2x80x128xf32, #tpu.memory_space<vmem>> -> memref<1x80x128xf32, #tpu.memory_space<vmem>>
      %dma_start3A_273 = tpu.memref_squeeze %dma_start3A_272 : memref<1x80x128xf32, #tpu.memory_space<vmem>> -> memref<80x128xf32, #tpu.memory_space<vmem>>
      tpu.enqueue_dma source(%dma_start3A_273 : memref<80x128xf32, #tpu.memory_space<vmem>>) target(%dma_start3A_269 : memref<80x128xf32, #tpu.memory_space<hbm>>) target_semaphore(%dma_start3A_267 : memref<!tpu.dma_semaphore, #tpu.memory_space<semaphore_mem>>)
      %dma_start3A_274 = arith.constant 0 : i32
      %dma_start3A_275 = arith.constant 0 : i32
      %dma_start3A_276 = arith.constant 0 : i32
      %dma_start3A_277 = arith.constant 0 : i32
      %dma_start3A_278 = tpu.memref_slice %arg10[%dma_start3A_274, %dma_start3A_276, %dma_start3A_277] : memref<2x80x128xf32, #tpu.memory_space<vmem>> -> memref<1x80x128xf32, #tpu.memory_space<vmem>>
      %dma_start3A_279 = tpu.memref_squeeze %dma_start3A_278 : memref<1x80x128xf32, #tpu.memory_space<vmem>> -> memref<80x128xf32, #tpu.memory_space<vmem>>
      %dma_start3A_280 = arith.constant 0 : i32
      %dma_start3A_281 = tpu.memref_slice %arg9[%rem3A_176, %rem3A_174, %dma_start3A_280] : memref<2x8x80xi32, #tpu.memory_space<vmem>> -> memref<1x1x80xi32, #tpu.memory_space<vmem>>
      %dma_start3A_282 = tpu.memref_squeeze %dma_start3A_281 : memref<1x1x80xi32, #tpu.memory_space<vmem>> -> memref<80xi32, #tpu.memory_space<vmem>>
      %dma_start3A_283 = arith.constant 0 : i32
      %dma_start3A_284 = arith.constant 0 : i32
      %dma_start3A_285 = tpu.memref_slice %arg13[%dma_start3A_283, %dma_start3A_284] : memref<10240x128xf32, #tpu.memory_space<vmem_shared>> -> memref<10240x128xf32, #tpu.memory_space<vmem_shared>>
      %dma_start3A_286 = tpu.memref_slice %arg17[%dma_start3A_275] : memref<2x!tpu.dma_semaphore, #tpu.memory_space<semaphore_mem>> -> memref<1x!tpu.dma_semaphore, #tpu.memory_space<semaphore_mem>>
      %dma_start3A_287 = tpu.memref_squeeze %dma_start3A_286 : memref<1x!tpu.dma_semaphore, #tpu.memory_space<semaphore_mem>> -> memref<!tpu.dma_semaphore, #tpu.memory_space<semaphore_mem>>
      tpu.enqueue_indirect_dma source(%dma_start3A_279 : memref<80x128xf32, #tpu.memory_space<vmem>>) target(%dma_start3A_285 : memref<10240x128xf32, #tpu.memory_space<vmem_shared>>) offsets(%dma_start3A_282 : memref<80xi32, #tpu.memory_space<vmem>>) semaphore(%dma_start3A_287 : memref<!tpu.dma_semaphore, #tpu.memory_space<semaphore_mem>>) {add = true}
      %mul3A_288 = arith.constant 2 : i32
      %mul3A_289 = arith.muli %mul3A_288, %scan3A_170 : i32
      %add3A_290 = arith.constant 1 : i32
      %add3A_291 = arith.addi %mul3A_289, %add3A_290 : i32
      %div3A_292 = arith.constant 8 : i32
      %div3A_293 = arith.divsi %add3A_291, %div3A_292 : i32
      %rem3A_294 = arith.constant 8 : i32
      %rem3A_295 = arith.remsi %add3A_291, %rem3A_294 : i32
      %rem3A_296 = arith.constant 2 : i32
      %rem3A_297 = arith.remsi %div3A_293, %rem3A_296 : i32
      %sub3A_298 = arith.constant 1 : i32
      %sub3A_299 = arith.subi %sub3A_298, %rem3A_297 : i32
      %ge3A_300 = arith.constant 1 : i32
      %ge3A_301 = arith.cmpi sge, %add3A_291, %ge3A_300 : i32
      %convert_element_type3A_302 = arith.extui %ge3A_301 : i1 to i32
      %cond3A_303 = arith.constant 0 : i32
      %cond3A_304 = arith.cmpi ne, %convert_element_type3A_302, %cond3A_303 : i32
      scf.if %cond3A_304 {
        %sub3A_416 = arith.constant 1 : i32
        %sub3A_417 = arith.subi %add3A_291, %sub3A_416 : i32
        %sub3A_418 = arith.constant 1 : i32
        %sub3A_419 = arith.subi %add3A_291, %sub3A_418 : i32
        %div3A_420 = arith.constant 8 : i32
        %div3A_421 = arith.divsi %sub3A_419, %div3A_420 : i32
        %rem3A_422 = arith.constant 2 : i32
        %rem3A_423 = arith.remsi %div3A_421, %rem3A_422 : i32
        %sub3A_424 = arith.constant 1 : i32
        %sub3A_425 = arith.subi %add3A_291, %sub3A_424 : i32
        %rem3A_426 = arith.constant 8 : i32
        %rem3A_427 = arith.remsi %sub3A_425, %rem3A_426 : i32
        %add3A_428 = arith.constant 163840 : i32
        %add3A_429 = arith.addi %add3A_428, %mul3A_4 : i32
        %mul3A_430 = arith.constant 80 : i32
        %mul3A_431 = arith.muli %sub3A_417, %mul3A_430 : i32
        %add3A_432 = arith.addi %add3A_429, %mul3A_431 : i32
        %dma_wait3A_433 = arith.constant 0 : i32
        %dma_wait3A_434 = arith.constant 0 : i32
        %dma_wait3A_435 = arith.constant 0 : i32
        %dma_wait3A_436 = arith.constant 0 : i32
        %dma_wait3A_437 = tpu.memref_slice %arg10[%dma_wait3A_433, %dma_wait3A_435, %dma_wait3A_436] : memref<2x80x128xf32, #tpu.memory_space<vmem>> -> memref<1x80x128xf32, #tpu.memory_space<vmem>>
        %dma_wait3A_438 = tpu.memref_squeeze %dma_wait3A_437 : memref<1x80x128xf32, #tpu.memory_space<vmem>> -> memref<80x128xf32, #tpu.memory_space<vmem>>
        %dma_wait3A_439 = arith.constant 0 : i32
        %dma_wait3A_440 = tpu.memref_slice %arg6[%add3A_432, %dma_wait3A_439] : memref<320000x128xf32, #tpu.memory_space<hbm>> -> memref<80x128xf32, #tpu.memory_space<hbm>>
        %dma_wait3A_441 = tpu.memref_slice %arg16[%dma_wait3A_434] : memref<2x!tpu.dma_semaphore, #tpu.memory_space<semaphore_mem>> -> memref<1x!tpu.dma_semaphore, #tpu.memory_space<semaphore_mem>>
        %dma_wait3A_442 = tpu.memref_squeeze %dma_wait3A_441 : memref<1x!tpu.dma_semaphore, #tpu.memory_space<semaphore_mem>> -> memref<!tpu.dma_semaphore, #tpu.memory_space<semaphore_mem>>
        %dma_wait3A_443 = arith.constant 0 : i32
        %dma_wait3A_444 = tpu.memref_slice %arg6[%add3A_432, %dma_wait3A_443] : memref<320000x128xf32, #tpu.memory_space<hbm>> -> memref<80x128xf32, #tpu.memory_space<hbm>>
        %dma_wait3A_445 = arith.constant 0 : i32
        %dma_wait3A_446 = arith.constant 0 : i32
        %dma_wait3A_447 = tpu.memref_slice %arg10[%dma_wait3A_433, %dma_wait3A_445, %dma_wait3A_446] : memref<2x80x128xf32, #tpu.memory_space<vmem>> -> memref<1x80x128xf32, #tpu.memory_space<vmem>>
        %dma_wait3A_448 = tpu.memref_squeeze %dma_wait3A_447 : memref<1x80x128xf32, #tpu.memory_space<vmem>> -> memref<80x128xf32, #tpu.memory_space<vmem>>
        tpu.wait_dma2 semaphore(%dma_wait3A_442 : memref<!tpu.dma_semaphore, #tpu.memory_space<semaphore_mem>>) src(%dma_wait3A_448 : memref<80x128xf32, #tpu.memory_space<vmem>>) dst(%dma_wait3A_444 : memref<80x128xf32, #tpu.memory_space<hbm>>)
        %dma_wait3A_449 = arith.constant 0 : i32
        %dma_wait3A_450 = arith.constant 0 : i32
        %dma_wait3A_451 = arith.constant 0 : i32
        %dma_wait3A_452 = arith.constant 0 : i32
        %dma_wait3A_453 = tpu.memref_slice %arg10[%dma_wait3A_449, %dma_wait3A_451, %dma_wait3A_452] : memref<2x80x128xf32, #tpu.memory_space<vmem>> -> memref<1x80x128xf32, #tpu.memory_space<vmem>>
        %dma_wait3A_454 = tpu.memref_squeeze %dma_wait3A_453 : memref<1x80x128xf32, #tpu.memory_space<vmem>> -> memref<80x128xf32, #tpu.memory_space<vmem>>
        %dma_wait3A_455 = arith.constant 0 : i32
        %dma_wait3A_456 = tpu.memref_slice %arg9[%rem3A_423, %rem3A_427, %dma_wait3A_455] : memref<2x8x80xi32, #tpu.memory_space<vmem>> -> memref<1x1x80xi32, #tpu.memory_space<vmem>>
        %dma_wait3A_457 = tpu.memref_squeeze %dma_wait3A_456 : memref<1x1x80xi32, #tpu.memory_space<vmem>> -> memref<80xi32, #tpu.memory_space<vmem>>
        %dma_wait3A_458 = arith.constant 0 : i32
        %dma_wait3A_459 = arith.constant 0 : i32
        %dma_wait3A_460 = tpu.memref_slice %arg13[%dma_wait3A_458, %dma_wait3A_459] : memref<10240x128xf32, #tpu.memory_space<vmem_shared>> -> memref<10240x128xf32, #tpu.memory_space<vmem_shared>>
        %dma_wait3A_461 = tpu.memref_slice %arg17[%dma_wait3A_450] : memref<2x!tpu.dma_semaphore, #tpu.memory_space<semaphore_mem>> -> memref<1x!tpu.dma_semaphore, #tpu.memory_space<semaphore_mem>>
        %dma_wait3A_462 = tpu.memref_squeeze %dma_wait3A_461 : memref<1x!tpu.dma_semaphore, #tpu.memory_space<semaphore_mem>> -> memref<!tpu.dma_semaphore, #tpu.memory_space<semaphore_mem>>
        tpu.wait_indirect_dma semaphore(%dma_wait3A_462 : memref<!tpu.dma_semaphore, #tpu.memory_space<semaphore_mem>>) src(%dma_wait3A_454 : memref<80x128xf32, #tpu.memory_space<vmem>>) dst(%dma_wait3A_460 : memref<10240x128xf32, #tpu.memory_space<vmem_shared>>)
      } else {
      }
      %eq3A_305 = arith.constant 1 : i32
      %eq3A_306 = arith.cmpi eq, %rem3A_295, %eq3A_305 : i32
      %lt3A_307 = arith.constant 7 : i32
      %lt3A_308 = arith.cmpi slt, %div3A_293, %lt3A_307 : i32
      %and3A_309 = arith.andi %eq3A_306, %lt3A_308 : i1
      %convert_element_type3A_310 = arith.extui %and3A_309 : i1 to i32
      %cond3A_311 = arith.constant 0 : i32
      %cond3A_312 = arith.cmpi ne, %convert_element_type3A_310, %cond3A_311 : i32
      scf.if %cond3A_312 {
        %add3A_416 = arith.constant 1 : i32
        %add3A_417 = arith.addi %div3A_293, %add3A_416 : i32
        %dma_start3A_418 = arith.constant 0 : i32
        %dma_start3A_419 = arith.constant 0 : i32
        %dma_start3A_420 = tpu.memref_slice %arg9[%sub3A_299, %dma_start3A_418, %dma_start3A_419] : memref<2x8x80xi32, #tpu.memory_space<vmem>> -> memref<1x8x80xi32, #tpu.memory_space<vmem>>
        %dma_start3A_421 = tpu.memref_squeeze %dma_start3A_420 : memref<1x8x80xi32, #tpu.memory_space<vmem>> -> memref<8x80xi32, #tpu.memory_space<vmem>>
        %dma_start3A_422 = arith.constant 0 : i32
        %dma_start3A_423 = arith.constant 0 : i32
        %dma_start3A_424 = tpu.memref_slice %arg3[%add3A, %add3A_417, %dma_start3A_422, %dma_start3A_423] : memref<32x8x8x80xi32, #tpu.memory_space<hbm>> -> memref<1x1x8x80xi32, #tpu.memory_space<hbm>>
        %dma_start3A_425 = tpu.memref_squeeze %dma_start3A_424 : memref<1x1x8x80xi32, #tpu.memory_space<hbm>> -> memref<8x80xi32, #tpu.memory_space<hbm>>
        %dma_start3A_426 = tpu.memref_slice %arg18[%sub3A_299] : memref<2x!tpu.dma_semaphore, #tpu.memory_space<semaphore_mem>> -> memref<1x!tpu.dma_semaphore, #tpu.memory_space<semaphore_mem>>
        %dma_start3A_427 = tpu.memref_squeeze %dma_start3A_426 : memref<1x!tpu.dma_semaphore, #tpu.memory_space<semaphore_mem>> -> memref<!tpu.dma_semaphore, #tpu.memory_space<semaphore_mem>>
        %dma_start3A_428 = arith.constant 0 : i32
        %dma_start3A_429 = arith.constant 0 : i32
        %dma_start3A_430 = tpu.memref_slice %arg9[%sub3A_299, %dma_start3A_428, %dma_start3A_429] : memref<2x8x80xi32, #tpu.memory_space<vmem>> -> memref<1x8x80xi32, #tpu.memory_space<vmem>>
        %dma_start3A_431 = tpu.memref_squeeze %dma_start3A_430 : memref<1x8x80xi32, #tpu.memory_space<vmem>> -> memref<8x80xi32, #tpu.memory_space<vmem>>
        %dma_start3A_432 = arith.constant 0 : i32
        %dma_start3A_433 = arith.constant 0 : i32
        %dma_start3A_434 = tpu.memref_slice %arg3[%add3A, %add3A_417, %dma_start3A_432, %dma_start3A_433] : memref<32x8x8x80xi32, #tpu.memory_space<hbm>> -> memref<1x1x8x80xi32, #tpu.memory_space<hbm>>
        %dma_start3A_435 = tpu.memref_squeeze %dma_start3A_434 : memref<1x1x8x80xi32, #tpu.memory_space<hbm>> -> memref<8x80xi32, #tpu.memory_space<hbm>>
        tpu.enqueue_dma source(%dma_start3A_435 : memref<8x80xi32, #tpu.memory_space<hbm>>) target(%dma_start3A_431 : memref<8x80xi32, #tpu.memory_space<vmem>>) target_semaphore(%dma_start3A_427 : memref<!tpu.dma_semaphore, #tpu.memory_space<semaphore_mem>>)
      } else {
      }
      %eq3A_313 = arith.constant 7 : i32
      %eq3A_314 = arith.cmpi eq, %rem3A_295, %eq3A_313 : i32
      %convert_element_type3A_315 = arith.extui %eq3A_314 : i1 to i32
      %cond3A_316 = arith.constant 0 : i32
      %cond3A_317 = arith.cmpi ne, %convert_element_type3A_315, %cond3A_316 : i32
      scf.if %cond3A_317 {
        %add3A_416 = arith.constant 1 : i32
        %add3A_417 = arith.addi %div3A_293, %add3A_416 : i32
        %dma_wait3A_418 = arith.constant 0 : i32
        %dma_wait3A_419 = arith.constant 0 : i32
        %dma_wait3A_420 = tpu.memref_slice %arg9[%sub3A_299, %dma_wait3A_418, %dma_wait3A_419] : memref<2x8x80xi32, #tpu.memory_space<vmem>> -> memref<1x8x80xi32, #tpu.memory_space<vmem>>
        %dma_wait3A_421 = tpu.memref_squeeze %dma_wait3A_420 : memref<1x8x80xi32, #tpu.memory_space<vmem>> -> memref<8x80xi32, #tpu.memory_space<vmem>>
        %dma_wait3A_422 = arith.constant 0 : i32
        %dma_wait3A_423 = arith.constant 0 : i32
        %dma_wait3A_424 = tpu.memref_slice %arg3[%add3A, %add3A_417, %dma_wait3A_422, %dma_wait3A_423] : memref<32x8x8x80xi32, #tpu.memory_space<hbm>> -> memref<1x1x8x80xi32, #tpu.memory_space<hbm>>
        %dma_wait3A_425 = tpu.memref_squeeze %dma_wait3A_424 : memref<1x1x8x80xi32, #tpu.memory_space<hbm>> -> memref<8x80xi32, #tpu.memory_space<hbm>>
        %dma_wait3A_426 = tpu.memref_slice %arg18[%sub3A_299] : memref<2x!tpu.dma_semaphore, #tpu.memory_space<semaphore_mem>> -> memref<1x!tpu.dma_semaphore, #tpu.memory_space<semaphore_mem>>
        %dma_wait3A_427 = tpu.memref_squeeze %dma_wait3A_426 : memref<1x!tpu.dma_semaphore, #tpu.memory_space<semaphore_mem>> -> memref<!tpu.dma_semaphore, #tpu.memory_space<semaphore_mem>>
        %dma_wait3A_428 = arith.constant 0 : i32
        %dma_wait3A_429 = arith.constant 0 : i32
        %dma_wait3A_430 = tpu.memref_slice %arg9[%sub3A_299, %dma_wait3A_428, %dma_wait3A_429] : memref<2x8x80xi32, #tpu.memory_space<vmem>> -> memref<1x8x80xi32, #tpu.memory_space<vmem>>
        %dma_wait3A_431 = tpu.memref_squeeze %dma_wait3A_430 : memref<1x8x80xi32, #tpu.memory_space<vmem>> -> memref<8x80xi32, #tpu.memory_space<vmem>>
        %dma_wait3A_432 = arith.constant 0 : i32
        %dma_wait3A_433 = arith.constant 0 : i32
        %dma_wait3A_434 = tpu.memref_slice %arg3[%add3A, %add3A_417, %dma_wait3A_432, %dma_wait3A_433] : memref<32x8x8x80xi32, #tpu.memory_space<hbm>> -> memref<1x1x8x80xi32, #tpu.memory_space<hbm>>
        %dma_wait3A_435 = tpu.memref_squeeze %dma_wait3A_434 : memref<1x1x8x80xi32, #tpu.memory_space<hbm>> -> memref<8x80xi32, #tpu.memory_space<hbm>>
        tpu.wait_dma2 semaphore(%dma_wait3A_427 : memref<!tpu.dma_semaphore, #tpu.memory_space<semaphore_mem>>) src(%dma_wait3A_435 : memref<8x80xi32, #tpu.memory_space<hbm>>) dst(%dma_wait3A_431 : memref<8x80xi32, #tpu.memory_space<vmem>>)
      } else {
      }
      %add3A_318 = arith.constant 1 : i32
      %add3A_319 = arith.addi %add3A_291, %add3A_318 : i32
      %div3A_320 = arith.constant 8 : i32
      %div3A_321 = arith.divsi %add3A_319, %div3A_320 : i32
      %rem3A_322 = arith.constant 2 : i32
      %rem3A_323 = arith.remsi %div3A_321, %rem3A_322 : i32
      %add3A_324 = arith.constant 1 : i32
      %add3A_325 = arith.addi %add3A_291, %add3A_324 : i32
      %add3A_326 = arith.constant 1 : i32
      %add3A_327 = arith.addi %add3A_291, %add3A_326 : i32
      %rem3A_328 = arith.constant 8 : i32
      %rem3A_329 = arith.remsi %add3A_327, %rem3A_328 : i32
      %dma_start3A_330 = arith.constant 0 : i32
      %dma_start3A_331 = arith.constant 0 : i32
      %dma_start3A_332 = arith.constant 0 : i32
      %dma_start3A_333 = arith.constant 0 : i32
      %dma_start3A_334 = tpu.memref_slice %arg10[%dma_start3A_330, %dma_start3A_332, %dma_start3A_333] : memref<2x80x128xf32, #tpu.memory_space<vmem>> -> memref<1x80x128xf32, #tpu.memory_space<vmem>>
      %dma_start3A_335 = tpu.memref_squeeze %dma_start3A_334 : memref<1x80x128xf32, #tpu.memory_space<vmem>> -> memref<80x128xf32, #tpu.memory_space<vmem>>
      %dma_start3A_336 = arith.constant 0 : i32
      %dma_start3A_337 = tpu.memref_slice %arg9[%rem3A_323, %rem3A_329, %dma_start3A_336] : memref<2x8x80xi32, #tpu.memory_space<vmem>> -> memref<1x1x80xi32, #tpu.memory_space<vmem>>
      %dma_start3A_338 = tpu.memref_squeeze %dma_start3A_337 : memref<1x1x80xi32, #tpu.memory_space<vmem>> -> memref<80xi32, #tpu.memory_space<vmem>>
      %dma_start3A_339 = arith.constant 0 : i32
      %dma_start3A_340 = arith.constant 0 : i32
      %dma_start3A_341 = tpu.memref_slice %arg2[%dma_start3A_339, %dma_start3A_340] : memref<10000x128xf32, #tpu.memory_space<hbm>> -> memref<10000x128xf32, #tpu.memory_space<hbm>>
      %dma_start3A_342 = tpu.memref_slice %arg14[%dma_start3A_331] : memref<2x!tpu.dma_semaphore, #tpu.memory_space<semaphore_mem>> -> memref<1x!tpu.dma_semaphore, #tpu.memory_space<semaphore_mem>>
      %dma_start3A_343 = tpu.memref_squeeze %dma_start3A_342 : memref<1x!tpu.dma_semaphore, #tpu.memory_space<semaphore_mem>> -> memref<!tpu.dma_semaphore, #tpu.memory_space<semaphore_mem>>
      tpu.enqueue_indirect_dma source(%dma_start3A_341 : memref<10000x128xf32, #tpu.memory_space<hbm>>) target(%dma_start3A_335 : memref<80x128xf32, #tpu.memory_space<vmem>>) offsets(%dma_start3A_338 : memref<80xi32, #tpu.memory_space<vmem>>) semaphore(%dma_start3A_343 : memref<!tpu.dma_semaphore, #tpu.memory_space<semaphore_mem>>)
      %mul3A_344 = arith.constant 80 : i32
      %mul3A_345 = arith.muli %add3A_325, %mul3A_344 : i32
      %add3A_346 = arith.addi %mul3A_4, %mul3A_345 : i32
      %dma_start3A_347 = arith.constant 0 : i32
      %dma_start3A_348 = arith.constant 0 : i32
      %dma_start3A_349 = tpu.memref_slice %arg4[%add3A_346, %dma_start3A_348] : memref<156160x128xf32, #tpu.memory_space<hbm>> -> memref<80x128xf32, #tpu.memory_space<hbm>>
      %dma_start3A_350 = tpu.memref_slice %arg15[%dma_start3A_347] : memref<2x!tpu.dma_semaphore, #tpu.memory_space<semaphore_mem>> -> memref<1x!tpu.dma_semaphore, #tpu.memory_space<semaphore_mem>>
      %dma_start3A_351 = tpu.memref_squeeze %dma_start3A_350 : memref<1x!tpu.dma_semaphore, #tpu.memory_space<semaphore_mem>> -> memref<!tpu.dma_semaphore, #tpu.memory_space<semaphore_mem>>
      %dma_start3A_352 = arith.constant 0 : i32
      %dma_start3A_353 = tpu.memref_slice %arg4[%add3A_346, %dma_start3A_352] : memref<156160x128xf32, #tpu.memory_space<hbm>> -> memref<80x128xf32, #tpu.memory_space<hbm>>
      tpu.enqueue_dma source(%dma_start3A_353 : memref<80x128xf32, #tpu.memory_space<hbm>>) target(%arg11 : memref<80x128xf32, #tpu.memory_space<vmem>>) target_semaphore(%dma_start3A_351 : memref<!tpu.dma_semaphore, #tpu.memory_space<semaphore_mem>>)
      %dma_wait3A_354 = arith.constant 1 : i32
      %dma_wait3A_355 = arith.constant 1 : i32
      %dma_wait3A_356 = arith.constant 0 : i32
      %dma_wait3A_357 = arith.constant 0 : i32
      %dma_wait3A_358 = tpu.memref_slice %arg10[%dma_wait3A_354, %dma_wait3A_356, %dma_wait3A_357] : memref<2x80x128xf32, #tpu.memory_space<vmem>> -> memref<1x80x128xf32, #tpu.memory_space<vmem>>
      %dma_wait3A_359 = tpu.memref_squeeze %dma_wait3A_358 : memref<1x80x128xf32, #tpu.memory_space<vmem>> -> memref<80x128xf32, #tpu.memory_space<vmem>>
      %dma_wait3A_360 = arith.constant 0 : i32
      %dma_wait3A_361 = tpu.memref_slice %arg9[%rem3A_297, %rem3A_295, %dma_wait3A_360] : memref<2x8x80xi32, #tpu.memory_space<vmem>> -> memref<1x1x80xi32, #tpu.memory_space<vmem>>
      %dma_wait3A_362 = tpu.memref_squeeze %dma_wait3A_361 : memref<1x1x80xi32, #tpu.memory_space<vmem>> -> memref<80xi32, #tpu.memory_space<vmem>>
      %dma_wait3A_363 = arith.constant 0 : i32
      %dma_wait3A_364 = arith.constant 0 : i32
      %dma_wait3A_365 = tpu.memref_slice %arg2[%dma_wait3A_363, %dma_wait3A_364] : memref<10000x128xf32, #tpu.memory_space<hbm>> -> memref<10000x128xf32, #tpu.memory_space<hbm>>
      %dma_wait3A_366 = tpu.memref_slice %arg14[%dma_wait3A_355] : memref<2x!tpu.dma_semaphore, #tpu.memory_space<semaphore_mem>> -> memref<1x!tpu.dma_semaphore, #tpu.memory_space<semaphore_mem>>
      %dma_wait3A_367 = tpu.memref_squeeze %dma_wait3A_366 : memref<1x!tpu.dma_semaphore, #tpu.memory_space<semaphore_mem>> -> memref<!tpu.dma_semaphore, #tpu.memory_space<semaphore_mem>>
      tpu.wait_indirect_dma semaphore(%dma_wait3A_367 : memref<!tpu.dma_semaphore, #tpu.memory_space<semaphore_mem>>) src(%dma_wait3A_365 : memref<10000x128xf32, #tpu.memory_space<hbm>>) dst(%dma_wait3A_359 : memref<80x128xf32, #tpu.memory_space<vmem>>)
      %mul3A_368 = arith.constant 80 : i32
      %mul3A_369 = arith.muli %add3A_291, %mul3A_368 : i32
      %add3A_370 = arith.addi %mul3A_4, %mul3A_369 : i32
      %dma_wait3A_371 = arith.constant 1 : i32
      %dma_wait3A_372 = arith.constant 0 : i32
      %dma_wait3A_373 = tpu.memref_slice %arg4[%add3A_370, %dma_wait3A_372] : memref<156160x128xf32, #tpu.memory_space<hbm>> -> memref<80x128xf32, #tpu.memory_space<hbm>>
      %dma_wait3A_374 = tpu.memref_slice %arg15[%dma_wait3A_371] : memref<2x!tpu.dma_semaphore, #tpu.memory_space<semaphore_mem>> -> memref<1x!tpu.dma_semaphore, #tpu.memory_space<semaphore_mem>>
      %dma_wait3A_375 = tpu.memref_squeeze %dma_wait3A_374 : memref<1x!tpu.dma_semaphore, #tpu.memory_space<semaphore_mem>> -> memref<!tpu.dma_semaphore, #tpu.memory_space<semaphore_mem>>
      %dma_wait3A_376 = arith.constant 0 : i32
      %dma_wait3A_377 = tpu.memref_slice %arg4[%add3A_370, %dma_wait3A_376] : memref<156160x128xf32, #tpu.memory_space<hbm>> -> memref<80x128xf32, #tpu.memory_space<hbm>>
      tpu.wait_dma2 semaphore(%dma_wait3A_375 : memref<!tpu.dma_semaphore, #tpu.memory_space<semaphore_mem>>) src(%dma_wait3A_377 : memref<80x128xf32, #tpu.memory_space<hbm>>) dst(%arg12 : memref<80x128xf32, #tpu.memory_space<vmem>>)
      %parallel_loop3A_378 = arith.constant 0 : i32
      %parallel_loop3A_379 = arith.constant 80 : i32
      %parallel_loop3A_380 = arith.constant 1 : i32
      scf.for %parallel_loop3A_416 = %parallel_loop3A_378 to %parallel_loop3A_379 step %parallel_loop3A_380  : i32 {
        %parallel_loop3A_417 = arith.constant 1 : i32
        %parallel_loop3A_418 = arith.index_cast %parallel_loop3A_417 : i32 to index
        %parallel_loop3A_419 = arith.index_cast %parallel_loop3A_416 : i32 to index
        %parallel_loop3A_420 = arith.constant 0 : index
        %parallel_loop3A_421 = tpu.vector_load %arg10[%parallel_loop3A_418, %parallel_loop3A_419, %parallel_loop3A_420] {strides = array<i32>} : memref<2x80x128xf32, #tpu.memory_space<vmem>>, vector<1x1x16xf32>,
        %parallel_loop3A_422 = vector.shape_cast %parallel_loop3A_421 : vector<1x1x16xf32> to vector<16xf32>
        %parallel_loop3A_423 = arith.index_cast %parallel_loop3A_416 : i32 to index
        %parallel_loop3A_424 = arith.constant 0 : index
        %parallel_loop3A_425 = tpu.vector_load %arg12[%parallel_loop3A_423, %parallel_loop3A_424] {strides = array<i32>} : memref<80x128xf32, #tpu.memory_space<vmem>>, vector<1x16xf32>,
        %parallel_loop3A_426 = vector.shape_cast %parallel_loop3A_425 : vector<1x16xf32> to vector<16xf32>
        %parallel_loop3A_427 = arith.mulf %parallel_loop3A_422, %parallel_loop3A_426 : vector<16xf32>
        %parallel_loop3A_428 = arith.constant 1 : i32
        %parallel_loop3A_429 = arith.index_cast %parallel_loop3A_428 : i32 to index
        %parallel_loop3A_430 = arith.index_cast %parallel_loop3A_416 : i32 to index
        %parallel_loop3A_431 = arith.constant 0 : index
        %parallel_loop3A_432 = tpu.vector_load %arg10[%parallel_loop3A_429, %parallel_loop3A_430, %parallel_loop3A_431] {strides = array<i32>} : memref<2x80x128xf32, #tpu.memory_space<vmem>>, vector<1x1x16xf32>,
        %parallel_loop3A_433 = vector.shape_cast %parallel_loop3A_432 : vector<1x1x16xf32> to vector<16xf32>
        %parallel_loop3A_434 = vector.shape_cast %parallel_loop3A_427 : vector<16xf32> to vector<1x1x16xf32>
        tpu.vector_store %arg10[%parallel_loop3A_429, %parallel_loop3A_430, %parallel_loop3A_431], %parallel_loop3A_434 {strides = array<i32>} : memref<2x80x128xf32, #tpu.memory_space<vmem>>, vector<1x1x16xf32>,
        %parallel_loop3A_435 = arith.constant 1 : i32
        %parallel_loop3A_436 = arith.index_cast %parallel_loop3A_435 : i32 to index
        %parallel_loop3A_437 = arith.index_cast %parallel_loop3A_416 : i32 to index
        %parallel_loop3A_438 = arith.constant 16 : index
        %parallel_loop3A_439 = tpu.vector_load %arg10[%parallel_loop3A_436, %parallel_loop3A_437, %parallel_loop3A_438] {strides = array<i32>} : memref<2x80x128xf32, #tpu.memory_space<vmem>>, vector<1x1x16xf32>,
        %parallel_loop3A_440 = vector.shape_cast %parallel_loop3A_439 : vector<1x1x16xf32> to vector<16xf32>
        %parallel_loop3A_441 = arith.index_cast %parallel_loop3A_416 : i32 to index
        %parallel_loop3A_442 = arith.constant 16 : index
        %parallel_loop3A_443 = tpu.vector_load %arg12[%parallel_loop3A_441, %parallel_loop3A_442] {strides = array<i32>} : memref<80x128xf32, #tpu.memory_space<vmem>>, vector<1x16xf32>,
        %parallel_loop3A_444 = vector.shape_cast %parallel_loop3A_443 : vector<1x16xf32> to vector<16xf32>
        %parallel_loop3A_445 = arith.mulf %parallel_loop3A_440, %parallel_loop3A_444 : vector<16xf32>
        %parallel_loop3A_446 = arith.constant 1 : i32
        %parallel_loop3A_447 = arith.index_cast %parallel_loop3A_446 : i32 to index
        %parallel_loop3A_448 = arith.index_cast %parallel_loop3A_416 : i32 to index
        %parallel_loop3A_449 = arith.constant 16 : index
        %parallel_loop3A_450 = tpu.vector_load %arg10[%parallel_loop3A_447, %parallel_loop3A_448, %parallel_loop3A_449] {strides = array<i32>} : memref<2x80x128xf32, #tpu.memory_space<vmem>>, vector<1x1x16xf32>,
        %parallel_loop3A_451 = vector.shape_cast %parallel_loop3A_450 : vector<1x1x16xf32> to vector<16xf32>
        %parallel_loop3A_452 = vector.shape_cast %parallel_loop3A_445 : vector<16xf32> to vector<1x1x16xf32>
        tpu.vector_store %arg10[%parallel_loop3A_447, %parallel_loop3A_448, %parallel_loop3A_449], %parallel_loop3A_452 {strides = array<i32>} : memref<2x80x128xf32, #tpu.memory_space<vmem>>, vector<1x1x16xf32>,
        %parallel_loop3A_453 = arith.constant 1 : i32
        %parallel_loop3A_454 = arith.index_cast %parallel_loop3A_453 : i32 to index
        %parallel_loop3A_455 = arith.index_cast %parallel_loop3A_416 : i32 to index
        %parallel_loop3A_456 = arith.constant 32 : index
        %parallel_loop3A_457 = tpu.vector_load %arg10[%parallel_loop3A_454, %parallel_loop3A_455, %parallel_loop3A_456] {strides = array<i32>} : memref<2x80x128xf32, #tpu.memory_space<vmem>>, vector<1x1x16xf32>,
        %parallel_loop3A_458 = vector.shape_cast %parallel_loop3A_457 : vector<1x1x16xf32> to vector<16xf32>
        %parallel_loop3A_459 = arith.index_cast %parallel_loop3A_416 : i32 to index
        %parallel_loop3A_460 = arith.constant 32 : index
        %parallel_loop3A_461 = tpu.vector_load %arg12[%parallel_loop3A_459, %parallel_loop3A_460] {strides = array<i32>} : memref<80x128xf32, #tpu.memory_space<vmem>>, vector<1x16xf32>,
        %parallel_loop3A_462 = vector.shape_cast %parallel_loop3A_461 : vector<1x16xf32> to vector<16xf32>
        %parallel_loop3A_463 = arith.mulf %parallel_loop3A_458, %parallel_loop3A_462 : vector<16xf32>
        %parallel_loop3A_464 = arith.constant 1 : i32
        %parallel_loop3A_465 = arith.index_cast %parallel_loop3A_464 : i32 to index
        %parallel_loop3A_466 = arith.index_cast %parallel_loop3A_416 : i32 to index
        %parallel_loop3A_467 = arith.constant 32 : index
        %parallel_loop3A_468 = tpu.vector_load %arg10[%parallel_loop3A_465, %parallel_loop3A_466, %parallel_loop3A_467] {strides = array<i32>} : memref<2x80x128xf32, #tpu.memory_space<vmem>>, vector<1x1x16xf32>,
        %parallel_loop3A_469 = vector.shape_cast %parallel_loop3A_468 : vector<1x1x16xf32> to vector<16xf32>
        %parallel_loop3A_470 = vector.shape_cast %parallel_loop3A_463 : vector<16xf32> to vector<1x1x16xf32>
        tpu.vector_store %arg10[%parallel_loop3A_465, %parallel_loop3A_466, %parallel_loop3A_467], %parallel_loop3A_470 {strides = array<i32>} : memref<2x80x128xf32, #tpu.memory_space<vmem>>, vector<1x1x16xf32>,
        %parallel_loop3A_471 = arith.constant 1 : i32
        %parallel_loop3A_472 = arith.index_cast %parallel_loop3A_471 : i32 to index
        %parallel_loop3A_473 = arith.index_cast %parallel_loop3A_416 : i32 to index
        %parallel_loop3A_474 = arith.constant 48 : index
        %parallel_loop3A_475 = tpu.vector_load %arg10[%parallel_loop3A_472, %parallel_loop3A_473, %parallel_loop3A_474] {strides = array<i32>} : memref<2x80x128xf32, #tpu.memory_space<vmem>>, vector<1x1x16xf32>,
        %parallel_loop3A_476 = vector.shape_cast %parallel_loop3A_475 : vector<1x1x16xf32> to vector<16xf32>
        %parallel_loop3A_477 = arith.index_cast %parallel_loop3A_416 : i32 to index
        %parallel_loop3A_478 = arith.constant 48 : index
        %parallel_loop3A_479 = tpu.vector_load %arg12[%parallel_loop3A_477, %parallel_loop3A_478] {strides = array<i32>} : memref<80x128xf32, #tpu.memory_space<vmem>>, vector<1x16xf32>,
        %parallel_loop3A_480 = vector.shape_cast %parallel_loop3A_479 : vector<1x16xf32> to vector<16xf32>
        %parallel_loop3A_481 = arith.mulf %parallel_loop3A_476, %parallel_loop3A_480 : vector<16xf32>
        %parallel_loop3A_482 = arith.constant 1 : i32
        %parallel_loop3A_483 = arith.index_cast %parallel_loop3A_482 : i32 to index
        %parallel_loop3A_484 = arith.index_cast %parallel_loop3A_416 : i32 to index
        %parallel_loop3A_485 = arith.constant 48 : index
        %parallel_loop3A_486 = tpu.vector_load %arg10[%parallel_loop3A_483, %parallel_loop3A_484, %parallel_loop3A_485] {strides = array<i32>} : memref<2x80x128xf32, #tpu.memory_space<vmem>>, vector<1x1x16xf32>,
        %parallel_loop3A_487 = vector.shape_cast %parallel_loop3A_486 : vector<1x1x16xf32> to vector<16xf32>
        %parallel_loop3A_488 = vector.shape_cast %parallel_loop3A_481 : vector<16xf32> to vector<1x1x16xf32>
        tpu.vector_store %arg10[%parallel_loop3A_483, %parallel_loop3A_484, %parallel_loop3A_485], %parallel_loop3A_488 {strides = array<i32>} : memref<2x80x128xf32, #tpu.memory_space<vmem>>, vector<1x1x16xf32>,
        %parallel_loop3A_489 = arith.constant 1 : i32
        %parallel_loop3A_490 = arith.index_cast %parallel_loop3A_489 : i32 to index
        %parallel_loop3A_491 = arith.index_cast %parallel_loop3A_416 : i32 to index
        %parallel_loop3A_492 = arith.constant 64 : index
        %parallel_loop3A_493 = tpu.vector_load %arg10[%parallel_loop3A_490, %parallel_loop3A_491, %parallel_loop3A_492] {strides = array<i32>} : memref<2x80x128xf32, #tpu.memory_space<vmem>>, vector<1x1x16xf32>,
        %parallel_loop3A_494 = vector.shape_cast %parallel_loop3A_493 : vector<1x1x16xf32> to vector<16xf32>
        %parallel_loop3A_495 = arith.index_cast %parallel_loop3A_416 : i32 to index
        %parallel_loop3A_496 = arith.constant 64 : index
        %parallel_loop3A_497 = tpu.vector_load %arg12[%parallel_loop3A_495, %parallel_loop3A_496] {strides = array<i32>} : memref<80x128xf32, #tpu.memory_space<vmem>>, vector<1x16xf32>,
        %parallel_loop3A_498 = vector.shape_cast %parallel_loop3A_497 : vector<1x16xf32> to vector<16xf32>
        %parallel_loop3A_499 = arith.mulf %parallel_loop3A_494, %parallel_loop3A_498 : vector<16xf32>
        %parallel_loop3A_500 = arith.constant 1 : i32
        %parallel_loop3A_501 = arith.index_cast %parallel_loop3A_500 : i32 to index
        %parallel_loop3A_502 = arith.index_cast %parallel_loop3A_416 : i32 to index
        %parallel_loop3A_503 = arith.constant 64 : index
        %parallel_loop3A_504 = tpu.vector_load %arg10[%parallel_loop3A_501, %parallel_loop3A_502, %parallel_loop3A_503] {strides = array<i32>} : memref<2x80x128xf32, #tpu.memory_space<vmem>>, vector<1x1x16xf32>,
        %parallel_loop3A_505 = vector.shape_cast %parallel_loop3A_504 : vector<1x1x16xf32> to vector<16xf32>
        %parallel_loop3A_506 = vector.shape_cast %parallel_loop3A_499 : vector<16xf32> to vector<1x1x16xf32>
        tpu.vector_store %arg10[%parallel_loop3A_501, %parallel_loop3A_502, %parallel_loop3A_503], %parallel_loop3A_506 {strides = array<i32>} : memref<2x80x128xf32, #tpu.memory_space<vmem>>, vector<1x1x16xf32>,
        %parallel_loop3A_507 = arith.constant 1 : i32
        %parallel_loop3A_508 = arith.index_cast %parallel_loop3A_507 : i32 to index
        %parallel_loop3A_509 = arith.index_cast %parallel_loop3A_416 : i32 to index
        %parallel_loop3A_510 = arith.constant 80 : index
        %parallel_loop3A_511 = tpu.vector_load %arg10[%parallel_loop3A_508, %parallel_loop3A_509, %parallel_loop3A_510] {strides = array<i32>} : memref<2x80x128xf32, #tpu.memory_space<vmem>>, vector<1x1x16xf32>,
        %parallel_loop3A_512 = vector.shape_cast %parallel_loop3A_511 : vector<1x1x16xf32> to vector<16xf32>
        %parallel_loop3A_513 = arith.index_cast %parallel_loop3A_416 : i32 to index
        %parallel_loop3A_514 = arith.constant 80 : index
        %parallel_loop3A_515 = tpu.vector_load %arg12[%parallel_loop3A_513, %parallel_loop3A_514] {strides = array<i32>} : memref<80x128xf32, #tpu.memory_space<vmem>>, vector<1x16xf32>,
        %parallel_loop3A_516 = vector.shape_cast %parallel_loop3A_515 : vector<1x16xf32> to vector<16xf32>
        %parallel_loop3A_517 = arith.mulf %parallel_loop3A_512, %parallel_loop3A_516 : vector<16xf32>
        %parallel_loop3A_518 = arith.constant 1 : i32
        %parallel_loop3A_519 = arith.index_cast %parallel_loop3A_518 : i32 to index
        %parallel_loop3A_520 = arith.index_cast %parallel_loop3A_416 : i32 to index
        %parallel_loop3A_521 = arith.constant 80 : index
        %parallel_loop3A_522 = tpu.vector_load %arg10[%parallel_loop3A_519, %parallel_loop3A_520, %parallel_loop3A_521] {strides = array<i32>} : memref<2x80x128xf32, #tpu.memory_space<vmem>>, vector<1x1x16xf32>,
        %parallel_loop3A_523 = vector.shape_cast %parallel_loop3A_522 : vector<1x1x16xf32> to vector<16xf32>
        %parallel_loop3A_524 = vector.shape_cast %parallel_loop3A_517 : vector<16xf32> to vector<1x1x16xf32>
        tpu.vector_store %arg10[%parallel_loop3A_519, %parallel_loop3A_520, %parallel_loop3A_521], %parallel_loop3A_524 {strides = array<i32>} : memref<2x80x128xf32, #tpu.memory_space<vmem>>, vector<1x1x16xf32>,
        %parallel_loop3A_525 = arith.constant 1 : i32
        %parallel_loop3A_526 = arith.index_cast %parallel_loop3A_525 : i32 to index
        %parallel_loop3A_527 = arith.index_cast %parallel_loop3A_416 : i32 to index
        %parallel_loop3A_528 = arith.constant 96 : index
        %parallel_loop3A_529 = tpu.vector_load %arg10[%parallel_loop3A_526, %parallel_loop3A_527, %parallel_loop3A_528] {strides = array<i32>} : memref<2x80x128xf32, #tpu.memory_space<vmem>>, vector<1x1x16xf32>,
        %parallel_loop3A_530 = vector.shape_cast %parallel_loop3A_529 : vector<1x1x16xf32> to vector<16xf32>
        %parallel_loop3A_531 = arith.index_cast %parallel_loop3A_416 : i32 to index
        %parallel_loop3A_532 = arith.constant 96 : index
        %parallel_loop3A_533 = tpu.vector_load %arg12[%parallel_loop3A_531, %parallel_loop3A_532] {strides = array<i32>} : memref<80x128xf32, #tpu.memory_space<vmem>>, vector<1x16xf32>,
        %parallel_loop3A_534 = vector.shape_cast %parallel_loop3A_533 : vector<1x16xf32> to vector<16xf32>
        %parallel_loop3A_535 = arith.mulf %parallel_loop3A_530, %parallel_loop3A_534 : vector<16xf32>
        %parallel_loop3A_536 = arith.constant 1 : i32
        %parallel_loop3A_537 = arith.index_cast %parallel_loop3A_536 : i32 to index
        %parallel_loop3A_538 = arith.index_cast %parallel_loop3A_416 : i32 to index
        %parallel_loop3A_539 = arith.constant 96 : index
        %parallel_loop3A_540 = tpu.vector_load %arg10[%parallel_loop3A_537, %parallel_loop3A_538, %parallel_loop3A_539] {strides = array<i32>} : memref<2x80x128xf32, #tpu.memory_space<vmem>>, vector<1x1x16xf32>,
        %parallel_loop3A_541 = vector.shape_cast %parallel_loop3A_540 : vector<1x1x16xf32> to vector<16xf32>
        %parallel_loop3A_542 = vector.shape_cast %parallel_loop3A_535 : vector<16xf32> to vector<1x1x16xf32>
        tpu.vector_store %arg10[%parallel_loop3A_537, %parallel_loop3A_538, %parallel_loop3A_539], %parallel_loop3A_542 {strides = array<i32>} : memref<2x80x128xf32, #tpu.memory_space<vmem>>, vector<1x1x16xf32>,
        %parallel_loop3A_543 = arith.constant 1 : i32
        %parallel_loop3A_544 = arith.index_cast %parallel_loop3A_543 : i32 to index
        %parallel_loop3A_545 = arith.index_cast %parallel_loop3A_416 : i32 to index
        %parallel_loop3A_546 = arith.constant 112 : index
        %parallel_loop3A_547 = tpu.vector_load %arg10[%parallel_loop3A_544, %parallel_loop3A_545, %parallel_loop3A_546] {strides = array<i32>} : memref<2x80x128xf32, #tpu.memory_space<vmem>>, vector<1x1x16xf32>,
        %parallel_loop3A_548 = vector.shape_cast %parallel_loop3A_547 : vector<1x1x16xf32> to vector<16xf32>
        %parallel_loop3A_549 = arith.index_cast %parallel_loop3A_416 : i32 to index
        %parallel_loop3A_550 = arith.constant 112 : index
        %parallel_loop3A_551 = tpu.vector_load %arg12[%parallel_loop3A_549, %parallel_loop3A_550] {strides = array<i32>} : memref<80x128xf32, #tpu.memory_space<vmem>>, vector<1x16xf32>,
        %parallel_loop3A_552 = vector.shape_cast %parallel_loop3A_551 : vector<1x16xf32> to vector<16xf32>
        %parallel_loop3A_553 = arith.mulf %parallel_loop3A_548, %parallel_loop3A_552 : vector<16xf32>
        %parallel_loop3A_554 = arith.constant 1 : i32
        %parallel_loop3A_555 = arith.index_cast %parallel_loop3A_554 : i32 to index
        %parallel_loop3A_556 = arith.index_cast %parallel_loop3A_416 : i32 to index
        %parallel_loop3A_557 = arith.constant 112 : index
        %parallel_loop3A_558 = tpu.vector_load %arg10[%parallel_loop3A_555, %parallel_loop3A_556, %parallel_loop3A_557] {strides = array<i32>} : memref<2x80x128xf32, #tpu.memory_space<vmem>>, vector<1x1x16xf32>,
        %parallel_loop3A_559 = vector.shape_cast %parallel_loop3A_558 : vector<1x1x16xf32> to vector<16xf32>
        %parallel_loop3A_560 = vector.shape_cast %parallel_loop3A_553 : vector<16xf32> to vector<1x1x16xf32>
        tpu.vector_store %arg10[%parallel_loop3A_555, %parallel_loop3A_556, %parallel_loop3A_557], %parallel_loop3A_560 {strides = array<i32>} : memref<2x80x128xf32, #tpu.memory_space<vmem>>, vector<1x1x16xf32>,
      } {sc.loop_unroll_factor = 4 : i64, sc.parallel_access}
      %add3A_381 = arith.constant 163840 : i32
      %add3A_382 = arith.addi %add3A_381, %mul3A_4 : i32
      %mul3A_383 = arith.constant 80 : i32
      %mul3A_384 = arith.muli %add3A_291, %mul3A_383 : i32
      %add3A_385 = arith.addi %add3A_382, %mul3A_384 : i32
      %dma_start3A_386 = arith.constant 1 : i32
      %dma_start3A_387 = arith.constant 1 : i32
      %dma_start3A_388 = arith.constant 0 : i32
      %dma_start3A_389 = arith.constant 0 : i32
      %dma_start3A_390 = tpu.memref_slice %arg10[%dma_start3A_386, %dma_start3A_388, %dma_start3A_389] : memref<2x80x128xf32, #tpu.memory_space<vmem>> -> memref<1x80x128xf32, #tpu.memory_space<vmem>>
      %dma_start3A_391 = tpu.memref_squeeze %dma_start3A_390 : memref<1x80x128xf32, #tpu.memory_space<vmem>> -> memref<80x128xf32, #tpu.memory_space<vmem>>
      %dma_start3A_392 = arith.constant 0 : i32
      %dma_start3A_393 = tpu.memref_slice %arg6[%add3A_385, %dma_start3A_392] : memref<320000x128xf32, #tpu.memory_space<hbm>> -> memref<80x128xf32, #tpu.memory_space<hbm>>
      %dma_start3A_394 = tpu.memref_slice %arg16[%dma_start3A_387] : memref<2x!tpu.dma_semaphore, #tpu.memory_space<semaphore_mem>> -> memref<1x!tpu.dma_semaphore, #tpu.memory_space<semaphore_mem>>
      %dma_start3A_395 = tpu.memref_squeeze %dma_start3A_394 : memref<1x!tpu.dma_semaphore, #tpu.memory_space<semaphore_mem>> -> memref<!tpu.dma_semaphore, #tpu.memory_space<semaphore_mem>>
      %dma_start3A_396 = arith.constant 0 : i32
      %dma_start3A_397 = tpu.memref_slice %arg6[%add3A_385, %dma_start3A_396] : memref<320000x128xf32, #tpu.memory_space<hbm>> -> memref<80x128xf32, #tpu.memory_space<hbm>>
      %dma_start3A_398 = arith.constant 0 : i32
      %dma_start3A_399 = arith.constant 0 : i32
      %dma_start3A_400 = tpu.memref_slice %arg10[%dma_start3A_386, %dma_start3A_398, %dma_start3A_399] : memref<2x80x128xf32, #tpu.memory_space<vmem>> -> memref<1x80x128xf32, #tpu.memory_space<vmem>>
      %dma_start3A_401 = tpu.memref_squeeze %dma_start3A_400 : memref<1x80x128xf32, #tpu.memory_space<vmem>> -> memref<80x128xf32, #tpu.memory_space<vmem>>
      tpu.enqueue_dma source(%dma_start3A_401 : memref<80x128xf32, #tpu.memory_space<vmem>>) target(%dma_start3A_397 : memref<80x128xf32, #tpu.memory_space<hbm>>) target_semaphore(%dma_start3A_395 : memref<!tpu.dma_semaphore, #tpu.memory_space<semaphore_mem>>)
      %dma_start3A_402 = arith.constant 1 : i32
      %dma_start3A_403 = arith.constant 1 : i32
      %dma_start3A_404 = arith.constant 0 : i32
      %dma_start3A_405 = arith.constant 0 : i32
      %dma_start3A_406 = tpu.memref_slice %arg10[%dma_start3A_402, %dma_start3A_404, %dma_start3A_405] : memref<2x80x128xf32, #tpu.memory_space<vmem>> -> memref<1x80x128xf32, #tpu.memory_space<vmem>>
      %dma_start3A_407 = tpu.memref_squeeze %dma_start3A_406 : memref<1x80x128xf32, #tpu.memory_space<vmem>> -> memref<80x128xf32, #tpu.memory_space<vmem>>
      %dma_start3A_408 = arith.constant 0 : i32
      %dma_start3A_409 = tpu.memref_slice %arg9[%rem3A_297, %rem3A_295, %dma_start3A_408] : memref<2x8x80xi32, #tpu.memory_space<vmem>> -> memref<1x1x80xi32, #tpu.memory_space<vmem>>
      %dma_start3A_410 = tpu.memref_squeeze %dma_start3A_409 : memref<1x1x80xi32, #tpu.memory_space<vmem>> -> memref<80xi32, #tpu.memory_space<vmem>>
      %dma_start3A_411 = arith.constant 0 : i32
      %dma_start3A_412 = arith.constant 0 : i32
      %dma_start3A_413 = tpu.memref_slice %arg13[%dma_start3A_411, %dma_start3A_412] : memref<10240x128xf32, #tpu.memory_space<vmem_shared>> -> memref<10240x128xf32, #tpu.memory_space<vmem_shared>>
      %dma_start3A_414 = tpu.memref_slice %arg17[%dma_start3A_403] : memref<2x!tpu.dma_semaphore, #tpu.memory_space<semaphore_mem>> -> memref<1x!tpu.dma_semaphore, #tpu.memory_space<semaphore_mem>>
      %dma_start3A_415 = tpu.memref_squeeze %dma_start3A_414 : memref<1x!tpu.dma_semaphore, #tpu.memory_space<semaphore_mem>> -> memref<!tpu.dma_semaphore, #tpu.memory_space<semaphore_mem>>
      tpu.enqueue_indirect_dma source(%dma_start3A_407 : memref<80x128xf32, #tpu.memory_space<vmem>>) target(%dma_start3A_413 : memref<10240x128xf32, #tpu.memory_space<vmem_shared>>) offsets(%dma_start3A_410 : memref<80xi32, #tpu.memory_space<vmem>>) semaphore(%dma_start3A_415 : memref<!tpu.dma_semaphore, #tpu.memory_space<semaphore_mem>>) {add = true}
    }
    %scan3A_34 = arith.constant 30 : i32
    %dma_wait3A = arith.constant 1 : i32
    %dma_wait3A_35 = arith.constant 4 : i32
    %dma_wait3A_36 = arith.constant 0 : i32
    %dma_wait3A_37 = arith.constant 0 : i32
    %dma_wait3A_38 = arith.constant 0 : i32
    %dma_wait3A_39 = arith.constant 0 : i32
    %dma_wait3A_40 = tpu.memref_slice %arg10[%dma_wait3A_36, %dma_wait3A_38, %dma_wait3A_39] : memref<2x80x128xf32, #tpu.memory_space<vmem>> -> memref<1x80x128xf32, #tpu.memory_space<vmem>>
    %dma_wait3A_41 = tpu.memref_squeeze %dma_wait3A_40 : memref<1x80x128xf32, #tpu.memory_space<vmem>> -> memref<80x128xf32, #tpu.memory_space<vmem>>
    %dma_wait3A_42 = arith.constant 0 : i32
    %dma_wait3A_43 = tpu.memref_slice %arg9[%dma_wait3A, %dma_wait3A_35, %dma_wait3A_42] : memref<2x8x80xi32, #tpu.memory_space<vmem>> -> memref<1x1x80xi32, #tpu.memory_space<vmem>>
    %dma_wait3A_44 = tpu.memref_squeeze %dma_wait3A_43 : memref<1x1x80xi32, #tpu.memory_space<vmem>> -> memref<80xi32, #tpu.memory_space<vmem>>
    %dma_wait3A_45 = arith.constant 0 : i32
    %dma_wait3A_46 = arith.constant 0 : i32
    %dma_wait3A_47 = tpu.memref_slice %arg2[%dma_wait3A_45, %dma_wait3A_46] : memref<10000x128xf32, #tpu.memory_space<hbm>> -> memref<10000x128xf32, #tpu.memory_space<hbm>>
    %dma_wait3A_48 = tpu.memref_slice %arg14[%dma_wait3A_37] : memref<2x!tpu.dma_semaphore, #tpu.memory_space<semaphore_mem>> -> memref<1x!tpu.dma_semaphore, #tpu.memory_space<semaphore_mem>>
    %dma_wait3A_49 = tpu.memref_squeeze %dma_wait3A_48 : memref<1x!tpu.dma_semaphore, #tpu.memory_space<semaphore_mem>> -> memref<!tpu.dma_semaphore, #tpu.memory_space<semaphore_mem>>
    tpu.wait_indirect_dma semaphore(%dma_wait3A_49 : memref<!tpu.dma_semaphore, #tpu.memory_space<semaphore_mem>>) src(%dma_wait3A_47 : memref<10000x128xf32, #tpu.memory_space<hbm>>) dst(%dma_wait3A_41 : memref<80x128xf32, #tpu.memory_space<vmem>>)
    %add3A_50 = arith.constant 4800 : i32
    %add3A_51 = arith.addi %mul3A_4, %add3A_50 : i32
    %dma_wait3A_52 = arith.constant 0 : i32
    %dma_wait3A_53 = arith.constant 0 : i32
    %dma_wait3A_54 = tpu.memref_slice %arg4[%add3A_51, %dma_wait3A_53] : memref<156160x128xf32, #tpu.memory_space<hbm>> -> memref<80x128xf32, #tpu.memory_space<hbm>>
    %dma_wait3A_55 = tpu.memref_slice %arg15[%dma_wait3A_52] : memref<2x!tpu.dma_semaphore, #tpu.memory_space<semaphore_mem>> -> memref<1x!tpu.dma_semaphore, #tpu.memory_space<semaphore_mem>>
    %dma_wait3A_56 = tpu.memref_squeeze %dma_wait3A_55 : memref<1x!tpu.dma_semaphore, #tpu.memory_space<semaphore_mem>> -> memref<!tpu.dma_semaphore, #tpu.memory_space<semaphore_mem>>
    %dma_wait3A_57 = arith.constant 0 : i32
    %dma_wait3A_58 = tpu.memref_slice %arg4[%add3A_51, %dma_wait3A_57] : memref<156160x128xf32, #tpu.memory_space<hbm>> -> memref<80x128xf32, #tpu.memory_space<hbm>>
    tpu.wait_dma2 semaphore(%dma_wait3A_56 : memref<!tpu.dma_semaphore, #tpu.memory_space<semaphore_mem>>) src(%dma_wait3A_58 : memref<80x128xf32, #tpu.memory_space<hbm>>) dst(%arg11 : memref<80x128xf32, #tpu.memory_space<vmem>>)
    %parallel_loop3A = arith.constant 0 : i32
    %parallel_loop3A_59 = arith.constant 80 : i32
    %parallel_loop3A_60 = arith.constant 1 : i32
    scf.for %parallel_loop3A_170 = %parallel_loop3A to %parallel_loop3A_59 step %parallel_loop3A_60  : i32 {
      %parallel_loop3A_171 = arith.constant 0 : i32
      %parallel_loop3A_172 = arith.index_cast %parallel_loop3A_171 : i32 to index
      %parallel_loop3A_173 = arith.index_cast %parallel_loop3A_170 : i32 to index
      %parallel_loop3A_174 = arith.constant 0 : index
      %parallel_loop3A_175 = tpu.vector_load %arg10[%parallel_loop3A_172, %parallel_loop3A_173, %parallel_loop3A_174] {strides = array<i32>} : memref<2x80x128xf32, #tpu.memory_space<vmem>>, vector<1x1x16xf32>,
      %parallel_loop3A_176 = vector.shape_cast %parallel_loop3A_175 : vector<1x1x16xf32> to vector<16xf32>
      %parallel_loop3A_177 = arith.index_cast %parallel_loop3A_170 : i32 to index
      %parallel_loop3A_178 = arith.constant 0 : index
      %parallel_loop3A_179 = tpu.vector_load %arg11[%parallel_loop3A_177, %parallel_loop3A_178] {strides = array<i32>} : memref<80x128xf32, #tpu.memory_space<vmem>>, vector<1x16xf32>,
      %parallel_loop3A_180 = vector.shape_cast %parallel_loop3A_179 : vector<1x16xf32> to vector<16xf32>
      %parallel_loop3A_181 = arith.mulf %parallel_loop3A_176, %parallel_loop3A_180 : vector<16xf32>
      %parallel_loop3A_182 = arith.constant 0 : i32
      %parallel_loop3A_183 = arith.index_cast %parallel_loop3A_182 : i32 to index
      %parallel_loop3A_184 = arith.index_cast %parallel_loop3A_170 : i32 to index
      %parallel_loop3A_185 = arith.constant 0 : index
      %parallel_loop3A_186 = tpu.vector_load %arg10[%parallel_loop3A_183, %parallel_loop3A_184, %parallel_loop3A_185] {strides = array<i32>} : memref<2x80x128xf32, #tpu.memory_space<vmem>>, vector<1x1x16xf32>,
      %parallel_loop3A_187 = vector.shape_cast %parallel_loop3A_186 : vector<1x1x16xf32> to vector<16xf32>
      %parallel_loop3A_188 = vector.shape_cast %parallel_loop3A_181 : vector<16xf32> to vector<1x1x16xf32>
      tpu.vector_store %arg10[%parallel_loop3A_183, %parallel_loop3A_184, %parallel_loop3A_185], %parallel_loop3A_188 {strides = array<i32>} : memref<2x80x128xf32, #tpu.memory_space<vmem>>, vector<1x1x16xf32>,
      %parallel_loop3A_189 = arith.constant 0 : i32
      %parallel_loop3A_190 = arith.index_cast %parallel_loop3A_189 : i32 to index
      %parallel_loop3A_191 = arith.index_cast %parallel_loop3A_170 : i32 to index
      %parallel_loop3A_192 = arith.constant 16 : index
      %parallel_loop3A_193 = tpu.vector_load %arg10[%parallel_loop3A_190, %parallel_loop3A_191, %parallel_loop3A_192] {strides = array<i32>} : memref<2x80x128xf32, #tpu.memory_space<vmem>>, vector<1x1x16xf32>,
      %parallel_loop3A_194 = vector.shape_cast %parallel_loop3A_193 : vector<1x1x16xf32> to vector<16xf32>
      %parallel_loop3A_195 = arith.index_cast %parallel_loop3A_170 : i32 to index
      %parallel_loop3A_196 = arith.constant 16 : index
      %parallel_loop3A_197 = tpu.vector_load %arg11[%parallel_loop3A_195, %parallel_loop3A_196] {strides = array<i32>} : memref<80x128xf32, #tpu.memory_space<vmem>>, vector<1x16xf32>,
      %parallel_loop3A_198 = vector.shape_cast %parallel_loop3A_197 : vector<1x16xf32> to vector<16xf32>
      %parallel_loop3A_199 = arith.mulf %parallel_loop3A_194, %parallel_loop3A_198 : vector<16xf32>
      %parallel_loop3A_200 = arith.constant 0 : i32
      %parallel_loop3A_201 = arith.index_cast %parallel_loop3A_200 : i32 to index
      %parallel_loop3A_202 = arith.index_cast %parallel_loop3A_170 : i32 to index
      %parallel_loop3A_203 = arith.constant 16 : index
      %parallel_loop3A_204 = tpu.vector_load %arg10[%parallel_loop3A_201, %parallel_loop3A_202, %parallel_loop3A_203] {strides = array<i32>} : memref<2x80x128xf32, #tpu.memory_space<vmem>>, vector<1x1x16xf32>,
      %parallel_loop3A_205 = vector.shape_cast %parallel_loop3A_204 : vector<1x1x16xf32> to vector<16xf32>
      %parallel_loop3A_206 = vector.shape_cast %parallel_loop3A_199 : vector<16xf32> to vector<1x1x16xf32>
      tpu.vector_store %arg10[%parallel_loop3A_201, %parallel_loop3A_202, %parallel_loop3A_203], %parallel_loop3A_206 {strides = array<i32>} : memref<2x80x128xf32, #tpu.memory_space<vmem>>, vector<1x1x16xf32>,
      %parallel_loop3A_207 = arith.constant 0 : i32
      %parallel_loop3A_208 = arith.index_cast %parallel_loop3A_207 : i32 to index
      %parallel_loop3A_209 = arith.index_cast %parallel_loop3A_170 : i32 to index
      %parallel_loop3A_210 = arith.constant 32 : index
      %parallel_loop3A_211 = tpu.vector_load %arg10[%parallel_loop3A_208, %parallel_loop3A_209, %parallel_loop3A_210] {strides = array<i32>} : memref<2x80x128xf32, #tpu.memory_space<vmem>>, vector<1x1x16xf32>,
      %parallel_loop3A_212 = vector.shape_cast %parallel_loop3A_211 : vector<1x1x16xf32> to vector<16xf32>
      %parallel_loop3A_213 = arith.index_cast %parallel_loop3A_170 : i32 to index
      %parallel_loop3A_214 = arith.constant 32 : index
      %parallel_loop3A_215 = tpu.vector_load %arg11[%parallel_loop3A_213, %parallel_loop3A_214] {strides = array<i32>} : memref<80x128xf32, #tpu.memory_space<vmem>>, vector<1x16xf32>,
      %parallel_loop3A_216 = vector.shape_cast %parallel_loop3A_215 : vector<1x16xf32> to vector<16xf32>
      %parallel_loop3A_217 = arith.mulf %parallel_loop3A_212, %parallel_loop3A_216 : vector<16xf32>
      %parallel_loop3A_218 = arith.constant 0 : i32
      %parallel_loop3A_219 = arith.index_cast %parallel_loop3A_218 : i32 to index
      %parallel_loop3A_220 = arith.index_cast %parallel_loop3A_170 : i32 to index
      %parallel_loop3A_221 = arith.constant 32 : index
      %parallel_loop3A_222 = tpu.vector_load %arg10[%parallel_loop3A_219, %parallel_loop3A_220, %parallel_loop3A_221] {strides = array<i32>} : memref<2x80x128xf32, #tpu.memory_space<vmem>>, vector<1x1x16xf32>,
      %parallel_loop3A_223 = vector.shape_cast %parallel_loop3A_222 : vector<1x1x16xf32> to vector<16xf32>
      %parallel_loop3A_224 = vector.shape_cast %parallel_loop3A_217 : vector<16xf32> to vector<1x1x16xf32>
      tpu.vector_store %arg10[%parallel_loop3A_219, %parallel_loop3A_220, %parallel_loop3A_221], %parallel_loop3A_224 {strides = array<i32>} : memref<2x80x128xf32, #tpu.memory_space<vmem>>, vector<1x1x16xf32>,
      %parallel_loop3A_225 = arith.constant 0 : i32
      %parallel_loop3A_226 = arith.index_cast %parallel_loop3A_225 : i32 to index
      %parallel_loop3A_227 = arith.index_cast %parallel_loop3A_170 : i32 to index
      %parallel_loop3A_228 = arith.constant 48 : index
      %parallel_loop3A_229 = tpu.vector_load %arg10[%parallel_loop3A_226, %parallel_loop3A_227, %parallel_loop3A_228] {strides = array<i32>} : memref<2x80x128xf32, #tpu.memory_space<vmem>>, vector<1x1x16xf32>,
      %parallel_loop3A_230 = vector.shape_cast %parallel_loop3A_229 : vector<1x1x16xf32> to vector<16xf32>
      %parallel_loop3A_231 = arith.index_cast %parallel_loop3A_170 : i32 to index
      %parallel_loop3A_232 = arith.constant 48 : index
      %parallel_loop3A_233 = tpu.vector_load %arg11[%parallel_loop3A_231, %parallel_loop3A_232] {strides = array<i32>} : memref<80x128xf32, #tpu.memory_space<vmem>>, vector<1x16xf32>,
      %parallel_loop3A_234 = vector.shape_cast %parallel_loop3A_233 : vector<1x16xf32> to vector<16xf32>
      %parallel_loop3A_235 = arith.mulf %parallel_loop3A_230, %parallel_loop3A_234 : vector<16xf32>
      %parallel_loop3A_236 = arith.constant 0 : i32
      %parallel_loop3A_237 = arith.index_cast %parallel_loop3A_236 : i32 to index
      %parallel_loop3A_238 = arith.index_cast %parallel_loop3A_170 : i32 to index
      %parallel_loop3A_239 = arith.constant 48 : index
      %parallel_loop3A_240 = tpu.vector_load %arg10[%parallel_loop3A_237, %parallel_loop3A_238, %parallel_loop3A_239] {strides = array<i32>} : memref<2x80x128xf32, #tpu.memory_space<vmem>>, vector<1x1x16xf32>,
      %parallel_loop3A_241 = vector.shape_cast %parallel_loop3A_240 : vector<1x1x16xf32> to vector<16xf32>
      %parallel_loop3A_242 = vector.shape_cast %parallel_loop3A_235 : vector<16xf32> to vector<1x1x16xf32>
      tpu.vector_store %arg10[%parallel_loop3A_237, %parallel_loop3A_238, %parallel_loop3A_239], %parallel_loop3A_242 {strides = array<i32>} : memref<2x80x128xf32, #tpu.memory_space<vmem>>, vector<1x1x16xf32>,
      %parallel_loop3A_243 = arith.constant 0 : i32
      %parallel_loop3A_244 = arith.index_cast %parallel_loop3A_243 : i32 to index
      %parallel_loop3A_245 = arith.index_cast %parallel_loop3A_170 : i32 to index
      %parallel_loop3A_246 = arith.constant 64 : index
      %parallel_loop3A_247 = tpu.vector_load %arg10[%parallel_loop3A_244, %parallel_loop3A_245, %parallel_loop3A_246] {strides = array<i32>} : memref<2x80x128xf32, #tpu.memory_space<vmem>>, vector<1x1x16xf32>,
      %parallel_loop3A_248 = vector.shape_cast %parallel_loop3A_247 : vector<1x1x16xf32> to vector<16xf32>
      %parallel_loop3A_249 = arith.index_cast %parallel_loop3A_170 : i32 to index
      %parallel_loop3A_250 = arith.constant 64 : index
      %parallel_loop3A_251 = tpu.vector_load %arg11[%parallel_loop3A_249, %parallel_loop3A_250] {strides = array<i32>} : memref<80x128xf32, #tpu.memory_space<vmem>>, vector<1x16xf32>,
      %parallel_loop3A_252 = vector.shape_cast %parallel_loop3A_251 : vector<1x16xf32> to vector<16xf32>
      %parallel_loop3A_253 = arith.mulf %parallel_loop3A_248, %parallel_loop3A_252 : vector<16xf32>
      %parallel_loop3A_254 = arith.constant 0 : i32
      %parallel_loop3A_255 = arith.index_cast %parallel_loop3A_254 : i32 to index
      %parallel_loop3A_256 = arith.index_cast %parallel_loop3A_170 : i32 to index
      %parallel_loop3A_257 = arith.constant 64 : index
      %parallel_loop3A_258 = tpu.vector_load %arg10[%parallel_loop3A_255, %parallel_loop3A_256, %parallel_loop3A_257] {strides = array<i32>} : memref<2x80x128xf32, #tpu.memory_space<vmem>>, vector<1x1x16xf32>,
      %parallel_loop3A_259 = vector.shape_cast %parallel_loop3A_258 : vector<1x1x16xf32> to vector<16xf32>
      %parallel_loop3A_260 = vector.shape_cast %parallel_loop3A_253 : vector<16xf32> to vector<1x1x16xf32>
      tpu.vector_store %arg10[%parallel_loop3A_255, %parallel_loop3A_256, %parallel_loop3A_257], %parallel_loop3A_260 {strides = array<i32>} : memref<2x80x128xf32, #tpu.memory_space<vmem>>, vector<1x1x16xf32>,
      %parallel_loop3A_261 = arith.constant 0 : i32
      %parallel_loop3A_262 = arith.index_cast %parallel_loop3A_261 : i32 to index
      %parallel_loop3A_263 = arith.index_cast %parallel_loop3A_170 : i32 to index
      %parallel_loop3A_264 = arith.constant 80 : index
      %parallel_loop3A_265 = tpu.vector_load %arg10[%parallel_loop3A_262, %parallel_loop3A_263, %parallel_loop3A_264] {strides = array<i32>} : memref<2x80x128xf32, #tpu.memory_space<vmem>>, vector<1x1x16xf32>,
      %parallel_loop3A_266 = vector.shape_cast %parallel_loop3A_265 : vector<1x1x16xf32> to vector<16xf32>
      %parallel_loop3A_267 = arith.index_cast %parallel_loop3A_170 : i32 to index
      %parallel_loop3A_268 = arith.constant 80 : index
      %parallel_loop3A_269 = tpu.vector_load %arg11[%parallel_loop3A_267, %parallel_loop3A_268] {strides = array<i32>} : memref<80x128xf32, #tpu.memory_space<vmem>>, vector<1x16xf32>,
      %parallel_loop3A_270 = vector.shape_cast %parallel_loop3A_269 : vector<1x16xf32> to vector<16xf32>
      %parallel_loop3A_271 = arith.mulf %parallel_loop3A_266, %parallel_loop3A_270 : vector<16xf32>
      %parallel_loop3A_272 = arith.constant 0 : i32
      %parallel_loop3A_273 = arith.index_cast %parallel_loop3A_272 : i32 to index
      %parallel_loop3A_274 = arith.index_cast %parallel_loop3A_170 : i32 to index
      %parallel_loop3A_275 = arith.constant 80 : index
      %parallel_loop3A_276 = tpu.vector_load %arg10[%parallel_loop3A_273, %parallel_loop3A_274, %parallel_loop3A_275] {strides = array<i32>} : memref<2x80x128xf32, #tpu.memory_space<vmem>>, vector<1x1x16xf32>,
      %parallel_loop3A_277 = vector.shape_cast %parallel_loop3A_276 : vector<1x1x16xf32> to vector<16xf32>
      %parallel_loop3A_278 = vector.shape_cast %parallel_loop3A_271 : vector<16xf32> to vector<1x1x16xf32>
      tpu.vector_store %arg10[%parallel_loop3A_273, %parallel_loop3A_274, %parallel_loop3A_275], %parallel_loop3A_278 {strides = array<i32>} : memref<2x80x128xf32, #tpu.memory_space<vmem>>, vector<1x1x16xf32>,
      %parallel_loop3A_279 = arith.constant 0 : i32
      %parallel_loop3A_280 = arith.index_cast %parallel_loop3A_279 : i32 to index
      %parallel_loop3A_281 = arith.index_cast %parallel_loop3A_170 : i32 to index
      %parallel_loop3A_282 = arith.constant 96 : index
      %parallel_loop3A_283 = tpu.vector_load %arg10[%parallel_loop3A_280, %parallel_loop3A_281, %parallel_loop3A_282] {strides = array<i32>} : memref<2x80x128xf32, #tpu.memory_space<vmem>>, vector<1x1x16xf32>,
      %parallel_loop3A_284 = vector.shape_cast %parallel_loop3A_283 : vector<1x1x16xf32> to vector<16xf32>
      %parallel_loop3A_285 = arith.index_cast %parallel_loop3A_170 : i32 to index
      %parallel_loop3A_286 = arith.constant 96 : index
      %parallel_loop3A_287 = tpu.vector_load %arg11[%parallel_loop3A_285, %parallel_loop3A_286] {strides = array<i32>} : memref<80x128xf32, #tpu.memory_space<vmem>>, vector<1x16xf32>,
      %parallel_loop3A_288 = vector.shape_cast %parallel_loop3A_287 : vector<1x16xf32> to vector<16xf32>
      %parallel_loop3A_289 = arith.mulf %parallel_loop3A_284, %parallel_loop3A_288 : vector<16xf32>
      %parallel_loop3A_290 = arith.constant 0 : i32
      %parallel_loop3A_291 = arith.index_cast %parallel_loop3A_290 : i32 to index
      %parallel_loop3A_292 = arith.index_cast %parallel_loop3A_170 : i32 to index
      %parallel_loop3A_293 = arith.constant 96 : index
      %parallel_loop3A_294 = tpu.vector_load %arg10[%parallel_loop3A_291, %parallel_loop3A_292, %parallel_loop3A_293] {strides = array<i32>} : memref<2x80x128xf32, #tpu.memory_space<vmem>>, vector<1x1x16xf32>,
      %parallel_loop3A_295 = vector.shape_cast %parallel_loop3A_294 : vector<1x1x16xf32> to vector<16xf32>
      %parallel_loop3A_296 = vector.shape_cast %parallel_loop3A_289 : vector<16xf32> to vector<1x1x16xf32>
      tpu.vector_store %arg10[%parallel_loop3A_291, %parallel_loop3A_292, %parallel_loop3A_293], %parallel_loop3A_296 {strides = array<i32>} : memref<2x80x128xf32, #tpu.memory_space<vmem>>, vector<1x1x16xf32>,
      %parallel_loop3A_297 = arith.constant 0 : i32
      %parallel_loop3A_298 = arith.index_cast %parallel_loop3A_297 : i32 to index
      %parallel_loop3A_299 = arith.index_cast %parallel_loop3A_170 : i32 to index
      %parallel_loop3A_300 = arith.constant 112 : index
      %parallel_loop3A_301 = tpu.vector_load %arg10[%parallel_loop3A_298, %parallel_loop3A_299, %parallel_loop3A_300] {strides = array<i32>} : memref<2x80x128xf32, #tpu.memory_space<vmem>>, vector<1x1x16xf32>,
      %parallel_loop3A_302 = vector.shape_cast %parallel_loop3A_301 : vector<1x1x16xf32> to vector<16xf32>
      %parallel_loop3A_303 = arith.index_cast %parallel_loop3A_170 : i32 to index
      %parallel_loop3A_304 = arith.constant 112 : index
      %parallel_loop3A_305 = tpu.vector_load %arg11[%parallel_loop3A_303, %parallel_loop3A_304] {strides = array<i32>} : memref<80x128xf32, #tpu.memory_space<vmem>>, vector<1x16xf32>,
      %parallel_loop3A_306 = vector.shape_cast %parallel_loop3A_305 : vector<1x16xf32> to vector<16xf32>
      %parallel_loop3A_307 = arith.mulf %parallel_loop3A_302, %parallel_loop3A_306 : vector<16xf32>
      %parallel_loop3A_308 = arith.constant 0 : i32
      %parallel_loop3A_309 = arith.index_cast %parallel_loop3A_308 : i32 to index
      %parallel_loop3A_310 = arith.index_cast %parallel_loop3A_170 : i32 to index
      %parallel_loop3A_311 = arith.constant 112 : index
      %parallel_loop3A_312 = tpu.vector_load %arg10[%parallel_loop3A_309, %parallel_loop3A_310, %parallel_loop3A_311] {strides = array<i32>} : memref<2x80x128xf32, #tpu.memory_space<vmem>>, vector<1x1x16xf32>,
      %parallel_loop3A_313 = vector.shape_cast %parallel_loop3A_312 : vector<1x1x16xf32> to vector<16xf32>
      %parallel_loop3A_314 = vector.shape_cast %parallel_loop3A_307 : vector<16xf32> to vector<1x1x16xf32>
      tpu.vector_store %arg10[%parallel_loop3A_309, %parallel_loop3A_310, %parallel_loop3A_311], %parallel_loop3A_314 {strides = array<i32>} : memref<2x80x128xf32, #tpu.memory_space<vmem>>, vector<1x1x16xf32>,
    } {sc.loop_unroll_factor = 4 : i64, sc.parallel_access}
    %add3A_61 = arith.constant 163840 : i32
    %add3A_62 = arith.addi %add3A_61, %mul3A_4 : i32
    %add3A_63 = arith.constant 4800 : i32
    %add3A_64 = arith.addi %add3A_62, %add3A_63 : i32
    %dma_start3A_65 = arith.constant 0 : i32
    %dma_start3A_66 = arith.constant 0 : i32
    %dma_start3A_67 = arith.constant 0 : i32
    %dma_start3A_68 = arith.constant 0 : i32
    %dma_start3A_69 = tpu.memref_slice %arg10[%dma_start3A_65, %dma_start3A_67, %dma_start3A_68] : memref<2x80x128xf32, #tpu.memory_space<vmem>> -> memref<1x80x128xf32, #tpu.memory_space<vmem>>
    %dma_start3A_70 = tpu.memref_squeeze %dma_start3A_69 : memref<1x80x128xf32, #tpu.memory_space<vmem>> -> memref<80x128xf32, #tpu.memory_space<vmem>>
    %dma_start3A_71 = arith.constant 0 : i32
    %dma_start3A_72 = tpu.memref_slice %arg6[%add3A_64, %dma_start3A_71] : memref<320000x128xf32, #tpu.memory_space<hbm>> -> memref<80x128xf32, #tpu.memory_space<hbm>>
    %dma_start3A_73 = tpu.memref_slice %arg16[%dma_start3A_66] : memref<2x!tpu.dma_semaphore, #tpu.memory_space<semaphore_mem>> -> memref<1x!tpu.dma_semaphore, #tpu.memory_space<semaphore_mem>>
    %dma_start3A_74 = tpu.memref_squeeze %dma_start3A_73 : memref<1x!tpu.dma_semaphore, #tpu.memory_space<semaphore_mem>> -> memref<!tpu.dma_semaphore, #tpu.memory_space<semaphore_mem>>
    %dma_start3A_75 = arith.constant 0 : i32
    %dma_start3A_76 = tpu.memref_slice %arg6[%add3A_64, %dma_start3A_75] : memref<320000x128xf32, #tpu.memory_space<hbm>> -> memref<80x128xf32, #tpu.memory_space<hbm>>
    %dma_start3A_77 = arith.constant 0 : i32
    %dma_start3A_78 = arith.constant 0 : i32
    %dma_start3A_79 = tpu.memref_slice %arg10[%dma_start3A_65, %dma_start3A_77, %dma_start3A_78] : memref<2x80x128xf32, #tpu.memory_space<vmem>> -> memref<1x80x128xf32, #tpu.memory_space<vmem>>
    %dma_start3A_80 = tpu.memref_squeeze %dma_start3A_79 : memref<1x80x128xf32, #tpu.memory_space<vmem>> -> memref<80x128xf32, #tpu.memory_space<vmem>>
    tpu.enqueue_dma source(%dma_start3A_80 : memref<80x128xf32, #tpu.memory_space<vmem>>) target(%dma_start3A_76 : memref<80x128xf32, #tpu.memory_space<hbm>>) target_semaphore(%dma_start3A_74 : memref<!tpu.dma_semaphore, #tpu.memory_space<semaphore_mem>>)
    %dma_start3A_81 = arith.constant 0 : i32
    %dma_start3A_82 = arith.constant 1 : i32
    %dma_start3A_83 = arith.constant 4 : i32
    %dma_start3A_84 = arith.constant 0 : i32
    %dma_start3A_85 = arith.constant 0 : i32
    %dma_start3A_86 = arith.constant 0 : i32
    %dma_start3A_87 = tpu.memref_slice %arg10[%dma_start3A_81, %dma_start3A_85, %dma_start3A_86] : memref<2x80x128xf32, #tpu.memory_space<vmem>> -> memref<1x80x128xf32, #tpu.memory_space<vmem>>
    %dma_start3A_88 = tpu.memref_squeeze %dma_start3A_87 : memref<1x80x128xf32, #tpu.memory_space<vmem>> -> memref<80x128xf32, #tpu.memory_space<vmem>>
    %dma_start3A_89 = arith.constant 0 : i32
    %dma_start3A_90 = tpu.memref_slice %arg9[%dma_start3A_82, %dma_start3A_83, %dma_start3A_89] : memref<2x8x80xi32, #tpu.memory_space<vmem>> -> memref<1x1x80xi32, #tpu.memory_space<vmem>>
    %dma_start3A_91 = tpu.memref_squeeze %dma_start3A_90 : memref<1x1x80xi32, #tpu.memory_space<vmem>> -> memref<80xi32, #tpu.memory_space<vmem>>
    %dma_start3A_92 = arith.constant 0 : i32
    %dma_start3A_93 = arith.constant 0 : i32
    %dma_start3A_94 = tpu.memref_slice %arg13[%dma_start3A_92, %dma_start3A_93] : memref<10240x128xf32, #tpu.memory_space<vmem_shared>> -> memref<10240x128xf32, #tpu.memory_space<vmem_shared>>
    %dma_start3A_95 = tpu.memref_slice %arg17[%dma_start3A_84] : memref<2x!tpu.dma_semaphore, #tpu.memory_space<semaphore_mem>> -> memref<1x!tpu.dma_semaphore, #tpu.memory_space<semaphore_mem>>
    %dma_start3A_96 = tpu.memref_squeeze %dma_start3A_95 : memref<1x!tpu.dma_semaphore, #tpu.memory_space<semaphore_mem>> -> memref<!tpu.dma_semaphore, #tpu.memory_space<semaphore_mem>>
    tpu.enqueue_indirect_dma source(%dma_start3A_88 : memref<80x128xf32, #tpu.memory_space<vmem>>) target(%dma_start3A_94 : memref<10240x128xf32, #tpu.memory_space<vmem_shared>>) offsets(%dma_start3A_91 : memref<80xi32, #tpu.memory_space<vmem>>) semaphore(%dma_start3A_96 : memref<!tpu.dma_semaphore, #tpu.memory_space<semaphore_mem>>) {add = true}
    %add3A_97 = arith.constant 163840 : i32
    %add3A_98 = arith.addi %add3A_97, %mul3A_4 : i32
    %add3A_99 = arith.constant 4720 : i32
    %add3A_100 = arith.addi %add3A_98, %add3A_99 : i32
    %dma_wait3A_101 = arith.constant 1 : i32
    %dma_wait3A_102 = arith.constant 1 : i32
    %dma_wait3A_103 = arith.constant 0 : i32
    %dma_wait3A_104 = arith.constant 0 : i32
    %dma_wait3A_105 = tpu.memref_slice %arg10[%dma_wait3A_101, %dma_wait3A_103, %dma_wait3A_104] : memref<2x80x128xf32, #tpu.memory_space<vmem>> -> memref<1x80x128xf32, #tpu.memory_space<vmem>>
    %dma_wait3A_106 = tpu.memref_squeeze %dma_wait3A_105 : memref<1x80x128xf32, #tpu.memory_space<vmem>> -> memref<80x128xf32, #tpu.memory_space<vmem>>
    %dma_wait3A_107 = arith.constant 0 : i32
    %dma_wait3A_108 = tpu.memref_slice %arg6[%add3A_100, %dma_wait3A_107] : memref<320000x128xf32, #tpu.memory_space<hbm>> -> memref<80x128xf32, #tpu.memory_space<hbm>>
    %dma_wait3A_109 = tpu.memref_slice %arg16[%dma_wait3A_102] : memref<2x!tpu.dma_semaphore, #tpu.memory_space<semaphore_mem>> -> memref<1x!tpu.dma_semaphore, #tpu.memory_space<semaphore_mem>>
    %dma_wait3A_110 = tpu.memref_squeeze %dma_wait3A_109 : memref<1x!tpu.dma_semaphore, #tpu.memory_space<semaphore_mem>> -> memref<!tpu.dma_semaphore, #tpu.memory_space<semaphore_mem>>
    %dma_wait3A_111 = arith.constant 0 : i32
    %dma_wait3A_112 = tpu.memref_slice %arg6[%add3A_100, %dma_wait3A_111] : memref<320000x128xf32, #tpu.memory_space<hbm>> -> memref<80x128xf32, #tpu.memory_space<hbm>>
    %dma_wait3A_113 = arith.constant 0 : i32
    %dma_wait3A_114 = arith.constant 0 : i32
    %dma_wait3A_115 = tpu.memref_slice %arg10[%dma_wait3A_101, %dma_wait3A_113, %dma_wait3A_114] : memref<2x80x128xf32, #tpu.memory_space<vmem>> -> memref<1x80x128xf32, #tpu.memory_space<vmem>>
    %dma_wait3A_116 = tpu.memref_squeeze %dma_wait3A_115 : memref<1x80x128xf32, #tpu.memory_space<vmem>> -> memref<80x128xf32, #tpu.memory_space<vmem>>
    tpu.wait_dma2 semaphore(%dma_wait3A_110 : memref<!tpu.dma_semaphore, #tpu.memory_space<semaphore_mem>>) src(%dma_wait3A_116 : memref<80x128xf32, #tpu.memory_space<vmem>>) dst(%dma_wait3A_112 : memref<80x128xf32, #tpu.memory_space<hbm>>)
    %dma_wait3A_117 = arith.constant 1 : i32
    %dma_wait3A_118 = arith.constant 1 : i32
    %dma_wait3A_119 = arith.constant 3 : i32
    %dma_wait3A_120 = arith.constant 1 : i32
    %dma_wait3A_121 = arith.constant 0 : i32
    %dma_wait3A_122 = arith.constant 0 : i32
    %dma_wait3A_123 = tpu.memref_slice %arg10[%dma_wait3A_117, %dma_wait3A_121, %dma_wait3A_122] : memref<2x80x128xf32, #tpu.memory_space<vmem>> -> memref<1x80x128xf32, #tpu.memory_space<vmem>>
    %dma_wait3A_124 = tpu.memref_squeeze %dma_wait3A_123 : memref<1x80x128xf32, #tpu.memory_space<vmem>> -> memref<80x128xf32, #tpu.memory_space<vmem>>
    %dma_wait3A_125 = arith.constant 0 : i32
    %dma_wait3A_126 = tpu.memref_slice %arg9[%dma_wait3A_118, %dma_wait3A_119, %dma_wait3A_125] : memref<2x8x80xi32, #tpu.memory_space<vmem>> -> memref<1x1x80xi32, #tpu.memory_space<vmem>>
    %dma_wait3A_127 = tpu.memref_squeeze %dma_wait3A_126 : memref<1x1x80xi32, #tpu.memory_space<vmem>> -> memref<80xi32, #tpu.memory_space<vmem>>
    %dma_wait3A_128 = arith.constant 0 : i32
    %dma_wait3A_129 = arith.constant 0 : i32
    %dma_wait3A_130 = tpu.memref_slice %arg13[%dma_wait3A_128, %dma_wait3A_129] : memref<10240x128xf32, #tpu.memory_space<vmem_shared>> -> memref<10240x128xf32, #tpu.memory_space<vmem_shared>>
    %dma_wait3A_131 = tpu.memref_slice %arg17[%dma_wait3A_120] : memref<2x!tpu.dma_semaphore, #tpu.memory_space<semaphore_mem>> -> memref<1x!tpu.dma_semaphore, #tpu.memory_space<semaphore_mem>>
    %dma_wait3A_132 = tpu.memref_squeeze %dma_wait3A_131 : memref<1x!tpu.dma_semaphore, #tpu.memory_space<semaphore_mem>> -> memref<!tpu.dma_semaphore, #tpu.memory_space<semaphore_mem>>
    tpu.wait_indirect_dma semaphore(%dma_wait3A_132 : memref<!tpu.dma_semaphore, #tpu.memory_space<semaphore_mem>>) src(%dma_wait3A_124 : memref<80x128xf32, #tpu.memory_space<vmem>>) dst(%dma_wait3A_130 : memref<10240x128xf32, #tpu.memory_space<vmem_shared>>)
    %add3A_133 = arith.constant 163840 : i32
    %add3A_134 = arith.addi %add3A_133, %mul3A_4 : i32
    %add3A_135 = arith.constant 4800 : i32
    %add3A_136 = arith.addi %add3A_134, %add3A_135 : i32
    %dma_wait3A_137 = arith.constant 0 : i32
    %dma_wait3A_138 = arith.constant 0 : i32
    %dma_wait3A_139 = arith.constant 0 : i32
    %dma_wait3A_140 = arith.constant 0 : i32
    %dma_wait3A_141 = tpu.memref_slice %arg10[%dma_wait3A_137, %dma_wait3A_139, %dma_wait3A_140] : memref<2x80x128xf32, #tpu.memory_space<vmem>> -> memref<1x80x128xf32, #tpu.memory_space<vmem>>
    %dma_wait3A_142 = tpu.memref_squeeze %dma_wait3A_141 : memref<1x80x128xf32, #tpu.memory_space<vmem>> -> memref<80x128xf32, #tpu.memory_space<vmem>>
    %dma_wait3A_143 = arith.constant 0 : i32
    %dma_wait3A_144 = tpu.memref_slice %arg6[%add3A_136, %dma_wait3A_143] : memref<320000x128xf32, #tpu.memory_space<hbm>> -> memref<80x128xf32, #tpu.memory_space<hbm>>
    %dma_wait3A_145 = tpu.memref_slice %arg16[%dma_wait3A_138] : memref<2x!tpu.dma_semaphore, #tpu.memory_space<semaphore_mem>> -> memref<1x!tpu.dma_semaphore, #tpu.memory_space<semaphore_mem>>
    %dma_wait3A_146 = tpu.memref_squeeze %dma_wait3A_145 : memref<1x!tpu.dma_semaphore, #tpu.memory_space<semaphore_mem>> -> memref<!tpu.dma_semaphore, #tpu.memory_space<semaphore_mem>>
    %dma_wait3A_147 = arith.constant 0 : i32
    %dma_wait3A_148 = tpu.memref_slice %arg6[%add3A_136, %dma_wait3A_147] : memref<320000x128xf32, #tpu.memory_space<hbm>> -> memref<80x128xf32, #tpu.memory_space<hbm>>
    %dma_wait3A_149 = arith.constant 0 : i32
    %dma_wait3A_150 = arith.constant 0 : i32
    %dma_wait3A_151 = tpu.memref_slice %arg10[%dma_wait3A_137, %dma_wait3A_149, %dma_wait3A_150] : memref<2x80x128xf32, #tpu.memory_space<vmem>> -> memref<1x80x128xf32, #tpu.memory_space<vmem>>
    %dma_wait3A_152 = tpu.memref_squeeze %dma_wait3A_151 : memref<1x80x128xf32, #tpu.memory_space<vmem>> -> memref<80x128xf32, #tpu.memory_space<vmem>>
    tpu.wait_dma2 semaphore(%dma_wait3A_146 : memref<!tpu.dma_semaphore, #tpu.memory_space<semaphore_mem>>) src(%dma_wait3A_152 : memref<80x128xf32, #tpu.memory_space<vmem>>) dst(%dma_wait3A_148 : memref<80x128xf32, #tpu.memory_space<hbm>>)
    %dma_wait3A_153 = arith.constant 0 : i32
    %dma_wait3A_154 = arith.constant 1 : i32
    %dma_wait3A_155 = arith.constant 4 : i32
    %dma_wait3A_156 = arith.constant 0 : i32
    %dma_wait3A_157 = arith.constant 0 : i32
    %dma_wait3A_158 = arith.constant 0 : i32
    %dma_wait3A_159 = tpu.memref_slice %arg10[%dma_wait3A_153, %dma_wait3A_157, %dma_wait3A_158] : memref<2x80x128xf32, #tpu.memory_space<vmem>> -> memref<1x80x128xf32, #tpu.memory_space<vmem>>
    %dma_wait3A_160 = tpu.memref_squeeze %dma_wait3A_159 : memref<1x80x128xf32, #tpu.memory_space<vmem>> -> memref<80x128xf32, #tpu.memory_space<vmem>>
    %dma_wait3A_161 = arith.constant 0 : i32
    %dma_wait3A_162 = tpu.memref_slice %arg9[%dma_wait3A_154, %dma_wait3A_155, %dma_wait3A_161] : memref<2x8x80xi32, #tpu.memory_space<vmem>> -> memref<1x1x80xi32, #tpu.memory_space<vmem>>
    %dma_wait3A_163 = tpu.memref_squeeze %dma_wait3A_162 : memref<1x1x80xi32, #tpu.memory_space<vmem>> -> memref<80xi32, #tpu.memory_space<vmem>>
    %dma_wait3A_164 = arith.constant 0 : i32
    %dma_wait3A_165 = arith.constant 0 : i32
    %dma_wait3A_166 = tpu.memref_slice %arg13[%dma_wait3A_164, %dma_wait3A_165] : memref<10240x128xf32, #tpu.memory_space<vmem_shared>> -> memref<10240x128xf32, #tpu.memory_space<vmem_shared>>
    %dma_wait3A_167 = tpu.memref_slice %arg17[%dma_wait3A_156] : memref<2x!tpu.dma_semaphore, #tpu.memory_space<semaphore_mem>> -> memref<1x!tpu.dma_semaphore, #tpu.memory_space<semaphore_mem>>
    %dma_wait3A_168 = tpu.memref_squeeze %dma_wait3A_167 : memref<1x!tpu.dma_semaphore, #tpu.memory_space<semaphore_mem>> -> memref<!tpu.dma_semaphore, #tpu.memory_space<semaphore_mem>>
    tpu.wait_indirect_dma semaphore(%dma_wait3A_168 : memref<!tpu.dma_semaphore, #tpu.memory_space<semaphore_mem>>) src(%dma_wait3A_160 : memref<80x128xf32, #tpu.memory_space<vmem>>) dst(%dma_wait3A_166 : memref<10240x128xf32, #tpu.memory_space<vmem_shared>>)
    %barrier3A_169 = arith.constant 0 : index
    tpu.barrier barrier_id(%barrier3A_169)
    "tpu.region"() ({
      %run_scoped3A_170 = tpu.sem_alloc : memref<!tpu.dma_semaphore, #tpu.memory_space<semaphore_mem>>
      %dma_start3A_171 = arith.constant 0 : i32
      %dma_start3A_172 = tpu.memref_slice %arg7[%arg0, %mul3A_2, %dma_start3A_171] : memref<2x10240x128xf32, #tpu.memory_space<hbm>> -> memref<1x640x128xf32, #tpu.memory_space<hbm>>
      %dma_start3A_173 = tpu.memref_squeeze %dma_start3A_172 : memref<1x640x128xf32, #tpu.memory_space<hbm>> -> memref<640x128xf32, #tpu.memory_space<hbm>>
      %dma_start3A_174 = arith.constant 0 : i32
      %dma_start3A_175 = tpu.memref_slice %arg13[%mul3A_2, %dma_start3A_174] : memref<10240x128xf32, #tpu.memory_space<vmem_shared>> -> memref<640x128xf32, #tpu.memory_space<vmem_shared>>
      tpu.enqueue_dma source(%dma_start3A_175 : memref<640x128xf32, #tpu.memory_space<vmem_shared>>) target(%dma_start3A_173 : memref<640x128xf32, #tpu.memory_space<hbm>>) target_semaphore(%run_scoped3A_170 : memref<!tpu.dma_semaphore, #tpu.memory_space<semaphore_mem>>)
      %dma_wait3A_176 = arith.constant 0 : i32
      %dma_wait3A_177 = tpu.memref_slice %arg7[%arg0, %mul3A_2, %dma_wait3A_176] : memref<2x10240x128xf32, #tpu.memory_space<hbm>> -> memref<1x640x128xf32, #tpu.memory_space<hbm>>
      %dma_wait3A_178 = tpu.memref_squeeze %dma_wait3A_177 : memref<1x640x128xf32, #tpu.memory_space<hbm>> -> memref<640x128xf32, #tpu.memory_space<hbm>>
      %dma_wait3A_179 = arith.constant 0 : i32
      %dma_wait3A_180 = tpu.memref_slice %arg13[%mul3A_2, %dma_wait3A_179] : memref<10240x128xf32, #tpu.memory_space<vmem_shared>> -> memref<640x128xf32, #tpu.memory_space<vmem_shared>>
      tpu.wait_dma2 semaphore(%run_scoped3A_170 : memref<!tpu.dma_semaphore, #tpu.memory_space<semaphore_mem>>) src(%dma_wait3A_180 : memref<640x128xf32, #tpu.memory_space<vmem_shared>>) dst(%dma_wait3A_178 : memref<640x128xf32, #tpu.memory_space<hbm>>)
      tpu.yield
    }) : () -> ()
    return
  }
}

module attributes {stable_mosaic.version = 14 : i64} {
  func.func @_proj_b_body(%arg0: i32, %arg1: memref<2560x128xf32, #tpu.memory_space<vmem>>, %arg2: memref<128x128xf32, #tpu.memory_space<vmem>>, %arg3: memref<1x128xf32, #tpu.memory_space<vmem>>, %arg4: memref<2560x128xf32, #tpu.memory_space<vmem>>) attributes {dimension_semantics = [#tpu.dimension_semantics<arbitrary>], iteration_bounds = array<i64: 61>, scalar_prefetch = 0 : i64, scratch_operands = 0 : i64, tpu.core_type = #tpu.core_type<tc>, window_params = [{transform_indices = @transform_0, window_bounds = array<i64: 2560, 128>}, {pipeline_mode = #tpu.pipeline_mode<synchronous>, transform_indices = @transform_1, window_bounds = array<i64: 128, 128>}, {pipeline_mode = #tpu.pipeline_mode<synchronous>, transform_indices = @transform_2, window_bounds = array<i64: 1, 128>}, {transform_indices = @transform_3, window_bounds = array<i64: 2560, 128>}]} {
    %get3A = arith.constant 0 : index
    %get3A_0 = arith.constant 0 : index
    %get3A_1 = vector.load %arg1[%get3A, %get3A_0] : memref<2560x128xf32, #tpu.memory_space<vmem>>, vector<2560x128xf32>
    %get3A_2 = arith.constant 0 : index
    %get3A_3 = arith.constant 0 : index
    %get3A_4 = vector.load %arg2[%get3A_2, %get3A_3] : memref<128x128xf32, #tpu.memory_space<vmem>>, vector<128x128xf32>
    %dot_general3A = arith.constant dense<0.000000e+00> : vector<2560x128xf32>
    %dot_general3A_5 = tpu.matmul %get3A_1, %get3A_4, %dot_general3A {dimension_numbers = #tpu.dot_dimension_numbers<[1], [1], [0], [0], [0, 0, 1, 0], [], []>, transpose_lhs_hint = false} : vector<2560x128xf32>, vector<128x128xf32>, vector<2560x128xf32> -> vector<2560x128xf32>
    %get3A_6 = arith.constant 0 : index
    %get3A_7 = arith.constant 0 : index
    %get3A_8 = vector.load %arg3[%get3A_6, %get3A_7] : memref<1x128xf32, #tpu.memory_space<vmem>>, vector<1x128xf32>
    %add3A = vector.broadcast %get3A_8 : vector<1x128xf32> to vector<2560x128xf32>
    %add3A_9 = arith.addf %dot_general3A_5, %add3A : vector<2560x128xf32>
    %swap3A = arith.constant 0 : index
    %swap3A_10 = arith.constant 0 : index
    %swap3A_11 = vector.load %arg4[%swap3A, %swap3A_10] : memref<2560x128xf32, #tpu.memory_space<vmem>>, vector<2560x128xf32>
    tpu.vector_store %arg4[%swap3A, %swap3A_10], %add3A_9 {strides = array<i32>} : memref<2560x128xf32, #tpu.memory_space<vmem>>, vector<2560x128xf32>,
    return
  }
  func.func @transform_0(%arg0: i32) -> (i32, i32) {
    %add3A = arith.constant 64 : i32
    %add3A_0 = arith.addi %arg0, %add3A : i32
    %c0_i32 = arith.constant 0 : i32
    %c0_i32_1 = arith.constant 0 : i32
    return %add3A_0, %c0_i32 : i32, i32
  }
  func.func @transform_1(%arg0: i32) -> (i32, i32) {
    %c0_i32 = arith.constant 0 : i32
    %c0_i32_0 = arith.constant 0 : i32
    %c0_i32_1 = arith.constant 0 : i32
    return %c0_i32, %c0_i32_0 : i32, i32
  }
  func.func @transform_2(%arg0: i32) -> (i32, i32) {
    %c0_i32 = arith.constant 0 : i32
    %c0_i32_0 = arith.constant 0 : i32
    %c0_i32_1 = arith.constant 0 : i32
    return %c0_i32, %c0_i32_0 : i32, i32
  }
  func.func @transform_3(%arg0: i32) -> (i32, i32) {
    %c0_i32 = arith.constant 0 : i32
    %c0_i32_0 = arith.constant 0 : i32
    return %arg0, %c0_i32 : i32, i32
  }
}

module attributes {stable_mosaic.version = 14 : i64} {
  func.func @_proj_a_body(%arg0: i32, %arg1: memref<10000x128xf32, #tpu.memory_space<vmem>>, %arg2: memref<2560x128xf32, #tpu.memory_space<vmem>>, %arg3: memref<128x128xf32, #tpu.memory_space<vmem>>, %arg4: memref<1x128xf32, #tpu.memory_space<vmem>>, %arg5: memref<128x128xf32, #tpu.memory_space<vmem>>, %arg6: memref<1x128xf32, #tpu.memory_space<vmem>>, %arg7: memref<10000x128xf32, #tpu.memory_space<vmem>>, %arg8: memref<2560x128xf32, #tpu.memory_space<vmem>>) attributes {dimension_semantics = [#tpu.dimension_semantics<arbitrary>], iteration_bounds = array<i64: 64>, scalar_prefetch = 0 : i64, scratch_operands = 0 : i64, tpu.core_type = #tpu.core_type<tc>, window_params = [{pipeline_mode = #tpu.pipeline_mode<synchronous>, transform_indices = @transform_0, window_bounds = array<i64: 10000, 128>}, {transform_indices = @transform_1, window_bounds = array<i64: 2560, 128>}, {pipeline_mode = #tpu.pipeline_mode<synchronous>, transform_indices = @transform_2, window_bounds = array<i64: 128, 128>}, {pipeline_mode = #tpu.pipeline_mode<synchronous>, transform_indices = @transform_3, window_bounds = array<i64: 1, 128>}, {pipeline_mode = #tpu.pipeline_mode<synchronous>, transform_indices = @transform_4, window_bounds = array<i64: 128, 128>}, {pipeline_mode = #tpu.pipeline_mode<synchronous>, transform_indices = @transform_5, window_bounds = array<i64: 1, 128>}, {pipeline_mode = #tpu.pipeline_mode<synchronous>, transform_indices = @transform_6, window_bounds = array<i64: 10000, 128>}, {transform_indices = @transform_7, window_bounds = array<i64: 2560, 128>}]} {
    %eq3A = arith.constant 0 : i32
    %eq3A_0 = arith.cmpi eq, %arg0, %eq3A : i32
    %convert_element_type3A = arith.extui %eq3A_0 : i1 to i32
    %cond3A = arith.constant 0 : i32
    %cond3A_1 = arith.cmpi ne, %convert_element_type3A, %cond3A : i32
    scf.if %cond3A_1 {
      %get3A_14 = arith.constant 0 : index
      %get3A_15 = arith.constant 0 : index
      %get3A_16 = vector.load %arg1[%get3A_14, %get3A_15] : memref<10000x128xf32, #tpu.memory_space<vmem>>, vector<10000x128xf32>
      %get3A_17 = arith.constant 0 : index
      %get3A_18 = arith.constant 0 : index
      %get3A_19 = vector.load %arg3[%get3A_17, %get3A_18] : memref<128x128xf32, #tpu.memory_space<vmem>>, vector<128x128xf32>
      %dot_general3A_20 = arith.constant dense<0.000000e+00> : vector<10000x128xf32>
      %dot_general3A_21 = tpu.matmul %get3A_16, %get3A_19, %dot_general3A_20 {dimension_numbers = #tpu.dot_dimension_numbers<[1], [1], [0], [0], [0, 0, 1, 0], [], []>, transpose_lhs_hint = false} : vector<10000x128xf32>, vector<128x128xf32>, vector<10000x128xf32> -> vector<10000x128xf32>
      %get3A_22 = arith.constant 0 : index
      %get3A_23 = arith.constant 0 : index
      %get3A_24 = vector.load %arg4[%get3A_22, %get3A_23] : memref<1x128xf32, #tpu.memory_space<vmem>>, vector<1x128xf32>
      %add3A_25 = vector.broadcast %get3A_24 : vector<1x128xf32> to vector<10000x128xf32>
      %add3A_26 = arith.addf %dot_general3A_21, %add3A_25 : vector<10000x128xf32>
      %swap3A_27 = arith.constant 0 : index
      %swap3A_28 = arith.constant 0 : index
      %swap3A_29 = vector.load %arg7[%swap3A_27, %swap3A_28] : memref<10000x128xf32, #tpu.memory_space<vmem>>, vector<10000x128xf32>
      tpu.vector_store %arg7[%swap3A_27, %swap3A_28], %add3A_26 {strides = array<i32>} : memref<10000x128xf32, #tpu.memory_space<vmem>>, vector<10000x128xf32>,
    } else {
    }
    %get3A = arith.constant 0 : index
    %get3A_2 = arith.constant 0 : index
    %get3A_3 = vector.load %arg2[%get3A, %get3A_2] : memref<2560x128xf32, #tpu.memory_space<vmem>>, vector<2560x128xf32>
    %get3A_4 = arith.constant 0 : index
    %get3A_5 = arith.constant 0 : index
    %get3A_6 = vector.load %arg5[%get3A_4, %get3A_5] : memref<128x128xf32, #tpu.memory_space<vmem>>, vector<128x128xf32>
    %dot_general3A = arith.constant dense<0.000000e+00> : vector<2560x128xf32>
    %dot_general3A_7 = tpu.matmul %get3A_3, %get3A_6, %dot_general3A {dimension_numbers = #tpu.dot_dimension_numbers<[1], [1], [0], [0], [0, 0, 1, 0], [], []>, transpose_lhs_hint = false} : vector<2560x128xf32>, vector<128x128xf32>, vector<2560x128xf32> -> vector<2560x128xf32>
    %get3A_8 = arith.constant 0 : index
    %get3A_9 = arith.constant 0 : index
    %get3A_10 = vector.load %arg6[%get3A_8, %get3A_9] : memref<1x128xf32, #tpu.memory_space<vmem>>, vector<1x128xf32>
    %add3A = vector.broadcast %get3A_10 : vector<1x128xf32> to vector<2560x128xf32>
    %add3A_11 = arith.addf %dot_general3A_7, %add3A : vector<2560x128xf32>
    %swap3A = arith.constant 0 : index
    %swap3A_12 = arith.constant 0 : index
    %swap3A_13 = vector.load %arg8[%swap3A, %swap3A_12] : memref<2560x128xf32, #tpu.memory_space<vmem>>, vector<2560x128xf32>
    tpu.vector_store %arg8[%swap3A, %swap3A_12], %add3A_11 {strides = array<i32>} : memref<2560x128xf32, #tpu.memory_space<vmem>>, vector<2560x128xf32>,
    return
  }
  func.func @transform_0(%arg0: i32) -> (i32, i32) {
    %c0_i32 = arith.constant 0 : i32
    %c0_i32_0 = arith.constant 0 : i32
    %c0_i32_1 = arith.constant 0 : i32
    return %c0_i32, %c0_i32_0 : i32, i32
  }
  func.func @transform_1(%arg0: i32) -> (i32, i32) {
    %c0_i32 = arith.constant 0 : i32
    %c0_i32_0 = arith.constant 0 : i32
    return %arg0, %c0_i32 : i32, i32
  }
  func.func @transform_2(%arg0: i32) -> (i32, i32) {
    %c0_i32 = arith.constant 0 : i32
    %c0_i32_0 = arith.constant 0 : i32
    %c0_i32_1 = arith.constant 0 : i32
    return %c0_i32, %c0_i32_0 : i32, i32
  }
  func.func @transform_3(%arg0: i32) -> (i32, i32) {
    %c0_i32 = arith.constant 0 : i32
    %c0_i32_0 = arith.constant 0 : i32
    %c0_i32_1 = arith.constant 0 : i32
    return %c0_i32, %c0_i32_0 : i32, i32
  }
  func.func @transform_4(%arg0: i32) -> (i32, i32) {
    %c0_i32 = arith.constant 0 : i32
    %c0_i32_0 = arith.constant 0 : i32
    %c0_i32_1 = arith.constant 0 : i32
    return %c0_i32, %c0_i32_0 : i32, i32
  }
  func.func @transform_5(%arg0: i32) -> (i32, i32) {
    %c0_i32 = arith.constant 0 : i32
    %c0_i32_0 = arith.constant 0 : i32
    %c0_i32_1 = arith.constant 0 : i32
    return %c0_i32, %c0_i32_0 : i32, i32
  }
  func.func @transform_6(%arg0: i32) -> (i32, i32) {
    %c0_i32 = arith.constant 0 : i32
    %c0_i32_0 = arith.constant 0 : i32
    %c0_i32_1 = arith.constant 0 : i32
    return %c0_i32, %c0_i32_0 : i32, i32
  }
  func.func @transform_7(%arg0: i32) -> (i32, i32) {
    %c0_i32 = arith.constant 0 : i32
    %c0_i32_0 = arith.constant 0 : i32
    return %arg0, %c0_i32 : i32, i32
  }
}

module attributes {stable_mosaic.version = 14 : i64} {
  func.func @_add_body(%arg0: memref<2x10240x128xf32, #tpu.memory_space<vmem>>, %arg1: memref<10000x128xf32, #tpu.memory_space<vmem>>) attributes {dimension_semantics = [], scalar_prefetch = 0 : i64, scratch_operands = 0 : i64, tpu.core_type = #tpu.core_type<tc>} {
    %get3A = arith.constant 0 : index
    %get3A_0 = arith.constant 0 : index
    %get3A_1 = arith.constant 0 : index
    %get3A_2 = vector.load %arg0[%get3A, %get3A_0, %get3A_1] : memref<2x10240x128xf32, #tpu.memory_space<vmem>>, vector<1x10000x128xf32>
    %get3A_3 = vector.shape_cast %get3A_2 : vector<1x10000x128xf32> to vector<10000x128xf32>
    %get3A_4 = arith.constant 1 : index
    %get3A_5 = arith.constant 0 : index
    %get3A_6 = arith.constant 0 : index
    %get3A_7 = vector.load %arg0[%get3A_4, %get3A_5, %get3A_6] : memref<2x10240x128xf32, #tpu.memory_space<vmem>>, vector<1x10000x128xf32>
    %get3A_8 = vector.shape_cast %get3A_7 : vector<1x10000x128xf32> to vector<10000x128xf32>
    %add3A = arith.addf %get3A_3, %get3A_8 : vector<10000x128xf32>
    %swap3A = arith.constant 0 : index
    %swap3A_9 = arith.constant 0 : index
    %swap3A_10 = vector.load %arg1[%swap3A, %swap3A_9] : memref<10000x128xf32, #tpu.memory_space<vmem>>, vector<10000x128xf32>
    tpu.vector_store %arg1[%swap3A, %swap3A_9], %add3A {strides = array<i32>} : memref<10000x128xf32, #tpu.memory_space<vmem>>, vector<10000x128xf32>,
    return
  }
}

</mosaic_0001>

<sc_bundles>
// kernel: kernel.10.cloned.1.call-start
scs
__scs_entry_jumppad:
0x0: {  	(pc) =	sbr.rel $0x88, $3  }
0x1: {  	(tag) =	ssettag $0x0;
	lr =	simm.s32 $0x1  }
0x2: {  	[smem:$0x3F9A] =	sst lr;
	_ =	strace $0xD0000000  }
0x3: {  	_ = 	snop  }
0x4: {  	_ = 	snop  }
0x5: {  	_ = 	snop  }
0x6: {  	_ = 	snop  }
0x7: {  	_ = 	snop  }
__scs_overlays_trampoline_lowered:
0x8: {  	[smem:$0x3FA9] =	sst s0  }
0x9: {  	[smem:$0x3FAA] =	sst s1  }
0xa: {  	[smem:$0x3FAB] =	sst s2  }
0xb: {  	[smem:$0x3FAC] =	sst s3  }
0xc: {  	[smem:$0x3FAD] =	sst s4  }
0xd: {  	[smem:$0x3FAE] =	sst s5  }
0xe: {  	[smem:$0x3FAF] =	sst s6  }
0xf: {  	[smem:$0x3FB0] =	sst s7  }
0x10: {  	[smem:$0x3FB1] =	sst s8  }
0x11: {  	[smem:$0x3FB2] =	sst s9;
	s0 =	simm.s32 @!p0 $0x0  }
0x12: {  	s1 =	sld [smem:$0x3F98];
	s0 =	simm.s32 @p0 $0x1  }
0x13: {  	[smem:$0x3FB3] =	sst s0;
	s0 =	simm.s32 @!p1 $0x0  }
0x14: {  	s2 =	sld [smem:$0x3F97];
	s0 =	simm.s32 @p1 $0x1  }
0x15: {  	[smem:$0x3FB4] =	sst s0;
	s0 =	simm.s32 @!p2 $0x0  }
0x16: {  	s3 =	sld [smem:$0x3FDB];
	s0 =	simm.s32 @p2 $0x1  }
0x17: {  	s4 =	simm.s32 $0x1BF5;
	[smem:$0x3FB6] =	sst s0  }
0x18: {  	s0 =	sld [smem:$0x3F99];
	_ =	swait.ge [sflag:s4], $0x0  }
0x19: {  	s7 =	sld [smem:$0x3F9A]  }
0x1a: {  	s8 =	sadd.s32 $0xFFFFE003, lr  }
0x1b: {  	s9 =	sadd.s32 $0xFFFFFEF7, lr;
	s5 =	simm.s32 $0xFFFFFFFF;
	p2 =	slt.u32 s8, $0xFFFFF086  }
0x1c: {  	p1 =	slt.u32 s9, $0xF7A;
	s5 =	simm.s32 @!p2 $0x0  }
0x1d: {  	s5 =	simm.s32 @p1 $0x1;
	p0 =	seq.s32 s7, s2  }
0x1e: {  	s7 =	smul.u32 @!p0 $0xF7A, s2;
	p2 =	seq.s32 @!p0 s5, $0x0  }
0x1f: {  	s9 =	smul.u32 $0xF7A, s1;
	s8 =	simm.s32 @!p0 $0x1BF5;
	p2 =	por !p2, p0  }
0x20: {  	[sflag:s8] =	ssyncset.s32 @!p0 $0xFFFFF086;
	s6 =	sadd.s32 @!p0 s3, s7;
	s7 =	simm.s32 @!p0 $0x108  }
0x21: {  	s3 =	sadd.s32 s3, s9;
	s6 =	sadd.s32 @!p0 $0x88, s6;
	s7 =	simm.s32 @p2 $0x1082  }
0x22: {  	[simem:s7], [sflag:s8] =	dma.local @!p0 [hbm:s6], $0xF7A  }
0x23: {  	s9 =	sor.u32 $0xD0000000, s2;
	s6 =	simm.s32 $0x108;
	_ =	swait.ge @!p0 [sflag:s8], $0x0  }
0x24: {  	s3 =	sadd.s32 $0x88, s3;
	s6 =	simm.s32 @!p1 $0x1082;
	[sflag:s4] =	ssyncset.s32 $0xFFFFF086  }
0x25: {  	[simem:s6], [sflag:s4] =	dma.local [hbm:s3], $0xF7A  }
0x26: {  	[smem:$0x3F9A] =	sst s1;
	(tag) =	ssettag s2;
	_ =	strace s9  }
0x27: {  	s1 =	sld [smem:$0x3FAA]  }
0x28: {  	s2 =	sld [smem:$0x3FAB]  }
0x29: {  	s4 =	sld [smem:$0x3FAD]  }
0x2a: {  	p0 =	seq.s32 s5, $0x0;
	s5 =	sld [smem:$0x3FAE]  }
0x2b: {  	s6 =	sld [smem:$0x3FAF]  }
0x2c: {  	s7 =	sld [smem:$0x3FB0]  }
0x2d: {  	s3 =	simm.s32 $0x108;
	s8 =	sld [smem:$0x3FB1]  }
0x2e: {  	s3 =	simm.s32 @!p0 $0x1082;
	s9 =	sld [smem:$0x3FB2]  }
0x2f: {  	lr =	sadd.s32 s0, s3;
	s0 =	sld [smem:$0x3FA9]  }
0x30: {  	s3 =	sld [smem:$0x3FAC]  }
0x31: {  	[smem:$0x3FB5] =	sst s10  }
0x32: {  	s10 =	sld [smem:$0x3FB3];
	_ =	sdelay $0x3  }
0x33: {  	p0 =	seq.s32 s10, $0x1;
	s10 =	sld [smem:$0x3FB5];
	_ =	sdelay $0x3  }
0x34: {  	[smem:$0x3FB5] =	sst s10  }
0x35: {  	s10 =	sld [smem:$0x3FB4];
	_ =	sdelay $0x3  }
0x36: {  	p1 =	seq.s32 s10, $0x1;
	s10 =	sld [smem:$0x3FB5];
	_ =	sdelay $0x3  }
0x37: {  	[smem:$0x3FB5] =	sst s10  }
0x38: {  	s10 =	sld [smem:$0x3FB6]  }
0x39: {  	_ = 	snop;
	(pc) =	sbr.ind lr, $3  }
0x3a: {  	_ = 	snop  }
0x3b: {  	_ = 	snop  }
0x3c: {  	p2 =	seq.s32 s10, $0x1;
	s10 =	sld [smem:$0x3FB5]  }
0x3d: {  	_ =	shalt  }
0x3e: {  	_ =	shalt  }
0x3f: {  	_ =	shalt  }
0x40: {  	_ =	shalt  }
0x41: {  	_ =	shalt  }
0x42: {  	_ =	shalt  }
0x43: {  	_ =	shalt  }
0x44: {  	_ =	shalt  }
0x45: {  	_ =	shalt  }
0x46: {  	_ =	shalt  }
0x47: {  	_ =	shalt  }
0x48: {  	_ =	shalt  }
0x49: {  	_ =	shalt  }
0x4a: {  	_ =	shalt  }
0x4b: {  	_ =	shalt  }
0x4c: {  	_ =	shalt  }
0x4d: {  	_ =	shalt  }
0x4e: {  	_ =	shalt  }
0x4f: {  	_ =	shalt  }
0x50: {  	_ =	shalt  }
0x51: {  	_ =	shalt  }
0x52: {  	_ =	shalt  }
0x53: {  	_ =	shalt  }
0x54: {  	_ =	shalt  }
0x55: {  	_ =	shalt  }
0x56: {  	_ =	shalt  }
0x57: {  	_ =	shalt  }
0x58: {  	_ =	shalt  }
0x59: {  	_ =	shalt  }
0x5a: {  	_ =	shalt  }
0x5b: {  	_ =	shalt  }
0x5c: {  	_ =	shalt  }
0x5d: {  	_ =	shalt  }
0x5e: {  	_ =	shalt  }
0x5f: {  	_ =	shalt  }
0x60: {  	_ =	shalt  }
0x61: {  	_ =	shalt  }
0x62: {  	_ =	shalt  }
0x63: {  	_ =	shalt  }
0x64: {  	_ =	shalt  }
0x65: {  	_ =	shalt  }
0x66: {  	_ =	shalt  }
0x67: {  	_ =	shalt  }
0x68: {  	_ =	shalt  }
0x69: {  	_ =	shalt  }
0x6a: {  	_ =	shalt  }
0x6b: {  	_ =	shalt  }
0x6c: {  	_ =	shalt  }
0x6d: {  	_ =	shalt  }
0x6e: {  	_ =	shalt  }
0x6f: {  	_ =	shalt  }
0x70: {  	_ =	shalt  }
0x71: {  	_ =	shalt  }
0x72: {  	_ =	shalt  }
0x73: {  	_ =	shalt  }
0x74: {  	_ =	shalt  }
0x75: {  	_ =	shalt  }
0x76: {  	_ =	shalt  }
0x77: {  	_ =	shalt  }
0x78: {  	_ =	shalt  }
0x79: {  	_ =	shalt  }
0x7a: {  	_ =	shalt  }
0x7b: {  	_ =	shalt  }
0x7c: {  	_ =	shalt  }
0x7d: {  	_ =	shalt  }
0x7e: {  	_ =	shalt  }
0x7f: {  	_ =	shalt  }
0x80: {  	_ =	shalt  }
0x81: {  	_ =	shalt  }
0x82: {  	_ =	shalt  }
0x83: {  	_ =	shalt  }
0x84: {  	_ =	shalt  }
0x85: {  	_ =	shalt  }
0x86: {  	_ =	shalt  }
0x87: {  	_ =	shalt  }
.Lfunc_end0:
.L_simem_size_0:
called_computation.1_lowered:
.L_overlay_start_0:
0x88: {  	s2 =	sld [smem:$0x3FD9]  }
0x89: {  	s3 =	sld [smem:$0x3FFE];
	_ =	sdelay $0x1  }
0x8a: {  	s1 =	srdreg.scid  }
0x8b: {  	s0 =	sand.u32 $0x1, s1  }
0x8c: {  	s14 =	sshll.u32 s0, $0xA;
	s2 =	sadd.s32 s3, s2  }
0x8d: {  	s2 =	sadd.s32 s2, s14  }
0x8e: {  	[smem:$0x3FC1] =	sst s2  }
0x8f: {  	_ = 	snop  }
0x90: {  	s2 =	sld [smem:$0x3FD0];
	_ =	sdelay $0x2  }
0x91: {  	s15 =	simm.s32 $0xA;
	s4 =	simm.s32 $0x10  }
0x92: {  	[smem:s4], [sflag:s15] =	dma.local [hbm:s2], $0x1  }
0x93: {  	_ =	swait.eq [sflag:s15], $0x1  }
0x94: {  	[sflag:s15] =	ssyncset.done $0x0  }
0x95: {  	s16 =	sld [smem:$0x10];
	[sflag:s15] =	ssyncadd.s32 $0xFFFFFFFF  }
0x96: {  	s17 =	sld [smem:$0x11];
	(tm) =	ssettm $0x1  }
0x97: {  	s18 =	sld [smem:$0x3FFB];
	_ =	sdelay $0x3  }
0x98: {  	_ =	strace s18  }
0x99: {  	s4 =	sld [smem:$0x3FFC];
	_ =	sdelay $0x3  }
0x9a: {  	_ =	strace s4  }
0x9b: {  	s4 =	sld [smem:$0x3FFD];
	_ =	sdelay $0x3  }
0x9c: {  	_ =	strace s4  }
0x9d: {  	_ =	strace $0x8FFFFFFF  }
0x9e: {  	s19 =	sld [smem:$0x3FDB];
	_ =	sdelay $0x1  }
0x9f: {  	s5 =	simm.s32 $_scs_section_size  }
0xa0: {  	s6 =	simm.s32 $_size__tile_overlayer_lowered;
	s7 =	simm.s32 $_tile_overlayer_lowered  }
0xa1: {  	s22 =	simm.s32 $0x1BFF;
	s21 =	sshll.u32 s7, $0x1;
	s4 =	sadd.s32 s5, s19  }
0xa2: {  	s8 =	simm.s32 $0x0;
	s20 =	sshll.u32 s6, $0x1;
	s6 =	sadd.s32 s21, s4  }
0xa3: {  	[timem:s8], [sflag:s22] =	dma.local [hbm:s6], s20  }
0xa4: {  	_ =	swait.ge [sflag:s22], s20  }
0xa5: {  	s5 =	ssub.s32 $0x0, s20;
	[sflag:s22] =	ssyncset.done $0x0  }
0xa6: {  	[sflag:s22] =	ssyncadd.s32 s5;
	_ =	sdelay $0x1  }
0xa7: {  	s23 =	simm.s32 $0x1B8B  }
0xa8: {  	_ =	swait.ge [sflag:s23], $0x1  }
0xa9: {  	[sflag:s23] =	ssyncset.done $0x0  }
0xaa: {  	s25 =	simm.s32 $0x1B8E;
	s24 =	sld [smem:$0x3FFE];
	[sflag:s23] =	ssyncadd.s32 $0xFFFFFFFF  }
0xab: {  	s26 =	simm.s32 $execute0_lowered;
	[smem:$0x3FD2] =	sst s25  }
0xac: {  	s6 =	sshll.u32 s26, $0x1;
	_ =	strace $0x80000049;
	[dreg:$0x1] =	wrdreg $0xFFFFFFFF  }
0xad: {  	s28 =	simm.s32 $_size_execute0_lowered;
	s4 =	sadd.s32 s4, s6;
	[dreg:$0x0] =	wrdreg $0x0  }
0xae: {  	s6 =	sshll.u32 s28, $0x1;
	[dreg:$0x2] =	wrdreg s4  }
0xaf: {  	[dreg:$0x3] =	wrdreg s6  }
0xb0: {  	[dreg:$0x4] =	wrdreg $0xC0  }
0xb1: {  	_ =	task [dreg:s8], $0x5FFFF  }
0xb2: {  	[dreg:$0x1] =	wrdreg $0xFFFFFFFF  }
0xb3: {  	[dreg:$0x0] =	wrdreg $0x60  }
0xb4: {  	[dreg:$0x2] =	wrdreg s16  }
0xb5: {  	[dreg:$0x3] =	wrdreg s24  }
0xb6: {  	[dreg:$0x4] =	wrdreg s17  }
0xb7: {  	[dreg:$0x5] =	wrdreg $0xA8000  }
0xb8: {  	[dreg:$0x6] =	wrdreg $0x9  }
0xb9: {  	_ =	task.clear_ibuf [dreg:s8], $0x7FFFF;
	_ =	strace $0x90000049  }
0xba: {  	s29 =	simm.s32 $0x9;
	_ =	strace $0x8000004B  }
0xbb: {  	_ =	swait.ge [sflag:s29], $0x1  }
0xbc: {  	[sflag:s29] =	ssyncadd.s32 $0xFFFFFFFF  }
0xbd: {  	_ =	strace $0x9000004B  }
0xbe: {  	_ =	sfence  }
0xbf: {  	s30 =	sld [smem:$0x0];
	_ =	sdelay $0x2  }
0xc0: {  	s31 =	sshll.u32 s1, $0xD;
	s1 =	sshrl.u32 s1, $0x2  }
0xc1: {  	s3 =	sand.u32 $0x4000, s31;
	s1 =	sadd.s32 s1, s30  }
0xc2: {  	s0 =	sor.u32 s3, s0;
	s1 =	sshll.u32 s1, $0x11  }
0xc3: {  	s0 =	sor.u32 s1, s0  }
0xc4: {  	s0 =	sadd.s32 $0x8F2B, s0  }
0xc5: {  	[sflag:s0] =	ssyncadd.remote.s32 $0x1  }
0xc6: {  	_ =	sfence.sel $0xFFFF  }
0xc7: {  	[dreg:$0x0] =	wrdreg $0xFFFFFFFF;
	(pc) =	sbr.abs _section_cstart, $3  }
0xc8: {  	[dreg:$0x1] =	wrdreg $0xFFFFFFFF  }
0xc9: {  	_ =	task.clear_ibuf [dreg:s8], $0x2FFFF;
	_ =	strace $0x9FFFFFFF  }
0xca: {  	(tm) =	ssettm $0x7FFFFFFF  }
0xcb: {  	_ =	shalt  }
tec
execute0_lowered:
.L_overlay_start_1:
0x0: {  	(tag) =	ssettag $0x1  }
0x1: {  	s1 =	rddreg [dreg:$0x0]  }
0x2: {  	s0 =	rddreg [dreg:$0x1]  }
0x3: {  	s2 =	rddreg [dreg:$0x2];
	s3 =	srdreg.scid  }
0x4: {  	s4 =	rddreg [dreg:$0x3];
	s12 =	stileid.u32  }
0x5: {  	s5 =	simm.s32 $0x0;
	s28 =	simm.s32 $0x7;
	s29 =	simm.s32 $0x2  }
0x6: {  	s30 =	simm.s32 $0x4;
	s31 =	simm.s32 $0x0;
	s9 =	smul.u32 $0x14000, s12  }
0x7: {  	s3 =	sand.u32 $0x1, s3;
	[smem:$0x7FF] =	sst s5;
	s10 =	smul.u32 $0x50000, s12  }
0x8: {  	s19 =	sshll.u32 s12, $0x6;
	s6 =	sshll.u32 s3, $0x4;
	s17 =	smul.u32 $0x140000, s3  }
0x9: {  	_ =	strace $0x8000004A;
	s3 =	ssub.s32 $0x2, s3;
	s14 =	sor.u32 $0x1C0B, s19  }
0xa: {  	s19 =	simm.s32 $0x50;
	s7 =	sor.u32 s12, s6;
	s6 =	sadd.s32 $0x2D9800, s0  }
0xb: {  	s11 =	sshrl.u32 s3, $0x1;
	s18 =	sshrl.u32 s10, $0x2;
	[dreg:$0x6] =	wrdreg s14  }
0xc: {  	s8 =	sshll.u32 s7, $0xA;
	s9 =	sadd.s32 s9, s17;
	s20 =	smul.u32 $0x98800, s7  }
0xd: {  	s3 =	ssub.s32 s3, s11;
	s10 =	sadd.s32 s18, s4;
	s22 =	smul.u32 $0x13100, s7  }
0xe: {  	s8 =	sadd.s32 s8, s0;
	s9 =	sshrl.u32 s9, $0x3;
	s26 =	smax.u32 s3, $0x1  }
0xf: {  	s3 =	sshrl.u32 s10, $0x3;
	s0 =	sadd.s32 s9, s0;
	s9 =	smul.u32 $0x1310, s7  }
0x10: {  	s23 =	sadd.s32 $0x53B800, s8;
	s24 =	sshrl.u32 s20, $0x3;
	[dreg:$0xb] =	wrdreg s26  }
0x11: {  	s25 =	sadd.s32 s6, s22;
	s12 =	sadd.s32 $0x53B880, s8;
	[dreg:$0xc] =	wrdreg s3  }
0x12: {  	s20 =	simm.s32 $0x800;
	s22 =	simm.s32 $0x3000;
	[dreg:$0x7] =	wrdreg s23  }
0x13: {  	s26 =	simm.s32 $0x5;
	s21 =	sadd.s32 $0x289800, s0;
	[dreg:$0x8] =	wrdreg s25  }
0x14: {  	s7 =	sadd.s32 s2, s24;
	s0 =	sadd.s32 $0x1800, s0;
	s23 =	simm.s32 $0x8000  }
0x15: {  	s24 =	simm.s32 $0x1;
	s25 =	simm.s32 $0x3;
	[dreg:$0x5] =	wrdreg s21  }
0x16: {  	s13 =	sadd.s32 $0x28000, s9;
	s7 =	sadd.s32 $0x292C00, s7;
	[dreg:$0xa] =	wrdreg s0  }
0x17: {  	s21 =	simm.s32 $0x5800;
	[dreg:$0x9] =	wrdreg s7;
	s7 =	simm.s32 $0xB  }
.LBB2_1:
0x18: {  	s0 =	rddreg [dreg:$0x5]  }
0x19: {  	[spmem:s3], [sflag:s14] =	dma.local [hbm:s0], $0x2800  }
0x1a: {  	_ =	swait.ge [sflag:s7], $0x2800  }
0x1b: {  	[sflag:s7] =	ssyncset.done $0x0  }
0x1c: {  	[sflag:s7] =	ssyncadd.s32 $0xFFFFD800  }
0x1d: {  	[bflag:$0x0] =	sbarrier.arrive $0xFFFF  }
0x1e: {  	s17 =	rddreg [dreg:$0x7]  }
0x1f: {  	[tilespmem:s5], [sflag:$0xB] =	stream.linear.gather [hbm4b:s17+s5], $0x400, $0x38;
	[tilespmem:$0x1E800] =	vst v63  }
0x20: {  	_ =	swait.ge [sflag:s7], $0x400  }
0x21: {  	[sflag:s7] =	ssyncset.done $0x0  }
0x22: {  	[sflag:s7] =	ssyncadd.s32 $0xFFFFFC00  }
0x23: {  	[tilespmem:s20], [sflag:$0x1] =	stream.indirect.gather [hbm4b:s1+s19], $0x80, s5, s19, $0xb8;
	[tilespmem:$0x1E800] =	vst v63  }
0x24: {  	s18 =	rddreg [dreg:$0x8];
	s7 =	simm.s32 $0x0  }
0x25: {  	[tilespmem:s21], [sflag:$0x3] =	stream.linear.gather [hbm4b:s18+s5], $0x2800, $0x38;
	[tilespmem:$0x1E800] =	vst v63  }
.LBB2_2:
0x26: {  	p0 =	seq.s32 s7, $0x0  }
0x27: {  	s0 =	simm.s32 @!p0 $0x6  }
0x28: {  	_ =	swait.ge @!p0 [sflag:s0], $0x2800  }
0x29: {  	s14 =	sshll.u32 s7, $0x1;
	s15 =	sshrl.u32 s7, $0x2;
	[sflag:s0] =	ssyncset.done @!p0 $0x0  }
0x2a: {  	s3 =	simm.s32 @!p0 $0x8;
	s8 =	sor.u32 $0x1, s14;
	[sflag:s0] =	ssyncadd.s32 @!p0 $0xFFFFD800  }
0x2b: {  	s16 =	sand.u32 $0x7, s8;
	s0 =	sand.u32 $0x1, s15;
	_ =	swait.ge @!p0 [sflag:s3], $0x2800  }
0x2c: {  	s11 =	sshll.u32 s16, $0x7;
	s10 =	sshll.u32 s0, $0xA;
	[sflag:s3] =	ssyncset.done @!p0 $0x0  }
0x2d: {  	s10 =	sor.u32 s11, s10;
	s11 =	smul.u32 $0x50, s8;
	[sflag:s3] =	ssyncadd.s32 @!p0 $0xFFFFD800  }
0x2e: {  	[tilespmem:s22], [sflag:$0x2] =	stream.indirect.gather [hbm4b:s1+s19], $0x80, s10, s19, $0xb8;
	[tilespmem:$0x1E800] =	vst v63  }
0x2f: {  	s18 =	sadd.s32 s9, s11  }
0x30: {  	s3 =	sshll.u32 s18, $0x4  }
0x31: {  	s3 =	sadd.s32 s6, s3  }
0x32: {  	[tilespmem:s23], [sflag:$0x4] =	stream.linear.gather [hbm4b:s3+s5], $0x2800, $0x38;
	[tilespmem:$0x1E800] =	vst v63  }
0x33: {  	_ =	swait.ge [sflag:s24], $0x2800  }
0x34: {  	[sflag:s24] =	ssyncset.done $0x0  }
0x35: {  	[sflag:s24] =	ssyncadd.s32 $0xFFFFD800  }
0x36: {  	_ =	swait.ge [sflag:s25], $0x2800  }
0x37: {  	[sflag:s25] =	ssyncset.done $0x0  }
0x38: {  	s3 =	simm.s32 $0x900;
	[sflag:s25] =	ssyncadd.s32 $0xFFFFD800  }
0x39: {  	s8 =	simm.s32 $0x5900;
	v0 =	vld [tilespmem:s3+$0x80]  }
0x3a: {  	v1 =	vld [tilespmem:s8+$0x80]  }
0x3b: {  	v2 =	vld [tilespmem:s3+$0xFFFFFF80]  }
0x3c: {  	v3 =	vld [tilespmem:s8+$0xFFFFFF80]  }
0x3d: {  	v4 =	vld [tilespmem:s3+$0x0]  }
0x3e: {  	v5 =	vld [tilespmem:s8+$0x0]  }
0x3f: {  	v6 =	vld [tilespmem:s3+$0xFFFFFF00];
	v0 =	vmul.f32 v1, v0  }
0x40: {  	v1 =	vld [tilespmem:s8+$0xFFFFFF00]  }
0x41: {  	[tilespmem:s3+$0x80] =	vst v0;
	v0 =	vld [tilespmem:s3+$0x90]  }
0x42: {  	v2 =	vmul.f32 v3, v2;
	v3 =	vld [tilespmem:s8+$0x90]  }
0x43: {  	v7 =	vld [tilespmem:s3+$0xFFFFFF10]  }
0x44: {  	[tilespmem:s3+$0xFFFFFF80] =	vst v2;
	v2 =	vmul.f32 v5, v4;
	v4 =	vld [tilespmem:s3+$0xFFFFFF90]  }
0x45: {  	v5 =	vld [tilespmem:s8+$0xFFFFFF90];
	v1 =	vmul.f32 v1, v6  }
0x46: {  	[tilespmem:s3+$0x0] =	vst v2;
	v2 =	vld [tilespmem:s3+$0x10]  }
0x47: {  	v6 =	vld [tilespmem:s8+$0x10];
	[tilespmem:s3+$0xFFFFFF00] =	vst v1;
	v0 =	vmul.f32 v3, v0  }
0x48: {  	v1 =	vld [tilespmem:s8+$0xFFFFFF10]  }
0x49: {  	[tilespmem:s3+$0x90] =	vst v0;
	v0 =	vld [tilespmem:s3+$0xA0]  }
0x4a: {  	v3 =	vmul.f32 v5, v4;
	v4 =	vld [tilespmem:s8+$0xA0]  }
0x4b: {  	v5 =	vld [tilespmem:s3+$0xFFFFFF20]  }
0x4c: {  	[tilespmem:s3+$0xFFFFFF90] =	vst v3;
	v2 =	vmul.f32 v6, v2;
	v3 =	vld [tilespmem:s3+$0xFFFFFFA0]  }
0x4d: {  	v6 =	vld [tilespmem:s8+$0xFFFFFFA0];
	v1 =	vmul.f32 v1, v7  }
0x4e: {  	[tilespmem:s3+$0x10] =	vst v2;
	v2 =	vld [tilespmem:s3+$0x20]  }
0x4f: {  	v7 =	vld [tilespmem:s8+$0x20];
	[tilespmem:s3+$0xFFFFFF10] =	vst v1;
	v0 =	vmul.f32 v4, v0  }
0x50: {  	v1 =	vld [tilespmem:s8+$0xFFFFFF20]  }
0x51: {  	[tilespmem:s3+$0xA0] =	vst v0;
	v0 =	vld [tilespmem:s3+$0xB0]  }
0x52: {  	v3 =	vmul.f32 v6, v3;
	v4 =	vld [tilespmem:s8+$0xB0]  }
0x53: {  	v6 =	vld [tilespmem:s3+$0xFFFFFF30]  }
0x54: {  	[tilespmem:s3+$0xFFFFFFA0] =	vst v3;
	v2 =	vmul.f32 v7, v2;
	v3 =	vld [tilespmem:s3+$0xFFFFFFB0]  }
0x55: {  	v7 =	vld [tilespmem:s8+$0xFFFFFFB0];
	v1 =	vmul.f32 v1, v5  }
0x56: {  	[tilespmem:s3+$0x20] =	vst v2;
	v2 =	vld [tilespmem:s3+$0x30]  }
0x57: {  	v5 =	vld [tilespmem:s8+$0x30];
	[tilespmem:s3+$0xFFFFFF20] =	vst v1;
	v0 =	vmul.f32 v4, v0  }
0x58: {  	v1 =	vld [tilespmem:s8+$0xFFFFFF30]  }
0x59: {  	[tilespmem:s3+$0xB0] =	vst v0;
	v0 =	vld [tilespmem:s3+$0xC0]  }
0x5a: {  	v3 =	vmul.f32 v7, v3;
	v4 =	vld [tilespmem:s8+$0xC0]  }
0x5b: {  	v7 =	vld [tilespmem:s3+$0xFFFFFF40]  }
0x5c: {  	[tilespmem:s3+$0xFFFFFFB0] =	vst v3;
	v2 =	vmul.f32 v5, v2;
	v3 =	vld [tilespmem:s3+$0xFFFFFFC0]  }
0x5d: {  	v5 =	vld [tilespmem:s8+$0xFFFFFFC0];
	v1 =	vmul.f32 v1, v6  }
0x5e: {  	[tilespmem:s3+$0x30] =	vst v2;
	v2 =	vld [tilespmem:s3+$0x40]  }
0x5f: {  	v6 =	vld [tilespmem:s8+$0x40];
	[tilespmem:s3+$0xFFFFFF30] =	vst v1;
	v0 =	vmul.f32 v4, v0  }
0x60: {  	v1 =	vld [tilespmem:s8+$0xFFFFFF40]  }
0x61: {  	[tilespmem:s3+$0xC0] =	vst v0;
	v0 =	vld [tilespmem:s3+$0xD0]  }
0x62: {  	v3 =	vmul.f32 v5, v3;
	v4 =	vld [tilespmem:s8+$0xD0]  }
0x63: {  	v5 =	vld [tilespmem:s3+$0xFFFFFF50]  }
0x64: {  	[tilespmem:s3+$0xFFFFFFC0] =	vst v3;
	v2 =	vmul.f32 v6, v2;
	v3 =	vld [tilespmem:s3+$0xFFFFFFD0]  }
0x65: {  	v6 =	vld [tilespmem:s8+$0xFFFFFFD0];
	v1 =	vmul.f32 v1, v7  }
0x66: {  	[tilespmem:s3+$0x40] =	vst v2;
	v2 =	vld [tilespmem:s3+$0x50]  }
0x67: {  	v7 =	vld [tilespmem:s8+$0x50];
	[tilespmem:s3+$0xFFFFFF40] =	vst v1;
	v0 =	vmul.f32 v4, v0  }
0x68: {  	v1 =	vld [tilespmem:s8+$0xFFFFFF50]  }
0x69: {  	[tilespmem:s3+$0xD0] =	vst v0;
	v0 =	vld [tilespmem:s3+$0xE0]  }
0x6a: {  	v3 =	vmul.f32 v6, v3;
	v4 =	vld [tilespmem:s8+$0xE0]  }
0x6b: {  	v6 =	vld [tilespmem:s3+$0xFFFFFF60]  }
0x6c: {  	[tilespmem:s3+$0xFFFFFFD0] =	vst v3;
	v2 =	vmul.f32 v7, v2;
	v3 =	vld [tilespmem:s3+$0xFFFFFFE0]  }
0x6d: {  	v7 =	vld [tilespmem:s8+$0xFFFFFFE0];
	v1 =	vmul.f32 v1, v5  }
0x6e: {  	[tilespmem:s3+$0x50] =	vst v2;
	v2 =	vld [tilespmem:s3+$0x60]  }
0x6f: {  	v5 =	vld [tilespmem:s8+$0x60];
	[tilespmem:s3+$0xFFFFFF50] =	vst v1;
	v0 =	vmul.f32 v4, v0  }
0x70: {  	v4 =	vld [tilespmem:s8+$0xFFFFFF60]  }
0x71: {  	v8 =	vld [tilespmem:s3+$0xF0];
	[tilespmem:s3+$0xE0] =	vst v0  }
0x72: {  	v1 =	vmul.f32 v7, v3;
	v7 =	vld [tilespmem:s8+$0xF0]  }
0x73: {  	v0 =	vld [tilespmem:s3+$0xFFFFFF70]  }
0x74: {  	[tilespmem:s3+$0xFFFFFFE0] =	vst v1;
	v2 =	vmul.f32 v5, v2;
	v1 =	vld [tilespmem:s3+$0xFFFFFFF0]  }
0x75: {  	v3 =	vld [tilespmem:s8+$0xFFFFFFF0];
	v4 =	vmul.f32 v4, v6  }
0x76: {  	[tilespmem:s3+$0x60] =	vst v2;
	v2 =	vld [tilespmem:s3+$0x70]  }
0x77: {  	[tilespmem:s3+$0xFFFFFF60] =	vst v4;
	v4 =	vld [tilespmem:s8+$0x70];
	v6 =	vmul.f32 v7, v8  }
0x78: {  	s17 =	simm.s32 $0x0;
	s18 =	simm.s32 $0xB00;
	v5 =	vld [tilespmem:s8+$0xFFFFFF70]  }
.LBB2_3:
0x79: {  	v7 =	vld [tilespmem:s18+$0x80];
	[tilespmem:s3+$0xF0] =	vst v6;
	s8 =	sadd.s32 $0x200, s8  }
0x7a: {  	s17 =	sadd.s32 $0x4, s17;
	v6 =	vld [tilespmem:s8+$0x80];
	v1 =	vmul.f32 v3, v1  }
0x7b: {  	p0 =	slt.u32 s17, $0x4C;
	v3 =	vld [tilespmem:s8+$0xFFFFFF00]  }
0x7c: {  	v8 =	vld [tilespmem:s18+$0xFFFFFF80];
	[tilespmem:s3+$0xFFFFFFF0] =	vst v1;
	v1 =	vmul.f32 v4, v2  }
0x7d: {  	v2 =	vld [tilespmem:s8+$0xFFFFFF80];
	v0 =	vmul.f32 v5, v0  }
0x7e: {  	v4 =	vld [tilespmem:s18+$0x0];
	[tilespmem:s3+$0x70] =	vst v1  }
0x7f: {  	v1 =	vld [tilespmem:s8+$0x0];
	v5 =	vmul.f32 v6, v7;
	[tilespmem:s3+$0xFFFFFF70] =	vst v0;
	s3 =	smov.u32 s18  }
0x80: {  	v0 =	vld [tilespmem:s18+$0xFFFFFF00]  }
0x81: {  	[tilespmem:s18+$0x80] =	vst v5;
	v5 =	vld [tilespmem:s18+$0x90]  }
0x82: {  	v2 =	vmul.f32 v2, v8;
	v6 =	vld [tilespmem:s8+$0x90]  }
0x83: {  	v7 =	vld [tilespmem:s18+$0xFFFFFF10]  }
0x84: {  	[tilespmem:s18+$0xFFFFFF80] =	vst v2;
	v2 =	vld [tilespmem:s18+$0xFFFFFF90];
	v1 =	vmul.f32 v1, v4  }
0x85: {  	v0 =	vmul.f32 v3, v0;
	v3 =	vld [tilespmem:s8+$0xFFFFFF90]  }
0x86: {  	[tilespmem:s18+$0x0] =	vst v1;
	v1 =	vld [tilespmem:s18+$0x10]  }
0x87: {  	[tilespmem:s18+$0xFFFFFF00] =	vst v0;
	v0 =	vld [tilespmem:s8+$0x10];
	v4 =	vmul.f32 v6, v5  }
0x88: {  	v5 =	vld [tilespmem:s8+$0xFFFFFF10]  }
0x89: {  	[tilespmem:s18+$0x90] =	vst v4;
	v4 =	vld [tilespmem:s18+$0xA0]  }
0x8a: {  	v2 =	vmul.f32 v3, v2;
	v3 =	vld [tilespmem:s8+$0xA0]  }
0x8b: {  	v6 =	vld [tilespmem:s18+$0xFFFFFF20]  }
0x8c: {  	[tilespmem:s18+$0xFFFFFF90] =	vst v2;
	v2 =	vld [tilespmem:s18+$0xFFFFFFA0];
	v0 =	vmul.f32 v0, v1  }
0x8d: {  	v1 =	vmul.f32 v5, v7;
	v5 =	vld [tilespmem:s8+$0xFFFFFFA0]  }
0x8e: {  	[tilespmem:s18+$0x10] =	vst v0;
	v0 =	vld [tilespmem:s18+$0x20]  }
0x8f: {  	[tilespmem:s18+$0xFFFFFF10] =	vst v1;
	v1 =	vld [tilespmem:s8+$0x20];
	v3 =	vmul.f32 v3, v4  }
0x90: {  	v4 =	vld [tilespmem:s8+$0xFFFFFF20]  }
0x91: {  	[tilespmem:s18+$0xA0] =	vst v3;
	v3 =	vld [tilespmem:s18+$0xB0]  }
0x92: {  	v2 =	vmul.f32 v5, v2;
	v5 =	vld [tilespmem:s8+$0xB0]  }
0x93: {  	v7 =	vld [tilespmem:s18+$0xFFFFFF30]  }
0x94: {  	[tilespmem:s18+$0xFFFFFFA0] =	vst v2;
	v2 =	vld [tilespmem:s18+$0xFFFFFFB0];
	v0 =	vmul.f32 v1, v0  }
0x95: {  	v1 =	vmul.f32 v4, v6;
	v4 =	vld [tilespmem:s8+$0xFFFFFFB0]  }
0x96: {  	[tilespmem:s18+$0x20] =	vst v0;
	v0 =	vld [tilespmem:s18+$0x30]  }
0x97: {  	[tilespmem:s18+$0xFFFFFF20] =	vst v1;
	v1 =	vld [tilespmem:s8+$0x30];
	v3 =	vmul.f32 v5, v3  }
0x98: {  	v5 =	vld [tilespmem:s8+$0xFFFFFF30]  }
0x99: {  	[tilespmem:s18+$0xB0] =	vst v3;
	v3 =	vld [tilespmem:s18+$0xC0]  }
0x9a: {  	v2 =	vmul.f32 v4, v2;
	v4 =	vld [tilespmem:s8+$0xC0]  }
0x9b: {  	v6 =	vld [tilespmem:s18+$0xFFFFFF40]  }
0x9c: {  	[tilespmem:s18+$0xFFFFFFB0] =	vst v2;
	v2 =	vld [tilespmem:s18+$0xFFFFFFC0];
	v0 =	vmul.f32 v1, v0  }
0x9d: {  	v1 =	vmul.f32 v5, v7;
	v5 =	vld [tilespmem:s8+$0xFFFFFFC0]  }
0x9e: {  	[tilespmem:s18+$0x30] =	vst v0;
	v0 =	vld [tilespmem:s18+$0x40]  }
0x9f: {  	[tilespmem:s18+$0xFFFFFF30] =	vst v1;
	v1 =	vld [tilespmem:s8+$0x40];
	v3 =	vmul.f32 v4, v3  }
0xa0: {  	v4 =	vld [tilespmem:s8+$0xFFFFFF40]  }
0xa1: {  	[tilespmem:s18+$0xC0] =	vst v3;
	v3 =	vld [tilespmem:s18+$0xD0]  }
0xa2: {  	v2 =	vmul.f32 v5, v2;
	v5 =	vld [tilespmem:s8+$0xD0]  }
0xa3: {  	v7 =	vld [tilespmem:s18+$0xFFFFFF50]  }
0xa4: {  	[tilespmem:s18+$0xFFFFFFC0] =	vst v2;
	v2 =	vld [tilespmem:s18+$0xFFFFFFD0];
	v0 =	vmul.f32 v1, v0  }
0xa5: {  	v1 =	vmul.f32 v4, v6;
	v4 =	vld [tilespmem:s8+$0xFFFFFFD0]  }
0xa6: {  	[tilespmem:s18+$0x40] =	vst v0;
	v0 =	vld [tilespmem:s18+$0x50]  }
0xa7: {  	[tilespmem:s18+$0xFFFFFF40] =	vst v1;
	v1 =	vld [tilespmem:s8+$0x50];
	v3 =	vmul.f32 v5, v3  }
0xa8: {  	v5 =	vld [tilespmem:s8+$0xFFFFFF50]  }
0xa9: {  	[tilespmem:s18+$0xD0] =	vst v3;
	v3 =	vld [tilespmem:s18+$0xE0]  }
0xaa: {  	v2 =	vmul.f32 v4, v2;
	v4 =	vld [tilespmem:s8+$0xE0]  }
0xab: {  	v6 =	vld [tilespmem:s18+$0xFFFFFF60]  }
0xac: {  	[tilespmem:s18+$0xFFFFFFD0] =	vst v2;
	v2 =	vld [tilespmem:s18+$0xFFFFFFE0];
	v0 =	vmul.f32 v1, v0  }
0xad: {  	v1 =	vmul.f32 v5, v7;
	v5 =	vld [tilespmem:s8+$0xFFFFFFE0]  }
0xae: {  	[tilespmem:s18+$0x50] =	vst v0;
	v7 =	vld [tilespmem:s18+$0x60]  }
0xaf: {  	[tilespmem:s18+$0xFFFFFF50] =	vst v1;
	v8 =	vld [tilespmem:s8+$0x60];
	v0 =	vmul.f32 v4, v3  }
0xb0: {  	v3 =	vld [tilespmem:s8+$0xFFFFFF60]  }
0xb1: {  	[tilespmem:s18+$0xE0] =	vst v0;
	v9 =	vld [tilespmem:s18+$0xF0]  }
0xb2: {  	v1 =	vmul.f32 v5, v2;
	v5 =	vld [tilespmem:s8+$0xF0]  }
0xb3: {  	v0 =	vld [tilespmem:s18+$0xFFFFFF70]  }
.Ltmp0:
0xb4: {  	[tilespmem:s18+$0xFFFFFFE0] =	vst v1;
	v1 =	vld [tilespmem:s18+$0xFFFFFFF0];
	v2 =	vmul.f32 v8, v7;
	(pc) =	sbr.rel @p0 .LBB2_3-.Ltmp0, $4  }
0xb5: {  	v4 =	vmul.f32 v3, v6;
	v3 =	vld [tilespmem:s8+$0xFFFFFFF0]  }
0xb6: {  	[tilespmem:s18+$0x60] =	vst v2;
	v2 =	vld [tilespmem:s18+$0x70]  }
0xb7: {  	[tilespmem:s18+$0xFFFFFF60] =	vst v4;
	v4 =	vld [tilespmem:s8+$0x70];
	v6 =	vmul.f32 v5, v9  }
0xb8: {  	s18 =	sadd.s32 $0x200, s18;
	v5 =	vld [tilespmem:s8+$0xFFFFFF70]  }
0xb9: {  	_ =	sdelay $0x1  }
0xba: {  	s8 =	smul.u32 $0xA0, s7;
	v1 =	vmul.f32 v3, v1  }
0xbb: {  	[tilespmem:s3+$0xF0] =	vst v6;
	v2 =	vmul.f32 v4, v2  }
0xbc: {  	s8 =	sadd.s32 s13, s8;
	[tilespmem:s3+$0xFFFFFFF0] =	vst v1;
	v0 =	vmul.f32 v5, v0  }
0xbd: {  	s8 =	sshll.u32 s8, $0x4;
	[tilespmem:s3+$0x70] =	vst v2  }
0xbe: {  	s18 =	sshll.u32 s7, $0x8;
	p0 =	sgt.u32 s7, $0x1B;
	s17 =	sadd.s32 s2, s8;
	[tilespmem:s3+$0xFFFFFF70] =	vst v0  }
0xbf: {  	[hbm4b:s17+s5] =	stream.linear.scatter [tilespmem:s20], [sflag:$0x5], $0x2800, $0x38;
	[tilespmem:$0x1E800] =	vst v63  }
0xc0: {  	p1 =	sne.s32 @!p0 s16, $0x1;
	s3 =	sand.u32 $0x700, s18  }
0xc1: {  	[spmem:s4] =	stream.indirect.scatter.add.f32 [tilespmem:s20], [sflag:$0x7], $0x80, s3, s19, $0xb8;
	[tilespmem:$0x1E800] =	vst v63  }
0xc2: {  	p0 =	por p0, p1;
	_ =	swait.ge [sflag:s26], $0x2800  }
.Ltmp1:
0xc3: {  	[sflag:s26] =	ssyncset.done $0x0;
	(pc) =	sbr.rel @p0 .LBB2_6-.Ltmp1, $4  }
0xc4: {  	[sflag:s26] =	ssyncadd.s32 $0xFFFFD800  }
0xc5: {  	_ =	swait.ge [sflag:s28], $0x2800  }
0xc6: {  	[sflag:s28] =	ssyncset.done $0x0  }
0xc7: {  	s0 =	sxor.u32 $0x1, s0;
	[sflag:s28] =	ssyncadd.s32 $0xFFFFD800  }
.Ltmp2:
0xc8: {  	(pc) =	sbr.rel .LBB2_7-.Ltmp2, $4  }
0xc9: {  	_ = 	snop  }
0xca: {  	s3 =	sshll.u32 s15, $0x7  }
0xcb: {  	s8 =	sshll.u32 s0, $0xA;
	s18 =	sadd.s32 $0x9, s0;
	s3 =	sadd.s32 s3, s12  }
0xcc: {  	[tilespmem:s8], [sflag:s18] =	stream.linear.gather [hbm4b:s3+s5], $0x400, $0x38;
	[tilespmem:$0x1E800] =	vst v63  }
.LBB2_6:
0xcd: {  	p0 =	sne.s32 s16, $0x7  }
0xce: {  	s0 =	sadd.s32 @!p0 $0x9, s0  }
0xcf: {  	_ =	swait.ge @!p0 [sflag:s0], $0x400  }
0xd0: {  	[sflag:s0] =	ssyncset.done @!p0 $0x0  }
0xd1: {  	[sflag:s0] =	ssyncadd.s32 @!p0 $0xFFFFFC00  }
.LBB2_7:
0xd2: {  	s0 =	sadd.s32 $0x2, s14  }
0xd3: {  	s3 =	sshll.u32 s0, $0x7  }
0xd4: {  	s0 =	smul.u32 $0x50, s0;
	s3 =	sand.u32 $0x700, s3  }
0xd5: {  	[tilespmem:s20], [sflag:$0x1] =	stream.indirect.gather [hbm4b:s1+s19], $0x80, s3, s19, $0xb8;
	[tilespmem:$0x1E800] =	vst v63  }
0xd6: {  	s0 =	sadd.s32 s9, s0  }
0xd7: {  	s0 =	sshll.u32 s0, $0x4  }
0xd8: {  	s0 =	sadd.s32 s6, s0  }
0xd9: {  	[tilespmem:s21], [sflag:$0x3] =	stream.linear.gather [hbm4b:s0+s5], $0x2800, $0x38;
	[tilespmem:$0x1E800] =	vst v63  }
0xda: {  	_ =	swait.ge [sflag:s29], $0x2800  }
0xdb: {  	[sflag:s29] =	ssyncset.done $0x0  }
0xdc: {  	[sflag:s29] =	ssyncadd.s32 $0xFFFFD800  }
0xdd: {  	_ =	swait.ge [sflag:s30], $0x2800  }
0xde: {  	[sflag:s30] =	ssyncset.done $0x0  }
0xdf: {  	s0 =	simm.s32 $0x31F0;
	[sflag:s30] =	ssyncadd.s32 $0xFFFFD800  }
0xe0: {  	s3 =	simm.s32 $0x8100;
	v0 =	vld [tilespmem:s0+$0xFFFFFF90]  }
0xe1: {  	v1 =	vld [tilespmem:s3+$0x80]  }
0xe2: {  	v2 =	vld [tilespmem:s0+$0xFFFFFE90]  }
0xe3: {  	v3 =	vld [tilespmem:s3+$0xFFFFFF80]  }
0xe4: {  	v4 =	vld [tilespmem:s0+$0xFFFFFF10]  }
0xe5: {  	v5 =	vld [tilespmem:s3+$0x0]  }
0xe6: {  	v6 =	vld [tilespmem:s0+$0xFFFFFE10];
	v0 =	vmul.f32 v1, v0  }
0xe7: {  	v1 =	vld [tilespmem:s3+$0xFFFFFF00]  }
0xe8: {  	[tilespmem:s0+$0xFFFFFF90] =	vst v0;
	v0 =	vld [tilespmem:s0+$0xFFFFFFA0]  }
0xe9: {  	v2 =	vmul.f32 v3, v2;
	v3 =	vld [tilespmem:s3+$0x90]  }
0xea: {  	v7 =	vld [tilespmem:s0+$0xFFFFFE20]  }
0xeb: {  	[tilespmem:s0+$0xFFFFFE90] =	vst v2;
	v2 =	vmul.f32 v5, v4;
	v4 =	vld [tilespmem:s0+$0xFFFFFEA0]  }
0xec: {  	v5 =	vld [tilespmem:s3+$0xFFFFFF90];
	v1 =	vmul.f32 v1, v6  }
0xed: {  	[tilespmem:s0+$0xFFFFFF10] =	vst v2;
	v2 =	vld [tilespmem:s0+$0xFFFFFF20]  }
0xee: {  	v6 =	vld [tilespmem:s3+$0x10];
	[tilespmem:s0+$0xFFFFFE10] =	vst v1;
	v0 =	vmul.f32 v3, v0  }
0xef: {  	v1 =	vld [tilespmem:s3+$0xFFFFFF10]  }
0xf0: {  	[tilespmem:s0+$0xFFFFFFA0] =	vst v0;
	v0 =	vld [tilespmem:s0+$0xFFFFFFB0]  }
0xf1: {  	v3 =	vmul.f32 v5, v4;
	v4 =	vld [tilespmem:s3+$0xA0]  }
0xf2: {  	v5 =	vld [tilespmem:s0+$0xFFFFFE30]  }
0xf3: {  	[tilespmem:s0+$0xFFFFFEA0] =	vst v3;
	v2 =	vmul.f32 v6, v2;
	v3 =	vld [tilespmem:s0+$0xFFFFFEB0]  }
0xf4: {  	v6 =	vld [tilespmem:s3+$0xFFFFFFA0];
	v1 =	vmul.f32 v1, v7  }
0xf5: {  	[tilespmem:s0+$0xFFFFFF20] =	vst v2;
	v2 =	vld [tilespmem:s0+$0xFFFFFF30]  }
0xf6: {  	v7 =	vld [tilespmem:s3+$0x20];
	[tilespmem:s0+$0xFFFFFE20] =	vst v1;
	v0 =	vmul.f32 v4, v0  }
0xf7: {  	v1 =	vld [tilespmem:s3+$0xFFFFFF20]  }
0xf8: {  	[tilespmem:s0+$0xFFFFFFB0] =	vst v0;
	v0 =	vld [tilespmem:s0+$0xFFFFFFC0]  }
0xf9: {  	v3 =	vmul.f32 v6, v3;
	v4 =	vld [tilespmem:s3+$0xB0]  }
0xfa: {  	v6 =	vld [tilespmem:s0+$0xFFFFFE40]  }
0xfb: {  	[tilespmem:s0+$0xFFFFFEB0] =	vst v3;
	v2 =	vmul.f32 v7, v2;
	v3 =	vld [tilespmem:s0+$0xFFFFFEC0]  }
0xfc: {  	v7 =	vld [tilespmem:s3+$0xFFFFFFB0];
	v1 =	vmul.f32 v1, v5  }
0xfd: {  	[tilespmem:s0+$0xFFFFFF30] =	vst v2;
	v2 =	vld [tilespmem:s0+$0xFFFFFF40]  }
0xfe: {  	v5 =	vld [tilespmem:s3+$0x30];
	[tilespmem:s0+$0xFFFFFE30] =	vst v1;
	v0 =	vmul.f32 v4, v0  }
0xff: {  	v1 =	vld [tilespmem:s3+$0xFFFFFF30]  }
0x100: {  	[tilespmem:s0+$0xFFFFFFC0] =	vst v0;
	v0 =	vld [tilespmem:s0+$0xFFFFFFD0]  }
0x101: {  	v3 =	vmul.f32 v7, v3;
	v4 =	vld [tilespmem:s3+$0xC0]  }
0x102: {  	v7 =	vld [tilespmem:s0+$0xFFFFFE50]  }
0x103: {  	[tilespmem:s0+$0xFFFFFEC0] =	vst v3;
	v2 =	vmul.f32 v5, v2;
	v3 =	vld [tilespmem:s0+$0xFFFFFED0]  }
0x104: {  	v5 =	vld [tilespmem:s3+$0xFFFFFFC0];
	v1 =	vmul.f32 v1, v6  }
0x105: {  	[tilespmem:s0+$0xFFFFFF40] =	vst v2;
	v2 =	vld [tilespmem:s0+$0xFFFFFF50]  }
0x106: {  	v6 =	vld [tilespmem:s3+$0x40];
	[tilespmem:s0+$0xFFFFFE40] =	vst v1;
	v0 =	vmul.f32 v4, v0  }
0x107: {  	v1 =	vld [tilespmem:s3+$0xFFFFFF40]  }
0x108: {  	[tilespmem:s0+$0xFFFFFFD0] =	vst v0;
	v0 =	vld [tilespmem:s0+$0xFFFFFFE0]  }
0x109: {  	v3 =	vmul.f32 v5, v3;
	v4 =	vld [tilespmem:s3+$0xD0]  }
0x10a: {  	v5 =	vld [tilespmem:s0+$0xFFFFFE60]  }
0x10b: {  	[tilespmem:s0+$0xFFFFFED0] =	vst v3;
	v2 =	vmul.f32 v6, v2;
	v3 =	vld [tilespmem:s0+$0xFFFFFEE0]  }
0x10c: {  	v6 =	vld [tilespmem:s3+$0xFFFFFFD0];
	v1 =	vmul.f32 v1, v7  }
0x10d: {  	[tilespmem:s0+$0xFFFFFF50] =	vst v2;
	v2 =	vld [tilespmem:s0+$0xFFFFFF60]  }
0x10e: {  	v7 =	vld [tilespmem:s3+$0x50];
	[tilespmem:s0+$0xFFFFFE50] =	vst v1;
	v0 =	vmul.f32 v4, v0  }
0x10f: {  	v1 =	vld [tilespmem:s3+$0xFFFFFF50]  }
0x110: {  	[tilespmem:s0+$0xFFFFFFE0] =	vst v0;
	v0 =	vld [tilespmem:s0+$0xFFFFFFF0]  }
0x111: {  	v3 =	vmul.f32 v6, v3;
	v4 =	vld [tilespmem:s3+$0xE0]  }
0x112: {  	v6 =	vld [tilespmem:s0+$0xFFFFFE70]  }
0x113: {  	[tilespmem:s0+$0xFFFFFEE0] =	vst v3;
	v2 =	vmul.f32 v7, v2;
	v3 =	vld [tilespmem:s0+$0xFFFFFEF0]  }
0x114: {  	v7 =	vld [tilespmem:s3+$0xFFFFFFE0];
	v1 =	vmul.f32 v1, v5  }
0x115: {  	[tilespmem:s0+$0xFFFFFF60] =	vst v2;
	v2 =	vld [tilespmem:s0+$0xFFFFFF70]  }
0x116: {  	v5 =	vld [tilespmem:s3+$0x60];
	[tilespmem:s0+$0xFFFFFE60] =	vst v1;
	v0 =	vmul.f32 v4, v0  }
0x117: {  	v4 =	vld [tilespmem:s3+$0xFFFFFF60]  }
0x118: {  	v8 =	vld [tilespmem:s0+$0x0];
	[tilespmem:s0+$0xFFFFFFF0] =	vst v0  }
0x119: {  	v1 =	vmul.f32 v7, v3;
	v7 =	vld [tilespmem:s3+$0xF0]  }
0x11a: {  	v0 =	vld [tilespmem:s0+$0xFFFFFE80]  }
0x11b: {  	[tilespmem:s0+$0xFFFFFEF0] =	vst v1;
	v2 =	vmul.f32 v5, v2;
	v1 =	vld [tilespmem:s0+$0xFFFFFF00]  }
0x11c: {  	v3 =	vld [tilespmem:s3+$0xFFFFFFF0];
	v4 =	vmul.f32 v4, v6  }
0x11d: {  	[tilespmem:s0+$0xFFFFFF70] =	vst v2;
	v2 =	vld [tilespmem:s0+$0xFFFFFF80]  }
0x11e: {  	[tilespmem:s0+$0xFFFFFE70] =	vst v4;
	v4 =	vld [tilespmem:s3+$0x70];
	v6 =	vmul.f32 v7, v8  }
0x11f: {  	s8 =	simm.s32 $0x0;
	s14 =	simm.s32 $0x33F0;
	v5 =	vld [tilespmem:s3+$0xFFFFFF70]  }
.LBB2_8:
0x120: {  	v7 =	vld [tilespmem:s14+$0xFFFFFF90];
	[tilespmem:s0+$0x0] =	vst v6;
	s3 =	sadd.s32 $0x200, s3  }
0x121: {  	s8 =	sadd.s32 $0x4, s8;
	v6 =	vld [tilespmem:s3+$0x80];
	v1 =	vmul.f32 v3, v1  }
0x122: {  	p0 =	slt.u32 s8, $0x4C;
	v3 =	vld [tilespmem:s3+$0xFFFFFF00]  }
0x123: {  	v8 =	vld [tilespmem:s14+$0xFFFFFE90];
	[tilespmem:s0+$0xFFFFFF00] =	vst v1;
	v1 =	vmul.f32 v4, v2  }
0x124: {  	v2 =	vld [tilespmem:s3+$0xFFFFFF80];
	v0 =	vmul.f32 v5, v0  }
0x125: {  	v4 =	vld [tilespmem:s14+$0xFFFFFF10];
	[tilespmem:s0+$0xFFFFFF80] =	vst v1  }
0x126: {  	v1 =	vld [tilespmem:s3+$0x0];
	v5 =	vmul.f32 v6, v7;
	[tilespmem:s0+$0xFFFFFE80] =	vst v0;
	s0 =	smov.u32 s14  }
0x127: {  	v0 =	vld [tilespmem:s14+$0xFFFFFE10]  }
0x128: {  	[tilespmem:s14+$0xFFFFFF90] =	vst v5;
	v5 =	vld [tilespmem:s14+$0xFFFFFFA0]  }
0x129: {  	v2 =	vmul.f32 v2, v8;
	v6 =	vld [tilespmem:s3+$0x90]  }
0x12a: {  	v7 =	vld [tilespmem:s14+$0xFFFFFE20]  }
0x12b: {  	[tilespmem:s14+$0xFFFFFE90] =	vst v2;
	v2 =	vld [tilespmem:s14+$0xFFFFFEA0];
	v1 =	vmul.f32 v1, v4  }
0x12c: {  	v0 =	vmul.f32 v3, v0;
	v3 =	vld [tilespmem:s3+$0xFFFFFF90]  }
0x12d: {  	[tilespmem:s14+$0xFFFFFF10] =	vst v1;
	v1 =	vld [tilespmem:s14+$0xFFFFFF20]  }
0x12e: {  	[tilespmem:s14+$0xFFFFFE10] =	vst v0;
	v0 =	vld [tilespmem:s3+$0x10];
	v4 =	vmul.f32 v6, v5  }
0x12f: {  	v5 =	vld [tilespmem:s3+$0xFFFFFF10]  }
0x130: {  	[tilespmem:s14+$0xFFFFFFA0] =	vst v4;
	v4 =	vld [tilespmem:s14+$0xFFFFFFB0]  }
0x131: {  	v2 =	vmul.f32 v3, v2;
	v3 =	vld [tilespmem:s3+$0xA0]  }
0x132: {  	v6 =	vld [tilespmem:s14+$0xFFFFFE30]  }
0x133: {  	[tilespmem:s14+$0xFFFFFEA0] =	vst v2;
	v2 =	vld [tilespmem:s14+$0xFFFFFEB0];
	v0 =	vmul.f32 v0, v1  }
0x134: {  	v1 =	vmul.f32 v5, v7;
	v5 =	vld [tilespmem:s3+$0xFFFFFFA0]  }
0x135: {  	[tilespmem:s14+$0xFFFFFF20] =	vst v0;
	v0 =	vld [tilespmem:s14+$0xFFFFFF30]  }
0x136: {  	[tilespmem:s14+$0xFFFFFE20] =	vst v1;
	v1 =	vld [tilespmem:s3+$0x20];
	v3 =	vmul.f32 v3, v4  }
0x137: {  	v4 =	vld [tilespmem:s3+$0xFFFFFF20]  }
0x138: {  	[tilespmem:s14+$0xFFFFFFB0] =	vst v3;
	v3 =	vld [tilespmem:s14+$0xFFFFFFC0]  }
0x139: {  	v2 =	vmul.f32 v5, v2;
	v5 =	vld [tilespmem:s3+$0xB0]  }
0x13a: {  	v7 =	vld [tilespmem:s14+$0xFFFFFE40]  }
0x13b: {  	[tilespmem:s14+$0xFFFFFEB0] =	vst v2;
	v2 =	vld [tilespmem:s14+$0xFFFFFEC0];
	v0 =	vmul.f32 v1, v0  }
0x13c: {  	v1 =	vmul.f32 v4, v6;
	v4 =	vld [tilespmem:s3+$0xFFFFFFB0]  }
0x13d: {  	[tilespmem:s14+$0xFFFFFF30] =	vst v0;
	v0 =	vld [tilespmem:s14+$0xFFFFFF40]  }
0x13e: {  	[tilespmem:s14+$0xFFFFFE30] =	vst v1;
	v1 =	vld [tilespmem:s3+$0x30];
	v3 =	vmul.f32 v5, v3  }
0x13f: {  	v5 =	vld [tilespmem:s3+$0xFFFFFF30]  }
0x140: {  	[tilespmem:s14+$0xFFFFFFC0] =	vst v3;
	v3 =	vld [tilespmem:s14+$0xFFFFFFD0]  }
0x141: {  	v2 =	vmul.f32 v4, v2;
	v4 =	vld [tilespmem:s3+$0xC0]  }
0x142: {  	v6 =	vld [tilespmem:s14+$0xFFFFFE50]  }
0x143: {  	[tilespmem:s14+$0xFFFFFEC0] =	vst v2;
	v2 =	vld [tilespmem:s14+$0xFFFFFED0];
	v0 =	vmul.f32 v1, v0  }
0x144: {  	v1 =	vmul.f32 v5, v7;
	v5 =	vld [tilespmem:s3+$0xFFFFFFC0]  }
0x145: {  	[tilespmem:s14+$0xFFFFFF40] =	vst v0;
	v0 =	vld [tilespmem:s14+$0xFFFFFF50]  }
0x146: {  	[tilespmem:s14+$0xFFFFFE40] =	vst v1;
	v1 =	vld [tilespmem:s3+$0x40];
	v3 =	vmul.f32 v4, v3  }
0x147: {  	v4 =	vld [tilespmem:s3+$0xFFFFFF40]  }
0x148: {  	[tilespmem:s14+$0xFFFFFFD0] =	vst v3;
	v3 =	vld [tilespmem:s14+$0xFFFFFFE0]  }
0x149: {  	v2 =	vmul.f32 v5, v2;
	v5 =	vld [tilespmem:s3+$0xD0]  }
0x14a: {  	v7 =	vld [tilespmem:s14+$0xFFFFFE60]  }
0x14b: {  	[tilespmem:s14+$0xFFFFFED0] =	vst v2;
	v2 =	vld [tilespmem:s14+$0xFFFFFEE0];
	v0 =	vmul.f32 v1, v0  }
0x14c: {  	v1 =	vmul.f32 v4, v6;
	v4 =	vld [tilespmem:s3+$0xFFFFFFD0]  }
0x14d: {  	[tilespmem:s14+$0xFFFFFF50] =	vst v0;
	v0 =	vld [tilespmem:s14+$0xFFFFFF60]  }
0x14e: {  	[tilespmem:s14+$0xFFFFFE50] =	vst v1;
	v1 =	vld [tilespmem:s3+$0x50];
	v3 =	vmul.f32 v5, v3  }
0x14f: {  	v5 =	vld [tilespmem:s3+$0xFFFFFF50]  }
0x150: {  	[tilespmem:s14+$0xFFFFFFE0] =	vst v3;
	v3 =	vld [tilespmem:s14+$0xFFFFFFF0]  }
0x151: {  	v2 =	vmul.f32 v4, v2;
	v4 =	vld [tilespmem:s3+$0xE0]  }
0x152: {  	v6 =	vld [tilespmem:s14+$0xFFFFFE70]  }
0x153: {  	[tilespmem:s14+$0xFFFFFEE0] =	vst v2;
	v2 =	vld [tilespmem:s14+$0xFFFFFEF0];
	v0 =	vmul.f32 v1, v0  }
0x154: {  	v1 =	vmul.f32 v5, v7;
	v5 =	vld [tilespmem:s3+$0xFFFFFFE0]  }
0x155: {  	[tilespmem:s14+$0xFFFFFF60] =	vst v0;
	v7 =	vld [tilespmem:s14+$0xFFFFFF70]  }
0x156: {  	[tilespmem:s14+$0xFFFFFE60] =	vst v1;
	v8 =	vld [tilespmem:s3+$0x60];
	v0 =	vmul.f32 v4, v3  }
0x157: {  	v3 =	vld [tilespmem:s3+$0xFFFFFF60]  }
0x158: {  	[tilespmem:s14+$0xFFFFFFF0] =	vst v0;
	v9 =	vld [tilespmem:s14+$0x0]  }
0x159: {  	v1 =	vmul.f32 v5, v2;
	v5 =	vld [tilespmem:s3+$0xF0]  }
0x15a: {  	v0 =	vld [tilespmem:s14+$0xFFFFFE80]  }
.Ltmp3:
0x15b: {  	[tilespmem:s14+$0xFFFFFEF0] =	vst v1;
	v1 =	vld [tilespmem:s14+$0xFFFFFF00];
	v2 =	vmul.f32 v8, v7;
	(pc) =	sbr.rel @p0 .LBB2_8-.Ltmp3, $4  }
0x15c: {  	v4 =	vmul.f32 v3, v6;
	v3 =	vld [tilespmem:s3+$0xFFFFFFF0]  }
0x15d: {  	[tilespmem:s14+$0xFFFFFF70] =	vst v2;
	v2 =	vld [tilespmem:s14+$0xFFFFFF80]  }
0x15e: {  	[tilespmem:s14+$0xFFFFFE70] =	vst v4;
	v4 =	vld [tilespmem:s3+$0x70];
	v6 =	vmul.f32 v5, v9  }
0x15f: {  	s14 =	sadd.s32 $0x200, s14;
	v5 =	vld [tilespmem:s3+$0xFFFFFF70]  }
0x160: {  	_ =	sdelay $0x1  }
0x161: {  	v1 =	vmul.f32 v3, v1  }
0x162: {  	[tilespmem:s0+$0x0] =	vst v6;
	s7 =	sadd.s32 $0x1, s7;
	v2 =	vmul.f32 v4, v2  }
0x163: {  	s3 =	sadd.s32 s13, s11;
	p0 =	sne.s32 s7, $0x1E;
	[tilespmem:s0+$0xFFFFFF00] =	vst v1;
	v0 =	vmul.f32 v5, v0  }
.Ltmp4:
0x164: {  	s3 =	sshll.u32 s3, $0x4;
	[tilespmem:s0+$0xFFFFFF80] =	vst v2;
	(pc) =	sbr.rel @p0 .LBB2_2-.Ltmp4, $4  }
0x165: {  	s18 =	sadd.s32 s2, s3;
	[tilespmem:s0+$0xFFFFFE80] =	vst v0  }
0x166: {  	[hbm4b:s18+s5] =	stream.linear.scatter [tilespmem:s22], [sflag:$0x6], $0x2800, $0x38;
	[tilespmem:$0x1E800] =	vst v63  }
0x167: {  	_ = 	snop  }
0x168: {  	[spmem:s4] =	stream.indirect.scatter.add.f32 [tilespmem:s22], [sflag:$0x8], $0x80, s10, s19, $0xb8;
	[tilespmem:$0x1E800] =	vst v63  }
0x169: {  	_ =	swait.ge [sflag:s24], $0x2800  }
0x16a: {  	[sflag:s24] =	ssyncset.done $0x0  }
0x16b: {  	[sflag:s24] =	ssyncadd.s32 $0xFFFFD800  }
0x16c: {  	_ =	swait.ge [sflag:s25], $0x2800  }
0x16d: {  	[sflag:s25] =	ssyncset.done $0x0  }
0x16e: {  	s0 =	simm.s32 $0x900;
	[sflag:s25] =	ssyncadd.s32 $0xFFFFD800  }
0x16f: {  	s3 =	simm.s32 $0x5900;
	v0 =	vld [tilespmem:s0+$0x80]  }
0x170: {  	v1 =	vld [tilespmem:s3+$0x80]  }
0x171: {  	v2 =	vld [tilespmem:s0+$0xFFFFFF80]  }
0x172: {  	v3 =	vld [tilespmem:s3+$0xFFFFFF80]  }
0x173: {  	v4 =	vld [tilespmem:s0+$0x0]  }
0x174: {  	v5 =	vld [tilespmem:s3+$0x0]  }
0x175: {  	v6 =	vld [tilespmem:s0+$0xFFFFFF00];
	v0 =	vmul.f32 v1, v0  }
0x176: {  	v1 =	vld [tilespmem:s3+$0xFFFFFF00]  }
0x177: {  	[tilespmem:s0+$0x80] =	vst v0;
	v0 =	vld [tilespmem:s0+$0x90]  }
0x178: {  	v2 =	vmul.f32 v3, v2;
	v3 =	vld [tilespmem:s3+$0x90]  }
0x179: {  	v7 =	vld [tilespmem:s0+$0xFFFFFF10]  }
0x17a: {  	[tilespmem:s0+$0xFFFFFF80] =	vst v2;
	v2 =	vmul.f32 v5, v4;
	v4 =	vld [tilespmem:s0+$0xFFFFFF90]  }
0x17b: {  	v5 =	vld [tilespmem:s3+$0xFFFFFF90];
	v1 =	vmul.f32 v1, v6  }
0x17c: {  	[tilespmem:s0+$0x0] =	vst v2;
	v2 =	vld [tilespmem:s0+$0x10]  }
0x17d: {  	v6 =	vld [tilespmem:s3+$0x10];
	[tilespmem:s0+$0xFFFFFF00] =	vst v1;
	v0 =	vmul.f32 v3, v0  }
0x17e: {  	v1 =	vld [tilespmem:s3+$0xFFFFFF10]  }
0x17f: {  	[tilespmem:s0+$0x90] =	vst v0;
	v0 =	vld [tilespmem:s0+$0xA0]  }
0x180: {  	v3 =	vmul.f32 v5, v4;
	v4 =	vld [tilespmem:s3+$0xA0]  }
0x181: {  	v5 =	vld [tilespmem:s0+$0xFFFFFF20]  }
0x182: {  	[tilespmem:s0+$0xFFFFFF90] =	vst v3;
	v2 =	vmul.f32 v6, v2;
	v3 =	vld [tilespmem:s0+$0xFFFFFFA0]  }
0x183: {  	v6 =	vld [tilespmem:s3+$0xFFFFFFA0];
	v1 =	vmul.f32 v1, v7  }
0x184: {  	[tilespmem:s0+$0x10] =	vst v2;
	v2 =	vld [tilespmem:s0+$0x20]  }
0x185: {  	v7 =	vld [tilespmem:s3+$0x20];
	[tilespmem:s0+$0xFFFFFF10] =	vst v1;
	v0 =	vmul.f32 v4, v0  }
0x186: {  	v1 =	vld [tilespmem:s3+$0xFFFFFF20]  }
0x187: {  	[tilespmem:s0+$0xA0] =	vst v0;
	v0 =	vld [tilespmem:s0+$0xB0]  }
0x188: {  	v3 =	vmul.f32 v6, v3;
	v4 =	vld [tilespmem:s3+$0xB0]  }
0x189: {  	v6 =	vld [tilespmem:s0+$0xFFFFFF30]  }
0x18a: {  	[tilespmem:s0+$0xFFFFFFA0] =	vst v3;
	v2 =	vmul.f32 v7, v2;
	v3 =	vld [tilespmem:s0+$0xFFFFFFB0]  }
0x18b: {  	v7 =	vld [tilespmem:s3+$0xFFFFFFB0];
	v1 =	vmul.f32 v1, v5  }
0x18c: {  	[tilespmem:s0+$0x20] =	vst v2;
	v2 =	vld [tilespmem:s0+$0x30]  }
0x18d: {  	v5 =	vld [tilespmem:s3+$0x30];
	[tilespmem:s0+$0xFFFFFF20] =	vst v1;
	v0 =	vmul.f32 v4, v0  }
0x18e: {  	v1 =	vld [tilespmem:s3+$0xFFFFFF30]  }
0x18f: {  	[tilespmem:s0+$0xB0] =	vst v0;
	v0 =	vld [tilespmem:s0+$0xC0]  }
0x190: {  	v3 =	vmul.f32 v7, v3;
	v4 =	vld [tilespmem:s3+$0xC0]  }
0x191: {  	v7 =	vld [tilespmem:s0+$0xFFFFFF40]  }
0x192: {  	[tilespmem:s0+$0xFFFFFFB0] =	vst v3;
	v2 =	vmul.f32 v5, v2;
	v3 =	vld [tilespmem:s0+$0xFFFFFFC0]  }
0x193: {  	v5 =	vld [tilespmem:s3+$0xFFFFFFC0];
	v1 =	vmul.f32 v1, v6  }
0x194: {  	[tilespmem:s0+$0x30] =	vst v2;
	v2 =	vld [tilespmem:s0+$0x40]  }
0x195: {  	v6 =	vld [tilespmem:s3+$0x40];
	[tilespmem:s0+$0xFFFFFF30] =	vst v1;
	v0 =	vmul.f32 v4, v0  }
0x196: {  	v1 =	vld [tilespmem:s3+$0xFFFFFF40]  }
0x197: {  	[tilespmem:s0+$0xC0] =	vst v0;
	v0 =	vld [tilespmem:s0+$0xD0]  }
0x198: {  	v3 =	vmul.f32 v5, v3;
	v4 =	vld [tilespmem:s3+$0xD0]  }
0x199: {  	v5 =	vld [tilespmem:s0+$0xFFFFFF50]  }
0x19a: {  	[tilespmem:s0+$0xFFFFFFC0] =	vst v3;
	v2 =	vmul.f32 v6, v2;
	v3 =	vld [tilespmem:s0+$0xFFFFFFD0]  }
0x19b: {  	v6 =	vld [tilespmem:s3+$0xFFFFFFD0];
	v1 =	vmul.f32 v1, v7  }
0x19c: {  	[tilespmem:s0+$0x40] =	vst v2;
	v2 =	vld [tilespmem:s0+$0x50]  }
0x19d: {  	v7 =	vld [tilespmem:s3+$0x50];
	[tilespmem:s0+$0xFFFFFF40] =	vst v1;
	v0 =	vmul.f32 v4, v0  }
0x19e: {  	v1 =	vld [tilespmem:s3+$0xFFFFFF50]  }
0x19f: {  	[tilespmem:s0+$0xD0] =	vst v0;
	v0 =	vld [tilespmem:s0+$0xE0]  }
0x1a0: {  	v3 =	vmul.f32 v6, v3;
	v4 =	vld [tilespmem:s3+$0xE0]  }
0x1a1: {  	v6 =	vld [tilespmem:s0+$0xFFFFFF60]  }
0x1a2: {  	[tilespmem:s0+$0xFFFFFFD0] =	vst v3;
	v2 =	vmul.f32 v7, v2;
	v3 =	vld [tilespmem:s0+$0xFFFFFFE0]  }
0x1a3: {  	v7 =	vld [tilespmem:s3+$0xFFFFFFE0];
	v1 =	vmul.f32 v1, v5  }
0x1a4: {  	[tilespmem:s0+$0x50] =	vst v2;
	v2 =	vld [tilespmem:s0+$0x60]  }
0x1a5: {  	v5 =	vld [tilespmem:s3+$0x60];
	[tilespmem:s0+$0xFFFFFF50] =	vst v1;
	v0 =	vmul.f32 v4, v0  }
0x1a6: {  	v4 =	vld [tilespmem:s3+$0xFFFFFF60]  }
0x1a7: {  	v8 =	vld [tilespmem:s0+$0xF0];
	[tilespmem:s0+$0xE0] =	vst v0  }
0x1a8: {  	v1 =	vmul.f32 v7, v3;
	v7 =	vld [tilespmem:s3+$0xF0]  }
0x1a9: {  	v0 =	vld [tilespmem:s0+$0xFFFFFF70]  }
0x1aa: {  	[tilespmem:s0+$0xFFFFFFE0] =	vst v1;
	v2 =	vmul.f32 v5, v2;
	v1 =	vld [tilespmem:s0+$0xFFFFFFF0]  }
0x1ab: {  	v3 =	vld [tilespmem:s3+$0xFFFFFFF0];
	v4 =	vmul.f32 v4, v6  }
0x1ac: {  	[tilespmem:s0+$0x60] =	vst v2;
	v2 =	vld [tilespmem:s0+$0x70]  }
0x1ad: {  	[tilespmem:s0+$0xFFFFFF60] =	vst v4;
	v4 =	vld [tilespmem:s3+$0x70];
	v6 =	vmul.f32 v7, v8  }
0x1ae: {  	s7 =	simm.s32 $0x0;
	s8 =	simm.s32 $0xB00;
	v5 =	vld [tilespmem:s3+$0xFFFFFF70]  }
.LBB2_11:
0x1af: {  	v7 =	vld [tilespmem:s8+$0x80];
	[tilespmem:s0+$0xF0] =	vst v6;
	s3 =	sadd.s32 $0x200, s3  }
0x1b0: {  	s7 =	sadd.s32 $0x4, s7;
	v6 =	vld [tilespmem:s3+$0x80];
	v1 =	vmul.f32 v3, v1  }
0x1b1: {  	p0 =	slt.u32 s7, $0x4C;
	v3 =	vld [tilespmem:s3+$0xFFFFFF00]  }
0x1b2: {  	v8 =	vld [tilespmem:s8+$0xFFFFFF80];
	[tilespmem:s0+$0xFFFFFFF0] =	vst v1;
	v1 =	vmul.f32 v4, v2  }
0x1b3: {  	v2 =	vld [tilespmem:s3+$0xFFFFFF80];
	v0 =	vmul.f32 v5, v0  }
0x1b4: {  	v4 =	vld [tilespmem:s8+$0x0];
	[tilespmem:s0+$0x70] =	vst v1  }
0x1b5: {  	v1 =	vld [tilespmem:s3+$0x0];
	v5 =	vmul.f32 v6, v7;
	[tilespmem:s0+$0xFFFFFF70] =	vst v0;
	s0 =	smov.u32 s8  }
0x1b6: {  	v0 =	vld [tilespmem:s8+$0xFFFFFF00]  }
0x1b7: {  	[tilespmem:s8+$0x80] =	vst v5;
	v5 =	vld [tilespmem:s8+$0x90]  }
0x1b8: {  	v2 =	vmul.f32 v2, v8;
	v6 =	vld [tilespmem:s3+$0x90]  }
0x1b9: {  	v7 =	vld [tilespmem:s8+$0xFFFFFF10]  }
0x1ba: {  	[tilespmem:s8+$0xFFFFFF80] =	vst v2;
	v2 =	vld [tilespmem:s8+$0xFFFFFF90];
	v1 =	vmul.f32 v1, v4  }
0x1bb: {  	v0 =	vmul.f32 v3, v0;
	v3 =	vld [tilespmem:s3+$0xFFFFFF90]  }
0x1bc: {  	[tilespmem:s8+$0x0] =	vst v1;
	v1 =	vld [tilespmem:s8+$0x10]  }
0x1bd: {  	[tilespmem:s8+$0xFFFFFF00] =	vst v0;
	v0 =	vld [tilespmem:s3+$0x10];
	v4 =	vmul.f32 v6, v5  }
0x1be: {  	v5 =	vld [tilespmem:s3+$0xFFFFFF10]  }
0x1bf: {  	[tilespmem:s8+$0x90] =	vst v4;
	v4 =	vld [tilespmem:s8+$0xA0]  }
0x1c0: {  	v2 =	vmul.f32 v3, v2;
	v3 =	vld [tilespmem:s3+$0xA0]  }
0x1c1: {  	v6 =	vld [tilespmem:s8+$0xFFFFFF20]  }
0x1c2: {  	[tilespmem:s8+$0xFFFFFF90] =	vst v2;
	v2 =	vld [tilespmem:s8+$0xFFFFFFA0];
	v0 =	vmul.f32 v0, v1  }
0x1c3: {  	v1 =	vmul.f32 v5, v7;
	v5 =	vld [tilespmem:s3+$0xFFFFFFA0]  }
0x1c4: {  	[tilespmem:s8+$0x10] =	vst v0;
	v0 =	vld [tilespmem:s8+$0x20]  }
0x1c5: {  	[tilespmem:s8+$0xFFFFFF10] =	vst v1;
	v1 =	vld [tilespmem:s3+$0x20];
	v3 =	vmul.f32 v3, v4  }
0x1c6: {  	v4 =	vld [tilespmem:s3+$0xFFFFFF20]  }
0x1c7: {  	[tilespmem:s8+$0xA0] =	vst v3;
	v3 =	vld [tilespmem:s8+$0xB0]  }
0x1c8: {  	v2 =	vmul.f32 v5, v2;
	v5 =	vld [tilespmem:s3+$0xB0]  }
0x1c9: {  	v7 =	vld [tilespmem:s8+$0xFFFFFF30]  }
0x1ca: {  	[tilespmem:s8+$0xFFFFFFA0] =	vst v2;
	v2 =	vld [tilespmem:s8+$0xFFFFFFB0];
	v0 =	vmul.f32 v1, v0  }
0x1cb: {  	v1 =	vmul.f32 v4, v6;
	v4 =	vld [tilespmem:s3+$0xFFFFFFB0]  }
0x1cc: {  	[tilespmem:s8+$0x20] =	vst v0;
	v0 =	vld [tilespmem:s8+$0x30]  }
0x1cd: {  	[tilespmem:s8+$0xFFFFFF20] =	vst v1;
	v1 =	vld [tilespmem:s3+$0x30];
	v3 =	vmul.f32 v5, v3  }
0x1ce: {  	v5 =	vld [tilespmem:s3+$0xFFFFFF30]  }
0x1cf: {  	[tilespmem:s8+$0xB0] =	vst v3;
	v3 =	vld [tilespmem:s8+$0xC0]  }
0x1d0: {  	v2 =	vmul.f32 v4, v2;
	v4 =	vld [tilespmem:s3+$0xC0]  }
0x1d1: {  	v6 =	vld [tilespmem:s8+$0xFFFFFF40]  }
0x1d2: {  	[tilespmem:s8+$0xFFFFFFB0] =	vst v2;
	v2 =	vld [tilespmem:s8+$0xFFFFFFC0];
	v0 =	vmul.f32 v1, v0  }
0x1d3: {  	v1 =	vmul.f32 v5, v7;
	v5 =	vld [tilespmem:s3+$0xFFFFFFC0]  }
0x1d4: {  	[tilespmem:s8+$0x30] =	vst v0;
	v0 =	vld [tilespmem:s8+$0x40]  }
0x1d5: {  	[tilespmem:s8+$0xFFFFFF30] =	vst v1;
	v1 =	vld [tilespmem:s3+$0x40];
	v3 =	vmul.f32 v4, v3  }
0x1d6: {  	v4 =	vld [tilespmem:s3+$0xFFFFFF40]  }
0x1d7: {  	[tilespmem:s8+$0xC0] =	vst v3;
	v3 =	vld [tilespmem:s8+$0xD0]  }
0x1d8: {  	v2 =	vmul.f32 v5, v2;
	v5 =	vld [tilespmem:s3+$0xD0]  }
0x1d9: {  	v7 =	vld [tilespmem:s8+$0xFFFFFF50]  }
0x1da: {  	[tilespmem:s8+$0xFFFFFFC0] =	vst v2;
	v2 =	vld [tilespmem:s8+$0xFFFFFFD0];
	v0 =	vmul.f32 v1, v0  }
0x1db: {  	v1 =	vmul.f32 v4, v6;
	v4 =	vld [tilespmem:s3+$0xFFFFFFD0]  }
0x1dc: {  	[tilespmem:s8+$0x40] =	vst v0;
	v0 =	vld [tilespmem:s8+$0x50]  }
0x1dd: {  	[tilespmem:s8+$0xFFFFFF40] =	vst v1;
	v1 =	vld [tilespmem:s3+$0x50];
	v3 =	vmul.f32 v5, v3  }
0x1de: {  	v5 =	vld [tilespmem:s3+$0xFFFFFF50]  }
0x1df: {  	[tilespmem:s8+$0xD0] =	vst v3;
	v3 =	vld [tilespmem:s8+$0xE0]  }
0x1e0: {  	v2 =	vmul.f32 v4, v2;
	v4 =	vld [tilespmem:s3+$0xE0]  }
0x1e1: {  	v6 =	vld [tilespmem:s8+$0xFFFFFF60]  }
0x1e2: {  	[tilespmem:s8+$0xFFFFFFD0] =	vst v2;
	v2 =	vld [tilespmem:s8+$0xFFFFFFE0];
	v0 =	vmul.f32 v1, v0  }
0x1e3: {  	v1 =	vmul.f32 v5, v7;
	v5 =	vld [tilespmem:s3+$0xFFFFFFE0]  }
0x1e4: {  	[tilespmem:s8+$0x50] =	vst v0;
	v7 =	vld [tilespmem:s8+$0x60]  }
0x1e5: {  	[tilespmem:s8+$0xFFFFFF50] =	vst v1;
	v8 =	vld [tilespmem:s3+$0x60];
	v0 =	vmul.f32 v4, v3  }
0x1e6: {  	v3 =	vld [tilespmem:s3+$0xFFFFFF60]  }
0x1e7: {  	[tilespmem:s8+$0xE0] =	vst v0;
	v9 =	vld [tilespmem:s8+$0xF0]  }
0x1e8: {  	v1 =	vmul.f32 v5, v2;
	v5 =	vld [tilespmem:s3+$0xF0]  }
0x1e9: {  	v0 =	vld [tilespmem:s8+$0xFFFFFF70]  }
.Ltmp5:
0x1ea: {  	[tilespmem:s8+$0xFFFFFFE0] =	vst v1;
	v1 =	vld [tilespmem:s8+$0xFFFFFFF0];
	v2 =	vmul.f32 v8, v7;
	(pc) =	sbr.rel @p0 .LBB2_11-.Ltmp5, $4  }
0x1eb: {  	v4 =	vmul.f32 v3, v6;
	v3 =	vld [tilespmem:s3+$0xFFFFFFF0]  }
0x1ec: {  	[tilespmem:s8+$0x60] =	vst v2;
	v2 =	vld [tilespmem:s8+$0x70]  }
0x1ed: {  	[tilespmem:s8+$0xFFFFFF60] =	vst v4;
	v4 =	vld [tilespmem:s3+$0x70];
	v6 =	vmul.f32 v5, v9  }
0x1ee: {  	s8 =	sadd.s32 $0x200, s8;
	v5 =	vld [tilespmem:s3+$0xFFFFFF70]  }
0x1ef: {  	_ =	sdelay $0x1  }
0x1f0: {  	v1 =	vmul.f32 v3, v1  }
0x1f1: {  	[tilespmem:s0+$0xF0] =	vst v6;
	v2 =	vmul.f32 v4, v2  }
0x1f2: {  	[tilespmem:s0+$0xFFFFFFF0] =	vst v1;
	v0 =	vmul.f32 v5, v0  }
0x1f3: {  	[tilespmem:s0+$0x70] =	vst v2  }
0x1f4: {  	[tilespmem:s0+$0xFFFFFF70] =	vst v0  }
0x1f5: {  	s0 =	rddreg [dreg:$0x9]  }
0x1f6: {  	[hbm4b:s0+s5] =	stream.linear.scatter [tilespmem:s20], [sflag:$0x5], $0x2800, $0x38;
	[tilespmem:$0x1E800] =	vst v63  }
0x1f7: {  	s14 =	simm.s32 $0x600;
	s15 =	simm.s32 $0x6  }
0x1f8: {  	[spmem:s4] =	stream.indirect.scatter.add.f32 [tilespmem:s20], [sflag:$0x7], $0x80, s14, s19, $0xb8;
	[tilespmem:$0x1E800] =	vst v63  }
0x1f9: {  	_ =	swait.ge [sflag:s15], $0x2800  }
0x1fa: {  	[sflag:s15] =	ssyncset.done $0x0  }
0x1fb: {  	s16 =	simm.s32 $0x8;
	[sflag:s15] =	ssyncadd.s32 $0xFFFFD800  }
0x1fc: {  	_ =	swait.ge [sflag:s16], $0x2800  }
0x1fd: {  	[sflag:s16] =	ssyncset.done $0x0  }
0x1fe: {  	[sflag:s16] =	ssyncadd.s32 $0xFFFFD800  }
0x1ff: {  	_ =	swait.ge [sflag:s26], $0x2800  }
0x200: {  	[sflag:s26] =	ssyncset.done $0x0  }
0x201: {  	[sflag:s26] =	ssyncadd.s32 $0xFFFFD800  }
0x202: {  	_ =	swait.ge [sflag:s28], $0x2800  }
0x203: {  	[sflag:s28] =	ssyncset.done $0x0  }
0x204: {  	[sflag:s28] =	ssyncadd.s32 $0xFFFFD800  }
0x205: {  	[bflag:$0x0] =	sbarrier.arrive $0xFFFF  }
0x206: {  	s14 =	rddreg [dreg:$0x6]  }
0x207: {  	s17 =	rddreg [dreg:$0xa]  }
0x208: {  	s7 =	simm.s32 $0xB;
	s3 =	rddreg [dreg:$0xc]  }
0x209: {  	[hbm:s17], [sflag:s14] =	dma.local [spmem:s3], $0x2800  }
0x20a: {  	_ =	swait.ge [sflag:s7], $0x2800  }
0x20b: {  	s31 =	sadd.s32 $0x1, s31;
	s18 =	rddreg [dreg:$0xb]  }
0x20c: {  	p0 =	sne.s32 s31, s18  }
.Ltmp6:
0x20d: {  	_ = 	snop;
	(pc) =	sbr.rel @p0 .LBB2_1-.Ltmp6, $3  }
0x20e: {  	_ =	sdelay $0x1  }
0x20f: {  	[sflag:s7] =	ssyncset.done $0x0  }
0x210: {  	[sflag:s7] =	ssyncadd.s32 $0xFFFFD800  }
0x211: {  	_ =	sfence.sel $0x180000  }
0x212: {  	[bflag:$0x0] =	sbarrier.arrive $0xFFFF  }
0x213: {  	_ =	strace $0x9000004A  }
0x214: {  	s0 =	stileid.u32;
	[bflag:$0x2] =	sbarrier.arrive $0xFFFF  }
0x215: {  	p0 =	sne.s32 s0, $0x0;
	s0 =	rddreg [dreg:$0x4]  }
0x216: {  	s0 =	sadd.s32 @!p0 $0x100000, s0  }
0x217: {  	[sflag:s0] =	ssyncadd.tile.s32 @!p0 $0x1;
	_ =	shalt  }
.Lfunc_end2:
_tile_overlayer_lowered:
.L_overlay_start_2:
0x218: {  	(tag) =	ssettag $0x2  }
0x219: {  	s0 =	rddreg [dreg:$0x0];
	s2 =	stileid.u32  }
0x21a: {  	s1 =	rddreg [dreg:$0x1];
	p0 =	sne.s32 s2, $0x0  }
0x21b: {  	s3 =	rddreg [dreg:$0x2];
	[bflag:$0x3] =	sbarrier.arrive $0xFFFF;
	s2 =	simm.s32 @!p0 $0x1C0B  }
0x21c: {  	[timem:s3], [sflag:s2] =	dma.local @!p0 [hbm:s0], s1  }
0x21d: {  	s0 =	simm.s32 @!p0 $0xB  }
0x21e: {  	_ =	swait.ge @!p0 [sflag:s0], s1  }
0x21f: {  	s1 =	ssub.s32 @!p0 $0x0, s1;
	[sflag:s0] =	ssyncset.done @!p0 $0x0  }
0x220: {  	[sflag:s0] =	ssyncadd.s32 @!p0 s1  }
0x221: {  	[bflag:$0x3] =	sbarrier.arrive $0xFFFF  }
0x222: {  	_ =	shalt  }

// kernel: kernel.7.cloned.1.call-start
scs
__scs_entry_jumppad:
0x0: {  	(pc) =	sbr.rel $0x88, $3  }
0x1: {  	(tag) =	ssettag $0x0;
	lr =	simm.s32 $0x1  }
0x2: {  	[smem:$0x3F9A] =	sst lr;
	_ =	strace $0xD0000000  }
0x3: {  	_ = 	snop  }
0x4: {  	_ = 	snop  }
0x5: {  	_ = 	snop  }
0x6: {  	_ = 	snop  }
0x7: {  	_ = 	snop  }
__scs_overlays_trampoline_lowered:
0x8: {  	[smem:$0x3FA9] =	sst s0  }
0x9: {  	[smem:$0x3FAA] =	sst s1  }
0xa: {  	[smem:$0x3FAB] =	sst s2  }
0xb: {  	[smem:$0x3FAC] =	sst s3  }
0xc: {  	[smem:$0x3FAD] =	sst s4  }
0xd: {  	[smem:$0x3FAE] =	sst s5  }
0xe: {  	[smem:$0x3FAF] =	sst s6  }
0xf: {  	[smem:$0x3FB0] =	sst s7  }
0x10: {  	[smem:$0x3FB1] =	sst s8  }
0x11: {  	[smem:$0x3FB2] =	sst s9;
	s0 =	simm.s32 @!p0 $0x0  }
0x12: {  	s1 =	sld [smem:$0x3F98];
	s0 =	simm.s32 @p0 $0x1  }
0x13: {  	[smem:$0x3FB3] =	sst s0;
	s0 =	simm.s32 @!p1 $0x0  }
0x14: {  	s2 =	sld [smem:$0x3F97];
	s0 =	simm.s32 @p1 $0x1  }
0x15: {  	[smem:$0x3FB4] =	sst s0;
	s0 =	simm.s32 @!p2 $0x0  }
0x16: {  	s3 =	sld [smem:$0x3FDB];
	s0 =	simm.s32 @p2 $0x1  }
0x17: {  	s4 =	simm.s32 $0x1BF5;
	[smem:$0x3FB6] =	sst s0  }
0x18: {  	s0 =	sld [smem:$0x3F99];
	_ =	swait.ge [sflag:s4], $0x0  }
0x19: {  	s7 =	sld [smem:$0x3F9A]  }
0x1a: {  	s8 =	sadd.s32 $0xFFFFE003, lr  }
0x1b: {  	s9 =	sadd.s32 $0xFFFFFEF7, lr;
	s5 =	simm.s32 $0xFFFFFFFF;
	p2 =	slt.u32 s8, $0xFFFFF086  }
0x1c: {  	p1 =	slt.u32 s9, $0xF7A;
	s5 =	simm.s32 @!p2 $0x0  }
0x1d: {  	s5 =	simm.s32 @p1 $0x1;
	p0 =	seq.s32 s7, s2  }
0x1e: {  	s7 =	smul.u32 @!p0 $0xF7A, s2;
	p2 =	seq.s32 @!p0 s5, $0x0  }
0x1f: {  	s9 =	smul.u32 $0xF7A, s1;
	s8 =	simm.s32 @!p0 $0x1BF5;
	p2 =	por !p2, p0  }
0x20: {  	[sflag:s8] =	ssyncset.s32 @!p0 $0xFFFFF086;
	s6 =	sadd.s32 @!p0 s3, s7;
	s7 =	simm.s32 @!p0 $0x108  }
0x21: {  	s3 =	sadd.s32 s3, s9;
	s6 =	sadd.s32 @!p0 $0x88, s6;
	s7 =	simm.s32 @p2 $0x1082  }
0x22: {  	[simem:s7], [sflag:s8] =	dma.local @!p0 [hbm:s6], $0xF7A  }
0x23: {  	s9 =	sor.u32 $0xD0000000, s2;
	s6 =	simm.s32 $0x108;
	_ =	swait.ge @!p0 [sflag:s8], $0x0  }
0x24: {  	s3 =	sadd.s32 $0x88, s3;
	s6 =	simm.s32 @!p1 $0x1082;
	[sflag:s4] =	ssyncset.s32 $0xFFFFF086  }
0x25: {  	[simem:s6], [sflag:s4] =	dma.local [hbm:s3], $0xF7A  }
0x26: {  	[smem:$0x3F9A] =	sst s1;
	(tag) =	ssettag s2;
	_ =	strace s9  }
0x27: {  	s1 =	sld [smem:$0x3FAA]  }
0x28: {  	s2 =	sld [smem:$0x3FAB]  }
0x29: {  	s4 =	sld [smem:$0x3FAD]  }
0x2a: {  	p0 =	seq.s32 s5, $0x0;
	s5 =	sld [smem:$0x3FAE]  }
0x2b: {  	s6 =	sld [smem:$0x3FAF]  }
0x2c: {  	s7 =	sld [smem:$0x3FB0]  }
0x2d: {  	s3 =	simm.s32 $0x108;
	s8 =	sld [smem:$0x3FB1]  }
0x2e: {  	s3 =	simm.s32 @!p0 $0x1082;
	s9 =	sld [smem:$0x3FB2]  }
0x2f: {  	lr =	sadd.s32 s0, s3;
	s0 =	sld [smem:$0x3FA9]  }
0x30: {  	s3 =	sld [smem:$0x3FAC]  }
0x31: {  	[smem:$0x3FB5] =	sst s10  }
0x32: {  	s10 =	sld [smem:$0x3FB3];
	_ =	sdelay $0x3  }
0x33: {  	p0 =	seq.s32 s10, $0x1;
	s10 =	sld [smem:$0x3FB5];
	_ =	sdelay $0x3  }
0x34: {  	[smem:$0x3FB5] =	sst s10  }
0x35: {  	s10 =	sld [smem:$0x3FB4];
	_ =	sdelay $0x3  }
0x36: {  	p1 =	seq.s32 s10, $0x1;
	s10 =	sld [smem:$0x3FB5];
	_ =	sdelay $0x3  }
0x37: {  	[smem:$0x3FB5] =	sst s10  }
0x38: {  	s10 =	sld [smem:$0x3FB6]  }
0x39: {  	_ = 	snop;
	(pc) =	sbr.ind lr, $3  }
0x3a: {  	_ = 	snop  }
0x3b: {  	_ = 	snop  }
0x3c: {  	p2 =	seq.s32 s10, $0x1;
	s10 =	sld [smem:$0x3FB5]  }
0x3d: {  	_ =	shalt  }
0x3e: {  	_ =	shalt  }
0x3f: {  	_ =	shalt  }
0x40: {  	_ =	shalt  }
0x41: {  	_ =	shalt  }
0x42: {  	_ =	shalt  }
0x43: {  	_ =	shalt  }
0x44: {  	_ =	shalt  }
0x45: {  	_ =	shalt  }
0x46: {  	_ =	shalt  }
0x47: {  	_ =	shalt  }
0x48: {  	_ =	shalt  }
0x49: {  	_ =	shalt  }
0x4a: {  	_ =	shalt  }
0x4b: {  	_ =	shalt  }
0x4c: {  	_ =	shalt  }
0x4d: {  	_ =	shalt  }
0x4e: {  	_ =	shalt  }
0x4f: {  	_ =	shalt  }
0x50: {  	_ =	shalt  }
0x51: {  	_ =	shalt  }
0x52: {  	_ =	shalt  }
0x53: {  	_ =	shalt  }
0x54: {  	_ =	shalt  }
0x55: {  	_ =	shalt  }
0x56: {  	_ =	shalt  }
0x57: {  	_ =	shalt  }
0x58: {  	_ =	shalt  }
0x59: {  	_ =	shalt  }
0x5a: {  	_ =	shalt  }
0x5b: {  	_ =	shalt  }
0x5c: {  	_ =	shalt  }
0x5d: {  	_ =	shalt  }
0x5e: {  	_ =	shalt  }
0x5f: {  	_ =	shalt  }
0x60: {  	_ =	shalt  }
0x61: {  	_ =	shalt  }
0x62: {  	_ =	shalt  }
0x63: {  	_ =	shalt  }
0x64: {  	_ =	shalt  }
0x65: {  	_ =	shalt  }
0x66: {  	_ =	shalt  }
0x67: {  	_ =	shalt  }
0x68: {  	_ =	shalt  }
0x69: {  	_ =	shalt  }
0x6a: {  	_ =	shalt  }
0x6b: {  	_ =	shalt  }
0x6c: {  	_ =	shalt  }
0x6d: {  	_ =	shalt  }
0x6e: {  	_ =	shalt  }
0x6f: {  	_ =	shalt  }
0x70: {  	_ =	shalt  }
0x71: {  	_ =	shalt  }
0x72: {  	_ =	shalt  }
0x73: {  	_ =	shalt  }
0x74: {  	_ =	shalt  }
0x75: {  	_ =	shalt  }
0x76: {  	_ =	shalt  }
0x77: {  	_ =	shalt  }
0x78: {  	_ =	shalt  }
0x79: {  	_ =	shalt  }
0x7a: {  	_ =	shalt  }
0x7b: {  	_ =	shalt  }
0x7c: {  	_ =	shalt  }
0x7d: {  	_ =	shalt  }
0x7e: {  	_ =	shalt  }
0x7f: {  	_ =	shalt  }
0x80: {  	_ =	shalt  }
0x81: {  	_ =	shalt  }
0x82: {  	_ =	shalt  }
0x83: {  	_ =	shalt  }
0x84: {  	_ =	shalt  }
0x85: {  	_ =	shalt  }
0x86: {  	_ =	shalt  }
0x87: {  	_ =	shalt  }
.Lfunc_end0:
.L_simem_size_0:
called_computation_lowered:
.L_overlay_start_0:
0x88: {  	s2 =	sld [smem:$0x3FD9]  }
0x89: {  	s3 =	sld [smem:$0x3FFE];
	_ =	sdelay $0x1  }
0x8a: {  	s1 =	srdreg.scid  }
0x8b: {  	s0 =	sand.u32 $0x1, s1  }
0x8c: {  	s14 =	sshll.u32 s0, $0xA;
	s2 =	sadd.s32 s3, s2  }
0x8d: {  	s2 =	sadd.s32 s2, s14  }
0x8e: {  	[smem:$0x3FC1] =	sst s2  }
0x8f: {  	_ = 	snop  }
0x90: {  	s2 =	sld [smem:$0x3FD0];
	_ =	sdelay $0x2  }
0x91: {  	s15 =	simm.s32 $0xA;
	s4 =	simm.s32 $0x10  }
0x92: {  	[smem:s4], [sflag:s15] =	dma.local [hbm:s2], $0x1  }
0x93: {  	_ =	swait.eq [sflag:s15], $0x1  }
0x94: {  	[sflag:s15] =	ssyncset.done $0x0  }
0x95: {  	s16 =	sld [smem:$0x10];
	[sflag:s15] =	ssyncadd.s32 $0xFFFFFFFF  }
0x96: {  	s17 =	sld [smem:$0x11];
	(tm) =	ssettm $0x1  }
0x97: {  	s18 =	sld [smem:$0x3FFB];
	_ =	sdelay $0x3  }
0x98: {  	_ =	strace s18  }
0x99: {  	s4 =	sld [smem:$0x3FFC];
	_ =	sdelay $0x3  }
0x9a: {  	_ =	strace s4  }
0x9b: {  	s4 =	sld [smem:$0x3FFD];
	_ =	sdelay $0x3  }
0x9c: {  	_ =	strace s4  }
0x9d: {  	_ =	strace $0x8FFFFFFF  }
0x9e: {  	s19 =	sld [smem:$0x3FDB];
	_ =	sdelay $0x1  }
0x9f: {  	s5 =	simm.s32 $_scs_section_size  }
0xa0: {  	s6 =	simm.s32 $_size__tile_overlayer_lowered;
	s7 =	simm.s32 $_tile_overlayer_lowered  }
0xa1: {  	s22 =	simm.s32 $0x1BFF;
	s21 =	sshll.u32 s7, $0x1;
	s4 =	sadd.s32 s5, s19  }
0xa2: {  	s8 =	simm.s32 $0x0;
	s20 =	sshll.u32 s6, $0x1;
	s6 =	sadd.s32 s21, s4  }
0xa3: {  	[timem:s8], [sflag:s22] =	dma.local [hbm:s6], s20  }
0xa4: {  	_ =	swait.ge [sflag:s22], s20  }
0xa5: {  	s5 =	ssub.s32 $0x0, s20;
	[sflag:s22] =	ssyncset.done $0x0  }
0xa6: {  	[sflag:s22] =	ssyncadd.s32 s5;
	_ =	sdelay $0x1  }
0xa7: {  	s23 =	simm.s32 $0x1B8B  }
0xa8: {  	_ =	swait.ge [sflag:s23], $0x1  }
0xa9: {  	[sflag:s23] =	ssyncset.done $0x0  }
0xaa: {  	s25 =	simm.s32 $0x1B8E;
	s24 =	sld [smem:$0x3FFE];
	[sflag:s23] =	ssyncadd.s32 $0xFFFFFFFF  }
0xab: {  	s26 =	simm.s32 $execute0_lowered;
	[smem:$0x3FD2] =	sst s25  }
0xac: {  	s6 =	sshll.u32 s26, $0x1;
	_ =	strace $0x80000046;
	[dreg:$0x1] =	wrdreg $0xFFFFFFFF  }
0xad: {  	s28 =	simm.s32 $_size_execute0_lowered;
	s4 =	sadd.s32 s4, s6;
	[dreg:$0x0] =	wrdreg $0x0  }
0xae: {  	s6 =	sshll.u32 s28, $0x1;
	[dreg:$0x2] =	wrdreg s4  }
0xaf: {  	[dreg:$0x3] =	wrdreg s6  }
0xb0: {  	[dreg:$0x4] =	wrdreg $0xC0  }
0xb1: {  	_ =	task [dreg:s8], $0x5FFFF  }
0xb2: {  	[dreg:$0x1] =	wrdreg $0xFFFFFFFF  }
0xb3: {  	[dreg:$0x0] =	wrdreg $0x60  }
0xb4: {  	[dreg:$0x2] =	wrdreg s16  }
0xb5: {  	[dreg:$0x3] =	wrdreg s24  }
0xb6: {  	[dreg:$0x4] =	wrdreg s17  }
0xb7: {  	[dreg:$0x5] =	wrdreg $0xA8000  }
0xb8: {  	[dreg:$0x6] =	wrdreg $0x9  }
0xb9: {  	_ =	task.clear_ibuf [dreg:s8], $0x7FFFF;
	_ =	strace $0x90000046  }
0xba: {  	s29 =	simm.s32 $0x9;
	_ =	strace $0x80000048  }
0xbb: {  	_ =	swait.ge [sflag:s29], $0x1  }
0xbc: {  	[sflag:s29] =	ssyncadd.s32 $0xFFFFFFFF  }
0xbd: {  	_ =	strace $0x90000048  }
0xbe: {  	_ =	sfence  }
0xbf: {  	s30 =	sld [smem:$0x0];
	_ =	sdelay $0x2  }
0xc0: {  	s31 =	sshll.u32 s1, $0xD;
	s1 =	sshrl.u32 s1, $0x2  }
0xc1: {  	s3 =	sand.u32 $0x4000, s31;
	s1 =	sadd.s32 s1, s30  }
0xc2: {  	s0 =	sor.u32 s3, s0;
	s1 =	sshll.u32 s1, $0x11  }
0xc3: {  	s0 =	sor.u32 s1, s0  }
0xc4: {  	s0 =	sadd.s32 $0x8F2B, s0  }
0xc5: {  	[sflag:s0] =	ssyncadd.remote.s32 $0x1  }
0xc6: {  	_ =	sfence.sel $0xFFFF  }
0xc7: {  	[dreg:$0x0] =	wrdreg $0xFFFFFFFF;
	(pc) =	sbr.abs _section_cstart, $3  }
0xc8: {  	[dreg:$0x1] =	wrdreg $0xFFFFFFFF  }
0xc9: {  	_ =	task.clear_ibuf [dreg:s8], $0x2FFFF;
	_ =	strace $0x9FFFFFFF  }
0xca: {  	(tm) =	ssettm $0x7FFFFFFF  }
0xcb: {  	_ =	shalt  }
tec
execute0_lowered:
.L_overlay_start_1:
0x0: {  	(tag) =	ssettag $0x1  }
0x1: {  	s1 =	rddreg [dreg:$0x0]  }
0x2: {  	s0 =	rddreg [dreg:$0x1]  }
0x3: {  	s2 =	rddreg [dreg:$0x2]  }
0x4: {  	s3 =	rddreg [dreg:$0x3];
	s4 =	srdreg.scid;
	s5 =	simm.s32 $0x0  }
0x5: {  	s10 =	stileid.u32;
	s28 =	simm.s32 $0x50;
	s29 =	simm.s32 $0x5800  }
0x6: {  	s30 =	simm.s32 $0x8000;
	s4 =	sand.u32 $0x1, s4;
	s9 =	smul.u32 $0x14000, s10  }
0x7: {  	s31 =	simm.s32 $0x1;
	s6 =	sshll.u32 s4, $0x4;
	s7 =	smul.u32 $0x140000, s4  }
0x8: {  	[smem:$0x7FF] =	sst s5;
	s8 =	sor.u32 s10, s6;
	s10 =	smul.u32 $0x50000, s10  }
0x9: {  	_ =	strace $0x80000047;
	s4 =	ssub.s32 $0x2, s4;
	s17 =	smul.u32 $0xA0000, s8  }
0xa: {  	s6 =	sshll.u32 s8, $0xA;
	s7 =	sadd.s32 s9, s7;
	s19 =	smul.u32 $0x14000, s8  }
0xb: {  	s11 =	sadd.s32 s6, s0;
	s6 =	sadd.s32 $0x9800, s0;
	s7 =	sshrl.u32 s7, $0x3  }
0xc: {  	s26 =	sshrl.u32 s10, $0x2;
	s10 =	sshrl.u32 s4, $0x1;
	s21 =	sadd.s32 $0x1800, s11  }
0xd: {  	s0 =	sadd.s32 s7, s0;
	s22 =	sadd.s32 s6, s19;
	[dreg:$0xd] =	wrdreg s21  }
0xe: {  	s12 =	sadd.s32 s26, s3;
	s4 =	ssub.s32 s4, s10;
	[dreg:$0xe] =	wrdreg s22  }
0xf: {  	s7 =	sshrl.u32 s17, $0x3;
	s13 =	sadd.s32 $0x2800, s12;
	[dreg:$0x5] =	wrdreg s12  }
0x10: {  	s10 =	simm.s32 $0x4;
	s14 =	sadd.s32 $0x5000, s12;
	[dreg:$0x6] =	wrdreg s13  }
0x11: {  	s15 =	sadd.s32 $0x7800, s12;
	s16 =	sadd.s32 $0xA000, s12;
	[dreg:$0x7] =	wrdreg s14  }
0x12: {  	s9 =	sadd.s32 $0xC800, s12;
	s18 =	sadd.s32 $0xF000, s12;
	[dreg:$0x8] =	wrdreg s15  }
0x13: {  	s20 =	sadd.s32 $0x11800, s12;
	s23 =	sadd.s32 $0x13B00, s7;
	[dreg:$0x9] =	wrdreg s16  }
0x14: {  	s7 =	sadd.s32 s2, s7;
	s0 =	sadd.s32 $0x289800, s0;
	[dreg:$0xa] =	wrdreg s9  }
0x15: {  	s26 =	smax.u32 s4, $0x1;
	s4 =	simm.s32 $0x5;
	[dreg:$0xb] =	wrdreg s18  }
0x16: {  	[dreg:$0xc] =	wrdreg s20;
	s15 =	smul.u32 $0x1400, s8;
	s18 =	sadd.s32 $0x1880, s11  }
0x17: {  	s24 =	sadd.s32 s6, s23;
	s7 =	sadd.s32 $0x13600, s7;
	[dreg:$0x12] =	wrdreg s0  }
0x18: {  	s25 =	sadd.s32 s2, s23;
	[dreg:$0x13] =	wrdreg s26;
	s26 =	simm.s32 $0x3000  }
0x19: {  	s0 =	simm.s32 $0x3;
	s8 =	simm.s32 $0x7;
	[dreg:$0xf] =	wrdreg s24  }
0x1a: {  	s9 =	simm.s32 $0x2;
	s14 =	simm.s32 $0x0;
	[dreg:$0x10] =	wrdreg s7  }
0x1b: {  	v0 =	vimm.f32 $0.0e+00;
	[dreg:$0x11] =	wrdreg s25;
	s24 =	simm.s32 $0x800;
	s25 =	simm.s32 $0xB  }
.LBB2_1:
0x1c: {  	s7 =	simm.s32 $0x0;
	s11 =	simm.s32 $0x200  }
.LBB2_2:
0x1d: {  	p0 =	sne.s32 s11, $0x9E00;
	[tilespmem:s7+$0x870] =	vst v0  }
0x1e: {  	[tilespmem:s7+$0x800] =	vst v0  }
0x1f: {  	[tilespmem:s7+$0x810] =	vst v0  }
.Ltmp0:
0x20: {  	[tilespmem:s7+$0x820] =	vst v0;
	(pc) =	sbr.rel @p0 .LBB2_2-.Ltmp0, $4  }
0x21: {  	[tilespmem:s7+$0x830] =	vst v0  }
0x22: {  	[tilespmem:s7+$0x840] =	vst v0  }
0x23: {  	[tilespmem:s7+$0x850] =	vst v0  }
0x24: {  	[tilespmem:s7+$0x860] =	vst v0;
	s7 =	sshra.s32 s11, $0x2;
	s11 =	sadd.s32 $0x200, s11  }
0x25: {  	[tilespmem:s7+$0x870] =	vst v0  }
0x26: {  	[tilespmem:s7+$0x800] =	vst v0  }
0x27: {  	[tilespmem:s7+$0x810] =	vst v0  }
0x28: {  	[tilespmem:s7+$0x820] =	vst v0  }
0x29: {  	[tilespmem:s7+$0x830] =	vst v0  }
0x2a: {  	[tilespmem:s7+$0x840] =	vst v0  }
0x2b: {  	[tilespmem:s7+$0x850] =	vst v0  }
0x2c: {  	[tilespmem:s7+$0x860] =	vst v0;
	s7 =	simm.s32 $0x0;
	s11 =	simm.s32 $0x200  }
.LBB2_4:
0x2d: {  	p0 =	sne.s32 s11, $0x9E00;
	[tilespmem:s7+$0x3070] =	vst v0  }
0x2e: {  	[tilespmem:s7+$0x3000] =	vst v0  }
0x2f: {  	[tilespmem:s7+$0x3010] =	vst v0  }
.Ltmp1:
0x30: {  	[tilespmem:s7+$0x3020] =	vst v0;
	(pc) =	sbr.rel @p0 .LBB2_4-.Ltmp1, $4  }
0x31: {  	[tilespmem:s7+$0x3030] =	vst v0  }
0x32: {  	[tilespmem:s7+$0x3040] =	vst v0  }
0x33: {  	[tilespmem:s7+$0x3050] =	vst v0  }
0x34: {  	[tilespmem:s7+$0x3060] =	vst v0;
	s7 =	sshra.s32 s11, $0x2;
	s11 =	sadd.s32 $0x200, s11  }
0x35: {  	[tilespmem:s7+$0x3070] =	vst v0  }
0x36: {  	[tilespmem:s7+$0x3000] =	vst v0  }
0x37: {  	[tilespmem:s7+$0x3010] =	vst v0  }
0x38: {  	[tilespmem:s7+$0x3020] =	vst v0  }
0x39: {  	[tilespmem:s7+$0x3030] =	vst v0  }
0x3a: {  	[tilespmem:s7+$0x3040] =	vst v0  }
0x3b: {  	[tilespmem:s7+$0x3050] =	vst v0  }
0x3c: {  	[tilespmem:s7+$0x3060] =	vst v0  }
0x3d: {  	[spmem:s12] =	stream.linear.scatter [tilespmem:s24], [sflag:$0xB], $0x2800, $0x38;
	[tilespmem:$0x1E800] =	vst v63  }
0x3e: {  	_ =	swait.ge [sflag:s25], $0x2800  }
0x3f: {  	[sflag:s25] =	ssyncset.done $0x0  }
0x40: {  	s12 =	rddreg [dreg:$0x6];
	[sflag:s25] =	ssyncadd.s32 $0xFFFFD800  }
0x41: {  	[spmem:s12] =	stream.linear.scatter [tilespmem:s26], [sflag:$0xB], $0x2800, $0x38;
	[tilespmem:$0x1E800] =	vst v63  }
0x42: {  	_ =	swait.ge [sflag:s25], $0x2800  }
0x43: {  	[sflag:s25] =	ssyncset.done $0x0  }
0x44: {  	s13 =	rddreg [dreg:$0x7];
	[sflag:s25] =	ssyncadd.s32 $0xFFFFD800  }
0x45: {  	[spmem:s13] =	stream.linear.scatter [tilespmem:s24], [sflag:$0xB], $0x2800, $0x38;
	[tilespmem:$0x1E800] =	vst v63  }
0x46: {  	_ =	swait.ge [sflag:s25], $0x2800  }
0x47: {  	[sflag:s25] =	ssyncset.done $0x0  }
0x48: {  	s16 =	rddreg [dreg:$0x8];
	[sflag:s25] =	ssyncadd.s32 $0xFFFFD800  }
0x49: {  	[spmem:s16] =	stream.linear.scatter [tilespmem:s26], [sflag:$0xB], $0x2800, $0x38;
	[tilespmem:$0x1E800] =	vst v63  }
0x4a: {  	_ =	swait.ge [sflag:s25], $0x2800  }
0x4b: {  	[sflag:s25] =	ssyncset.done $0x0  }
0x4c: {  	s17 =	rddreg [dreg:$0x9];
	[sflag:s25] =	ssyncadd.s32 $0xFFFFD800  }
0x4d: {  	[spmem:s17] =	stream.linear.scatter [tilespmem:s24], [sflag:$0xB], $0x2800, $0x38;
	[tilespmem:$0x1E800] =	vst v63  }
0x4e: {  	_ =	swait.ge [sflag:s25], $0x2800  }
0x4f: {  	[sflag:s25] =	ssyncset.done $0x0  }
0x50: {  	s19 =	rddreg [dreg:$0xa];
	[sflag:s25] =	ssyncadd.s32 $0xFFFFD800  }
0x51: {  	[spmem:s19] =	stream.linear.scatter [tilespmem:s26], [sflag:$0xB], $0x2800, $0x38;
	[tilespmem:$0x1E800] =	vst v63  }
0x52: {  	_ =	swait.ge [sflag:s25], $0x2800  }
0x53: {  	[sflag:s25] =	ssyncset.done $0x0  }
0x54: {  	s20 =	rddreg [dreg:$0xb];
	[sflag:s25] =	ssyncadd.s32 $0xFFFFD800  }
0x55: {  	[spmem:s20] =	stream.linear.scatter [tilespmem:s24], [sflag:$0xB], $0x2800, $0x38;
	[tilespmem:$0x1E800] =	vst v63  }
0x56: {  	_ =	swait.ge [sflag:s25], $0x2800  }
0x57: {  	[sflag:s25] =	ssyncset.done $0x0  }
0x58: {  	s21 =	rddreg [dreg:$0xc];
	[sflag:s25] =	ssyncadd.s32 $0xFFFFD800  }
0x59: {  	[spmem:s21] =	stream.linear.scatter [tilespmem:s26], [sflag:$0xB], $0x2800, $0x38;
	[tilespmem:$0x1E800] =	vst v63  }
0x5a: {  	_ =	swait.ge [sflag:s25], $0x2800  }
0x5b: {  	[sflag:s25] =	ssyncset.done $0x0  }
0x5c: {  	[sflag:s25] =	ssyncadd.s32 $0xFFFFD800  }
0x5d: {  	[bflag:$0x0] =	sbarrier.arrive $0xFFFF  }
0x5e: {  	s16 =	simm.s32 $0x0;
	s22 =	rddreg [dreg:$0xd]  }
0x5f: {  	[tilespmem:s16], [sflag:$0xB] =	stream.linear.gather [hbm4b:s22+s16], $0x400, $0x38;
	[tilespmem:$0x1E800] =	vst v63  }
0x60: {  	_ =	swait.ge [sflag:s25], $0x400  }
0x61: {  	[sflag:s25] =	ssyncset.done $0x0  }
0x62: {  	[sflag:s25] =	ssyncadd.s32 $0xFFFFFC00  }
0x63: {  	[tilespmem:s24], [sflag:$0x1] =	stream.indirect.gather [hbm4b:s1+s28], $0x80, s16, s28, $0xb8;
	[tilespmem:$0x1E800] =	vst v63  }
0x64: {  	s23 =	rddreg [dreg:$0xe]  }
0x65: {  	[tilespmem:s29], [sflag:$0x3] =	stream.linear.gather [hbm4b:s23+s16], $0x2800, $0x38;
	[tilespmem:$0x1E800] =	vst v63  }
.LBB2_6:
0x66: {  	p0 =	seq.s32 s16, $0x0  }
0x67: {  	s7 =	simm.s32 @!p0 $0x6  }
0x68: {  	s19 =	sshll.u32 s16, $0x1;
	_ =	swait.ge @!p0 [sflag:s7], $0x2800  }
0x69: {  	s20 =	sshrl.u32 s16, $0x2;
	s11 =	sor.u32 $0x1, s19;
	[sflag:s7] =	ssyncset.done @!p0 $0x0  }
0x6a: {  	s22 =	sand.u32 $0x1, s20;
	[sflag:s7] =	ssyncadd.s32 @!p0 $0xFFFFD800;
	s7 =	simm.s32 @!p0 $0x8  }
0x6b: {  	s21 =	sand.u32 $0x7, s11;
	s23 =	smul.u32 $0x50, s11;
	_ =	swait.ge @!p0 [sflag:s7], $0x2800  }
0x6c: {  	s12 =	sshll.u32 s22, $0xA;
	s13 =	sshll.u32 s21, $0x7;
	[sflag:s7] =	ssyncset.done @!p0 $0x0  }
0x6d: {  	s13 =	sor.u32 s13, s12;
	[sflag:s7] =	ssyncadd.s32 @!p0 $0xFFFFD800;
	s7 =	sadd.s32 s15, s23  }
0x6e: {  	[tilespmem:s26], [sflag:$0x2] =	stream.indirect.gather [hbm4b:s1+s28], $0x80, s13, s28, $0xb8;
	[tilespmem:$0x1E800] =	vst v63  }
0x6f: {  	s17 =	sshll.u32 s7, $0x4  }
0x70: {  	s7 =	sadd.s32 s6, s17  }
0x71: {  	[tilespmem:s30], [sflag:$0x4] =	stream.linear.gather [hbm4b:s7+s5], $0x2800, $0x38;
	[tilespmem:$0x1E800] =	vst v63  }
0x72: {  	_ =	swait.ge [sflag:s31], $0x2800  }
0x73: {  	[sflag:s31] =	ssyncset.done $0x0  }
0x74: {  	[sflag:s31] =	ssyncadd.s32 $0xFFFFD800  }
0x75: {  	_ =	swait.ge [sflag:s0], $0x2800  }
0x76: {  	[sflag:s0] =	ssyncset.done $0x0  }
0x77: {  	s23 =	simm.s32 $0x900;
	[sflag:s0] =	ssyncadd.s32 $0xFFFFD800  }
0x78: {  	s7 =	simm.s32 $0x5900;
	v1 =	vld [tilespmem:s23+$0x80]  }
0x79: {  	v2 =	vld [tilespmem:s7+$0x80]  }
0x7a: {  	v3 =	vld [tilespmem:s23+$0xFFFFFF80]  }
0x7b: {  	v4 =	vld [tilespmem:s7+$0xFFFFFF80]  }
0x7c: {  	v5 =	vld [tilespmem:s23+$0x0]  }
0x7d: {  	v6 =	vld [tilespmem:s7+$0x0]  }
0x7e: {  	v7 =	vld [tilespmem:s23+$0xFFFFFF00];
	v1 =	vmul.f32 v2, v1  }
0x7f: {  	v2 =	vld [tilespmem:s7+$0xFFFFFF00]  }
0x80: {  	[tilespmem:s23+$0x80] =	vst v1;
	v1 =	vld [tilespmem:s23+$0x90]  }
0x81: {  	v3 =	vmul.f32 v4, v3;
	v4 =	vld [tilespmem:s7+$0x90]  }
0x82: {  	v8 =	vld [tilespmem:s23+$0xFFFFFF10]  }
0x83: {  	[tilespmem:s23+$0xFFFFFF80] =	vst v3;
	v3 =	vmul.f32 v6, v5;
	v5 =	vld [tilespmem:s23+$0xFFFFFF90]  }
0x84: {  	v6 =	vld [tilespmem:s7+$0xFFFFFF90];
	v2 =	vmul.f32 v2, v7  }
0x85: {  	[tilespmem:s23+$0x0] =	vst v3;
	v3 =	vld [tilespmem:s23+$0x10]  }
0x86: {  	v7 =	vld [tilespmem:s7+$0x10];
	[tilespmem:s23+$0xFFFFFF00] =	vst v2;
	v1 =	vmul.f32 v4, v1  }
0x87: {  	v2 =	vld [tilespmem:s7+$0xFFFFFF10]  }
0x88: {  	[tilespmem:s23+$0x90] =	vst v1;
	v1 =	vld [tilespmem:s23+$0xA0]  }
0x89: {  	v4 =	vmul.f32 v6, v5;
	v5 =	vld [tilespmem:s7+$0xA0]  }
0x8a: {  	v6 =	vld [tilespmem:s23+$0xFFFFFF20]  }
0x8b: {  	[tilespmem:s23+$0xFFFFFF90] =	vst v4;
	v3 =	vmul.f32 v7, v3;
	v4 =	vld [tilespmem:s23+$0xFFFFFFA0]  }
0x8c: {  	v7 =	vld [tilespmem:s7+$0xFFFFFFA0];
	v2 =	vmul.f32 v2, v8  }
0x8d: {  	[tilespmem:s23+$0x10] =	vst v3;
	v3 =	vld [tilespmem:s23+$0x20]  }
0x8e: {  	v8 =	vld [tilespmem:s7+$0x20];
	[tilespmem:s23+$0xFFFFFF10] =	vst v2;
	v1 =	vmul.f32 v5, v1  }
0x8f: {  	v2 =	vld [tilespmem:s7+$0xFFFFFF20]  }
0x90: {  	[tilespmem:s23+$0xA0] =	vst v1;
	v1 =	vld [tilespmem:s23+$0xB0]  }
0x91: {  	v4 =	vmul.f32 v7, v4;
	v5 =	vld [tilespmem:s7+$0xB0]  }
0x92: {  	v7 =	vld [tilespmem:s23+$0xFFFFFF30]  }
0x93: {  	[tilespmem:s23+$0xFFFFFFA0] =	vst v4;
	v3 =	vmul.f32 v8, v3;
	v4 =	vld [tilespmem:s23+$0xFFFFFFB0]  }
0x94: {  	v8 =	vld [tilespmem:s7+$0xFFFFFFB0];
	v2 =	vmul.f32 v2, v6  }
0x95: {  	[tilespmem:s23+$0x20] =	vst v3;
	v3 =	vld [tilespmem:s23+$0x30]  }
0x96: {  	v6 =	vld [tilespmem:s7+$0x30];
	[tilespmem:s23+$0xFFFFFF20] =	vst v2;
	v1 =	vmul.f32 v5, v1  }
0x97: {  	v2 =	vld [tilespmem:s7+$0xFFFFFF30]  }
0x98: {  	[tilespmem:s23+$0xB0] =	vst v1;
	v1 =	vld [tilespmem:s23+$0xC0]  }
0x99: {  	v4 =	vmul.f32 v8, v4;
	v5 =	vld [tilespmem:s7+$0xC0]  }
0x9a: {  	v8 =	vld [tilespmem:s23+$0xFFFFFF40]  }
0x9b: {  	[tilespmem:s23+$0xFFFFFFB0] =	vst v4;
	v3 =	vmul.f32 v6, v3;
	v4 =	vld [tilespmem:s23+$0xFFFFFFC0]  }
0x9c: {  	v6 =	vld [tilespmem:s7+$0xFFFFFFC0];
	v2 =	vmul.f32 v2, v7  }
0x9d: {  	[tilespmem:s23+$0x30] =	vst v3;
	v3 =	vld [tilespmem:s23+$0x40]  }
0x9e: {  	v7 =	vld [tilespmem:s7+$0x40];
	[tilespmem:s23+$0xFFFFFF30] =	vst v2;
	v1 =	vmul.f32 v5, v1  }
0x9f: {  	v2 =	vld [tilespmem:s7+$0xFFFFFF40]  }
0xa0: {  	[tilespmem:s23+$0xC0] =	vst v1;
	v1 =	vld [tilespmem:s23+$0xD0]  }
0xa1: {  	v4 =	vmul.f32 v6, v4;
	v5 =	vld [tilespmem:s7+$0xD0]  }
0xa2: {  	v6 =	vld [tilespmem:s23+$0xFFFFFF50]  }
0xa3: {  	[tilespmem:s23+$0xFFFFFFC0] =	vst v4;
	v3 =	vmul.f32 v7, v3;
	v4 =	vld [tilespmem:s23+$0xFFFFFFD0]  }
0xa4: {  	v7 =	vld [tilespmem:s7+$0xFFFFFFD0];
	v2 =	vmul.f32 v2, v8  }
0xa5: {  	[tilespmem:s23+$0x40] =	vst v3;
	v3 =	vld [tilespmem:s23+$0x50]  }
0xa6: {  	v8 =	vld [tilespmem:s7+$0x50];
	[tilespmem:s23+$0xFFFFFF40] =	vst v2;
	v1 =	vmul.f32 v5, v1  }
0xa7: {  	v2 =	vld [tilespmem:s7+$0xFFFFFF50]  }
0xa8: {  	[tilespmem:s23+$0xD0] =	vst v1;
	v1 =	vld [tilespmem:s23+$0xE0]  }
0xa9: {  	v4 =	vmul.f32 v7, v4;
	v5 =	vld [tilespmem:s7+$0xE0]  }
0xaa: {  	v7 =	vld [tilespmem:s23+$0xFFFFFF60]  }
0xab: {  	[tilespmem:s23+$0xFFFFFFD0] =	vst v4;
	v3 =	vmul.f32 v8, v3;
	v4 =	vld [tilespmem:s23+$0xFFFFFFE0]  }
0xac: {  	v8 =	vld [tilespmem:s7+$0xFFFFFFE0];
	v2 =	vmul.f32 v2, v6  }
0xad: {  	[tilespmem:s23+$0x50] =	vst v3;
	v3 =	vld [tilespmem:s23+$0x60]  }
0xae: {  	v6 =	vld [tilespmem:s7+$0x60];
	[tilespmem:s23+$0xFFFFFF50] =	vst v2;
	v1 =	vmul.f32 v5, v1  }
0xaf: {  	v5 =	vld [tilespmem:s7+$0xFFFFFF60]  }
0xb0: {  	v9 =	vld [tilespmem:s23+$0xF0];
	[tilespmem:s23+$0xE0] =	vst v1  }
0xb1: {  	v2 =	vmul.f32 v8, v4;
	v8 =	vld [tilespmem:s7+$0xF0]  }
0xb2: {  	v1 =	vld [tilespmem:s23+$0xFFFFFF70]  }
0xb3: {  	[tilespmem:s23+$0xFFFFFFE0] =	vst v2;
	v3 =	vmul.f32 v6, v3;
	v2 =	vld [tilespmem:s23+$0xFFFFFFF0]  }
0xb4: {  	v4 =	vld [tilespmem:s7+$0xFFFFFFF0];
	v5 =	vmul.f32 v5, v7  }
0xb5: {  	[tilespmem:s23+$0x60] =	vst v3;
	v3 =	vld [tilespmem:s23+$0x70]  }
0xb6: {  	[tilespmem:s23+$0xFFFFFF60] =	vst v5;
	v5 =	vld [tilespmem:s7+$0x70];
	v7 =	vmul.f32 v8, v9  }
0xb7: {  	s11 =	simm.s32 $0x0;
	s12 =	simm.s32 $0xB00;
	v6 =	vld [tilespmem:s7+$0xFFFFFF70]  }
.LBB2_7:
0xb8: {  	v8 =	vld [tilespmem:s12+$0x80];
	[tilespmem:s23+$0xF0] =	vst v7;
	s7 =	sadd.s32 $0x200, s7  }
0xb9: {  	s11 =	sadd.s32 $0x4, s11;
	v7 =	vld [tilespmem:s7+$0x80];
	v2 =	vmul.f32 v4, v2  }
0xba: {  	p0 =	slt.u32 s11, $0x4C;
	v4 =	vld [tilespmem:s7+$0xFFFFFF00]  }
0xbb: {  	v9 =	vld [tilespmem:s12+$0xFFFFFF80];
	[tilespmem:s23+$0xFFFFFFF0] =	vst v2;
	v2 =	vmul.f32 v5, v3  }
0xbc: {  	v3 =	vld [tilespmem:s7+$0xFFFFFF80];
	v1 =	vmul.f32 v6, v1  }
0xbd: {  	v5 =	vld [tilespmem:s12+$0x0];
	[tilespmem:s23+$0x70] =	vst v2  }
0xbe: {  	v2 =	vld [tilespmem:s7+$0x0];
	v6 =	vmul.f32 v7, v8;
	[tilespmem:s23+$0xFFFFFF70] =	vst v1;
	s23 =	smov.u32 s12  }
0xbf: {  	v1 =	vld [tilespmem:s12+$0xFFFFFF00]  }
0xc0: {  	[tilespmem:s12+$0x80] =	vst v6;
	v6 =	vld [tilespmem:s12+$0x90]  }
0xc1: {  	v3 =	vmul.f32 v3, v9;
	v7 =	vld [tilespmem:s7+$0x90]  }
0xc2: {  	v8 =	vld [tilespmem:s12+$0xFFFFFF10]  }
0xc3: {  	[tilespmem:s12+$0xFFFFFF80] =	vst v3;
	v3 =	vld [tilespmem:s12+$0xFFFFFF90];
	v2 =	vmul.f32 v2, v5  }
0xc4: {  	v1 =	vmul.f32 v4, v1;
	v4 =	vld [tilespmem:s7+$0xFFFFFF90]  }
0xc5: {  	[tilespmem:s12+$0x0] =	vst v2;
	v2 =	vld [tilespmem:s12+$0x10]  }
0xc6: {  	[tilespmem:s12+$0xFFFFFF00] =	vst v1;
	v1 =	vld [tilespmem:s7+$0x10];
	v5 =	vmul.f32 v7, v6  }
0xc7: {  	v6 =	vld [tilespmem:s7+$0xFFFFFF10]  }
0xc8: {  	[tilespmem:s12+$0x90] =	vst v5;
	v5 =	vld [tilespmem:s12+$0xA0]  }
0xc9: {  	v3 =	vmul.f32 v4, v3;
	v4 =	vld [tilespmem:s7+$0xA0]  }
0xca: {  	v7 =	vld [tilespmem:s12+$0xFFFFFF20]  }
0xcb: {  	[tilespmem:s12+$0xFFFFFF90] =	vst v3;
	v3 =	vld [tilespmem:s12+$0xFFFFFFA0];
	v1 =	vmul.f32 v1, v2  }
0xcc: {  	v2 =	vmul.f32 v6, v8;
	v6 =	vld [tilespmem:s7+$0xFFFFFFA0]  }
0xcd: {  	[tilespmem:s12+$0x10] =	vst v1;
	v1 =	vld [tilespmem:s12+$0x20]  }
0xce: {  	[tilespmem:s12+$0xFFFFFF10] =	vst v2;
	v2 =	vld [tilespmem:s7+$0x20];
	v4 =	vmul.f32 v4, v5  }
0xcf: {  	v5 =	vld [tilespmem:s7+$0xFFFFFF20]  }
0xd0: {  	[tilespmem:s12+$0xA0] =	vst v4;
	v4 =	vld [tilespmem:s12+$0xB0]  }
0xd1: {  	v3 =	vmul.f32 v6, v3;
	v6 =	vld [tilespmem:s7+$0xB0]  }
0xd2: {  	v8 =	vld [tilespmem:s12+$0xFFFFFF30]  }
0xd3: {  	[tilespmem:s12+$0xFFFFFFA0] =	vst v3;
	v3 =	vld [tilespmem:s12+$0xFFFFFFB0];
	v1 =	vmul.f32 v2, v1  }
0xd4: {  	v2 =	vmul.f32 v5, v7;
	v5 =	vld [tilespmem:s7+$0xFFFFFFB0]  }
0xd5: {  	[tilespmem:s12+$0x20] =	vst v1;
	v1 =	vld [tilespmem:s12+$0x30]  }
0xd6: {  	[tilespmem:s12+$0xFFFFFF20] =	vst v2;
	v2 =	vld [tilespmem:s7+$0x30];
	v4 =	vmul.f32 v6, v4  }
0xd7: {  	v6 =	vld [tilespmem:s7+$0xFFFFFF30]  }
0xd8: {  	[tilespmem:s12+$0xB0] =	vst v4;
	v4 =	vld [tilespmem:s12+$0xC0]  }
0xd9: {  	v3 =	vmul.f32 v5, v3;
	v5 =	vld [tilespmem:s7+$0xC0]  }
0xda: {  	v7 =	vld [tilespmem:s12+$0xFFFFFF40]  }
0xdb: {  	[tilespmem:s12+$0xFFFFFFB0] =	vst v3;
	v3 =	vld [tilespmem:s12+$0xFFFFFFC0];
	v1 =	vmul.f32 v2, v1  }
0xdc: {  	v2 =	vmul.f32 v6, v8;
	v6 =	vld [tilespmem:s7+$0xFFFFFFC0]  }
0xdd: {  	[tilespmem:s12+$0x30] =	vst v1;
	v1 =	vld [tilespmem:s12+$0x40]  }
0xde: {  	[tilespmem:s12+$0xFFFFFF30] =	vst v2;
	v2 =	vld [tilespmem:s7+$0x40];
	v4 =	vmul.f32 v5, v4  }
0xdf: {  	v5 =	vld [tilespmem:s7+$0xFFFFFF40]  }
0xe0: {  	[tilespmem:s12+$0xC0] =	vst v4;
	v4 =	vld [tilespmem:s12+$0xD0]  }
0xe1: {  	v3 =	vmul.f32 v6, v3;
	v6 =	vld [tilespmem:s7+$0xD0]  }
0xe2: {  	v8 =	vld [tilespmem:s12+$0xFFFFFF50]  }
0xe3: {  	[tilespmem:s12+$0xFFFFFFC0] =	vst v3;
	v3 =	vld [tilespmem:s12+$0xFFFFFFD0];
	v1 =	vmul.f32 v2, v1  }
0xe4: {  	v2 =	vmul.f32 v5, v7;
	v5 =	vld [tilespmem:s7+$0xFFFFFFD0]  }
0xe5: {  	[tilespmem:s12+$0x40] =	vst v1;
	v1 =	vld [tilespmem:s12+$0x50]  }
0xe6: {  	[tilespmem:s12+$0xFFFFFF40] =	vst v2;
	v2 =	vld [tilespmem:s7+$0x50];
	v4 =	vmul.f32 v6, v4  }
0xe7: {  	v6 =	vld [tilespmem:s7+$0xFFFFFF50]  }
0xe8: {  	[tilespmem:s12+$0xD0] =	vst v4;
	v4 =	vld [tilespmem:s12+$0xE0]  }
0xe9: {  	v3 =	vmul.f32 v5, v3;
	v5 =	vld [tilespmem:s7+$0xE0]  }
0xea: {  	v7 =	vld [tilespmem:s12+$0xFFFFFF60]  }
0xeb: {  	[tilespmem:s12+$0xFFFFFFD0] =	vst v3;
	v3 =	vld [tilespmem:s12+$0xFFFFFFE0];
	v1 =	vmul.f32 v2, v1  }
0xec: {  	v2 =	vmul.f32 v6, v8;
	v6 =	vld [tilespmem:s7+$0xFFFFFFE0]  }
0xed: {  	[tilespmem:s12+$0x50] =	vst v1;
	v8 =	vld [tilespmem:s12+$0x60]  }
0xee: {  	[tilespmem:s12+$0xFFFFFF50] =	vst v2;
	v9 =	vld [tilespmem:s7+$0x60];
	v1 =	vmul.f32 v5, v4  }
0xef: {  	v4 =	vld [tilespmem:s7+$0xFFFFFF60]  }
0xf0: {  	[tilespmem:s12+$0xE0] =	vst v1;
	v10 =	vld [tilespmem:s12+$0xF0]  }
0xf1: {  	v2 =	vmul.f32 v6, v3;
	v6 =	vld [tilespmem:s7+$0xF0]  }
0xf2: {  	v1 =	vld [tilespmem:s12+$0xFFFFFF70]  }
.Ltmp2:
0xf3: {  	[tilespmem:s12+$0xFFFFFFE0] =	vst v2;
	v2 =	vld [tilespmem:s12+$0xFFFFFFF0];
	v3 =	vmul.f32 v9, v8;
	(pc) =	sbr.rel @p0 .LBB2_7-.Ltmp2, $4  }
0xf4: {  	v5 =	vmul.f32 v4, v7;
	v4 =	vld [tilespmem:s7+$0xFFFFFFF0]  }
0xf5: {  	[tilespmem:s12+$0x60] =	vst v3;
	v3 =	vld [tilespmem:s12+$0x70]  }
0xf6: {  	[tilespmem:s12+$0xFFFFFF60] =	vst v5;
	v5 =	vld [tilespmem:s7+$0x70];
	v7 =	vmul.f32 v6, v10  }
0xf7: {  	s12 =	sadd.s32 $0x200, s12;
	v6 =	vld [tilespmem:s7+$0xFFFFFF70]  }
0xf8: {  	_ =	sdelay $0x1  }
0xf9: {  	s7 =	smul.u32 $0xA0, s16;
	v2 =	vmul.f32 v4, v2  }
0xfa: {  	[tilespmem:s23+$0xF0] =	vst v7;
	v3 =	vmul.f32 v5, v3  }
0xfb: {  	s7 =	sadd.s32 s15, s7;
	[tilespmem:s23+$0xFFFFFFF0] =	vst v2;
	v1 =	vmul.f32 v6, v1  }
0xfc: {  	s7 =	sshll.u32 s7, $0x4;
	[tilespmem:s23+$0x70] =	vst v3  }
0xfd: {  	p0 =	sgt.u32 s16, $0x1B;
	s7 =	sadd.s32 s2, s7;
	[tilespmem:s23+$0xFFFFFF70] =	vst v1;
	s23 =	sshll.u32 s16, $0x8  }
0xfe: {  	[hbm4b:s7+s5] =	stream.linear.scatter [tilespmem:s24], [sflag:$0x5], $0x2800, $0x38;
	[tilespmem:$0x1E800] =	vst v63  }
0xff: {  	p1 =	sne.s32 @!p0 s21, $0x1;
	s7 =	sand.u32 $0x700, s23  }
0x100: {  	[spmem:s3] =	stream.indirect.scatter.add.f32 [tilespmem:s24], [sflag:$0x7], $0x80, s7, s28, $0xb8;
	[tilespmem:$0x1E800] =	vst v63  }
0x101: {  	p0 =	por p0, p1;
	_ =	swait.ge [sflag:s4], $0x2800  }
.Ltmp3:
0x102: {  	[sflag:s4] =	ssyncset.done $0x0;
	(pc) =	sbr.rel @p0 .LBB2_10-.Ltmp3, $4  }
0x103: {  	[sflag:s4] =	ssyncadd.s32 $0xFFFFD800  }
0x104: {  	_ =	swait.ge [sflag:s8], $0x2800  }
0x105: {  	[sflag:s8] =	ssyncset.done $0x0  }
0x106: {  	s7 =	sxor.u32 $0x1, s22;
	[sflag:s8] =	ssyncadd.s32 $0xFFFFD800  }
.Ltmp4:
0x107: {  	(pc) =	sbr.rel .LBB2_11-.Ltmp4, $4  }
0x108: {  	_ = 	snop  }
0x109: {  	s11 =	sshll.u32 s20, $0x7  }
0x10a: {  	s12 =	sshll.u32 s7, $0xA;
	s23 =	sadd.s32 $0x9, s7;
	s11 =	sadd.s32 s11, s18  }
0x10b: {  	[tilespmem:s12], [sflag:s23] =	stream.linear.gather [hbm4b:s11+s5], $0x400, $0x38;
	[tilespmem:$0x1E800] =	vst v63  }
.LBB2_10:
0x10c: {  	p0 =	sne.s32 s21, $0x7  }
0x10d: {  	s7 =	sadd.s32 @!p0 $0x9, s7  }
0x10e: {  	_ =	swait.ge @!p0 [sflag:s7], $0x400  }
0x10f: {  	[sflag:s7] =	ssyncset.done @!p0 $0x0  }
0x110: {  	[sflag:s7] =	ssyncadd.s32 @!p0 $0xFFFFFC00  }
.LBB2_11:
0x111: {  	s7 =	sadd.s32 $0x2, s19  }
0x112: {  	s11 =	sshll.u32 s7, $0x7  }
0x113: {  	s7 =	smul.u32 $0x50, s7;
	s11 =	sand.u32 $0x700, s11  }
0x114: {  	[tilespmem:s24], [sflag:$0x1] =	stream.indirect.gather [hbm4b:s1+s28], $0x80, s11, s28, $0xb8;
	[tilespmem:$0x1E800] =	vst v63  }
0x115: {  	s7 =	sadd.s32 s15, s7  }
0x116: {  	s7 =	sshll.u32 s7, $0x4  }
0x117: {  	s7 =	sadd.s32 s6, s7  }
0x118: {  	[tilespmem:s29], [sflag:$0x3] =	stream.linear.gather [hbm4b:s7+s5], $0x2800, $0x38;
	[tilespmem:$0x1E800] =	vst v63  }
0x119: {  	_ =	swait.ge [sflag:s9], $0x2800  }
0x11a: {  	[sflag:s9] =	ssyncset.done $0x0  }
0x11b: {  	[sflag:s9] =	ssyncadd.s32 $0xFFFFD800  }
0x11c: {  	_ =	swait.ge [sflag:s10], $0x2800  }
0x11d: {  	[sflag:s10] =	ssyncset.done $0x0  }
0x11e: {  	s19 =	simm.s32 $0x31F0;
	[sflag:s10] =	ssyncadd.s32 $0xFFFFD800  }
0x11f: {  	s7 =	simm.s32 $0x8100;
	v1 =	vld [tilespmem:s19+$0xFFFFFF90]  }
0x120: {  	v2 =	vld [tilespmem:s7+$0x80]  }
0x121: {  	v3 =	vld [tilespmem:s19+$0xFFFFFE90]  }
0x122: {  	v4 =	vld [tilespmem:s7+$0xFFFFFF80]  }
0x123: {  	v5 =	vld [tilespmem:s19+$0xFFFFFF10]  }
0x124: {  	v6 =	vld [tilespmem:s7+$0x0]  }
0x125: {  	v7 =	vld [tilespmem:s19+$0xFFFFFE10];
	v1 =	vmul.f32 v2, v1  }
0x126: {  	v2 =	vld [tilespmem:s7+$0xFFFFFF00]  }
0x127: {  	[tilespmem:s19+$0xFFFFFF90] =	vst v1;
	v1 =	vld [tilespmem:s19+$0xFFFFFFA0]  }
0x128: {  	v3 =	vmul.f32 v4, v3;
	v4 =	vld [tilespmem:s7+$0x90]  }
0x129: {  	v8 =	vld [tilespmem:s19+$0xFFFFFE20]  }
0x12a: {  	[tilespmem:s19+$0xFFFFFE90] =	vst v3;
	v3 =	vmul.f32 v6, v5;
	v5 =	vld [tilespmem:s19+$0xFFFFFEA0]  }
0x12b: {  	v6 =	vld [tilespmem:s7+$0xFFFFFF90];
	v2 =	vmul.f32 v2, v7  }
0x12c: {  	[tilespmem:s19+$0xFFFFFF10] =	vst v3;
	v3 =	vld [tilespmem:s19+$0xFFFFFF20]  }
0x12d: {  	v7 =	vld [tilespmem:s7+$0x10];
	[tilespmem:s19+$0xFFFFFE10] =	vst v2;
	v1 =	vmul.f32 v4, v1  }
0x12e: {  	v2 =	vld [tilespmem:s7+$0xFFFFFF10]  }
0x12f: {  	[tilespmem:s19+$0xFFFFFFA0] =	vst v1;
	v1 =	vld [tilespmem:s19+$0xFFFFFFB0]  }
0x130: {  	v4 =	vmul.f32 v6, v5;
	v5 =	vld [tilespmem:s7+$0xA0]  }
0x131: {  	v6 =	vld [tilespmem:s19+$0xFFFFFE30]  }
0x132: {  	[tilespmem:s19+$0xFFFFFEA0] =	vst v4;
	v3 =	vmul.f32 v7, v3;
	v4 =	vld [tilespmem:s19+$0xFFFFFEB0]  }
0x133: {  	v7 =	vld [tilespmem:s7+$0xFFFFFFA0];
	v2 =	vmul.f32 v2, v8  }
0x134: {  	[tilespmem:s19+$0xFFFFFF20] =	vst v3;
	v3 =	vld [tilespmem:s19+$0xFFFFFF30]  }
0x135: {  	v8 =	vld [tilespmem:s7+$0x20];
	[tilespmem:s19+$0xFFFFFE20] =	vst v2;
	v1 =	vmul.f32 v5, v1  }
0x136: {  	v2 =	vld [tilespmem:s7+$0xFFFFFF20]  }
0x137: {  	[tilespmem:s19+$0xFFFFFFB0] =	vst v1;
	v1 =	vld [tilespmem:s19+$0xFFFFFFC0]  }
0x138: {  	v4 =	vmul.f32 v7, v4;
	v5 =	vld [tilespmem:s7+$0xB0]  }
0x139: {  	v7 =	vld [tilespmem:s19+$0xFFFFFE40]  }
0x13a: {  	[tilespmem:s19+$0xFFFFFEB0] =	vst v4;
	v3 =	vmul.f32 v8, v3;
	v4 =	vld [tilespmem:s19+$0xFFFFFEC0]  }
0x13b: {  	v8 =	vld [tilespmem:s7+$0xFFFFFFB0];
	v2 =	vmul.f32 v2, v6  }
0x13c: {  	[tilespmem:s19+$0xFFFFFF30] =	vst v3;
	v3 =	vld [tilespmem:s19+$0xFFFFFF40]  }
0x13d: {  	v6 =	vld [tilespmem:s7+$0x30];
	[tilespmem:s19+$0xFFFFFE30] =	vst v2;
	v1 =	vmul.f32 v5, v1  }
0x13e: {  	v2 =	vld [tilespmem:s7+$0xFFFFFF30]  }
0x13f: {  	[tilespmem:s19+$0xFFFFFFC0] =	vst v1;
	v1 =	vld [tilespmem:s19+$0xFFFFFFD0]  }
0x140: {  	v4 =	vmul.f32 v8, v4;
	v5 =	vld [tilespmem:s7+$0xC0]  }
0x141: {  	v8 =	vld [tilespmem:s19+$0xFFFFFE50]  }
0x142: {  	[tilespmem:s19+$0xFFFFFEC0] =	vst v4;
	v3 =	vmul.f32 v6, v3;
	v4 =	vld [tilespmem:s19+$0xFFFFFED0]  }
0x143: {  	v6 =	vld [tilespmem:s7+$0xFFFFFFC0];
	v2 =	vmul.f32 v2, v7  }
0x144: {  	[tilespmem:s19+$0xFFFFFF40] =	vst v3;
	v3 =	vld [tilespmem:s19+$0xFFFFFF50]  }
0x145: {  	v7 =	vld [tilespmem:s7+$0x40];
	[tilespmem:s19+$0xFFFFFE40] =	vst v2;
	v1 =	vmul.f32 v5, v1  }
0x146: {  	v2 =	vld [tilespmem:s7+$0xFFFFFF40]  }
0x147: {  	[tilespmem:s19+$0xFFFFFFD0] =	vst v1;
	v1 =	vld [tilespmem:s19+$0xFFFFFFE0]  }
0x148: {  	v4 =	vmul.f32 v6, v4;
	v5 =	vld [tilespmem:s7+$0xD0]  }
0x149: {  	v6 =	vld [tilespmem:s19+$0xFFFFFE60]  }
0x14a: {  	[tilespmem:s19+$0xFFFFFED0] =	vst v4;
	v3 =	vmul.f32 v7, v3;
	v4 =	vld [tilespmem:s19+$0xFFFFFEE0]  }
0x14b: {  	v7 =	vld [tilespmem:s7+$0xFFFFFFD0];
	v2 =	vmul.f32 v2, v8  }
0x14c: {  	[tilespmem:s19+$0xFFFFFF50] =	vst v3;
	v3 =	vld [tilespmem:s19+$0xFFFFFF60]  }
0x14d: {  	v8 =	vld [tilespmem:s7+$0x50];
	[tilespmem:s19+$0xFFFFFE50] =	vst v2;
	v1 =	vmul.f32 v5, v1  }
0x14e: {  	v2 =	vld [tilespmem:s7+$0xFFFFFF50]  }
0x14f: {  	[tilespmem:s19+$0xFFFFFFE0] =	vst v1;
	v1 =	vld [tilespmem:s19+$0xFFFFFFF0]  }
0x150: {  	v4 =	vmul.f32 v7, v4;
	v5 =	vld [tilespmem:s7+$0xE0]  }
0x151: {  	v7 =	vld [tilespmem:s19+$0xFFFFFE70]  }
0x152: {  	[tilespmem:s19+$0xFFFFFEE0] =	vst v4;
	v3 =	vmul.f32 v8, v3;
	v4 =	vld [tilespmem:s19+$0xFFFFFEF0]  }
0x153: {  	v8 =	vld [tilespmem:s7+$0xFFFFFFE0];
	v2 =	vmul.f32 v2, v6  }
0x154: {  	[tilespmem:s19+$0xFFFFFF60] =	vst v3;
	v3 =	vld [tilespmem:s19+$0xFFFFFF70]  }
0x155: {  	v6 =	vld [tilespmem:s7+$0x60];
	[tilespmem:s19+$0xFFFFFE60] =	vst v2;
	v1 =	vmul.f32 v5, v1  }
0x156: {  	v5 =	vld [tilespmem:s7+$0xFFFFFF60]  }
0x157: {  	v9 =	vld [tilespmem:s19+$0x0];
	[tilespmem:s19+$0xFFFFFFF0] =	vst v1  }
0x158: {  	v2 =	vmul.f32 v8, v4;
	v8 =	vld [tilespmem:s7+$0xF0]  }
0x159: {  	v1 =	vld [tilespmem:s19+$0xFFFFFE80]  }
0x15a: {  	[tilespmem:s19+$0xFFFFFEF0] =	vst v2;
	v3 =	vmul.f32 v6, v3;
	v2 =	vld [tilespmem:s19+$0xFFFFFF00]  }
0x15b: {  	v4 =	vld [tilespmem:s7+$0xFFFFFFF0];
	v5 =	vmul.f32 v5, v7  }
0x15c: {  	[tilespmem:s19+$0xFFFFFF70] =	vst v3;
	v3 =	vld [tilespmem:s19+$0xFFFFFF80]  }
0x15d: {  	[tilespmem:s19+$0xFFFFFE70] =	vst v5;
	v5 =	vld [tilespmem:s7+$0x70];
	v7 =	vmul.f32 v8, v9  }
0x15e: {  	s12 =	simm.s32 $0x33F0;
	s11 =	simm.s32 $0x0;
	v6 =	vld [tilespmem:s7+$0xFFFFFF70]  }
.LBB2_12:
0x15f: {  	v8 =	vld [tilespmem:s12+$0xFFFFFF90];
	[tilespmem:s19+$0x0] =	vst v7;
	s7 =	sadd.s32 $0x200, s7  }
0x160: {  	s11 =	sadd.s32 $0x4, s11;
	v7 =	vld [tilespmem:s7+$0x80];
	v2 =	vmul.f32 v4, v2  }
0x161: {  	p0 =	slt.u32 s11, $0x4C;
	v4 =	vld [tilespmem:s7+$0xFFFFFF00]  }
0x162: {  	v9 =	vld [tilespmem:s12+$0xFFFFFE90];
	[tilespmem:s19+$0xFFFFFF00] =	vst v2;
	v2 =	vmul.f32 v5, v3  }
0x163: {  	v3 =	vld [tilespmem:s7+$0xFFFFFF80];
	v1 =	vmul.f32 v6, v1  }
0x164: {  	v5 =	vld [tilespmem:s12+$0xFFFFFF10];
	[tilespmem:s19+$0xFFFFFF80] =	vst v2  }
0x165: {  	v2 =	vld [tilespmem:s7+$0x0];
	v6 =	vmul.f32 v7, v8;
	[tilespmem:s19+$0xFFFFFE80] =	vst v1;
	s19 =	smov.u32 s12  }
0x166: {  	v1 =	vld [tilespmem:s12+$0xFFFFFE10]  }
0x167: {  	[tilespmem:s12+$0xFFFFFF90] =	vst v6;
	v6 =	vld [tilespmem:s12+$0xFFFFFFA0]  }
0x168: {  	v3 =	vmul.f32 v3, v9;
	v7 =	vld [tilespmem:s7+$0x90]  }
0x169: {  	v8 =	vld [tilespmem:s12+$0xFFFFFE20]  }
0x16a: {  	[tilespmem:s12+$0xFFFFFE90] =	vst v3;
	v3 =	vld [tilespmem:s12+$0xFFFFFEA0];
	v2 =	vmul.f32 v2, v5  }
0x16b: {  	v1 =	vmul.f32 v4, v1;
	v4 =	vld [tilespmem:s7+$0xFFFFFF90]  }
0x16c: {  	[tilespmem:s12+$0xFFFFFF10] =	vst v2;
	v2 =	vld [tilespmem:s12+$0xFFFFFF20]  }
0x16d: {  	[tilespmem:s12+$0xFFFFFE10] =	vst v1;
	v1 =	vld [tilespmem:s7+$0x10];
	v5 =	vmul.f32 v7, v6  }
0x16e: {  	v6 =	vld [tilespmem:s7+$0xFFFFFF10]  }
0x16f: {  	[tilespmem:s12+$0xFFFFFFA0] =	vst v5;
	v5 =	vld [tilespmem:s12+$0xFFFFFFB0]  }
0x170: {  	v3 =	vmul.f32 v4, v3;
	v4 =	vld [tilespmem:s7+$0xA0]  }
0x171: {  	v7 =	vld [tilespmem:s12+$0xFFFFFE30]  }
0x172: {  	[tilespmem:s12+$0xFFFFFEA0] =	vst v3;
	v3 =	vld [tilespmem:s12+$0xFFFFFEB0];
	v1 =	vmul.f32 v1, v2  }
0x173: {  	v2 =	vmul.f32 v6, v8;
	v6 =	vld [tilespmem:s7+$0xFFFFFFA0]  }
0x174: {  	[tilespmem:s12+$0xFFFFFF20] =	vst v1;
	v1 =	vld [tilespmem:s12+$0xFFFFFF30]  }
0x175: {  	[tilespmem:s12+$0xFFFFFE20] =	vst v2;
	v2 =	vld [tilespmem:s7+$0x20];
	v4 =	vmul.f32 v4, v5  }
0x176: {  	v5 =	vld [tilespmem:s7+$0xFFFFFF20]  }
0x177: {  	[tilespmem:s12+$0xFFFFFFB0] =	vst v4;
	v4 =	vld [tilespmem:s12+$0xFFFFFFC0]  }
0x178: {  	v3 =	vmul.f32 v6, v3;
	v6 =	vld [tilespmem:s7+$0xB0]  }
0x179: {  	v8 =	vld [tilespmem:s12+$0xFFFFFE40]  }
0x17a: {  	[tilespmem:s12+$0xFFFFFEB0] =	vst v3;
	v3 =	vld [tilespmem:s12+$0xFFFFFEC0];
	v1 =	vmul.f32 v2, v1  }
0x17b: {  	v2 =	vmul.f32 v5, v7;
	v5 =	vld [tilespmem:s7+$0xFFFFFFB0]  }
0x17c: {  	[tilespmem:s12+$0xFFFFFF30] =	vst v1;
	v1 =	vld [tilespmem:s12+$0xFFFFFF40]  }
0x17d: {  	[tilespmem:s12+$0xFFFFFE30] =	vst v2;
	v2 =	vld [tilespmem:s7+$0x30];
	v4 =	vmul.f32 v6, v4  }
0x17e: {  	v6 =	vld [tilespmem:s7+$0xFFFFFF30]  }
0x17f: {  	[tilespmem:s12+$0xFFFFFFC0] =	vst v4;
	v4 =	vld [tilespmem:s12+$0xFFFFFFD0]  }
0x180: {  	v3 =	vmul.f32 v5, v3;
	v5 =	vld [tilespmem:s7+$0xC0]  }
0x181: {  	v7 =	vld [tilespmem:s12+$0xFFFFFE50]  }
0x182: {  	[tilespmem:s12+$0xFFFFFEC0] =	vst v3;
	v3 =	vld [tilespmem:s12+$0xFFFFFED0];
	v1 =	vmul.f32 v2, v1  }
0x183: {  	v2 =	vmul.f32 v6, v8;
	v6 =	vld [tilespmem:s7+$0xFFFFFFC0]  }
0x184: {  	[tilespmem:s12+$0xFFFFFF40] =	vst v1;
	v1 =	vld [tilespmem:s12+$0xFFFFFF50]  }
0x185: {  	[tilespmem:s12+$0xFFFFFE40] =	vst v2;
	v2 =	vld [tilespmem:s7+$0x40];
	v4 =	vmul.f32 v5, v4  }
0x186: {  	v5 =	vld [tilespmem:s7+$0xFFFFFF40]  }
0x187: {  	[tilespmem:s12+$0xFFFFFFD0] =	vst v4;
	v4 =	vld [tilespmem:s12+$0xFFFFFFE0]  }
0x188: {  	v3 =	vmul.f32 v6, v3;
	v6 =	vld [tilespmem:s7+$0xD0]  }
0x189: {  	v8 =	vld [tilespmem:s12+$0xFFFFFE60]  }
0x18a: {  	[tilespmem:s12+$0xFFFFFED0] =	vst v3;
	v3 =	vld [tilespmem:s12+$0xFFFFFEE0];
	v1 =	vmul.f32 v2, v1  }
0x18b: {  	v2 =	vmul.f32 v5, v7;
	v5 =	vld [tilespmem:s7+$0xFFFFFFD0]  }
0x18c: {  	[tilespmem:s12+$0xFFFFFF50] =	vst v1;
	v1 =	vld [tilespmem:s12+$0xFFFFFF60]  }
0x18d: {  	[tilespmem:s12+$0xFFFFFE50] =	vst v2;
	v2 =	vld [tilespmem:s7+$0x50];
	v4 =	vmul.f32 v6, v4  }
0x18e: {  	v6 =	vld [tilespmem:s7+$0xFFFFFF50]  }
0x18f: {  	[tilespmem:s12+$0xFFFFFFE0] =	vst v4;
	v4 =	vld [tilespmem:s12+$0xFFFFFFF0]  }
0x190: {  	v3 =	vmul.f32 v5, v3;
	v5 =	vld [tilespmem:s7+$0xE0]  }
0x191: {  	v7 =	vld [tilespmem:s12+$0xFFFFFE70]  }
0x192: {  	[tilespmem:s12+$0xFFFFFEE0] =	vst v3;
	v3 =	vld [tilespmem:s12+$0xFFFFFEF0];
	v1 =	vmul.f32 v2, v1  }
0x193: {  	v2 =	vmul.f32 v6, v8;
	v6 =	vld [tilespmem:s7+$0xFFFFFFE0]  }
0x194: {  	[tilespmem:s12+$0xFFFFFF60] =	vst v1;
	v8 =	vld [tilespmem:s12+$0xFFFFFF70]  }
0x195: {  	[tilespmem:s12+$0xFFFFFE60] =	vst v2;
	v9 =	vld [tilespmem:s7+$0x60];
	v1 =	vmul.f32 v5, v4  }
0x196: {  	v4 =	vld [tilespmem:s7+$0xFFFFFF60]  }
0x197: {  	[tilespmem:s12+$0xFFFFFFF0] =	vst v1;
	v10 =	vld [tilespmem:s12+$0x0]  }
0x198: {  	v2 =	vmul.f32 v6, v3;
	v6 =	vld [tilespmem:s7+$0xF0]  }
0x199: {  	v1 =	vld [tilespmem:s12+$0xFFFFFE80]  }
.Ltmp5:
0x19a: {  	[tilespmem:s12+$0xFFFFFEF0] =	vst v2;
	v2 =	vld [tilespmem:s12+$0xFFFFFF00];
	v3 =	vmul.f32 v9, v8;
	(pc) =	sbr.rel @p0 .LBB2_12-.Ltmp5, $4  }
0x19b: {  	v5 =	vmul.f32 v4, v7;
	v4 =	vld [tilespmem:s7+$0xFFFFFFF0]  }
0x19c: {  	[tilespmem:s12+$0xFFFFFF70] =	vst v3;
	v3 =	vld [tilespmem:s12+$0xFFFFFF80]  }
0x19d: {  	[tilespmem:s12+$0xFFFFFE70] =	vst v5;
	v5 =	vld [tilespmem:s7+$0x70];
	v7 =	vmul.f32 v6, v10  }
0x19e: {  	s12 =	sadd.s32 $0x200, s12;
	v6 =	vld [tilespmem:s7+$0xFFFFFF70]  }
0x19f: {  	_ =	sdelay $0x1  }
0x1a0: {  	v2 =	vmul.f32 v4, v2  }
0x1a1: {  	[tilespmem:s19+$0x0] =	vst v7;
	s16 =	sadd.s32 $0x1, s16;
	v3 =	vmul.f32 v5, v3  }
0x1a2: {  	p0 =	sne.s32 s16, $0x1F;
	[tilespmem:s19+$0xFFFFFF00] =	vst v2;
	v1 =	vmul.f32 v6, v1  }
.Ltmp6:
0x1a3: {  	[tilespmem:s19+$0xFFFFFF80] =	vst v3;
	(pc) =	sbr.rel @p0 .LBB2_6-.Ltmp6, $4  }
0x1a4: {  	s7 =	sadd.s32 s2, s17;
	[tilespmem:s19+$0xFFFFFE80] =	vst v1  }
0x1a5: {  	[hbm4b:s7+s5] =	stream.linear.scatter [tilespmem:s26], [sflag:$0x6], $0x2800, $0x38;
	[tilespmem:$0x1E800] =	vst v63  }
0x1a6: {  	_ = 	snop  }
0x1a7: {  	[spmem:s3] =	stream.indirect.scatter.add.f32 [tilespmem:s26], [sflag:$0x8], $0x80, s13, s28, $0xb8;
	[tilespmem:$0x1E800] =	vst v63  }
0x1a8: {  	s16 =	simm.s32 $0x6  }
0x1a9: {  	_ =	swait.ge [sflag:s16], $0x2800  }
0x1aa: {  	[sflag:s16] =	ssyncset.done $0x0  }
0x1ab: {  	s17 =	simm.s32 $0x8;
	[sflag:s16] =	ssyncadd.s32 $0xFFFFD800  }
0x1ac: {  	_ =	swait.ge [sflag:s17], $0x2800  }
0x1ad: {  	[sflag:s17] =	ssyncset.done $0x0  }
0x1ae: {  	s19 =	simm.s32 $0x780;
	[sflag:s17] =	ssyncadd.s32 $0xFFFFD800  }
0x1af: {  	[tilespmem:s26], [sflag:$0x2] =	stream.indirect.gather [hbm4b:s1+s28], $0x80, s19, s28, $0xb8;
	[tilespmem:$0x1E800] =	vst v63  }
0x1b0: {  	s7 =	rddreg [dreg:$0xf]  }
0x1b1: {  	[tilespmem:s30], [sflag:$0x4] =	stream.linear.gather [hbm4b:s7+s5], $0x2800, $0x38;
	[tilespmem:$0x1E800] =	vst v63  }
0x1b2: {  	_ =	swait.ge [sflag:s31], $0x2800  }
0x1b3: {  	[sflag:s31] =	ssyncset.done $0x0  }
0x1b4: {  	[sflag:s31] =	ssyncadd.s32 $0xFFFFD800  }
0x1b5: {  	_ =	swait.ge [sflag:s0], $0x2800  }
0x1b6: {  	[sflag:s0] =	ssyncset.done $0x0  }
0x1b7: {  	s13 =	simm.s32 $0x900;
	[sflag:s0] =	ssyncadd.s32 $0xFFFFD800  }
0x1b8: {  	s7 =	simm.s32 $0x5900;
	v1 =	vld [tilespmem:s13+$0x80]  }
0x1b9: {  	v2 =	vld [tilespmem:s7+$0x80]  }
0x1ba: {  	v3 =	vld [tilespmem:s13+$0xFFFFFF80]  }
0x1bb: {  	v4 =	vld [tilespmem:s7+$0xFFFFFF80]  }
0x1bc: {  	v5 =	vld [tilespmem:s13+$0x0]  }
0x1bd: {  	v6 =	vld [tilespmem:s7+$0x0]  }
0x1be: {  	v7 =	vld [tilespmem:s13+$0xFFFFFF00];
	v1 =	vmul.f32 v2, v1  }
0x1bf: {  	v2 =	vld [tilespmem:s7+$0xFFFFFF00]  }
0x1c0: {  	[tilespmem:s13+$0x80] =	vst v1;
	v1 =	vld [tilespmem:s13+$0x90]  }
0x1c1: {  	v3 =	vmul.f32 v4, v3;
	v4 =	vld [tilespmem:s7+$0x90]  }
0x1c2: {  	v8 =	vld [tilespmem:s13+$0xFFFFFF10]  }
0x1c3: {  	[tilespmem:s13+$0xFFFFFF80] =	vst v3;
	v3 =	vmul.f32 v6, v5;
	v5 =	vld [tilespmem:s13+$0xFFFFFF90]  }
0x1c4: {  	v6 =	vld [tilespmem:s7+$0xFFFFFF90];
	v2 =	vmul.f32 v2, v7  }
0x1c5: {  	[tilespmem:s13+$0x0] =	vst v3;
	v3 =	vld [tilespmem:s13+$0x10]  }
0x1c6: {  	v7 =	vld [tilespmem:s7+$0x10];
	[tilespmem:s13+$0xFFFFFF00] =	vst v2;
	v1 =	vmul.f32 v4, v1  }
0x1c7: {  	v2 =	vld [tilespmem:s7+$0xFFFFFF10]  }
0x1c8: {  	[tilespmem:s13+$0x90] =	vst v1;
	v1 =	vld [tilespmem:s13+$0xA0]  }
0x1c9: {  	v4 =	vmul.f32 v6, v5;
	v5 =	vld [tilespmem:s7+$0xA0]  }
0x1ca: {  	v6 =	vld [tilespmem:s13+$0xFFFFFF20]  }
0x1cb: {  	[tilespmem:s13+$0xFFFFFF90] =	vst v4;
	v3 =	vmul.f32 v7, v3;
	v4 =	vld [tilespmem:s13+$0xFFFFFFA0]  }
0x1cc: {  	v7 =	vld [tilespmem:s7+$0xFFFFFFA0];
	v2 =	vmul.f32 v2, v8  }
0x1cd: {  	[tilespmem:s13+$0x10] =	vst v3;
	v3 =	vld [tilespmem:s13+$0x20]  }
0x1ce: {  	v8 =	vld [tilespmem:s7+$0x20];
	[tilespmem:s13+$0xFFFFFF10] =	vst v2;
	v1 =	vmul.f32 v5, v1  }
0x1cf: {  	v2 =	vld [tilespmem:s7+$0xFFFFFF20]  }
0x1d0: {  	[tilespmem:s13+$0xA0] =	vst v1;
	v1 =	vld [tilespmem:s13+$0xB0]  }
0x1d1: {  	v4 =	vmul.f32 v7, v4;
	v5 =	vld [tilespmem:s7+$0xB0]  }
0x1d2: {  	v7 =	vld [tilespmem:s13+$0xFFFFFF30]  }
0x1d3: {  	[tilespmem:s13+$0xFFFFFFA0] =	vst v4;
	v3 =	vmul.f32 v8, v3;
	v4 =	vld [tilespmem:s13+$0xFFFFFFB0]  }
0x1d4: {  	v8 =	vld [tilespmem:s7+$0xFFFFFFB0];
	v2 =	vmul.f32 v2, v6  }
0x1d5: {  	[tilespmem:s13+$0x20] =	vst v3;
	v3 =	vld [tilespmem:s13+$0x30]  }
0x1d6: {  	v6 =	vld [tilespmem:s7+$0x30];
	[tilespmem:s13+$0xFFFFFF20] =	vst v2;
	v1 =	vmul.f32 v5, v1  }
0x1d7: {  	v2 =	vld [tilespmem:s7+$0xFFFFFF30]  }
0x1d8: {  	[tilespmem:s13+$0xB0] =	vst v1;
	v1 =	vld [tilespmem:s13+$0xC0]  }
0x1d9: {  	v4 =	vmul.f32 v8, v4;
	v5 =	vld [tilespmem:s7+$0xC0]  }
0x1da: {  	v8 =	vld [tilespmem:s13+$0xFFFFFF40]  }
0x1db: {  	[tilespmem:s13+$0xFFFFFFB0] =	vst v4;
	v3 =	vmul.f32 v6, v3;
	v4 =	vld [tilespmem:s13+$0xFFFFFFC0]  }
0x1dc: {  	v6 =	vld [tilespmem:s7+$0xFFFFFFC0];
	v2 =	vmul.f32 v2, v7  }
0x1dd: {  	[tilespmem:s13+$0x30] =	vst v3;
	v3 =	vld [tilespmem:s13+$0x40]  }
0x1de: {  	v7 =	vld [tilespmem:s7+$0x40];
	[tilespmem:s13+$0xFFFFFF30] =	vst v2;
	v1 =	vmul.f32 v5, v1  }
0x1df: {  	v2 =	vld [tilespmem:s7+$0xFFFFFF40]  }
0x1e0: {  	[tilespmem:s13+$0xC0] =	vst v1;
	v1 =	vld [tilespmem:s13+$0xD0]  }
0x1e1: {  	v4 =	vmul.f32 v6, v4;
	v5 =	vld [tilespmem:s7+$0xD0]  }
0x1e2: {  	v6 =	vld [tilespmem:s13+$0xFFFFFF50]  }
0x1e3: {  	[tilespmem:s13+$0xFFFFFFC0] =	vst v4;
	v3 =	vmul.f32 v7, v3;
	v4 =	vld [tilespmem:s13+$0xFFFFFFD0]  }
0x1e4: {  	v7 =	vld [tilespmem:s7+$0xFFFFFFD0];
	v2 =	vmul.f32 v2, v8  }
0x1e5: {  	[tilespmem:s13+$0x40] =	vst v3;
	v3 =	vld [tilespmem:s13+$0x50]  }
0x1e6: {  	v8 =	vld [tilespmem:s7+$0x50];
	[tilespmem:s13+$0xFFFFFF40] =	vst v2;
	v1 =	vmul.f32 v5, v1  }
0x1e7: {  	v2 =	vld [tilespmem:s7+$0xFFFFFF50]  }
0x1e8: {  	[tilespmem:s13+$0xD0] =	vst v1;
	v1 =	vld [tilespmem:s13+$0xE0]  }
0x1e9: {  	v4 =	vmul.f32 v7, v4;
	v5 =	vld [tilespmem:s7+$0xE0]  }
0x1ea: {  	v7 =	vld [tilespmem:s13+$0xFFFFFF60]  }
0x1eb: {  	[tilespmem:s13+$0xFFFFFFD0] =	vst v4;
	v3 =	vmul.f32 v8, v3;
	v4 =	vld [tilespmem:s13+$0xFFFFFFE0]  }
0x1ec: {  	v8 =	vld [tilespmem:s7+$0xFFFFFFE0];
	v2 =	vmul.f32 v2, v6  }
0x1ed: {  	[tilespmem:s13+$0x50] =	vst v3;
	v3 =	vld [tilespmem:s13+$0x60]  }
0x1ee: {  	v6 =	vld [tilespmem:s7+$0x60];
	[tilespmem:s13+$0xFFFFFF50] =	vst v2;
	v1 =	vmul.f32 v5, v1  }
0x1ef: {  	v5 =	vld [tilespmem:s7+$0xFFFFFF60]  }
0x1f0: {  	v9 =	vld [tilespmem:s13+$0xF0];
	[tilespmem:s13+$0xE0] =	vst v1  }
0x1f1: {  	v2 =	vmul.f32 v8, v4;
	v8 =	vld [tilespmem:s7+$0xF0]  }
0x1f2: {  	v1 =	vld [tilespmem:s13+$0xFFFFFF70]  }
0x1f3: {  	[tilespmem:s13+$0xFFFFFFE0] =	vst v2;
	v3 =	vmul.f32 v6, v3;
	v2 =	vld [tilespmem:s13+$0xFFFFFFF0]  }
0x1f4: {  	v4 =	vld [tilespmem:s7+$0xFFFFFFF0];
	v5 =	vmul.f32 v5, v7  }
0x1f5: {  	[tilespmem:s13+$0x60] =	vst v3;
	v3 =	vld [tilespmem:s13+$0x70]  }
0x1f6: {  	[tilespmem:s13+$0xFFFFFF60] =	vst v5;
	v5 =	vld [tilespmem:s7+$0x70];
	v7 =	vmul.f32 v8, v9  }
0x1f7: {  	s11 =	simm.s32 $0x0;
	s12 =	simm.s32 $0xB00;
	v6 =	vld [tilespmem:s7+$0xFFFFFF70]  }
.LBB2_15:
0x1f8: {  	v8 =	vld [tilespmem:s12+$0x80];
	[tilespmem:s13+$0xF0] =	vst v7;
	s7 =	sadd.s32 $0x200, s7  }
0x1f9: {  	s11 =	sadd.s32 $0x4, s11;
	v7 =	vld [tilespmem:s7+$0x80];
	v2 =	vmul.f32 v4, v2  }
0x1fa: {  	p0 =	slt.u32 s11, $0x4C;
	v4 =	vld [tilespmem:s7+$0xFFFFFF00]  }
0x1fb: {  	v9 =	vld [tilespmem:s12+$0xFFFFFF80];
	[tilespmem:s13+$0xFFFFFFF0] =	vst v2;
	v2 =	vmul.f32 v5, v3  }
0x1fc: {  	v3 =	vld [tilespmem:s7+$0xFFFFFF80];
	v1 =	vmul.f32 v6, v1  }
0x1fd: {  	v5 =	vld [tilespmem:s12+$0x0];
	[tilespmem:s13+$0x70] =	vst v2  }
0x1fe: {  	v2 =	vld [tilespmem:s7+$0x0];
	v6 =	vmul.f32 v7, v8;
	[tilespmem:s13+$0xFFFFFF70] =	vst v1;
	s13 =	smov.u32 s12  }
0x1ff: {  	v1 =	vld [tilespmem:s12+$0xFFFFFF00]  }
0x200: {  	[tilespmem:s12+$0x80] =	vst v6;
	v6 =	vld [tilespmem:s12+$0x90]  }
0x201: {  	v3 =	vmul.f32 v3, v9;
	v7 =	vld [tilespmem:s7+$0x90]  }
0x202: {  	v8 =	vld [tilespmem:s12+$0xFFFFFF10]  }
0x203: {  	[tilespmem:s12+$0xFFFFFF80] =	vst v3;
	v3 =	vld [tilespmem:s12+$0xFFFFFF90];
	v2 =	vmul.f32 v2, v5  }
0x204: {  	v1 =	vmul.f32 v4, v1;
	v4 =	vld [tilespmem:s7+$0xFFFFFF90]  }
0x205: {  	[tilespmem:s12+$0x0] =	vst v2;
	v2 =	vld [tilespmem:s12+$0x10]  }
0x206: {  	[tilespmem:s12+$0xFFFFFF00] =	vst v1;
	v1 =	vld [tilespmem:s7+$0x10];
	v5 =	vmul.f32 v7, v6  }
0x207: {  	v6 =	vld [tilespmem:s7+$0xFFFFFF10]  }
0x208: {  	[tilespmem:s12+$0x90] =	vst v5;
	v5 =	vld [tilespmem:s12+$0xA0]  }
0x209: {  	v3 =	vmul.f32 v4, v3;
	v4 =	vld [tilespmem:s7+$0xA0]  }
0x20a: {  	v7 =	vld [tilespmem:s12+$0xFFFFFF20]  }
0x20b: {  	[tilespmem:s12+$0xFFFFFF90] =	vst v3;
	v3 =	vld [tilespmem:s12+$0xFFFFFFA0];
	v1 =	vmul.f32 v1, v2  }
0x20c: {  	v2 =	vmul.f32 v6, v8;
	v6 =	vld [tilespmem:s7+$0xFFFFFFA0]  }
0x20d: {  	[tilespmem:s12+$0x10] =	vst v1;
	v1 =	vld [tilespmem:s12+$0x20]  }
0x20e: {  	[tilespmem:s12+$0xFFFFFF10] =	vst v2;
	v2 =	vld [tilespmem:s7+$0x20];
	v4 =	vmul.f32 v4, v5  }
0x20f: {  	v5 =	vld [tilespmem:s7+$0xFFFFFF20]  }
0x210: {  	[tilespmem:s12+$0xA0] =	vst v4;
	v4 =	vld [tilespmem:s12+$0xB0]  }
0x211: {  	v3 =	vmul.f32 v6, v3;
	v6 =	vld [tilespmem:s7+$0xB0]  }
0x212: {  	v8 =	vld [tilespmem:s12+$0xFFFFFF30]  }
0x213: {  	[tilespmem:s12+$0xFFFFFFA0] =	vst v3;
	v3 =	vld [tilespmem:s12+$0xFFFFFFB0];
	v1 =	vmul.f32 v2, v1  }
0x214: {  	v2 =	vmul.f32 v5, v7;
	v5 =	vld [tilespmem:s7+$0xFFFFFFB0]  }
0x215: {  	[tilespmem:s12+$0x20] =	vst v1;
	v1 =	vld [tilespmem:s12+$0x30]  }
0x216: {  	[tilespmem:s12+$0xFFFFFF20] =	vst v2;
	v2 =	vld [tilespmem:s7+$0x30];
	v4 =	vmul.f32 v6, v4  }
0x217: {  	v6 =	vld [tilespmem:s7+$0xFFFFFF30]  }
0x218: {  	[tilespmem:s12+$0xB0] =	vst v4;
	v4 =	vld [tilespmem:s12+$0xC0]  }
0x219: {  	v3 =	vmul.f32 v5, v3;
	v5 =	vld [tilespmem:s7+$0xC0]  }
0x21a: {  	v7 =	vld [tilespmem:s12+$0xFFFFFF40]  }
0x21b: {  	[tilespmem:s12+$0xFFFFFFB0] =	vst v3;
	v3 =	vld [tilespmem:s12+$0xFFFFFFC0];
	v1 =	vmul.f32 v2, v1  }
0x21c: {  	v2 =	vmul.f32 v6, v8;
	v6 =	vld [tilespmem:s7+$0xFFFFFFC0]  }
0x21d: {  	[tilespmem:s12+$0x30] =	vst v1;
	v1 =	vld [tilespmem:s12+$0x40]  }
0x21e: {  	[tilespmem:s12+$0xFFFFFF30] =	vst v2;
	v2 =	vld [tilespmem:s7+$0x40];
	v4 =	vmul.f32 v5, v4  }
0x21f: {  	v5 =	vld [tilespmem:s7+$0xFFFFFF40]  }
0x220: {  	[tilespmem:s12+$0xC0] =	vst v4;
	v4 =	vld [tilespmem:s12+$0xD0]  }
0x221: {  	v3 =	vmul.f32 v6, v3;
	v6 =	vld [tilespmem:s7+$0xD0]  }
0x222: {  	v8 =	vld [tilespmem:s12+$0xFFFFFF50]  }
0x223: {  	[tilespmem:s12+$0xFFFFFFC0] =	vst v3;
	v3 =	vld [tilespmem:s12+$0xFFFFFFD0];
	v1 =	vmul.f32 v2, v1  }
0x224: {  	v2 =	vmul.f32 v5, v7;
	v5 =	vld [tilespmem:s7+$0xFFFFFFD0]  }
0x225: {  	[tilespmem:s12+$0x40] =	vst v1;
	v1 =	vld [tilespmem:s12+$0x50]  }
0x226: {  	[tilespmem:s12+$0xFFFFFF40] =	vst v2;
	v2 =	vld [tilespmem:s7+$0x50];
	v4 =	vmul.f32 v6, v4  }
0x227: {  	v6 =	vld [tilespmem:s7+$0xFFFFFF50]  }
0x228: {  	[tilespmem:s12+$0xD0] =	vst v4;
	v4 =	vld [tilespmem:s12+$0xE0]  }
0x229: {  	v3 =	vmul.f32 v5, v3;
	v5 =	vld [tilespmem:s7+$0xE0]  }
0x22a: {  	v7 =	vld [tilespmem:s12+$0xFFFFFF60]  }
0x22b: {  	[tilespmem:s12+$0xFFFFFFD0] =	vst v3;
	v3 =	vld [tilespmem:s12+$0xFFFFFFE0];
	v1 =	vmul.f32 v2, v1  }
0x22c: {  	v2 =	vmul.f32 v6, v8;
	v6 =	vld [tilespmem:s7+$0xFFFFFFE0]  }
0x22d: {  	[tilespmem:s12+$0x50] =	vst v1;
	v8 =	vld [tilespmem:s12+$0x60]  }
0x22e: {  	[tilespmem:s12+$0xFFFFFF50] =	vst v2;
	v9 =	vld [tilespmem:s7+$0x60];
	v1 =	vmul.f32 v5, v4  }
0x22f: {  	v4 =	vld [tilespmem:s7+$0xFFFFFF60]  }
0x230: {  	[tilespmem:s12+$0xE0] =	vst v1;
	v10 =	vld [tilespmem:s12+$0xF0]  }
0x231: {  	v2 =	vmul.f32 v6, v3;
	v6 =	vld [tilespmem:s7+$0xF0]  }
0x232: {  	v1 =	vld [tilespmem:s12+$0xFFFFFF70]  }
.Ltmp7:
0x233: {  	[tilespmem:s12+$0xFFFFFFE0] =	vst v2;
	v2 =	vld [tilespmem:s12+$0xFFFFFFF0];
	v3 =	vmul.f32 v9, v8;
	(pc) =	sbr.rel @p0 .LBB2_15-.Ltmp7, $4  }
0x234: {  	v5 =	vmul.f32 v4, v7;
	v4 =	vld [tilespmem:s7+$0xFFFFFFF0]  }
0x235: {  	[tilespmem:s12+$0x60] =	vst v3;
	v3 =	vld [tilespmem:s12+$0x70]  }
0x236: {  	[tilespmem:s12+$0xFFFFFF60] =	vst v5;
	v5 =	vld [tilespmem:s7+$0x70];
	v7 =	vmul.f32 v6, v10  }
0x237: {  	s12 =	sadd.s32 $0x200, s12;
	v6 =	vld [tilespmem:s7+$0xFFFFFF70]  }
0x238: {  	_ =	sdelay $0x1  }
0x239: {  	v2 =	vmul.f32 v4, v2  }
0x23a: {  	[tilespmem:s13+$0xF0] =	vst v7;
	v3 =	vmul.f32 v5, v3  }
0x23b: {  	[tilespmem:s13+$0xFFFFFFF0] =	vst v2;
	v1 =	vmul.f32 v6, v1  }
0x23c: {  	[tilespmem:s13+$0x70] =	vst v3  }
0x23d: {  	[tilespmem:s13+$0xFFFFFF70] =	vst v1  }
0x23e: {  	s7 =	rddreg [dreg:$0x10]  }
0x23f: {  	[hbm4b:s7+s5] =	stream.linear.scatter [tilespmem:s24], [sflag:$0x5], $0x2800, $0x38;
	[tilespmem:$0x1E800] =	vst v63  }
0x240: {  	s23 =	simm.s32 $0x700  }
0x241: {  	[spmem:s3] =	stream.indirect.scatter.add.f32 [tilespmem:s24], [sflag:$0x7], $0x80, s23, s28, $0xb8;
	[tilespmem:$0x1E800] =	vst v63  }
0x242: {  	_ =	swait.ge [sflag:s9], $0x2800  }
0x243: {  	[sflag:s9] =	ssyncset.done $0x0  }
0x244: {  	[sflag:s9] =	ssyncadd.s32 $0xFFFFD800  }
0x245: {  	_ =	swait.ge [sflag:s10], $0x2800  }
0x246: {  	[sflag:s10] =	ssyncset.done $0x0  }
0x247: {  	s13 =	simm.s32 $0x31F0;
	[sflag:s10] =	ssyncadd.s32 $0xFFFFD800  }
0x248: {  	s7 =	simm.s32 $0x8100;
	v1 =	vld [tilespmem:s13+$0xFFFFFF90]  }
0x249: {  	v2 =	vld [tilespmem:s7+$0x80]  }
0x24a: {  	v3 =	vld [tilespmem:s13+$0xFFFFFE90]  }
0x24b: {  	v4 =	vld [tilespmem:s7+$0xFFFFFF80]  }
0x24c: {  	v5 =	vld [tilespmem:s13+$0xFFFFFF10]  }
0x24d: {  	v6 =	vld [tilespmem:s7+$0x0]  }
0x24e: {  	v7 =	vld [tilespmem:s13+$0xFFFFFE10];
	v1 =	vmul.f32 v2, v1  }
0x24f: {  	v2 =	vld [tilespmem:s7+$0xFFFFFF00]  }
0x250: {  	[tilespmem:s13+$0xFFFFFF90] =	vst v1;
	v1 =	vld [tilespmem:s13+$0xFFFFFFA0]  }
0x251: {  	v3 =	vmul.f32 v4, v3;
	v4 =	vld [tilespmem:s7+$0x90]  }
0x252: {  	v8 =	vld [tilespmem:s13+$0xFFFFFE20]  }
0x253: {  	[tilespmem:s13+$0xFFFFFE90] =	vst v3;
	v3 =	vmul.f32 v6, v5;
	v5 =	vld [tilespmem:s13+$0xFFFFFEA0]  }
0x254: {  	v6 =	vld [tilespmem:s7+$0xFFFFFF90];
	v2 =	vmul.f32 v2, v7  }
0x255: {  	[tilespmem:s13+$0xFFFFFF10] =	vst v3;
	v3 =	vld [tilespmem:s13+$0xFFFFFF20]  }
0x256: {  	v7 =	vld [tilespmem:s7+$0x10];
	[tilespmem:s13+$0xFFFFFE10] =	vst v2;
	v1 =	vmul.f32 v4, v1  }
0x257: {  	v2 =	vld [tilespmem:s7+$0xFFFFFF10]  }
0x258: {  	[tilespmem:s13+$0xFFFFFFA0] =	vst v1;
	v1 =	vld [tilespmem:s13+$0xFFFFFFB0]  }
0x259: {  	v4 =	vmul.f32 v6, v5;
	v5 =	vld [tilespmem:s7+$0xA0]  }
0x25a: {  	v6 =	vld [tilespmem:s13+$0xFFFFFE30]  }
0x25b: {  	[tilespmem:s13+$0xFFFFFEA0] =	vst v4;
	v3 =	vmul.f32 v7, v3;
	v4 =	vld [tilespmem:s13+$0xFFFFFEB0]  }
0x25c: {  	v7 =	vld [tilespmem:s7+$0xFFFFFFA0];
	v2 =	vmul.f32 v2, v8  }
0x25d: {  	[tilespmem:s13+$0xFFFFFF20] =	vst v3;
	v3 =	vld [tilespmem:s13+$0xFFFFFF30]  }
0x25e: {  	v8 =	vld [tilespmem:s7+$0x20];
	[tilespmem:s13+$0xFFFFFE20] =	vst v2;
	v1 =	vmul.f32 v5, v1  }
0x25f: {  	v2 =	vld [tilespmem:s7+$0xFFFFFF20]  }
0x260: {  	[tilespmem:s13+$0xFFFFFFB0] =	vst v1;
	v1 =	vld [tilespmem:s13+$0xFFFFFFC0]  }
0x261: {  	v4 =	vmul.f32 v7, v4;
	v5 =	vld [tilespmem:s7+$0xB0]  }
0x262: {  	v7 =	vld [tilespmem:s13+$0xFFFFFE40]  }
0x263: {  	[tilespmem:s13+$0xFFFFFEB0] =	vst v4;
	v3 =	vmul.f32 v8, v3;
	v4 =	vld [tilespmem:s13+$0xFFFFFEC0]  }
0x264: {  	v8 =	vld [tilespmem:s7+$0xFFFFFFB0];
	v2 =	vmul.f32 v2, v6  }
0x265: {  	[tilespmem:s13+$0xFFFFFF30] =	vst v3;
	v3 =	vld [tilespmem:s13+$0xFFFFFF40]  }
0x266: {  	v6 =	vld [tilespmem:s7+$0x30];
	[tilespmem:s13+$0xFFFFFE30] =	vst v2;
	v1 =	vmul.f32 v5, v1  }
0x267: {  	v2 =	vld [tilespmem:s7+$0xFFFFFF30]  }
0x268: {  	[tilespmem:s13+$0xFFFFFFC0] =	vst v1;
	v1 =	vld [tilespmem:s13+$0xFFFFFFD0]  }
0x269: {  	v4 =	vmul.f32 v8, v4;
	v5 =	vld [tilespmem:s7+$0xC0]  }
0x26a: {  	v8 =	vld [tilespmem:s13+$0xFFFFFE50]  }
0x26b: {  	[tilespmem:s13+$0xFFFFFEC0] =	vst v4;
	v3 =	vmul.f32 v6, v3;
	v4 =	vld [tilespmem:s13+$0xFFFFFED0]  }
0x26c: {  	v6 =	vld [tilespmem:s7+$0xFFFFFFC0];
	v2 =	vmul.f32 v2, v7  }
0x26d: {  	[tilespmem:s13+$0xFFFFFF40] =	vst v3;
	v3 =	vld [tilespmem:s13+$0xFFFFFF50]  }
0x26e: {  	v7 =	vld [tilespmem:s7+$0x40];
	[tilespmem:s13+$0xFFFFFE40] =	vst v2;
	v1 =	vmul.f32 v5, v1  }
0x26f: {  	v2 =	vld [tilespmem:s7+$0xFFFFFF40]  }
0x270: {  	[tilespmem:s13+$0xFFFFFFD0] =	vst v1;
	v1 =	vld [tilespmem:s13+$0xFFFFFFE0]  }
0x271: {  	v4 =	vmul.f32 v6, v4;
	v5 =	vld [tilespmem:s7+$0xD0]  }
0x272: {  	v6 =	vld [tilespmem:s13+$0xFFFFFE60]  }
0x273: {  	[tilespmem:s13+$0xFFFFFED0] =	vst v4;
	v3 =	vmul.f32 v7, v3;
	v4 =	vld [tilespmem:s13+$0xFFFFFEE0]  }
0x274: {  	v7 =	vld [tilespmem:s7+$0xFFFFFFD0];
	v2 =	vmul.f32 v2, v8  }
0x275: {  	[tilespmem:s13+$0xFFFFFF50] =	vst v3;
	v3 =	vld [tilespmem:s13+$0xFFFFFF60]  }
0x276: {  	v8 =	vld [tilespmem:s7+$0x50];
	[tilespmem:s13+$0xFFFFFE50] =	vst v2;
	v1 =	vmul.f32 v5, v1  }
0x277: {  	v2 =	vld [tilespmem:s7+$0xFFFFFF50]  }
0x278: {  	[tilespmem:s13+$0xFFFFFFE0] =	vst v1;
	v1 =	vld [tilespmem:s13+$0xFFFFFFF0]  }
0x279: {  	v4 =	vmul.f32 v7, v4;
	v5 =	vld [tilespmem:s7+$0xE0]  }
0x27a: {  	v7 =	vld [tilespmem:s13+$0xFFFFFE70]  }
0x27b: {  	[tilespmem:s13+$0xFFFFFEE0] =	vst v4;
	v3 =	vmul.f32 v8, v3;
	v4 =	vld [tilespmem:s13+$0xFFFFFEF0]  }
0x27c: {  	v8 =	vld [tilespmem:s7+$0xFFFFFFE0];
	v2 =	vmul.f32 v2, v6  }
0x27d: {  	[tilespmem:s13+$0xFFFFFF60] =	vst v3;
	v3 =	vld [tilespmem:s13+$0xFFFFFF70]  }
0x27e: {  	v6 =	vld [tilespmem:s7+$0x60];
	[tilespmem:s13+$0xFFFFFE60] =	vst v2;
	v1 =	vmul.f32 v5, v1  }
0x27f: {  	v5 =	vld [tilespmem:s7+$0xFFFFFF60]  }
0x280: {  	v9 =	vld [tilespmem:s13+$0x0];
	[tilespmem:s13+$0xFFFFFFF0] =	vst v1  }
0x281: {  	v2 =	vmul.f32 v8, v4;
	v8 =	vld [tilespmem:s7+$0xF0]  }
0x282: {  	v1 =	vld [tilespmem:s13+$0xFFFFFE80]  }
0x283: {  	[tilespmem:s13+$0xFFFFFEF0] =	vst v2;
	v3 =	vmul.f32 v6, v3;
	v2 =	vld [tilespmem:s13+$0xFFFFFF00]  }
0x284: {  	v4 =	vld [tilespmem:s7+$0xFFFFFFF0];
	v5 =	vmul.f32 v5, v7  }
0x285: {  	[tilespmem:s13+$0xFFFFFF70] =	vst v3;
	v3 =	vld [tilespmem:s13+$0xFFFFFF80]  }
0x286: {  	[tilespmem:s13+$0xFFFFFE70] =	vst v5;
	v5 =	vld [tilespmem:s7+$0x70];
	v7 =	vmul.f32 v8, v9  }
0x287: {  	s11 =	simm.s32 $0x0;
	s12 =	simm.s32 $0x33F0;
	v6 =	vld [tilespmem:s7+$0xFFFFFF70]  }
.LBB2_17:
0x288: {  	v8 =	vld [tilespmem:s12+$0xFFFFFF90];
	[tilespmem:s13+$0x0] =	vst v7;
	s7 =	sadd.s32 $0x200, s7  }
0x289: {  	s11 =	sadd.s32 $0x4, s11;
	v7 =	vld [tilespmem:s7+$0x80];
	v2 =	vmul.f32 v4, v2  }
0x28a: {  	p0 =	slt.u32 s11, $0x4C;
	v4 =	vld [tilespmem:s7+$0xFFFFFF00]  }
0x28b: {  	v9 =	vld [tilespmem:s12+$0xFFFFFE90];
	[tilespmem:s13+$0xFFFFFF00] =	vst v2;
	v2 =	vmul.f32 v5, v3  }
0x28c: {  	v3 =	vld [tilespmem:s7+$0xFFFFFF80];
	v1 =	vmul.f32 v6, v1  }
0x28d: {  	v5 =	vld [tilespmem:s12+$0xFFFFFF10];
	[tilespmem:s13+$0xFFFFFF80] =	vst v2  }
0x28e: {  	v2 =	vld [tilespmem:s7+$0x0];
	v6 =	vmul.f32 v7, v8;
	[tilespmem:s13+$0xFFFFFE80] =	vst v1;
	s13 =	smov.u32 s12  }
0x28f: {  	v1 =	vld [tilespmem:s12+$0xFFFFFE10]  }
0x290: {  	[tilespmem:s12+$0xFFFFFF90] =	vst v6;
	v6 =	vld [tilespmem:s12+$0xFFFFFFA0]  }
0x291: {  	v3 =	vmul.f32 v3, v9;
	v7 =	vld [tilespmem:s7+$0x90]  }
0x292: {  	v8 =	vld [tilespmem:s12+$0xFFFFFE20]  }
0x293: {  	[tilespmem:s12+$0xFFFFFE90] =	vst v3;
	v3 =	vld [tilespmem:s12+$0xFFFFFEA0];
	v2 =	vmul.f32 v2, v5  }
0x294: {  	v1 =	vmul.f32 v4, v1;
	v4 =	vld [tilespmem:s7+$0xFFFFFF90]  }
0x295: {  	[tilespmem:s12+$0xFFFFFF10] =	vst v2;
	v2 =	vld [tilespmem:s12+$0xFFFFFF20]  }
0x296: {  	[tilespmem:s12+$0xFFFFFE10] =	vst v1;
	v1 =	vld [tilespmem:s7+$0x10];
	v5 =	vmul.f32 v7, v6  }
0x297: {  	v6 =	vld [tilespmem:s7+$0xFFFFFF10]  }
0x298: {  	[tilespmem:s12+$0xFFFFFFA0] =	vst v5;
	v5 =	vld [tilespmem:s12+$0xFFFFFFB0]  }
0x299: {  	v3 =	vmul.f32 v4, v3;
	v4 =	vld [tilespmem:s7+$0xA0]  }
0x29a: {  	v7 =	vld [tilespmem:s12+$0xFFFFFE30]  }
0x29b: {  	[tilespmem:s12+$0xFFFFFEA0] =	vst v3;
	v3 =	vld [tilespmem:s12+$0xFFFFFEB0];
	v1 =	vmul.f32 v1, v2  }
0x29c: {  	v2 =	vmul.f32 v6, v8;
	v6 =	vld [tilespmem:s7+$0xFFFFFFA0]  }
0x29d: {  	[tilespmem:s12+$0xFFFFFF20] =	vst v1;
	v1 =	vld [tilespmem:s12+$0xFFFFFF30]  }
0x29e: {  	[tilespmem:s12+$0xFFFFFE20] =	vst v2;
	v2 =	vld [tilespmem:s7+$0x20];
	v4 =	vmul.f32 v4, v5  }
0x29f: {  	v5 =	vld [tilespmem:s7+$0xFFFFFF20]  }
0x2a0: {  	[tilespmem:s12+$0xFFFFFFB0] =	vst v4;
	v4 =	vld [tilespmem:s12+$0xFFFFFFC0]  }
0x2a1: {  	v3 =	vmul.f32 v6, v3;
	v6 =	vld [tilespmem:s7+$0xB0]  }
0x2a2: {  	v8 =	vld [tilespmem:s12+$0xFFFFFE40]  }
0x2a3: {  	[tilespmem:s12+$0xFFFFFEB0] =	vst v3;
	v3 =	vld [tilespmem:s12+$0xFFFFFEC0];
	v1 =	vmul.f32 v2, v1  }
0x2a4: {  	v2 =	vmul.f32 v5, v7;
	v5 =	vld [tilespmem:s7+$0xFFFFFFB0]  }
0x2a5: {  	[tilespmem:s12+$0xFFFFFF30] =	vst v1;
	v1 =	vld [tilespmem:s12+$0xFFFFFF40]  }
0x2a6: {  	[tilespmem:s12+$0xFFFFFE30] =	vst v2;
	v2 =	vld [tilespmem:s7+$0x30];
	v4 =	vmul.f32 v6, v4  }
0x2a7: {  	v6 =	vld [tilespmem:s7+$0xFFFFFF30]  }
0x2a8: {  	[tilespmem:s12+$0xFFFFFFC0] =	vst v4;
	v4 =	vld [tilespmem:s12+$0xFFFFFFD0]  }
0x2a9: {  	v3 =	vmul.f32 v5, v3;
	v5 =	vld [tilespmem:s7+$0xC0]  }
0x2aa: {  	v7 =	vld [tilespmem:s12+$0xFFFFFE50]  }
0x2ab: {  	[tilespmem:s12+$0xFFFFFEC0] =	vst v3;
	v3 =	vld [tilespmem:s12+$0xFFFFFED0];
	v1 =	vmul.f32 v2, v1  }
0x2ac: {  	v2 =	vmul.f32 v6, v8;
	v6 =	vld [tilespmem:s7+$0xFFFFFFC0]  }
0x2ad: {  	[tilespmem:s12+$0xFFFFFF40] =	vst v1;
	v1 =	vld [tilespmem:s12+$0xFFFFFF50]  }
0x2ae: {  	[tilespmem:s12+$0xFFFFFE40] =	vst v2;
	v2 =	vld [tilespmem:s7+$0x40];
	v4 =	vmul.f32 v5, v4  }
0x2af: {  	v5 =	vld [tilespmem:s7+$0xFFFFFF40]  }
0x2b0: {  	[tilespmem:s12+$0xFFFFFFD0] =	vst v4;
	v4 =	vld [tilespmem:s12+$0xFFFFFFE0]  }
0x2b1: {  	v3 =	vmul.f32 v6, v3;
	v6 =	vld [tilespmem:s7+$0xD0]  }
0x2b2: {  	v8 =	vld [tilespmem:s12+$0xFFFFFE60]  }
0x2b3: {  	[tilespmem:s12+$0xFFFFFED0] =	vst v3;
	v3 =	vld [tilespmem:s12+$0xFFFFFEE0];
	v1 =	vmul.f32 v2, v1  }
0x2b4: {  	v2 =	vmul.f32 v5, v7;
	v5 =	vld [tilespmem:s7+$0xFFFFFFD0]  }
0x2b5: {  	[tilespmem:s12+$0xFFFFFF50] =	vst v1;
	v1 =	vld [tilespmem:s12+$0xFFFFFF60]  }
0x2b6: {  	[tilespmem:s12+$0xFFFFFE50] =	vst v2;
	v2 =	vld [tilespmem:s7+$0x50];
	v4 =	vmul.f32 v6, v4  }
0x2b7: {  	v6 =	vld [tilespmem:s7+$0xFFFFFF50]  }
0x2b8: {  	[tilespmem:s12+$0xFFFFFFE0] =	vst v4;
	v4 =	vld [tilespmem:s12+$0xFFFFFFF0]  }
0x2b9: {  	v3 =	vmul.f32 v5, v3;
	v5 =	vld [tilespmem:s7+$0xE0]  }
0x2ba: {  	v7 =	vld [tilespmem:s12+$0xFFFFFE70]  }
0x2bb: {  	[tilespmem:s12+$0xFFFFFEE0] =	vst v3;
	v3 =	vld [tilespmem:s12+$0xFFFFFEF0];
	v1 =	vmul.f32 v2, v1  }
0x2bc: {  	v2 =	vmul.f32 v6, v8;
	v6 =	vld [tilespmem:s7+$0xFFFFFFE0]  }
0x2bd: {  	[tilespmem:s12+$0xFFFFFF60] =	vst v1;
	v8 =	vld [tilespmem:s12+$0xFFFFFF70]  }
0x2be: {  	[tilespmem:s12+$0xFFFFFE60] =	vst v2;
	v9 =	vld [tilespmem:s7+$0x60];
	v1 =	vmul.f32 v5, v4  }
0x2bf: {  	v4 =	vld [tilespmem:s7+$0xFFFFFF60]  }
0x2c0: {  	[tilespmem:s12+$0xFFFFFFF0] =	vst v1;
	v10 =	vld [tilespmem:s12+$0x0]  }
0x2c1: {  	v2 =	vmul.f32 v6, v3;
	v6 =	vld [tilespmem:s7+$0xF0]  }
0x2c2: {  	v1 =	vld [tilespmem:s12+$0xFFFFFE80]  }
.Ltmp8:
0x2c3: {  	[tilespmem:s12+$0xFFFFFEF0] =	vst v2;
	v2 =	vld [tilespmem:s12+$0xFFFFFF00];
	v3 =	vmul.f32 v9, v8;
	(pc) =	sbr.rel @p0 .LBB2_17-.Ltmp8, $4  }
0x2c4: {  	v5 =	vmul.f32 v4, v7;
	v4 =	vld [tilespmem:s7+$0xFFFFFFF0]  }
0x2c5: {  	[tilespmem:s12+$0xFFFFFF70] =	vst v3;
	v3 =	vld [tilespmem:s12+$0xFFFFFF80]  }
0x2c6: {  	[tilespmem:s12+$0xFFFFFE70] =	vst v5;
	v5 =	vld [tilespmem:s7+$0x70];
	v7 =	vmul.f32 v6, v10  }
0x2c7: {  	s12 =	sadd.s32 $0x200, s12;
	v6 =	vld [tilespmem:s7+$0xFFFFFF70]  }
0x2c8: {  	_ =	sdelay $0x1  }
0x2c9: {  	v2 =	vmul.f32 v4, v2  }
0x2ca: {  	[tilespmem:s13+$0x0] =	vst v7;
	v3 =	vmul.f32 v5, v3  }
0x2cb: {  	[tilespmem:s13+$0xFFFFFF00] =	vst v2;
	v1 =	vmul.f32 v6, v1  }
0x2cc: {  	[tilespmem:s13+$0xFFFFFF80] =	vst v3  }
0x2cd: {  	[tilespmem:s13+$0xFFFFFE80] =	vst v1  }
0x2ce: {  	s7 =	rddreg [dreg:$0x11]  }
0x2cf: {  	[hbm4b:s7+s5] =	stream.linear.scatter [tilespmem:s26], [sflag:$0x6], $0x2800, $0x38;
	[tilespmem:$0x1E800] =	vst v63  }
0x2d0: {  	_ = 	snop  }
0x2d1: {  	[spmem:s3] =	stream.indirect.scatter.add.f32 [tilespmem:s26], [sflag:$0x8], $0x80, s19, s28, $0xb8;
	[tilespmem:$0x1E800] =	vst v63  }
0x2d2: {  	_ =	swait.ge [sflag:s4], $0x2800  }
0x2d3: {  	[sflag:s4] =	ssyncset.done $0x0  }
0x2d4: {  	[sflag:s4] =	ssyncadd.s32 $0xFFFFD800  }
0x2d5: {  	_ =	swait.ge [sflag:s8], $0x2800  }
0x2d6: {  	[sflag:s8] =	ssyncset.done $0x0  }
0x2d7: {  	[sflag:s8] =	ssyncadd.s32 $0xFFFFD800  }
0x2d8: {  	_ =	swait.ge [sflag:s16], $0x2800  }
0x2d9: {  	[sflag:s16] =	ssyncset.done $0x0  }
0x2da: {  	[sflag:s16] =	ssyncadd.s32 $0xFFFFD800  }
0x2db: {  	_ =	swait.ge [sflag:s17], $0x2800  }
0x2dc: {  	[sflag:s17] =	ssyncset.done $0x0  }
0x2dd: {  	[sflag:s17] =	ssyncadd.s32 $0xFFFFD800  }
0x2de: {  	s21 =	stileid.u32;
	[bflag:$0x0] =	sbarrier.arrive $0xFFFF  }
0x2df: {  	s7 =	sshll.u32 s21, $0x6;
	s12 =	rddreg [dreg:$0x5]  }
0x2e0: {  	s7 =	sor.u32 $0x1C0B, s7;
	s22 =	rddreg [dreg:$0x12];
	s11 =	sshrl.u32 s12, $0x3  }
0x2e1: {  	[hbm:s22], [sflag:s7] =	dma.local [spmem:s11], $0x2800  }
0x2e2: {  	_ =	swait.ge [sflag:s25], $0x2800  }
0x2e3: {  	s14 =	sadd.s32 $0x1, s14;
	s23 =	rddreg [dreg:$0x13]  }
0x2e4: {  	p0 =	sne.s32 s14, s23  }
.Ltmp9:
0x2e5: {  	_ = 	snop;
	(pc) =	sbr.rel @p0 .LBB2_1-.Ltmp9, $3  }
0x2e6: {  	_ =	sdelay $0x1  }
0x2e7: {  	[sflag:s25] =	ssyncset.done $0x0  }
0x2e8: {  	[sflag:s25] =	ssyncadd.s32 $0xFFFFD800  }
0x2e9: {  	_ =	sfence.sel $0x180000  }
0x2ea: {  	[bflag:$0x0] =	sbarrier.arrive $0xFFFF  }
0x2eb: {  	_ =	strace $0x90000047  }
0x2ec: {  	s0 =	stileid.u32;
	[bflag:$0x2] =	sbarrier.arrive $0xFFFF  }
0x2ed: {  	p0 =	sne.s32 s0, $0x0;
	s0 =	rddreg [dreg:$0x4]  }
0x2ee: {  	s0 =	sadd.s32 @!p0 $0x100000, s0  }
0x2ef: {  	[sflag:s0] =	ssyncadd.tile.s32 @!p0 $0x1;
	_ =	shalt  }
.Lfunc_end2:
_tile_overlayer_lowered:
.L_overlay_start_2:
0x2f0: {  	(tag) =	ssettag $0x2  }
0x2f1: {  	s0 =	rddreg [dreg:$0x0];
	s2 =	stileid.u32  }
0x2f2: {  	s1 =	rddreg [dreg:$0x1];
	p0 =	sne.s32 s2, $0x0  }
0x2f3: {  	s3 =	rddreg [dreg:$0x2];
	[bflag:$0x3] =	sbarrier.arrive $0xFFFF;
	s2 =	simm.s32 @!p0 $0x1C0B  }
0x2f4: {  	[timem:s3], [sflag:s2] =	dma.local @!p0 [hbm:s0], s1  }
0x2f5: {  	s0 =	simm.s32 @!p0 $0xB  }
0x2f6: {  	_ =	swait.ge @!p0 [sflag:s0], s1  }
0x2f7: {  	s1 =	ssub.s32 @!p0 $0x0, s1;
	[sflag:s0] =	ssyncset.done @!p0 $0x0  }
0x2f8: {  	[sflag:s0] =	ssyncadd.s32 @!p0 s1  }
0x2f9: {  	[bflag:$0x3] =	sbarrier.arrive $0xFFFF  }
0x2fa: {  	_ =	shalt  }

</sc_bundles>
